<compile_context>
chip_gen: v7x
topology: tpu7x:2x2x1
jax: 0.10.2.dev20260603
libtpu: 0.0.44.dev20260713+nightly
codegen_flags: <defaults>
</compile_context>

<pallas_src>
import functools

import jax
import jax.numpy as jnp
from jax import lax
from jax.experimental import pallas as pl
from jax.experimental.pallas import tpu as pltpu
from jax.experimental.pallas import tpu_sc as plsc

_EPS = 1e-15
_D = 128
_L = 16
_NC, _NS = 2, 16
_NW = _NC * _NS
_CTX = 7
_NPOS, _NNEG = 16384, 81920
_NWALK = _NPOS + _NNEG
_WPG = 16
_RPG = _WPG * _CTX
_GROUPS = _NWALK // _WPG
_GPT = _GROUPS // _NW
_WPT = _NWALK // _NW
_NDOT = _CTX - 1

_GDN = lax.GatherDimensionNumbers(
    offset_dims=(), collapsed_slice_dims=(0,), start_index_map=(0,))


def _take16(x, perm):
    return lax.gather(x, perm[:, None], _GDN, slice_sizes=(1,),
                      mode=lax.GatherScatterMode.PROMISE_IN_BOUNDS)


def _dot_walks(rows_v, dots_v, g):
    lane = lax.broadcasted_iota(jnp.int32, (_L,), 0)
    perms = [lane ^ st for st in (8, 4, 2, 1)]

    @plsc.parallel_loop(0, _WPG, unroll=2)
    def _walk(w):
        base = w * _CTX
        s = [rows_v[base, pl.ds(k * _L, _L)] for k in range(_D // _L)]
        dvec = jnp.zeros((_L,), jnp.float32)
        for j in range(_NDOT):
            p = [s[k] * rows_v[base + 1 + j, pl.ds(k * _L, _L)]
                 for k in range(_D // _L)]
            while len(p) > 1:
                p = [p[i] + p[i + 1] for i in range(0, len(p), 2)]
            t = p[0]
            for perm in perms:
                t = t + _take16(t, perm)
            dvec = jnp.where(lane == j, t, dvec)
        dots_v[pl.ds((g * _WPG + w) * _L, _L)] = dvec


_NBUF = 4


def _sc_body(idx_hbm, emb_hbm, dots_hbm, idx_v,
             rows0, rows1, rows2, rows3, dots_v,
             sem0, sem1, sem2, sem3):
    rows = (rows0, rows1, rows2, rows3)
    sems = (sem0, sem1, sem2, sem3)
    wid = lax.axis_index("s") * _NC + lax.axis_index("c")
    gbase = wid * _GPT
    pltpu.sync_copy(idx_hbm.at[pl.ds(gbase, _GPT)], idx_v)

    def start(g, b):
        pltpu.async_copy(emb_hbm.at[idx_v.at[g]], rows[b], sems[b])

    def wait(g, b):
        pltpu.make_async_copy(emb_hbm.at[idx_v.at[g]], rows[b], sems[b]).wait()

    for b in range(_NBUF - 1):
        start(b, b)

    def block_body(i, carry):
        g0 = _NBUF * i
        for b in range(_NBUF):
            g = g0 + b
            nxt = g + _NBUF - 1

            @pl.when(nxt < _GPT)
            def _(nxt=nxt, b=(b + _NBUF - 1) % _NBUF):
                start(nxt, b)

            wait(g, b)
            _dot_walks(rows[b], dots_v, g)
        return carry

    lax.fori_loop(0, _GPT // _NBUF, block_body, 0)
    pltpu.sync_copy(dots_v, dots_hbm.at[pl.ds(wid * _WPT * _L, _WPT * _L)])


_sc_dots = functools.partial(
    pl.kernel,
    out_type=jax.ShapeDtypeStruct((_NWALK * _L,), jnp.float32),
    mesh=plsc.VectorSubcoreMesh(
        core_axis_name="c", subcore_axis_name="s",
        num_cores=_NC, num_subcores=_NS),
    compiler_params=pltpu.CompilerParams(needs_layout_passes=False),
    scratch_types=[
        pltpu.VMEM((_GPT, _RPG), jnp.int32),
        pltpu.VMEM((_RPG, _D), jnp.float32),
        pltpu.VMEM((_RPG, _D), jnp.float32),
        pltpu.VMEM((_RPG, _D), jnp.float32),
        pltpu.VMEM((_RPG, _D), jnp.float32),
        pltpu.VMEM((_WPT * _L,), jnp.float32),
        pltpu.SemaphoreType.DMA,
        pltpu.SemaphoreType.DMA,
        pltpu.SemaphoreType.DMA,
        pltpu.SemaphoreType.DMA,
    ],
)(_sc_body)


def _loss_body(x_ref, o_ref):
    x = x_ref[...]
    rows = lax.broadcasted_iota(jnp.int32, x.shape, 0)
    cols = lax.broadcasted_iota(jnp.int32, x.shape, 1)
    valid = (cols % _L) < _NDOT
    is_pos = rows < (_NPOS * _L // _D)
    sig = jax.nn.sigmoid(x)
    pos_t = -jnp.log(sig + _EPS) * (1.0 / (_NPOS * _NDOT))
    neg_t = -jnp.log(1.0 - sig + _EPS) * (1.0 / (_NNEG * _NDOT))
    o_ref[0, 0] = jnp.sum(jnp.where(valid, jnp.where(is_pos, pos_t, neg_t), 0.0))


def kernel(pos_rw, neg_rw, emb):
    all_rw = jnp.concatenate([pos_rw, neg_rw], axis=0)
    idx2d = all_rw.reshape(_GROUPS, _RPG)
    dots = _sc_dots(idx2d, emb)
    x = dots.reshape(_NWALK * _L // _D, _D)
    loss = pl.pallas_call(
        _loss_body,
        out_shape=jax.ShapeDtypeStruct((1, 1), jnp.float32),
        out_specs=pl.BlockSpec(memory_space=pltpu.SMEM),
    )(x)
    return loss[0, 0]

# --- scband reference (transcript-rebuilt; emitter-appended) ---
"""Pipeline reference for scband-meta-path2-vec-49091476193717 (READ-ONLY COPY).

The authoritative reference and input builder live on the scoring server;
editing this copy changes nothing except your own understanding.
"""

import jax, jax.numpy as jnp
import numpy as np

EPS = 1e-15
NUM_ITEMS = 100000
EMBED_DIM = 128
N_POS = 16384
N_NEG = 81920
CTX = 7


def setup_inputs(seed: int = 0) -> dict:
    key = jax.random.key(seed)
    k1, k2, k3 = jax.random.split(key, 3)
    pos_rw = jax.random.randint(k1, (N_POS, CTX), 0, NUM_ITEMS, dtype=jnp.int32)
    neg_rw = jax.random.randint(k2, (N_NEG, CTX), 0, NUM_ITEMS, dtype=jnp.int32)
    # nn.Embedding.reset_parameters initializes weights ~ N(0, 1)
    emb = jax.random.normal(k3, (NUM_ITEMS, EMBED_DIM), dtype=jnp.float32)
    return {"pos_rw": pos_rw, "neg_rw": neg_rw, "emb": emb}


def _walk_loss(emb, rw, positive):
    start = rw[:, 0]
    rest = rw[:, 1:]
    h_start = jnp.take(emb, start, axis=0).reshape(rw.shape[0], 1, EMBED_DIM)
    h_rest = jnp.take(emb, rest.reshape(-1), axis=0).reshape(rw.shape[0], -1, EMBED_DIM)
    out = (h_start * h_rest).sum(axis=-1).reshape(-1)
    sig = jax.nn.sigmoid(out)
    if positive:
        return -jnp.log(sig + EPS).mean()
    else:
        return -jnp.log(1.0 - sig + EPS).mean()


def reference(pos_rw, neg_rw, emb):
    pos_loss = _walk_loss(emb, pos_rw, True)
    neg_loss = _walk_loss(emb, neg_rw, False)
    return pos_loss + neg_loss

if __name__ == "__main__":
    import jax
    _d = setup_inputs()
    print(jax.jit(kernel)(*tuple(_d.values())))

</pallas_src>

<mosaic_0001>
#map = affine_map<(d0, d1) -> (0, 0)>
#map1 = affine_map<(d0, d1) -> (0)>
module attributes {stable_mosaic.version = 14 : i64} {
  func.func @_sc_body(%arg0: i32, %arg1: i32, %arg2: memref<6144x112xi32, #tpu.memory_space<hbm>>, %arg3: memref<100000x128xf32, #tpu.memory_space<hbm>>, %arg4: memref<1572864xf32, #tpu.memory_space<hbm>>, %arg5: memref<192x112xi32, #tpu.memory_space<vmem>>, %arg6: memref<112x128xf32, #tpu.memory_space<vmem>>, %arg7: memref<112x128xf32, #tpu.memory_space<vmem>>, %arg8: memref<112x128xf32, #tpu.memory_space<vmem>>, %arg9: memref<112x128xf32, #tpu.memory_space<vmem>>, %arg10: memref<49152xf32, #tpu.memory_space<vmem>>, %arg11: memref<!tpu.dma_semaphore, #tpu.memory_space<semaphore_mem>>, %arg12: memref<!tpu.dma_semaphore, #tpu.memory_space<semaphore_mem>>, %arg13: memref<!tpu.dma_semaphore, #tpu.memory_space<semaphore_mem>>, %arg14: memref<!tpu.dma_semaphore, #tpu.memory_space<semaphore_mem>>) attributes {dimension_semantics = [#tpu.dimension_semantics<core_parallel>, #tpu.dimension_semantics<subcore_parallel>], iteration_bounds = array<i64: 2, 16>, scalar_prefetch = 0 : i64, scratch_operands = 10 : i64, tpu.core_type = #tpu.core_type<sc_vector_subcore>, window_params = [{transform_indices = #map}, {transform_indices = #map}, {transform_indices = #map1}]} {
    %mul3A = arith.constant 2 : i32
    %mul3A_0 = arith.muli %arg1, %mul3A : i32
    %add3A = arith.addi %mul3A_0, %arg0 : i32
    %mul3A_1 = arith.constant 192 : i32
    %mul3A_2 = arith.muli %add3A, %mul3A_1 : i32
    "tpu.region"() ({
      %run_scoped3A = tpu.sem_alloc : memref<!tpu.dma_semaphore, #tpu.memory_space<semaphore_mem>>
      %dma_start3A_32 = arith.constant 0 : i32
      %dma_start3A_33 = tpu.memref_slice %arg2[%mul3A_2, %dma_start3A_32] : memref<6144x112xi32, #tpu.memory_space<hbm>> -> memref<192x112xi32, #tpu.memory_space<hbm>>
      %dma_start3A_34 = arith.constant 0 : i32
      %dma_start3A_35 = tpu.memref_slice %arg2[%mul3A_2, %dma_start3A_34] : memref<6144x112xi32, #tpu.memory_space<hbm>> -> memref<192x112xi32, #tpu.memory_space<hbm>>
      tpu.enqueue_dma source(%dma_start3A_35 : memref<192x112xi32, #tpu.memory_space<hbm>>) target(%arg5 : memref<192x112xi32, #tpu.memory_space<vmem>>) target_semaphore(%run_scoped3A : memref<!tpu.dma_semaphore, #tpu.memory_space<semaphore_mem>>)
      %dma_wait3A = arith.constant 0 : i32
      %dma_wait3A_36 = tpu.memref_slice %arg2[%mul3A_2, %dma_wait3A] : memref<6144x112xi32, #tpu.memory_space<hbm>> -> memref<192x112xi32, #tpu.memory_space<hbm>>
      %dma_wait3A_37 = arith.constant 0 : i32
      %dma_wait3A_38 = tpu.memref_slice %arg2[%mul3A_2, %dma_wait3A_37] : memref<6144x112xi32, #tpu.memory_space<hbm>> -> memref<192x112xi32, #tpu.memory_space<hbm>>
      tpu.wait_dma2 semaphore(%run_scoped3A : memref<!tpu.dma_semaphore, #tpu.memory_space<semaphore_mem>>) src(%dma_wait3A_38 : memref<192x112xi32, #tpu.memory_space<hbm>>) dst(%arg5 : memref<192x112xi32, #tpu.memory_space<vmem>>)
      tpu.yield
    }) : () -> ()
    %dma_start3A = arith.constant 0 : i32
    %dma_start3A_3 = arith.constant 0 : i32
    %dma_start3A_4 = tpu.memref_slice %arg5[%dma_start3A, %dma_start3A_3] : memref<192x112xi32, #tpu.memory_space<vmem>> -> memref<1x112xi32, #tpu.memory_space<vmem>>
    %dma_start3A_5 = tpu.memref_squeeze %dma_start3A_4 : memref<1x112xi32, #tpu.memory_space<vmem>> -> memref<112xi32, #tpu.memory_space<vmem>>
    %dma_start3A_6 = arith.constant 0 : i32
    %dma_start3A_7 = arith.constant 0 : i32
    %dma_start3A_8 = tpu.memref_slice %arg3[%dma_start3A_6, %dma_start3A_7] : memref<100000x128xf32, #tpu.memory_space<hbm>> -> memref<100000x128xf32, #tpu.memory_space<hbm>>
    tpu.enqueue_indirect_dma source(%dma_start3A_8 : memref<100000x128xf32, #tpu.memory_space<hbm>>) target(%arg6 : memref<112x128xf32, #tpu.memory_space<vmem>>) offsets(%dma_start3A_5 : memref<112xi32, #tpu.memory_space<vmem>>) semaphore(%arg11 : memref<!tpu.dma_semaphore, #tpu.memory_space<semaphore_mem>>)
    %dma_start3A_9 = arith.constant 1 : i32
    %dma_start3A_10 = arith.constant 0 : i32
    %dma_start3A_11 = tpu.memref_slice %arg5[%dma_start3A_9, %dma_start3A_10] : memref<192x112xi32, #tpu.memory_space<vmem>> -> memref<1x112xi32, #tpu.memory_space<vmem>>
    %dma_start3A_12 = tpu.memref_squeeze %dma_start3A_11 : memref<1x112xi32, #tpu.memory_space<vmem>> -> memref<112xi32, #tpu.memory_space<vmem>>
    %dma_start3A_13 = arith.constant 0 : i32
    %dma_start3A_14 = arith.constant 0 : i32
    %dma_start3A_15 = tpu.memref_slice %arg3[%dma_start3A_13, %dma_start3A_14] : memref<100000x128xf32, #tpu.memory_space<hbm>> -> memref<100000x128xf32, #tpu.memory_space<hbm>>
    tpu.enqueue_indirect_dma source(%dma_start3A_15 : memref<100000x128xf32, #tpu.memory_space<hbm>>) target(%arg7 : memref<112x128xf32, #tpu.memory_space<vmem>>) offsets(%dma_start3A_12 : memref<112xi32, #tpu.memory_space<vmem>>) semaphore(%arg12 : memref<!tpu.dma_semaphore, #tpu.memory_space<semaphore_mem>>)
    %dma_start3A_16 = arith.constant 2 : i32
    %dma_start3A_17 = arith.constant 0 : i32
    %dma_start3A_18 = tpu.memref_slice %arg5[%dma_start3A_16, %dma_start3A_17] : memref<192x112xi32, #tpu.memory_space<vmem>> -> memref<1x112xi32, #tpu.memory_space<vmem>>
    %dma_start3A_19 = tpu.memref_squeeze %dma_start3A_18 : memref<1x112xi32, #tpu.memory_space<vmem>> -> memref<112xi32, #tpu.memory_space<vmem>>
    %dma_start3A_20 = arith.constant 0 : i32
    %dma_start3A_21 = arith.constant 0 : i32
    %dma_start3A_22 = tpu.memref_slice %arg3[%dma_start3A_20, %dma_start3A_21] : memref<100000x128xf32, #tpu.memory_space<hbm>> -> memref<100000x128xf32, #tpu.memory_space<hbm>>
    tpu.enqueue_indirect_dma source(%dma_start3A_22 : memref<100000x128xf32, #tpu.memory_space<hbm>>) target(%arg8 : memref<112x128xf32, #tpu.memory_space<vmem>>) offsets(%dma_start3A_19 : memref<112xi32, #tpu.memory_space<vmem>>) semaphore(%arg13 : memref<!tpu.dma_semaphore, #tpu.memory_space<semaphore_mem>>)
    %scan3A = arith.constant 0 : i32
    %scan3A_23 = arith.constant 0 : i32
    %scan3A_24 = arith.constant 48 : i32
    %scan3A_25 = arith.addi %scan3A_23, %scan3A_24 : i32
    %scan3A_26 = arith.constant 1 : i32
    scf.for %scan3A_32 = %scan3A_23 to %scan3A_25 step %scan3A_26  : i32 {
      %mul3A_33 = arith.constant 4 : i32
      %mul3A_34 = arith.muli %mul3A_33, %scan3A_32 : i32
      %add3A_35 = arith.constant 0 : i32
      %add3A_36 = arith.addi %mul3A_34, %add3A_35 : i32
      %add3A_37 = arith.constant 4 : i32
      %add3A_38 = arith.addi %add3A_36, %add3A_37 : i32
      %sub3A = arith.constant 1 : i32
      %sub3A_39 = arith.subi %add3A_38, %sub3A : i32
      %lt3A = arith.constant 192 : i32
      %lt3A_40 = arith.cmpi slt, %sub3A_39, %lt3A : i32
      %convert_element_type3A = arith.extui %lt3A_40 : i1 to i32
      %cond3A = arith.constant 0 : i32
      %cond3A_41 = arith.cmpi ne, %convert_element_type3A, %cond3A : i32
      scf.if %cond3A_41 {
        %dma_start3A_159 = arith.constant 0 : i32
        %dma_start3A_160 = tpu.memref_slice %arg5[%sub3A_39, %dma_start3A_159] : memref<192x112xi32, #tpu.memory_space<vmem>> -> memref<1x112xi32, #tpu.memory_space<vmem>>
        %dma_start3A_161 = tpu.memref_squeeze %dma_start3A_160 : memref<1x112xi32, #tpu.memory_space<vmem>> -> memref<112xi32, #tpu.memory_space<vmem>>
        %dma_start3A_162 = arith.constant 0 : i32
        %dma_start3A_163 = arith.constant 0 : i32
        %dma_start3A_164 = tpu.memref_slice %arg3[%dma_start3A_162, %dma_start3A_163] : memref<100000x128xf32, #tpu.memory_space<hbm>> -> memref<100000x128xf32, #tpu.memory_space<hbm>>
        tpu.enqueue_indirect_dma source(%dma_start3A_164 : memref<100000x128xf32, #tpu.memory_space<hbm>>) target(%arg9 : memref<112x128xf32, #tpu.memory_space<vmem>>) offsets(%dma_start3A_161 : memref<112xi32, #tpu.memory_space<vmem>>) semaphore(%arg14 : memref<!tpu.dma_semaphore, #tpu.memory_space<semaphore_mem>>)
      } else {
      }
      %dma_wait3A = arith.constant 0 : i32
      %dma_wait3A_42 = tpu.memref_slice %arg5[%add3A_36, %dma_wait3A] : memref<192x112xi32, #tpu.memory_space<vmem>> -> memref<1x112xi32, #tpu.memory_space<vmem>>
      %dma_wait3A_43 = tpu.memref_squeeze %dma_wait3A_42 : memref<1x112xi32, #tpu.memory_space<vmem>> -> memref<112xi32, #tpu.memory_space<vmem>>
      %dma_wait3A_44 = arith.constant 0 : i32
      %dma_wait3A_45 = arith.constant 0 : i32
      %dma_wait3A_46 = tpu.memref_slice %arg3[%dma_wait3A_44, %dma_wait3A_45] : memref<100000x128xf32, #tpu.memory_space<hbm>> -> memref<100000x128xf32, #tpu.memory_space<hbm>>
      tpu.wait_indirect_dma semaphore(%arg11 : memref<!tpu.dma_semaphore, #tpu.memory_space<semaphore_mem>>) src(%dma_wait3A_46 : memref<100000x128xf32, #tpu.memory_space<hbm>>) dst(%arg6 : memref<112x128xf32, #tpu.memory_space<vmem>>)
      %iota3A = tpu.iota {dimensions = array<i32: 0>} : vector<16xi32>
      %xor3A = arith.constant 8 : i32
      %xor3A_47 = vector.broadcast %xor3A : i32 to vector<16xi32>
      %xor3A_48 = arith.xori %iota3A, %xor3A_47 : vector<16xi32>
      %xor3A_49 = arith.constant 4 : i32
      %xor3A_50 = vector.broadcast %xor3A_49 : i32 to vector<16xi32>
      %xor3A_51 = arith.xori %iota3A, %xor3A_50 : vector<16xi32>
      %xor3A_52 = arith.constant 2 : i32
      %xor3A_53 = vector.broadcast %xor3A_52 : i32 to vector<16xi32>
      %xor3A_54 = arith.xori %iota3A, %xor3A_53 : vector<16xi32>
      %xor3A_55 = arith.constant 1 : i32
      %xor3A_56 = vector.broadcast %xor3A_55 : i32 to vector<16xi32>
      %xor3A_57 = arith.xori %iota3A, %xor3A_56 : vector<16xi32>
      %parallel_loop3A = arith.constant 0 : i32
      %parallel_loop3A_58 = arith.constant 16 : i32
      %parallel_loop3A_59 = arith.constant 1 : i32
      scf.for %parallel_loop3A_159 = %parallel_loop3A to %parallel_loop3A_58 step %parallel_loop3A_59  : i32 {
        %parallel_loop3A_160 = arith.constant 7 : i32
        %parallel_loop3A_161 = arith.muli %parallel_loop3A_159, %parallel_loop3A_160 : i32
        %parallel_loop3A_162 = arith.index_cast %parallel_loop3A_161 : i32 to index
        %parallel_loop3A_163 = arith.constant 0 : index
        %parallel_loop3A_164 = tpu.vector_load %arg6[%parallel_loop3A_162, %parallel_loop3A_163] {strides = array<i32>} : memref<112x128xf32, #tpu.memory_space<vmem>>, vector<16xf32>,
        %parallel_loop3A_165 = arith.index_cast %parallel_loop3A_161 : i32 to index
        %parallel_loop3A_166 = arith.constant 16 : index
        %parallel_loop3A_167 = tpu.vector_load %arg6[%parallel_loop3A_165, %parallel_loop3A_166] {strides = array<i32>} : memref<112x128xf32, #tpu.memory_space<vmem>>, vector<16xf32>,
        %parallel_loop3A_168 = arith.index_cast %parallel_loop3A_161 : i32 to index
        %parallel_loop3A_169 = arith.constant 32 : index
        %parallel_loop3A_170 = tpu.vector_load %arg6[%parallel_loop3A_168, %parallel_loop3A_169] {strides = array<i32>} : memref<112x128xf32, #tpu.memory_space<vmem>>, vector<16xf32>,
        %parallel_loop3A_171 = arith.index_cast %parallel_loop3A_161 : i32 to index
        %parallel_loop3A_172 = arith.constant 48 : index
        %parallel_loop3A_173 = tpu.vector_load %arg6[%parallel_loop3A_171, %parallel_loop3A_172] {strides = array<i32>} : memref<112x128xf32, #tpu.memory_space<vmem>>, vector<16xf32>,
        %parallel_loop3A_174 = arith.index_cast %parallel_loop3A_161 : i32 to index
        %parallel_loop3A_175 = arith.constant 64 : index
        %parallel_loop3A_176 = tpu.vector_load %arg6[%parallel_loop3A_174, %parallel_loop3A_175] {strides = array<i32>} : memref<112x128xf32, #tpu.memory_space<vmem>>, vector<16xf32>,
        %parallel_loop3A_177 = arith.index_cast %parallel_loop3A_161 : i32 to index
        %parallel_loop3A_178 = arith.constant 80 : index
        %parallel_loop3A_179 = tpu.vector_load %arg6[%parallel_loop3A_177, %parallel_loop3A_178] {strides = array<i32>} : memref<112x128xf32, #tpu.memory_space<vmem>>, vector<16xf32>,
        %parallel_loop3A_180 = arith.index_cast %parallel_loop3A_161 : i32 to index
        %parallel_loop3A_181 = arith.constant 96 : index
        %parallel_loop3A_182 = tpu.vector_load %arg6[%parallel_loop3A_180, %parallel_loop3A_181] {strides = array<i32>} : memref<112x128xf32, #tpu.memory_space<vmem>>, vector<16xf32>,
        %parallel_loop3A_183 = arith.index_cast %parallel_loop3A_161 : i32 to index
        %parallel_loop3A_184 = arith.constant 112 : index
        %parallel_loop3A_185 = tpu.vector_load %arg6[%parallel_loop3A_183, %parallel_loop3A_184] {strides = array<i32>} : memref<112x128xf32, #tpu.memory_space<vmem>>, vector<16xf32>,
        %parallel_loop3A_186 = arith.constant 0.000000e+00 : f32
        %parallel_loop3A_187 = vector.broadcast %parallel_loop3A_186 : f32 to vector<16xf32>
        %parallel_loop3A_188 = arith.constant 1 : i32
        %parallel_loop3A_189 = arith.addi %parallel_loop3A_161, %parallel_loop3A_188 : i32
        %parallel_loop3A_190 = arith.constant 0 : i32
        %parallel_loop3A_191 = arith.addi %parallel_loop3A_189, %parallel_loop3A_190 : i32
        %parallel_loop3A_192 = arith.index_cast %parallel_loop3A_191 : i32 to index
        %parallel_loop3A_193 = arith.constant 0 : index
        %parallel_loop3A_194 = tpu.vector_load %arg6[%parallel_loop3A_192, %parallel_loop3A_193] {strides = array<i32>} : memref<112x128xf32, #tpu.memory_space<vmem>>, vector<16xf32>,
        %parallel_loop3A_195 = arith.mulf %parallel_loop3A_164, %parallel_loop3A_194 : vector<16xf32>
        %parallel_loop3A_196 = arith.constant 1 : i32
        %parallel_loop3A_197 = arith.addi %parallel_loop3A_161, %parallel_loop3A_196 : i32
        %parallel_loop3A_198 = arith.constant 0 : i32
        %parallel_loop3A_199 = arith.addi %parallel_loop3A_197, %parallel_loop3A_198 : i32
        %parallel_loop3A_200 = arith.index_cast %parallel_loop3A_199 : i32 to index
        %parallel_loop3A_201 = arith.constant 16 : index
        %parallel_loop3A_202 = tpu.vector_load %arg6[%parallel_loop3A_200, %parallel_loop3A_201] {strides = array<i32>} : memref<112x128xf32, #tpu.memory_space<vmem>>, vector<16xf32>,
        %parallel_loop3A_203 = arith.mulf %parallel_loop3A_167, %parallel_loop3A_202 : vector<16xf32>
        %parallel_loop3A_204 = arith.constant 1 : i32
        %parallel_loop3A_205 = arith.addi %parallel_loop3A_161, %parallel_loop3A_204 : i32
        %parallel_loop3A_206 = arith.constant 0 : i32
        %parallel_loop3A_207 = arith.addi %parallel_loop3A_205, %parallel_loop3A_206 : i32
        %parallel_loop3A_208 = arith.index_cast %parallel_loop3A_207 : i32 to index
        %parallel_loop3A_209 = arith.constant 32 : index
        %parallel_loop3A_210 = tpu.vector_load %arg6[%parallel_loop3A_208, %parallel_loop3A_209] {strides = array<i32>} : memref<112x128xf32, #tpu.memory_space<vmem>>, vector<16xf32>,
        %parallel_loop3A_211 = arith.mulf %parallel_loop3A_170, %parallel_loop3A_210 : vector<16xf32>
        %parallel_loop3A_212 = arith.constant 1 : i32
        %parallel_loop3A_213 = arith.addi %parallel_loop3A_161, %parallel_loop3A_212 : i32
        %parallel_loop3A_214 = arith.constant 0 : i32
        %parallel_loop3A_215 = arith.addi %parallel_loop3A_213, %parallel_loop3A_214 : i32
        %parallel_loop3A_216 = arith.index_cast %parallel_loop3A_215 : i32 to index
        %parallel_loop3A_217 = arith.constant 48 : index
        %parallel_loop3A_218 = tpu.vector_load %arg6[%parallel_loop3A_216, %parallel_loop3A_217] {strides = array<i32>} : memref<112x128xf32, #tpu.memory_space<vmem>>, vector<16xf32>,
        %parallel_loop3A_219 = arith.mulf %parallel_loop3A_173, %parallel_loop3A_218 : vector<16xf32>
        %parallel_loop3A_220 = arith.constant 1 : i32
        %parallel_loop3A_221 = arith.addi %parallel_loop3A_161, %parallel_loop3A_220 : i32
        %parallel_loop3A_222 = arith.constant 0 : i32
        %parallel_loop3A_223 = arith.addi %parallel_loop3A_221, %parallel_loop3A_222 : i32
        %parallel_loop3A_224 = arith.index_cast %parallel_loop3A_223 : i32 to index
        %parallel_loop3A_225 = arith.constant 64 : index
        %parallel_loop3A_226 = tpu.vector_load %arg6[%parallel_loop3A_224, %parallel_loop3A_225] {strides = array<i32>} : memref<112x128xf32, #tpu.memory_space<vmem>>, vector<16xf32>,
        %parallel_loop3A_227 = arith.mulf %parallel_loop3A_176, %parallel_loop3A_226 : vector<16xf32>
        %parallel_loop3A_228 = arith.constant 1 : i32
        %parallel_loop3A_229 = arith.addi %parallel_loop3A_161, %parallel_loop3A_228 : i32
        %parallel_loop3A_230 = arith.constant 0 : i32
        %parallel_loop3A_231 = arith.addi %parallel_loop3A_229, %parallel_loop3A_230 : i32
        %parallel_loop3A_232 = arith.index_cast %parallel_loop3A_231 : i32 to index
        %parallel_loop3A_233 = arith.constant 80 : index
        %parallel_loop3A_234 = tpu.vector_load %arg6[%parallel_loop3A_232, %parallel_loop3A_233] {strides = array<i32>} : memref<112x128xf32, #tpu.memory_space<vmem>>, vector<16xf32>,
        %parallel_loop3A_235 = arith.mulf %parallel_loop3A_179, %parallel_loop3A_234 : vector<16xf32>
        %parallel_loop3A_236 = arith.constant 1 : i32
        %parallel_loop3A_237 = arith.addi %parallel_loop3A_161, %parallel_loop3A_236 : i32
        %parallel_loop3A_238 = arith.constant 0 : i32
        %parallel_loop3A_239 = arith.addi %parallel_loop3A_237, %parallel_loop3A_238 : i32
        %parallel_loop3A_240 = arith.index_cast %parallel_loop3A_239 : i32 to index
        %parallel_loop3A_241 = arith.constant 96 : index
        %parallel_loop3A_242 = tpu.vector_load %arg6[%parallel_loop3A_240, %parallel_loop3A_241] {strides = array<i32>} : memref<112x128xf32, #tpu.memory_space<vmem>>, vector<16xf32>,
        %parallel_loop3A_243 = arith.mulf %parallel_loop3A_182, %parallel_loop3A_242 : vector<16xf32>
        %parallel_loop3A_244 = arith.constant 1 : i32
        %parallel_loop3A_245 = arith.addi %parallel_loop3A_161, %parallel_loop3A_244 : i32
        %parallel_loop3A_246 = arith.constant 0 : i32
        %parallel_loop3A_247 = arith.addi %parallel_loop3A_245, %parallel_loop3A_246 : i32
        %parallel_loop3A_248 = arith.index_cast %parallel_loop3A_247 : i32 to index
        %parallel_loop3A_249 = arith.constant 112 : index
        %parallel_loop3A_250 = tpu.vector_load %arg6[%parallel_loop3A_248, %parallel_loop3A_249] {strides = array<i32>} : memref<112x128xf32, #tpu.memory_space<vmem>>, vector<16xf32>,
        %parallel_loop3A_251 = arith.mulf %parallel_loop3A_185, %parallel_loop3A_250 : vector<16xf32>
        %parallel_loop3A_252 = arith.addf %parallel_loop3A_195, %parallel_loop3A_203 : vector<16xf32>
        %parallel_loop3A_253 = arith.addf %parallel_loop3A_211, %parallel_loop3A_219 : vector<16xf32>
        %parallel_loop3A_254 = arith.addf %parallel_loop3A_227, %parallel_loop3A_235 : vector<16xf32>
        %parallel_loop3A_255 = arith.addf %parallel_loop3A_243, %parallel_loop3A_251 : vector<16xf32>
        %parallel_loop3A_256 = arith.addf %parallel_loop3A_252, %parallel_loop3A_253 : vector<16xf32>
        %parallel_loop3A_257 = arith.addf %parallel_loop3A_254, %parallel_loop3A_255 : vector<16xf32>
        %parallel_loop3A_258 = arith.addf %parallel_loop3A_256, %parallel_loop3A_257 : vector<16xf32>
        %parallel_loop3A_259 = vector.shape_cast %xor3A_48 : vector<16xi32> to vector<16x1xi32>
        %parallel_loop3A_260 = vector.shape_cast %parallel_loop3A_259 : vector<16x1xi32> to vector<16xi32>
        %parallel_loop3A_261 = tpu.dynamic_gather %parallel_loop3A_258[%parallel_loop3A_260] in [0] : vector<16xf32>, vector<16xi32> -> vector<16xf32>
        %parallel_loop3A_262 = arith.addf %parallel_loop3A_258, %parallel_loop3A_261 : vector<16xf32>
        %parallel_loop3A_263 = vector.shape_cast %xor3A_51 : vector<16xi32> to vector<16x1xi32>
        %parallel_loop3A_264 = vector.shape_cast %parallel_loop3A_263 : vector<16x1xi32> to vector<16xi32>
        %parallel_loop3A_265 = tpu.dynamic_gather %parallel_loop3A_262[%parallel_loop3A_264] in [0] : vector<16xf32>, vector<16xi32> -> vector<16xf32>
        %parallel_loop3A_266 = arith.addf %parallel_loop3A_262, %parallel_loop3A_265 : vector<16xf32>
        %parallel_loop3A_267 = vector.shape_cast %xor3A_54 : vector<16xi32> to vector<16x1xi32>
        %parallel_loop3A_268 = vector.shape_cast %parallel_loop3A_267 : vector<16x1xi32> to vector<16xi32>
        %parallel_loop3A_269 = tpu.dynamic_gather %parallel_loop3A_266[%parallel_loop3A_268] in [0] : vector<16xf32>, vector<16xi32> -> vector<16xf32>
        %parallel_loop3A_270 = arith.addf %parallel_loop3A_266, %parallel_loop3A_269 : vector<16xf32>
        %parallel_loop3A_271 = vector.shape_cast %xor3A_57 : vector<16xi32> to vector<16x1xi32>
        %parallel_loop3A_272 = vector.shape_cast %parallel_loop3A_271 : vector<16x1xi32> to vector<16xi32>
        %parallel_loop3A_273 = tpu.dynamic_gather %parallel_loop3A_270[%parallel_loop3A_272] in [0] : vector<16xf32>, vector<16xi32> -> vector<16xf32>
        %parallel_loop3A_274 = arith.addf %parallel_loop3A_270, %parallel_loop3A_273 : vector<16xf32>
        %parallel_loop3A_275 = arith.constant 0 : i32
        %parallel_loop3A_276 = vector.broadcast %parallel_loop3A_275 : i32 to vector<16xi32>
        %parallel_loop3A_277 = arith.cmpi eq, %iota3A, %parallel_loop3A_276 : vector<16xi32>
        %parallel_loop3A_278 = arith.select %parallel_loop3A_277, %parallel_loop3A_274, %parallel_loop3A_187 : vector<16xi1>, vector<16xf32>
        %parallel_loop3A_279 = arith.constant 1 : i32
        %parallel_loop3A_280 = arith.addi %parallel_loop3A_161, %parallel_loop3A_279 : i32
        %parallel_loop3A_281 = arith.constant 1 : i32
        %parallel_loop3A_282 = arith.addi %parallel_loop3A_280, %parallel_loop3A_281 : i32
        %parallel_loop3A_283 = arith.index_cast %parallel_loop3A_282 : i32 to index
        %parallel_loop3A_284 = arith.constant 0 : index
        %parallel_loop3A_285 = tpu.vector_load %arg6[%parallel_loop3A_283, %parallel_loop3A_284] {strides = array<i32>} : memref<112x128xf32, #tpu.memory_space<vmem>>, vector<16xf32>,
        %parallel_loop3A_286 = arith.mulf %parallel_loop3A_164, %parallel_loop3A_285 : vector<16xf32>
        %parallel_loop3A_287 = arith.constant 1 : i32
        %parallel_loop3A_288 = arith.addi %parallel_loop3A_161, %parallel_loop3A_287 : i32
        %parallel_loop3A_289 = arith.constant 1 : i32
        %parallel_loop3A_290 = arith.addi %parallel_loop3A_288, %parallel_loop3A_289 : i32
        %parallel_loop3A_291 = arith.index_cast %parallel_loop3A_290 : i32 to index
        %parallel_loop3A_292 = arith.constant 16 : index
        %parallel_loop3A_293 = tpu.vector_load %arg6[%parallel_loop3A_291, %parallel_loop3A_292] {strides = array<i32>} : memref<112x128xf32, #tpu.memory_space<vmem>>, vector<16xf32>,
        %parallel_loop3A_294 = arith.mulf %parallel_loop3A_167, %parallel_loop3A_293 : vector<16xf32>
        %parallel_loop3A_295 = arith.constant 1 : i32
        %parallel_loop3A_296 = arith.addi %parallel_loop3A_161, %parallel_loop3A_295 : i32
        %parallel_loop3A_297 = arith.constant 1 : i32
        %parallel_loop3A_298 = arith.addi %parallel_loop3A_296, %parallel_loop3A_297 : i32
        %parallel_loop3A_299 = arith.index_cast %parallel_loop3A_298 : i32 to index
        %parallel_loop3A_300 = arith.constant 32 : index
        %parallel_loop3A_301 = tpu.vector_load %arg6[%parallel_loop3A_299, %parallel_loop3A_300] {strides = array<i32>} : memref<112x128xf32, #tpu.memory_space<vmem>>, vector<16xf32>,
        %parallel_loop3A_302 = arith.mulf %parallel_loop3A_170, %parallel_loop3A_301 : vector<16xf32>
        %parallel_loop3A_303 = arith.constant 1 : i32
        %parallel_loop3A_304 = arith.addi %parallel_loop3A_161, %parallel_loop3A_303 : i32
        %parallel_loop3A_305 = arith.constant 1 : i32
        %parallel_loop3A_306 = arith.addi %parallel_loop3A_304, %parallel_loop3A_305 : i32
        %parallel_loop3A_307 = arith.index_cast %parallel_loop3A_306 : i32 to index
        %parallel_loop3A_308 = arith.constant 48 : index
        %parallel_loop3A_309 = tpu.vector_load %arg6[%parallel_loop3A_307, %parallel_loop3A_308] {strides = array<i32>} : memref<112x128xf32, #tpu.memory_space<vmem>>, vector<16xf32>,
        %parallel_loop3A_310 = arith.mulf %parallel_loop3A_173, %parallel_loop3A_309 : vector<16xf32>
        %parallel_loop3A_311 = arith.constant 1 : i32
        %parallel_loop3A_312 = arith.addi %parallel_loop3A_161, %parallel_loop3A_311 : i32
        %parallel_loop3A_313 = arith.constant 1 : i32
        %parallel_loop3A_314 = arith.addi %parallel_loop3A_312, %parallel_loop3A_313 : i32
        %parallel_loop3A_315 = arith.index_cast %parallel_loop3A_314 : i32 to index
        %parallel_loop3A_316 = arith.constant 64 : index
        %parallel_loop3A_317 = tpu.vector_load %arg6[%parallel_loop3A_315, %parallel_loop3A_316] {strides = array<i32>} : memref<112x128xf32, #tpu.memory_space<vmem>>, vector<16xf32>,
        %parallel_loop3A_318 = arith.mulf %parallel_loop3A_176, %parallel_loop3A_317 : vector<16xf32>
        %parallel_loop3A_319 = arith.constant 1 : i32
        %parallel_loop3A_320 = arith.addi %parallel_loop3A_161, %parallel_loop3A_319 : i32
        %parallel_loop3A_321 = arith.constant 1 : i32
        %parallel_loop3A_322 = arith.addi %parallel_loop3A_320, %parallel_loop3A_321 : i32
        %parallel_loop3A_323 = arith.index_cast %parallel_loop3A_322 : i32 to index
        %parallel_loop3A_324 = arith.constant 80 : index
        %parallel_loop3A_325 = tpu.vector_load %arg6[%parallel_loop3A_323, %parallel_loop3A_324] {strides = array<i32>} : memref<112x128xf32, #tpu.memory_space<vmem>>, vector<16xf32>,
        %parallel_loop3A_326 = arith.mulf %parallel_loop3A_179, %parallel_loop3A_325 : vector<16xf32>
        %parallel_loop3A_327 = arith.constant 1 : i32
        %parallel_loop3A_328 = arith.addi %parallel_loop3A_161, %parallel_loop3A_327 : i32
        %parallel_loop3A_329 = arith.constant 1 : i32
        %parallel_loop3A_330 = arith.addi %parallel_loop3A_328, %parallel_loop3A_329 : i32
        %parallel_loop3A_331 = arith.index_cast %parallel_loop3A_330 : i32 to index
        %parallel_loop3A_332 = arith.constant 96 : index
        %parallel_loop3A_333 = tpu.vector_load %arg6[%parallel_loop3A_331, %parallel_loop3A_332] {strides = array<i32>} : memref<112x128xf32, #tpu.memory_space<vmem>>, vector<16xf32>,
        %parallel_loop3A_334 = arith.mulf %parallel_loop3A_182, %parallel_loop3A_333 : vector<16xf32>
        %parallel_loop3A_335 = arith.constant 1 : i32
        %parallel_loop3A_336 = arith.addi %parallel_loop3A_161, %parallel_loop3A_335 : i32
        %parallel_loop3A_337 = arith.constant 1 : i32
        %parallel_loop3A_338 = arith.addi %parallel_loop3A_336, %parallel_loop3A_337 : i32
        %parallel_loop3A_339 = arith.index_cast %parallel_loop3A_338 : i32 to index
        %parallel_loop3A_340 = arith.constant 112 : index
        %parallel_loop3A_341 = tpu.vector_load %arg6[%parallel_loop3A_339, %parallel_loop3A_340] {strides = array<i32>} : memref<112x128xf32, #tpu.memory_space<vmem>>, vector<16xf32>,
        %parallel_loop3A_342 = arith.mulf %parallel_loop3A_185, %parallel_loop3A_341 : vector<16xf32>
        %parallel_loop3A_343 = arith.addf %parallel_loop3A_286, %parallel_loop3A_294 : vector<16xf32>
        %parallel_loop3A_344 = arith.addf %parallel_loop3A_302, %parallel_loop3A_310 : vector<16xf32>
        %parallel_loop3A_345 = arith.addf %parallel_loop3A_318, %parallel_loop3A_326 : vector<16xf32>
        %parallel_loop3A_346 = arith.addf %parallel_loop3A_334, %parallel_loop3A_342 : vector<16xf32>
        %parallel_loop3A_347 = arith.addf %parallel_loop3A_343, %parallel_loop3A_344 : vector<16xf32>
        %parallel_loop3A_348 = arith.addf %parallel_loop3A_345, %parallel_loop3A_346 : vector<16xf32>
        %parallel_loop3A_349 = arith.addf %parallel_loop3A_347, %parallel_loop3A_348 : vector<16xf32>
        %parallel_loop3A_350 = vector.shape_cast %xor3A_48 : vector<16xi32> to vector<16x1xi32>
        %parallel_loop3A_351 = vector.shape_cast %parallel_loop3A_350 : vector<16x1xi32> to vector<16xi32>
        %parallel_loop3A_352 = tpu.dynamic_gather %parallel_loop3A_349[%parallel_loop3A_351] in [0] : vector<16xf32>, vector<16xi32> -> vector<16xf32>
        %parallel_loop3A_353 = arith.addf %parallel_loop3A_349, %parallel_loop3A_352 : vector<16xf32>
        %parallel_loop3A_354 = vector.shape_cast %xor3A_51 : vector<16xi32> to vector<16x1xi32>
        %parallel_loop3A_355 = vector.shape_cast %parallel_loop3A_354 : vector<16x1xi32> to vector<16xi32>
        %parallel_loop3A_356 = tpu.dynamic_gather %parallel_loop3A_353[%parallel_loop3A_355] in [0] : vector<16xf32>, vector<16xi32> -> vector<16xf32>
        %parallel_loop3A_357 = arith.addf %parallel_loop3A_353, %parallel_loop3A_356 : vector<16xf32>
        %parallel_loop3A_358 = vector.shape_cast %xor3A_54 : vector<16xi32> to vector<16x1xi32>
        %parallel_loop3A_359 = vector.shape_cast %parallel_loop3A_358 : vector<16x1xi32> to vector<16xi32>
        %parallel_loop3A_360 = tpu.dynamic_gather %parallel_loop3A_357[%parallel_loop3A_359] in [0] : vector<16xf32>, vector<16xi32> -> vector<16xf32>
        %parallel_loop3A_361 = arith.addf %parallel_loop3A_357, %parallel_loop3A_360 : vector<16xf32>
        %parallel_loop3A_362 = vector.shape_cast %xor3A_57 : vector<16xi32> to vector<16x1xi32>
        %parallel_loop3A_363 = vector.shape_cast %parallel_loop3A_362 : vector<16x1xi32> to vector<16xi32>
        %parallel_loop3A_364 = tpu.dynamic_gather %parallel_loop3A_361[%parallel_loop3A_363] in [0] : vector<16xf32>, vector<16xi32> -> vector<16xf32>
        %parallel_loop3A_365 = arith.addf %parallel_loop3A_361, %parallel_loop3A_364 : vector<16xf32>
        %parallel_loop3A_366 = arith.constant 1 : i32
        %parallel_loop3A_367 = vector.broadcast %parallel_loop3A_366 : i32 to vector<16xi32>
        %parallel_loop3A_368 = arith.cmpi eq, %iota3A, %parallel_loop3A_367 : vector<16xi32>
        %parallel_loop3A_369 = arith.select %parallel_loop3A_368, %parallel_loop3A_365, %parallel_loop3A_278 : vector<16xi1>, vector<16xf32>
        %parallel_loop3A_370 = arith.constant 1 : i32
        %parallel_loop3A_371 = arith.addi %parallel_loop3A_161, %parallel_loop3A_370 : i32
        %parallel_loop3A_372 = arith.constant 2 : i32
        %parallel_loop3A_373 = arith.addi %parallel_loop3A_371, %parallel_loop3A_372 : i32
        %parallel_loop3A_374 = arith.index_cast %parallel_loop3A_373 : i32 to index
        %parallel_loop3A_375 = arith.constant 0 : index
        %parallel_loop3A_376 = tpu.vector_load %arg6[%parallel_loop3A_374, %parallel_loop3A_375] {strides = array<i32>} : memref<112x128xf32, #tpu.memory_space<vmem>>, vector<16xf32>,
        %parallel_loop3A_377 = arith.mulf %parallel_loop3A_164, %parallel_loop3A_376 : vector<16xf32>
        %parallel_loop3A_378 = arith.constant 1 : i32
        %parallel_loop3A_379 = arith.addi %parallel_loop3A_161, %parallel_loop3A_378 : i32
        %parallel_loop3A_380 = arith.constant 2 : i32
        %parallel_loop3A_381 = arith.addi %parallel_loop3A_379, %parallel_loop3A_380 : i32
        %parallel_loop3A_382 = arith.index_cast %parallel_loop3A_381 : i32 to index
        %parallel_loop3A_383 = arith.constant 16 : index
        %parallel_loop3A_384 = tpu.vector_load %arg6[%parallel_loop3A_382, %parallel_loop3A_383] {strides = array<i32>} : memref<112x128xf32, #tpu.memory_space<vmem>>, vector<16xf32>,
        %parallel_loop3A_385 = arith.mulf %parallel_loop3A_167, %parallel_loop3A_384 : vector<16xf32>
        %parallel_loop3A_386 = arith.constant 1 : i32
        %parallel_loop3A_387 = arith.addi %parallel_loop3A_161, %parallel_loop3A_386 : i32
        %parallel_loop3A_388 = arith.constant 2 : i32
        %parallel_loop3A_389 = arith.addi %parallel_loop3A_387, %parallel_loop3A_388 : i32
        %parallel_loop3A_390 = arith.index_cast %parallel_loop3A_389 : i32 to index
        %parallel_loop3A_391 = arith.constant 32 : index
        %parallel_loop3A_392 = tpu.vector_load %arg6[%parallel_loop3A_390, %parallel_loop3A_391] {strides = array<i32>} : memref<112x128xf32, #tpu.memory_space<vmem>>, vector<16xf32>,
        %parallel_loop3A_393 = arith.mulf %parallel_loop3A_170, %parallel_loop3A_392 : vector<16xf32>
        %parallel_loop3A_394 = arith.constant 1 : i32
        %parallel_loop3A_395 = arith.addi %parallel_loop3A_161, %parallel_loop3A_394 : i32
        %parallel_loop3A_396 = arith.constant 2 : i32
        %parallel_loop3A_397 = arith.addi %parallel_loop3A_395, %parallel_loop3A_396 : i32
        %parallel_loop3A_398 = arith.index_cast %parallel_loop3A_397 : i32 to index
        %parallel_loop3A_399 = arith.constant 48 : index
        %parallel_loop3A_400 = tpu.vector_load %arg6[%parallel_loop3A_398, %parallel_loop3A_399] {strides = array<i32>} : memref<112x128xf32, #tpu.memory_space<vmem>>, vector<16xf32>,
        %parallel_loop3A_401 = arith.mulf %parallel_loop3A_173, %parallel_loop3A_400 : vector<16xf32>
        %parallel_loop3A_402 = arith.constant 1 : i32
        %parallel_loop3A_403 = arith.addi %parallel_loop3A_161, %parallel_loop3A_402 : i32
        %parallel_loop3A_404 = arith.constant 2 : i32
        %parallel_loop3A_405 = arith.addi %parallel_loop3A_403, %parallel_loop3A_404 : i32
        %parallel_loop3A_406 = arith.index_cast %parallel_loop3A_405 : i32 to index
        %parallel_loop3A_407 = arith.constant 64 : index
        %parallel_loop3A_408 = tpu.vector_load %arg6[%parallel_loop3A_406, %parallel_loop3A_407] {strides = array<i32>} : memref<112x128xf32, #tpu.memory_space<vmem>>, vector<16xf32>,
        %parallel_loop3A_409 = arith.mulf %parallel_loop3A_176, %parallel_loop3A_408 : vector<16xf32>
        %parallel_loop3A_410 = arith.constant 1 : i32
        %parallel_loop3A_411 = arith.addi %parallel_loop3A_161, %parallel_loop3A_410 : i32
        %parallel_loop3A_412 = arith.constant 2 : i32
        %parallel_loop3A_413 = arith.addi %parallel_loop3A_411, %parallel_loop3A_412 : i32
        %parallel_loop3A_414 = arith.index_cast %parallel_loop3A_413 : i32 to index
        %parallel_loop3A_415 = arith.constant 80 : index
        %parallel_loop3A_416 = tpu.vector_load %arg6[%parallel_loop3A_414, %parallel_loop3A_415] {strides = array<i32>} : memref<112x128xf32, #tpu.memory_space<vmem>>, vector<16xf32>,
        %parallel_loop3A_417 = arith.mulf %parallel_loop3A_179, %parallel_loop3A_416 : vector<16xf32>
        %parallel_loop3A_418 = arith.constant 1 : i32
        %parallel_loop3A_419 = arith.addi %parallel_loop3A_161, %parallel_loop3A_418 : i32
        %parallel_loop3A_420 = arith.constant 2 : i32
        %parallel_loop3A_421 = arith.addi %parallel_loop3A_419, %parallel_loop3A_420 : i32
        %parallel_loop3A_422 = arith.index_cast %parallel_loop3A_421 : i32 to index
        %parallel_loop3A_423 = arith.constant 96 : index
        %parallel_loop3A_424 = tpu.vector_load %arg6[%parallel_loop3A_422, %parallel_loop3A_423] {strides = array<i32>} : memref<112x128xf32, #tpu.memory_space<vmem>>, vector<16xf32>,
        %parallel_loop3A_425 = arith.mulf %parallel_loop3A_182, %parallel_loop3A_424 : vector<16xf32>
        %parallel_loop3A_426 = arith.constant 1 : i32
        %parallel_loop3A_427 = arith.addi %parallel_loop3A_161, %parallel_loop3A_426 : i32
        %parallel_loop3A_428 = arith.constant 2 : i32
        %parallel_loop3A_429 = arith.addi %parallel_loop3A_427, %parallel_loop3A_428 : i32
        %parallel_loop3A_430 = arith.index_cast %parallel_loop3A_429 : i32 to index
        %parallel_loop3A_431 = arith.constant 112 : index
        %parallel_loop3A_432 = tpu.vector_load %arg6[%parallel_loop3A_430, %parallel_loop3A_431] {strides = array<i32>} : memref<112x128xf32, #tpu.memory_space<vmem>>, vector<16xf32>,
        %parallel_loop3A_433 = arith.mulf %parallel_loop3A_185, %parallel_loop3A_432 : vector<16xf32>
        %parallel_loop3A_434 = arith.addf %parallel_loop3A_377, %parallel_loop3A_385 : vector<16xf32>
        %parallel_loop3A_435 = arith.addf %parallel_loop3A_393, %parallel_loop3A_401 : vector<16xf32>
        %parallel_loop3A_436 = arith.addf %parallel_loop3A_409, %parallel_loop3A_417 : vector<16xf32>
        %parallel_loop3A_437 = arith.addf %parallel_loop3A_425, %parallel_loop3A_433 : vector<16xf32>
        %parallel_loop3A_438 = arith.addf %parallel_loop3A_434, %parallel_loop3A_435 : vector<16xf32>
        %parallel_loop3A_439 = arith.addf %parallel_loop3A_436, %parallel_loop3A_437 : vector<16xf32>
        %parallel_loop3A_440 = arith.addf %parallel_loop3A_438, %parallel_loop3A_439 : vector<16xf32>
        %parallel_loop3A_441 = vector.shape_cast %xor3A_48 : vector<16xi32> to vector<16x1xi32>
        %parallel_loop3A_442 = vector.shape_cast %parallel_loop3A_441 : vector<16x1xi32> to vector<16xi32>
        %parallel_loop3A_443 = tpu.dynamic_gather %parallel_loop3A_440[%parallel_loop3A_442] in [0] : vector<16xf32>, vector<16xi32> -> vector<16xf32>
        %parallel_loop3A_444 = arith.addf %parallel_loop3A_440, %parallel_loop3A_443 : vector<16xf32>
        %parallel_loop3A_445 = vector.shape_cast %xor3A_51 : vector<16xi32> to vector<16x1xi32>
        %parallel_loop3A_446 = vector.shape_cast %parallel_loop3A_445 : vector<16x1xi32> to vector<16xi32>
        %parallel_loop3A_447 = tpu.dynamic_gather %parallel_loop3A_444[%parallel_loop3A_446] in [0] : vector<16xf32>, vector<16xi32> -> vector<16xf32>
        %parallel_loop3A_448 = arith.addf %parallel_loop3A_444, %parallel_loop3A_447 : vector<16xf32>
        %parallel_loop3A_449 = vector.shape_cast %xor3A_54 : vector<16xi32> to vector<16x1xi32>
        %parallel_loop3A_450 = vector.shape_cast %parallel_loop3A_449 : vector<16x1xi32> to vector<16xi32>
        %parallel_loop3A_451 = tpu.dynamic_gather %parallel_loop3A_448[%parallel_loop3A_450] in [0] : vector<16xf32>, vector<16xi32> -> vector<16xf32>
        %parallel_loop3A_452 = arith.addf %parallel_loop3A_448, %parallel_loop3A_451 : vector<16xf32>
        %parallel_loop3A_453 = vector.shape_cast %xor3A_57 : vector<16xi32> to vector<16x1xi32>
        %parallel_loop3A_454 = vector.shape_cast %parallel_loop3A_453 : vector<16x1xi32> to vector<16xi32>
        %parallel_loop3A_455 = tpu.dynamic_gather %parallel_loop3A_452[%parallel_loop3A_454] in [0] : vector<16xf32>, vector<16xi32> -> vector<16xf32>
        %parallel_loop3A_456 = arith.addf %parallel_loop3A_452, %parallel_loop3A_455 : vector<16xf32>
        %parallel_loop3A_457 = arith.constant 2 : i32
        %parallel_loop3A_458 = vector.broadcast %parallel_loop3A_457 : i32 to vector<16xi32>
        %parallel_loop3A_459 = arith.cmpi eq, %iota3A, %parallel_loop3A_458 : vector<16xi32>
        %parallel_loop3A_460 = arith.select %parallel_loop3A_459, %parallel_loop3A_456, %parallel_loop3A_369 : vector<16xi1>, vector<16xf32>
        %parallel_loop3A_461 = arith.constant 1 : i32
        %parallel_loop3A_462 = arith.addi %parallel_loop3A_161, %parallel_loop3A_461 : i32
        %parallel_loop3A_463 = arith.constant 3 : i32
        %parallel_loop3A_464 = arith.addi %parallel_loop3A_462, %parallel_loop3A_463 : i32
        %parallel_loop3A_465 = arith.index_cast %parallel_loop3A_464 : i32 to index
        %parallel_loop3A_466 = arith.constant 0 : index
        %parallel_loop3A_467 = tpu.vector_load %arg6[%parallel_loop3A_465, %parallel_loop3A_466] {strides = array<i32>} : memref<112x128xf32, #tpu.memory_space<vmem>>, vector<16xf32>,
        %parallel_loop3A_468 = arith.mulf %parallel_loop3A_164, %parallel_loop3A_467 : vector<16xf32>
        %parallel_loop3A_469 = arith.constant 1 : i32
        %parallel_loop3A_470 = arith.addi %parallel_loop3A_161, %parallel_loop3A_469 : i32
        %parallel_loop3A_471 = arith.constant 3 : i32
        %parallel_loop3A_472 = arith.addi %parallel_loop3A_470, %parallel_loop3A_471 : i32
        %parallel_loop3A_473 = arith.index_cast %parallel_loop3A_472 : i32 to index
        %parallel_loop3A_474 = arith.constant 16 : index
        %parallel_loop3A_475 = tpu.vector_load %arg6[%parallel_loop3A_473, %parallel_loop3A_474] {strides = array<i32>} : memref<112x128xf32, #tpu.memory_space<vmem>>, vector<16xf32>,
        %parallel_loop3A_476 = arith.mulf %parallel_loop3A_167, %parallel_loop3A_475 : vector<16xf32>
        %parallel_loop3A_477 = arith.constant 1 : i32
        %parallel_loop3A_478 = arith.addi %parallel_loop3A_161, %parallel_loop3A_477 : i32
        %parallel_loop3A_479 = arith.constant 3 : i32
        %parallel_loop3A_480 = arith.addi %parallel_loop3A_478, %parallel_loop3A_479 : i32
        %parallel_loop3A_481 = arith.index_cast %parallel_loop3A_480 : i32 to index
        %parallel_loop3A_482 = arith.constant 32 : index
        %parallel_loop3A_483 = tpu.vector_load %arg6[%parallel_loop3A_481, %parallel_loop3A_482] {strides = array<i32>} : memref<112x128xf32, #tpu.memory_space<vmem>>, vector<16xf32>,
        %parallel_loop3A_484 = arith.mulf %parallel_loop3A_170, %parallel_loop3A_483 : vector<16xf32>
        %parallel_loop3A_485 = arith.constant 1 : i32
        %parallel_loop3A_486 = arith.addi %parallel_loop3A_161, %parallel_loop3A_485 : i32
        %parallel_loop3A_487 = arith.constant 3 : i32
        %parallel_loop3A_488 = arith.addi %parallel_loop3A_486, %parallel_loop3A_487 : i32
        %parallel_loop3A_489 = arith.index_cast %parallel_loop3A_488 : i32 to index
        %parallel_loop3A_490 = arith.constant 48 : index
        %parallel_loop3A_491 = tpu.vector_load %arg6[%parallel_loop3A_489, %parallel_loop3A_490] {strides = array<i32>} : memref<112x128xf32, #tpu.memory_space<vmem>>, vector<16xf32>,
        %parallel_loop3A_492 = arith.mulf %parallel_loop3A_173, %parallel_loop3A_491 : vector<16xf32>
        %parallel_loop3A_493 = arith.constant 1 : i32
        %parallel_loop3A_494 = arith.addi %parallel_loop3A_161, %parallel_loop3A_493 : i32
        %parallel_loop3A_495 = arith.constant 3 : i32
        %parallel_loop3A_496 = arith.addi %parallel_loop3A_494, %parallel_loop3A_495 : i32
        %parallel_loop3A_497 = arith.index_cast %parallel_loop3A_496 : i32 to index
        %parallel_loop3A_498 = arith.constant 64 : index
        %parallel_loop3A_499 = tpu.vector_load %arg6[%parallel_loop3A_497, %parallel_loop3A_498] {strides = array<i32>} : memref<112x128xf32, #tpu.memory_space<vmem>>, vector<16xf32>,
        %parallel_loop3A_500 = arith.mulf %parallel_loop3A_176, %parallel_loop3A_499 : vector<16xf32>
        %parallel_loop3A_501 = arith.constant 1 : i32
        %parallel_loop3A_502 = arith.addi %parallel_loop3A_161, %parallel_loop3A_501 : i32
        %parallel_loop3A_503 = arith.constant 3 : i32
        %parallel_loop3A_504 = arith.addi %parallel_loop3A_502, %parallel_loop3A_503 : i32
        %parallel_loop3A_505 = arith.index_cast %parallel_loop3A_504 : i32 to index
        %parallel_loop3A_506 = arith.constant 80 : index
        %parallel_loop3A_507 = tpu.vector_load %arg6[%parallel_loop3A_505, %parallel_loop3A_506] {strides = array<i32>} : memref<112x128xf32, #tpu.memory_space<vmem>>, vector<16xf32>,
        %parallel_loop3A_508 = arith.mulf %parallel_loop3A_179, %parallel_loop3A_507 : vector<16xf32>
        %parallel_loop3A_509 = arith.constant 1 : i32
        %parallel_loop3A_510 = arith.addi %parallel_loop3A_161, %parallel_loop3A_509 : i32
        %parallel_loop3A_511 = arith.constant 3 : i32
        %parallel_loop3A_512 = arith.addi %parallel_loop3A_510, %parallel_loop3A_511 : i32
        %parallel_loop3A_513 = arith.index_cast %parallel_loop3A_512 : i32 to index
        %parallel_loop3A_514 = arith.constant 96 : index
        %parallel_loop3A_515 = tpu.vector_load %arg6[%parallel_loop3A_513, %parallel_loop3A_514] {strides = array<i32>} : memref<112x128xf32, #tpu.memory_space<vmem>>, vector<16xf32>,
        %parallel_loop3A_516 = arith.mulf %parallel_loop3A_182, %parallel_loop3A_515 : vector<16xf32>
        %parallel_loop3A_517 = arith.constant 1 : i32
        %parallel_loop3A_518 = arith.addi %parallel_loop3A_161, %parallel_loop3A_517 : i32
        %parallel_loop3A_519 = arith.constant 3 : i32
        %parallel_loop3A_520 = arith.addi %parallel_loop3A_518, %parallel_loop3A_519 : i32
        %parallel_loop3A_521 = arith.index_cast %parallel_loop3A_520 : i32 to index
        %parallel_loop3A_522 = arith.constant 112 : index
        %parallel_loop3A_523 = tpu.vector_load %arg6[%parallel_loop3A_521, %parallel_loop3A_522] {strides = array<i32>} : memref<112x128xf32, #tpu.memory_space<vmem>>, vector<16xf32>,
        %parallel_loop3A_524 = arith.mulf %parallel_loop3A_185, %parallel_loop3A_523 : vector<16xf32>
        %parallel_loop3A_525 = arith.addf %parallel_loop3A_468, %parallel_loop3A_476 : vector<16xf32>
        %parallel_loop3A_526 = arith.addf %parallel_loop3A_484, %parallel_loop3A_492 : vector<16xf32>
        %parallel_loop3A_527 = arith.addf %parallel_loop3A_500, %parallel_loop3A_508 : vector<16xf32>
        %parallel_loop3A_528 = arith.addf %parallel_loop3A_516, %parallel_loop3A_524 : vector<16xf32>
        %parallel_loop3A_529 = arith.addf %parallel_loop3A_525, %parallel_loop3A_526 : vector<16xf32>
        %parallel_loop3A_530 = arith.addf %parallel_loop3A_527, %parallel_loop3A_528 : vector<16xf32>
        %parallel_loop3A_531 = arith.addf %parallel_loop3A_529, %parallel_loop3A_530 : vector<16xf32>
        %parallel_loop3A_532 = vector.shape_cast %xor3A_48 : vector<16xi32> to vector<16x1xi32>
        %parallel_loop3A_533 = vector.shape_cast %parallel_loop3A_532 : vector<16x1xi32> to vector<16xi32>
        %parallel_loop3A_534 = tpu.dynamic_gather %parallel_loop3A_531[%parallel_loop3A_533] in [0] : vector<16xf32>, vector<16xi32> -> vector<16xf32>
        %parallel_loop3A_535 = arith.addf %parallel_loop3A_531, %parallel_loop3A_534 : vector<16xf32>
        %parallel_loop3A_536 = vector.shape_cast %xor3A_51 : vector<16xi32> to vector<16x1xi32>
        %parallel_loop3A_537 = vector.shape_cast %parallel_loop3A_536 : vector<16x1xi32> to vector<16xi32>
        %parallel_loop3A_538 = tpu.dynamic_gather %parallel_loop3A_535[%parallel_loop3A_537] in [0] : vector<16xf32>, vector<16xi32> -> vector<16xf32>
        %parallel_loop3A_539 = arith.addf %parallel_loop3A_535, %parallel_loop3A_538 : vector<16xf32>
        %parallel_loop3A_540 = vector.shape_cast %xor3A_54 : vector<16xi32> to vector<16x1xi32>
        %parallel_loop3A_541 = vector.shape_cast %parallel_loop3A_540 : vector<16x1xi32> to vector<16xi32>
        %parallel_loop3A_542 = tpu.dynamic_gather %parallel_loop3A_539[%parallel_loop3A_541] in [0] : vector<16xf32>, vector<16xi32> -> vector<16xf32>
        %parallel_loop3A_543 = arith.addf %parallel_loop3A_539, %parallel_loop3A_542 : vector<16xf32>
        %parallel_loop3A_544 = vector.shape_cast %xor3A_57 : vector<16xi32> to vector<16x1xi32>
        %parallel_loop3A_545 = vector.shape_cast %parallel_loop3A_544 : vector<16x1xi32> to vector<16xi32>
        %parallel_loop3A_546 = tpu.dynamic_gather %parallel_loop3A_543[%parallel_loop3A_545] in [0] : vector<16xf32>, vector<16xi32> -> vector<16xf32>
        %parallel_loop3A_547 = arith.addf %parallel_loop3A_543, %parallel_loop3A_546 : vector<16xf32>
        %parallel_loop3A_548 = arith.constant 3 : i32
        %parallel_loop3A_549 = vector.broadcast %parallel_loop3A_548 : i32 to vector<16xi32>
        %parallel_loop3A_550 = arith.cmpi eq, %iota3A, %parallel_loop3A_549 : vector<16xi32>
        %parallel_loop3A_551 = arith.select %parallel_loop3A_550, %parallel_loop3A_547, %parallel_loop3A_460 : vector<16xi1>, vector<16xf32>
        %parallel_loop3A_552 = arith.constant 1 : i32
        %parallel_loop3A_553 = arith.addi %parallel_loop3A_161, %parallel_loop3A_552 : i32
        %parallel_loop3A_554 = arith.constant 4 : i32
        %parallel_loop3A_555 = arith.addi %parallel_loop3A_553, %parallel_loop3A_554 : i32
        %parallel_loop3A_556 = arith.index_cast %parallel_loop3A_555 : i32 to index
        %parallel_loop3A_557 = arith.constant 0 : index
        %parallel_loop3A_558 = tpu.vector_load %arg6[%parallel_loop3A_556, %parallel_loop3A_557] {strides = array<i32>} : memref<112x128xf32, #tpu.memory_space<vmem>>, vector<16xf32>,
        %parallel_loop3A_559 = arith.mulf %parallel_loop3A_164, %parallel_loop3A_558 : vector<16xf32>
        %parallel_loop3A_560 = arith.constant 1 : i32
        %parallel_loop3A_561 = arith.addi %parallel_loop3A_161, %parallel_loop3A_560 : i32
        %parallel_loop3A_562 = arith.constant 4 : i32
        %parallel_loop3A_563 = arith.addi %parallel_loop3A_561, %parallel_loop3A_562 : i32
        %parallel_loop3A_564 = arith.index_cast %parallel_loop3A_563 : i32 to index
        %parallel_loop3A_565 = arith.constant 16 : index
        %parallel_loop3A_566 = tpu.vector_load %arg6[%parallel_loop3A_564, %parallel_loop3A_565] {strides = array<i32>} : memref<112x128xf32, #tpu.memory_space<vmem>>, vector<16xf32>,
        %parallel_loop3A_567 = arith.mulf %parallel_loop3A_167, %parallel_loop3A_566 : vector<16xf32>
        %parallel_loop3A_568 = arith.constant 1 : i32
        %parallel_loop3A_569 = arith.addi %parallel_loop3A_161, %parallel_loop3A_568 : i32
        %parallel_loop3A_570 = arith.constant 4 : i32
        %parallel_loop3A_571 = arith.addi %parallel_loop3A_569, %parallel_loop3A_570 : i32
        %parallel_loop3A_572 = arith.index_cast %parallel_loop3A_571 : i32 to index
        %parallel_loop3A_573 = arith.constant 32 : index
        %parallel_loop3A_574 = tpu.vector_load %arg6[%parallel_loop3A_572, %parallel_loop3A_573] {strides = array<i32>} : memref<112x128xf32, #tpu.memory_space<vmem>>, vector<16xf32>,
        %parallel_loop3A_575 = arith.mulf %parallel_loop3A_170, %parallel_loop3A_574 : vector<16xf32>
        %parallel_loop3A_576 = arith.constant 1 : i32
        %parallel_loop3A_577 = arith.addi %parallel_loop3A_161, %parallel_loop3A_576 : i32
        %parallel_loop3A_578 = arith.constant 4 : i32
        %parallel_loop3A_579 = arith.addi %parallel_loop3A_577, %parallel_loop3A_578 : i32
        %parallel_loop3A_580 = arith.index_cast %parallel_loop3A_579 : i32 to index
        %parallel_loop3A_581 = arith.constant 48 : index
        %parallel_loop3A_582 = tpu.vector_load %arg6[%parallel_loop3A_580, %parallel_loop3A_581] {strides = array<i32>} : memref<112x128xf32, #tpu.memory_space<vmem>>, vector<16xf32>,
        %parallel_loop3A_583 = arith.mulf %parallel_loop3A_173, %parallel_loop3A_582 : vector<16xf32>
        %parallel_loop3A_584 = arith.constant 1 : i32
        %parallel_loop3A_585 = arith.addi %parallel_loop3A_161, %parallel_loop3A_584 : i32
        %parallel_loop3A_586 = arith.constant 4 : i32
        %parallel_loop3A_587 = arith.addi %parallel_loop3A_585, %parallel_loop3A_586 : i32
        %parallel_loop3A_588 = arith.index_cast %parallel_loop3A_587 : i32 to index
        %parallel_loop3A_589 = arith.constant 64 : index
        %parallel_loop3A_590 = tpu.vector_load %arg6[%parallel_loop3A_588, %parallel_loop3A_589] {strides = array<i32>} : memref<112x128xf32, #tpu.memory_space<vmem>>, vector<16xf32>,
        %parallel_loop3A_591 = arith.mulf %parallel_loop3A_176, %parallel_loop3A_590 : vector<16xf32>
        %parallel_loop3A_592 = arith.constant 1 : i32
        %parallel_loop3A_593 = arith.addi %parallel_loop3A_161, %parallel_loop3A_592 : i32
        %parallel_loop3A_594 = arith.constant 4 : i32
        %parallel_loop3A_595 = arith.addi %parallel_loop3A_593, %parallel_loop3A_594 : i32
        %parallel_loop3A_596 = arith.index_cast %parallel_loop3A_595 : i32 to index
        %parallel_loop3A_597 = arith.constant 80 : index
        %parallel_loop3A_598 = tpu.vector_load %arg6[%parallel_loop3A_596, %parallel_loop3A_597] {strides = array<i32>} : memref<112x128xf32, #tpu.memory_space<vmem>>, vector<16xf32>,
        %parallel_loop3A_599 = arith.mulf %parallel_loop3A_179, %parallel_loop3A_598 : vector<16xf32>
        %parallel_loop3A_600 = arith.constant 1 : i32
        %parallel_loop3A_601 = arith.addi %parallel_loop3A_161, %parallel_loop3A_600 : i32
        %parallel_loop3A_602 = arith.constant 4 : i32
        %parallel_loop3A_603 = arith.addi %parallel_loop3A_601, %parallel_loop3A_602 : i32
        %parallel_loop3A_604 = arith.index_cast %parallel_loop3A_603 : i32 to index
        %parallel_loop3A_605 = arith.constant 96 : index
        %parallel_loop3A_606 = tpu.vector_load %arg6[%parallel_loop3A_604, %parallel_loop3A_605] {strides = array<i32>} : memref<112x128xf32, #tpu.memory_space<vmem>>, vector<16xf32>,
        %parallel_loop3A_607 = arith.mulf %parallel_loop3A_182, %parallel_loop3A_606 : vector<16xf32>
        %parallel_loop3A_608 = arith.constant 1 : i32
        %parallel_loop3A_609 = arith.addi %parallel_loop3A_161, %parallel_loop3A_608 : i32
        %parallel_loop3A_610 = arith.constant 4 : i32
        %parallel_loop3A_611 = arith.addi %parallel_loop3A_609, %parallel_loop3A_610 : i32
        %parallel_loop3A_612 = arith.index_cast %parallel_loop3A_611 : i32 to index
        %parallel_loop3A_613 = arith.constant 112 : index
        %parallel_loop3A_614 = tpu.vector_load %arg6[%parallel_loop3A_612, %parallel_loop3A_613] {strides = array<i32>} : memref<112x128xf32, #tpu.memory_space<vmem>>, vector<16xf32>,
        %parallel_loop3A_615 = arith.mulf %parallel_loop3A_185, %parallel_loop3A_614 : vector<16xf32>
        %parallel_loop3A_616 = arith.addf %parallel_loop3A_559, %parallel_loop3A_567 : vector<16xf32>
        %parallel_loop3A_617 = arith.addf %parallel_loop3A_575, %parallel_loop3A_583 : vector<16xf32>
        %parallel_loop3A_618 = arith.addf %parallel_loop3A_591, %parallel_loop3A_599 : vector<16xf32>
        %parallel_loop3A_619 = arith.addf %parallel_loop3A_607, %parallel_loop3A_615 : vector<16xf32>
        %parallel_loop3A_620 = arith.addf %parallel_loop3A_616, %parallel_loop3A_617 : vector<16xf32>
        %parallel_loop3A_621 = arith.addf %parallel_loop3A_618, %parallel_loop3A_619 : vector<16xf32>
        %parallel_loop3A_622 = arith.addf %parallel_loop3A_620, %parallel_loop3A_621 : vector<16xf32>
        %parallel_loop3A_623 = vector.shape_cast %xor3A_48 : vector<16xi32> to vector<16x1xi32>
        %parallel_loop3A_624 = vector.shape_cast %parallel_loop3A_623 : vector<16x1xi32> to vector<16xi32>
        %parallel_loop3A_625 = tpu.dynamic_gather %parallel_loop3A_622[%parallel_loop3A_624] in [0] : vector<16xf32>, vector<16xi32> -> vector<16xf32>
        %parallel_loop3A_626 = arith.addf %parallel_loop3A_622, %parallel_loop3A_625 : vector<16xf32>
        %parallel_loop3A_627 = vector.shape_cast %xor3A_51 : vector<16xi32> to vector<16x1xi32>
        %parallel_loop3A_628 = vector.shape_cast %parallel_loop3A_627 : vector<16x1xi32> to vector<16xi32>
        %parallel_loop3A_629 = tpu.dynamic_gather %parallel_loop3A_626[%parallel_loop3A_628] in [0] : vector<16xf32>, vector<16xi32> -> vector<16xf32>
        %parallel_loop3A_630 = arith.addf %parallel_loop3A_626, %parallel_loop3A_629 : vector<16xf32>
        %parallel_loop3A_631 = vector.shape_cast %xor3A_54 : vector<16xi32> to vector<16x1xi32>
        %parallel_loop3A_632 = vector.shape_cast %parallel_loop3A_631 : vector<16x1xi32> to vector<16xi32>
        %parallel_loop3A_633 = tpu.dynamic_gather %parallel_loop3A_630[%parallel_loop3A_632] in [0] : vector<16xf32>, vector<16xi32> -> vector<16xf32>
        %parallel_loop3A_634 = arith.addf %parallel_loop3A_630, %parallel_loop3A_633 : vector<16xf32>
        %parallel_loop3A_635 = vector.shape_cast %xor3A_57 : vector<16xi32> to vector<16x1xi32>
        %parallel_loop3A_636 = vector.shape_cast %parallel_loop3A_635 : vector<16x1xi32> to vector<16xi32>
        %parallel_loop3A_637 = tpu.dynamic_gather %parallel_loop3A_634[%parallel_loop3A_636] in [0] : vector<16xf32>, vector<16xi32> -> vector<16xf32>
        %parallel_loop3A_638 = arith.addf %parallel_loop3A_634, %parallel_loop3A_637 : vector<16xf32>
        %parallel_loop3A_639 = arith.constant 4 : i32
        %parallel_loop3A_640 = vector.broadcast %parallel_loop3A_639 : i32 to vector<16xi32>
        %parallel_loop3A_641 = arith.cmpi eq, %iota3A, %parallel_loop3A_640 : vector<16xi32>
        %parallel_loop3A_642 = arith.select %parallel_loop3A_641, %parallel_loop3A_638, %parallel_loop3A_551 : vector<16xi1>, vector<16xf32>
        %parallel_loop3A_643 = arith.constant 1 : i32
        %parallel_loop3A_644 = arith.addi %parallel_loop3A_161, %parallel_loop3A_643 : i32
        %parallel_loop3A_645 = arith.constant 5 : i32
        %parallel_loop3A_646 = arith.addi %parallel_loop3A_644, %parallel_loop3A_645 : i32
        %parallel_loop3A_647 = arith.index_cast %parallel_loop3A_646 : i32 to index
        %parallel_loop3A_648 = arith.constant 0 : index
        %parallel_loop3A_649 = tpu.vector_load %arg6[%parallel_loop3A_647, %parallel_loop3A_648] {strides = array<i32>} : memref<112x128xf32, #tpu.memory_space<vmem>>, vector<16xf32>,
        %parallel_loop3A_650 = arith.mulf %parallel_loop3A_164, %parallel_loop3A_649 : vector<16xf32>
        %parallel_loop3A_651 = arith.constant 1 : i32
        %parallel_loop3A_652 = arith.addi %parallel_loop3A_161, %parallel_loop3A_651 : i32
        %parallel_loop3A_653 = arith.constant 5 : i32
        %parallel_loop3A_654 = arith.addi %parallel_loop3A_652, %parallel_loop3A_653 : i32
        %parallel_loop3A_655 = arith.index_cast %parallel_loop3A_654 : i32 to index
        %parallel_loop3A_656 = arith.constant 16 : index
        %parallel_loop3A_657 = tpu.vector_load %arg6[%parallel_loop3A_655, %parallel_loop3A_656] {strides = array<i32>} : memref<112x128xf32, #tpu.memory_space<vmem>>, vector<16xf32>,
        %parallel_loop3A_658 = arith.mulf %parallel_loop3A_167, %parallel_loop3A_657 : vector<16xf32>
        %parallel_loop3A_659 = arith.constant 1 : i32
        %parallel_loop3A_660 = arith.addi %parallel_loop3A_161, %parallel_loop3A_659 : i32
        %parallel_loop3A_661 = arith.constant 5 : i32
        %parallel_loop3A_662 = arith.addi %parallel_loop3A_660, %parallel_loop3A_661 : i32
        %parallel_loop3A_663 = arith.index_cast %parallel_loop3A_662 : i32 to index
        %parallel_loop3A_664 = arith.constant 32 : index
        %parallel_loop3A_665 = tpu.vector_load %arg6[%parallel_loop3A_663, %parallel_loop3A_664] {strides = array<i32>} : memref<112x128xf32, #tpu.memory_space<vmem>>, vector<16xf32>,
        %parallel_loop3A_666 = arith.mulf %parallel_loop3A_170, %parallel_loop3A_665 : vector<16xf32>
        %parallel_loop3A_667 = arith.constant 1 : i32
        %parallel_loop3A_668 = arith.addi %parallel_loop3A_161, %parallel_loop3A_667 : i32
        %parallel_loop3A_669 = arith.constant 5 : i32
        %parallel_loop3A_670 = arith.addi %parallel_loop3A_668, %parallel_loop3A_669 : i32
        %parallel_loop3A_671 = arith.index_cast %parallel_loop3A_670 : i32 to index
        %parallel_loop3A_672 = arith.constant 48 : index
        %parallel_loop3A_673 = tpu.vector_load %arg6[%parallel_loop3A_671, %parallel_loop3A_672] {strides = array<i32>} : memref<112x128xf32, #tpu.memory_space<vmem>>, vector<16xf32>,
        %parallel_loop3A_674 = arith.mulf %parallel_loop3A_173, %parallel_loop3A_673 : vector<16xf32>
        %parallel_loop3A_675 = arith.constant 1 : i32
        %parallel_loop3A_676 = arith.addi %parallel_loop3A_161, %parallel_loop3A_675 : i32
        %parallel_loop3A_677 = arith.constant 5 : i32
        %parallel_loop3A_678 = arith.addi %parallel_loop3A_676, %parallel_loop3A_677 : i32
        %parallel_loop3A_679 = arith.index_cast %parallel_loop3A_678 : i32 to index
        %parallel_loop3A_680 = arith.constant 64 : index
        %parallel_loop3A_681 = tpu.vector_load %arg6[%parallel_loop3A_679, %parallel_loop3A_680] {strides = array<i32>} : memref<112x128xf32, #tpu.memory_space<vmem>>, vector<16xf32>,
        %parallel_loop3A_682 = arith.mulf %parallel_loop3A_176, %parallel_loop3A_681 : vector<16xf32>
        %parallel_loop3A_683 = arith.constant 1 : i32
        %parallel_loop3A_684 = arith.addi %parallel_loop3A_161, %parallel_loop3A_683 : i32
        %parallel_loop3A_685 = arith.constant 5 : i32
        %parallel_loop3A_686 = arith.addi %parallel_loop3A_684, %parallel_loop3A_685 : i32
        %parallel_loop3A_687 = arith.index_cast %parallel_loop3A_686 : i32 to index
        %parallel_loop3A_688 = arith.constant 80 : index
        %parallel_loop3A_689 = tpu.vector_load %arg6[%parallel_loop3A_687, %parallel_loop3A_688] {strides = array<i32>} : memref<112x128xf32, #tpu.memory_space<vmem>>, vector<16xf32>,
        %parallel_loop3A_690 = arith.mulf %parallel_loop3A_179, %parallel_loop3A_689 : vector<16xf32>
        %parallel_loop3A_691 = arith.constant 1 : i32
        %parallel_loop3A_692 = arith.addi %parallel_loop3A_161, %parallel_loop3A_691 : i32
        %parallel_loop3A_693 = arith.constant 5 : i32
        %parallel_loop3A_694 = arith.addi %parallel_loop3A_692, %parallel_loop3A_693 : i32
        %parallel_loop3A_695 = arith.index_cast %parallel_loop3A_694 : i32 to index
        %parallel_loop3A_696 = arith.constant 96 : index
        %parallel_loop3A_697 = tpu.vector_load %arg6[%parallel_loop3A_695, %parallel_loop3A_696] {strides = array<i32>} : memref<112x128xf32, #tpu.memory_space<vmem>>, vector<16xf32>,
        %parallel_loop3A_698 = arith.mulf %parallel_loop3A_182, %parallel_loop3A_697 : vector<16xf32>
        %parallel_loop3A_699 = arith.constant 1 : i32
        %parallel_loop3A_700 = arith.addi %parallel_loop3A_161, %parallel_loop3A_699 : i32
        %parallel_loop3A_701 = arith.constant 5 : i32
        %parallel_loop3A_702 = arith.addi %parallel_loop3A_700, %parallel_loop3A_701 : i32
        %parallel_loop3A_703 = arith.index_cast %parallel_loop3A_702 : i32 to index
        %parallel_loop3A_704 = arith.constant 112 : index
        %parallel_loop3A_705 = tpu.vector_load %arg6[%parallel_loop3A_703, %parallel_loop3A_704] {strides = array<i32>} : memref<112x128xf32, #tpu.memory_space<vmem>>, vector<16xf32>,
        %parallel_loop3A_706 = arith.mulf %parallel_loop3A_185, %parallel_loop3A_705 : vector<16xf32>
        %parallel_loop3A_707 = arith.addf %parallel_loop3A_650, %parallel_loop3A_658 : vector<16xf32>
        %parallel_loop3A_708 = arith.addf %parallel_loop3A_666, %parallel_loop3A_674 : vector<16xf32>
        %parallel_loop3A_709 = arith.addf %parallel_loop3A_682, %parallel_loop3A_690 : vector<16xf32>
        %parallel_loop3A_710 = arith.addf %parallel_loop3A_698, %parallel_loop3A_706 : vector<16xf32>
        %parallel_loop3A_711 = arith.addf %parallel_loop3A_707, %parallel_loop3A_708 : vector<16xf32>
        %parallel_loop3A_712 = arith.addf %parallel_loop3A_709, %parallel_loop3A_710 : vector<16xf32>
        %parallel_loop3A_713 = arith.addf %parallel_loop3A_711, %parallel_loop3A_712 : vector<16xf32>
        %parallel_loop3A_714 = vector.shape_cast %xor3A_48 : vector<16xi32> to vector<16x1xi32>
        %parallel_loop3A_715 = vector.shape_cast %parallel_loop3A_714 : vector<16x1xi32> to vector<16xi32>
        %parallel_loop3A_716 = tpu.dynamic_gather %parallel_loop3A_713[%parallel_loop3A_715] in [0] : vector<16xf32>, vector<16xi32> -> vector<16xf32>
        %parallel_loop3A_717 = arith.addf %parallel_loop3A_713, %parallel_loop3A_716 : vector<16xf32>
        %parallel_loop3A_718 = vector.shape_cast %xor3A_51 : vector<16xi32> to vector<16x1xi32>
        %parallel_loop3A_719 = vector.shape_cast %parallel_loop3A_718 : vector<16x1xi32> to vector<16xi32>
        %parallel_loop3A_720 = tpu.dynamic_gather %parallel_loop3A_717[%parallel_loop3A_719] in [0] : vector<16xf32>, vector<16xi32> -> vector<16xf32>
        %parallel_loop3A_721 = arith.addf %parallel_loop3A_717, %parallel_loop3A_720 : vector<16xf32>
        %parallel_loop3A_722 = vector.shape_cast %xor3A_54 : vector<16xi32> to vector<16x1xi32>
        %parallel_loop3A_723 = vector.shape_cast %parallel_loop3A_722 : vector<16x1xi32> to vector<16xi32>
        %parallel_loop3A_724 = tpu.dynamic_gather %parallel_loop3A_721[%parallel_loop3A_723] in [0] : vector<16xf32>, vector<16xi32> -> vector<16xf32>
        %parallel_loop3A_725 = arith.addf %parallel_loop3A_721, %parallel_loop3A_724 : vector<16xf32>
        %parallel_loop3A_726 = vector.shape_cast %xor3A_57 : vector<16xi32> to vector<16x1xi32>
        %parallel_loop3A_727 = vector.shape_cast %parallel_loop3A_726 : vector<16x1xi32> to vector<16xi32>
        %parallel_loop3A_728 = tpu.dynamic_gather %parallel_loop3A_725[%parallel_loop3A_727] in [0] : vector<16xf32>, vector<16xi32> -> vector<16xf32>
        %parallel_loop3A_729 = arith.addf %parallel_loop3A_725, %parallel_loop3A_728 : vector<16xf32>
        %parallel_loop3A_730 = arith.constant 5 : i32
        %parallel_loop3A_731 = vector.broadcast %parallel_loop3A_730 : i32 to vector<16xi32>
        %parallel_loop3A_732 = arith.cmpi eq, %iota3A, %parallel_loop3A_731 : vector<16xi32>
        %parallel_loop3A_733 = arith.select %parallel_loop3A_732, %parallel_loop3A_729, %parallel_loop3A_642 : vector<16xi1>, vector<16xf32>
        %parallel_loop3A_734 = arith.constant 16 : i32
        %parallel_loop3A_735 = arith.muli %add3A_36, %parallel_loop3A_734 : i32
        %parallel_loop3A_736 = arith.addi %parallel_loop3A_735, %parallel_loop3A_159 : i32
        %parallel_loop3A_737 = arith.constant 16 : i32
        %parallel_loop3A_738 = arith.muli %parallel_loop3A_736, %parallel_loop3A_737 : i32
        %parallel_loop3A_739 = arith.index_cast %parallel_loop3A_738 : i32 to index
        %parallel_loop3A_740 = tpu.vector_load %arg10[%parallel_loop3A_739] {strides = array<i32>} : memref<49152xf32, #tpu.memory_space<vmem>>, vector<16xf32>,
        tpu.vector_store %arg10[%parallel_loop3A_739], %parallel_loop3A_733 {strides = array<i32>} : memref<49152xf32, #tpu.memory_space<vmem>>, vector<16xf32>,
      } {sc.loop_unroll_factor = 2 : i64, sc.parallel_access}
      %add3A_60 = arith.constant 1 : i32
      %add3A_61 = arith.addi %mul3A_34, %add3A_60 : i32
      %add3A_62 = arith.constant 4 : i32
      %add3A_63 = arith.addi %add3A_61, %add3A_62 : i32
      %sub3A_64 = arith.constant 1 : i32
      %sub3A_65 = arith.subi %add3A_63, %sub3A_64 : i32
      %lt3A_66 = arith.constant 192 : i32
      %lt3A_67 = arith.cmpi slt, %sub3A_65, %lt3A_66 : i32
      %convert_element_type3A_68 = arith.extui %lt3A_67 : i1 to i32
      %cond3A_69 = arith.constant 0 : i32
      %cond3A_70 = arith.cmpi ne, %convert_element_type3A_68, %cond3A_69 : i32
      scf.if %cond3A_70 {
        %dma_start3A_159 = arith.constant 0 : i32
        %dma_start3A_160 = tpu.memref_slice %arg5[%sub3A_65, %dma_start3A_159] : memref<192x112xi32, #tpu.memory_space<vmem>> -> memref<1x112xi32, #tpu.memory_space<vmem>>
        %dma_start3A_161 = tpu.memref_squeeze %dma_start3A_160 : memref<1x112xi32, #tpu.memory_space<vmem>> -> memref<112xi32, #tpu.memory_space<vmem>>
        %dma_start3A_162 = arith.constant 0 : i32
        %dma_start3A_163 = arith.constant 0 : i32
        %dma_start3A_164 = tpu.memref_slice %arg3[%dma_start3A_162, %dma_start3A_163] : memref<100000x128xf32, #tpu.memory_space<hbm>> -> memref<100000x128xf32, #tpu.memory_space<hbm>>
        tpu.enqueue_indirect_dma source(%dma_start3A_164 : memref<100000x128xf32, #tpu.memory_space<hbm>>) target(%arg6 : memref<112x128xf32, #tpu.memory_space<vmem>>) offsets(%dma_start3A_161 : memref<112xi32, #tpu.memory_space<vmem>>) semaphore(%arg11 : memref<!tpu.dma_semaphore, #tpu.memory_space<semaphore_mem>>)
      } else {
      }
      %dma_wait3A_71 = arith.constant 0 : i32
      %dma_wait3A_72 = tpu.memref_slice %arg5[%add3A_61, %dma_wait3A_71] : memref<192x112xi32, #tpu.memory_space<vmem>> -> memref<1x112xi32, #tpu.memory_space<vmem>>
      %dma_wait3A_73 = tpu.memref_squeeze %dma_wait3A_72 : memref<1x112xi32, #tpu.memory_space<vmem>> -> memref<112xi32, #tpu.memory_space<vmem>>
      %dma_wait3A_74 = arith.constant 0 : i32
      %dma_wait3A_75 = arith.constant 0 : i32
      %dma_wait3A_76 = tpu.memref_slice %arg3[%dma_wait3A_74, %dma_wait3A_75] : memref<100000x128xf32, #tpu.memory_space<hbm>> -> memref<100000x128xf32, #tpu.memory_space<hbm>>
      tpu.wait_indirect_dma semaphore(%arg12 : memref<!tpu.dma_semaphore, #tpu.memory_space<semaphore_mem>>) src(%dma_wait3A_76 : memref<100000x128xf32, #tpu.memory_space<hbm>>) dst(%arg7 : memref<112x128xf32, #tpu.memory_space<vmem>>)
      %iota3A_77 = tpu.iota {dimensions = array<i32: 0>} : vector<16xi32>
      %xor3A_78 = arith.constant 8 : i32
      %xor3A_79 = vector.broadcast %xor3A_78 : i32 to vector<16xi32>
      %xor3A_80 = arith.xori %iota3A_77, %xor3A_79 : vector<16xi32>
      %xor3A_81 = arith.constant 4 : i32
      %xor3A_82 = vector.broadcast %xor3A_81 : i32 to vector<16xi32>
      %xor3A_83 = arith.xori %iota3A_77, %xor3A_82 : vector<16xi32>
      %xor3A_84 = arith.constant 2 : i32
      %xor3A_85 = vector.broadcast %xor3A_84 : i32 to vector<16xi32>
      %xor3A_86 = arith.xori %iota3A_77, %xor3A_85 : vector<16xi32>
      %xor3A_87 = arith.constant 1 : i32
      %xor3A_88 = vector.broadcast %xor3A_87 : i32 to vector<16xi32>
      %xor3A_89 = arith.xori %iota3A_77, %xor3A_88 : vector<16xi32>
      %parallel_loop3A_90 = arith.constant 0 : i32
      %parallel_loop3A_91 = arith.constant 16 : i32
      %parallel_loop3A_92 = arith.constant 1 : i32
      scf.for %parallel_loop3A_159 = %parallel_loop3A_90 to %parallel_loop3A_91 step %parallel_loop3A_92  : i32 {
        %parallel_loop3A_160 = arith.constant 7 : i32
        %parallel_loop3A_161 = arith.muli %parallel_loop3A_159, %parallel_loop3A_160 : i32
        %parallel_loop3A_162 = arith.index_cast %parallel_loop3A_161 : i32 to index
        %parallel_loop3A_163 = arith.constant 0 : index
        %parallel_loop3A_164 = tpu.vector_load %arg7[%parallel_loop3A_162, %parallel_loop3A_163] {strides = array<i32>} : memref<112x128xf32, #tpu.memory_space<vmem>>, vector<16xf32>,
        %parallel_loop3A_165 = arith.index_cast %parallel_loop3A_161 : i32 to index
        %parallel_loop3A_166 = arith.constant 16 : index
        %parallel_loop3A_167 = tpu.vector_load %arg7[%parallel_loop3A_165, %parallel_loop3A_166] {strides = array<i32>} : memref<112x128xf32, #tpu.memory_space<vmem>>, vector<16xf32>,
        %parallel_loop3A_168 = arith.index_cast %parallel_loop3A_161 : i32 to index
        %parallel_loop3A_169 = arith.constant 32 : index
        %parallel_loop3A_170 = tpu.vector_load %arg7[%parallel_loop3A_168, %parallel_loop3A_169] {strides = array<i32>} : memref<112x128xf32, #tpu.memory_space<vmem>>, vector<16xf32>,
        %parallel_loop3A_171 = arith.index_cast %parallel_loop3A_161 : i32 to index
        %parallel_loop3A_172 = arith.constant 48 : index
        %parallel_loop3A_173 = tpu.vector_load %arg7[%parallel_loop3A_171, %parallel_loop3A_172] {strides = array<i32>} : memref<112x128xf32, #tpu.memory_space<vmem>>, vector<16xf32>,
        %parallel_loop3A_174 = arith.index_cast %parallel_loop3A_161 : i32 to index
        %parallel_loop3A_175 = arith.constant 64 : index
        %parallel_loop3A_176 = tpu.vector_load %arg7[%parallel_loop3A_174, %parallel_loop3A_175] {strides = array<i32>} : memref<112x128xf32, #tpu.memory_space<vmem>>, vector<16xf32>,
        %parallel_loop3A_177 = arith.index_cast %parallel_loop3A_161 : i32 to index
        %parallel_loop3A_178 = arith.constant 80 : index
        %parallel_loop3A_179 = tpu.vector_load %arg7[%parallel_loop3A_177, %parallel_loop3A_178] {strides = array<i32>} : memref<112x128xf32, #tpu.memory_space<vmem>>, vector<16xf32>,
        %parallel_loop3A_180 = arith.index_cast %parallel_loop3A_161 : i32 to index
        %parallel_loop3A_181 = arith.constant 96 : index
        %parallel_loop3A_182 = tpu.vector_load %arg7[%parallel_loop3A_180, %parallel_loop3A_181] {strides = array<i32>} : memref<112x128xf32, #tpu.memory_space<vmem>>, vector<16xf32>,
        %parallel_loop3A_183 = arith.index_cast %parallel_loop3A_161 : i32 to index
        %parallel_loop3A_184 = arith.constant 112 : index
        %parallel_loop3A_185 = tpu.vector_load %arg7[%parallel_loop3A_183, %parallel_loop3A_184] {strides = array<i32>} : memref<112x128xf32, #tpu.memory_space<vmem>>, vector<16xf32>,
        %parallel_loop3A_186 = arith.constant 0.000000e+00 : f32
        %parallel_loop3A_187 = vector.broadcast %parallel_loop3A_186 : f32 to vector<16xf32>
        %parallel_loop3A_188 = arith.constant 1 : i32
        %parallel_loop3A_189 = arith.addi %parallel_loop3A_161, %parallel_loop3A_188 : i32
        %parallel_loop3A_190 = arith.constant 0 : i32
        %parallel_loop3A_191 = arith.addi %parallel_loop3A_189, %parallel_loop3A_190 : i32
        %parallel_loop3A_192 = arith.index_cast %parallel_loop3A_191 : i32 to index
        %parallel_loop3A_193 = arith.constant 0 : index
        %parallel_loop3A_194 = tpu.vector_load %arg7[%parallel_loop3A_192, %parallel_loop3A_193] {strides = array<i32>} : memref<112x128xf32, #tpu.memory_space<vmem>>, vector<16xf32>,
        %parallel_loop3A_195 = arith.mulf %parallel_loop3A_164, %parallel_loop3A_194 : vector<16xf32>
        %parallel_loop3A_196 = arith.constant 1 : i32
        %parallel_loop3A_197 = arith.addi %parallel_loop3A_161, %parallel_loop3A_196 : i32
        %parallel_loop3A_198 = arith.constant 0 : i32
        %parallel_loop3A_199 = arith.addi %parallel_loop3A_197, %parallel_loop3A_198 : i32
        %parallel_loop3A_200 = arith.index_cast %parallel_loop3A_199 : i32 to index
        %parallel_loop3A_201 = arith.constant 16 : index
        %parallel_loop3A_202 = tpu.vector_load %arg7[%parallel_loop3A_200, %parallel_loop3A_201] {strides = array<i32>} : memref<112x128xf32, #tpu.memory_space<vmem>>, vector<16xf32>,
        %parallel_loop3A_203 = arith.mulf %parallel_loop3A_167, %parallel_loop3A_202 : vector<16xf32>
        %parallel_loop3A_204 = arith.constant 1 : i32
        %parallel_loop3A_205 = arith.addi %parallel_loop3A_161, %parallel_loop3A_204 : i32
        %parallel_loop3A_206 = arith.constant 0 : i32
        %parallel_loop3A_207 = arith.addi %parallel_loop3A_205, %parallel_loop3A_206 : i32
        %parallel_loop3A_208 = arith.index_cast %parallel_loop3A_207 : i32 to index
        %parallel_loop3A_209 = arith.constant 32 : index
        %parallel_loop3A_210 = tpu.vector_load %arg7[%parallel_loop3A_208, %parallel_loop3A_209] {strides = array<i32>} : memref<112x128xf32, #tpu.memory_space<vmem>>, vector<16xf32>,
        %parallel_loop3A_211 = arith.mulf %parallel_loop3A_170, %parallel_loop3A_210 : vector<16xf32>
        %parallel_loop3A_212 = arith.constant 1 : i32
        %parallel_loop3A_213 = arith.addi %parallel_loop3A_161, %parallel_loop3A_212 : i32
        %parallel_loop3A_214 = arith.constant 0 : i32
        %parallel_loop3A_215 = arith.addi %parallel_loop3A_213, %parallel_loop3A_214 : i32
        %parallel_loop3A_216 = arith.index_cast %parallel_loop3A_215 : i32 to index
        %parallel_loop3A_217 = arith.constant 48 : index
        %parallel_loop3A_218 = tpu.vector_load %arg7[%parallel_loop3A_216, %parallel_loop3A_217] {strides = array<i32>} : memref<112x128xf32, #tpu.memory_space<vmem>>, vector<16xf32>,
        %parallel_loop3A_219 = arith.mulf %parallel_loop3A_173, %parallel_loop3A_218 : vector<16xf32>
        %parallel_loop3A_220 = arith.constant 1 : i32
        %parallel_loop3A_221 = arith.addi %parallel_loop3A_161, %parallel_loop3A_220 : i32
        %parallel_loop3A_222 = arith.constant 0 : i32
        %parallel_loop3A_223 = arith.addi %parallel_loop3A_221, %parallel_loop3A_222 : i32
        %parallel_loop3A_224 = arith.index_cast %parallel_loop3A_223 : i32 to index
        %parallel_loop3A_225 = arith.constant 64 : index
        %parallel_loop3A_226 = tpu.vector_load %arg7[%parallel_loop3A_224, %parallel_loop3A_225] {strides = array<i32>} : memref<112x128xf32, #tpu.memory_space<vmem>>, vector<16xf32>,
        %parallel_loop3A_227 = arith.mulf %parallel_loop3A_176, %parallel_loop3A_226 : vector<16xf32>
        %parallel_loop3A_228 = arith.constant 1 : i32
        %parallel_loop3A_229 = arith.addi %parallel_loop3A_161, %parallel_loop3A_228 : i32
        %parallel_loop3A_230 = arith.constant 0 : i32
        %parallel_loop3A_231 = arith.addi %parallel_loop3A_229, %parallel_loop3A_230 : i32
        %parallel_loop3A_232 = arith.index_cast %parallel_loop3A_231 : i32 to index
        %parallel_loop3A_233 = arith.constant 80 : index
        %parallel_loop3A_234 = tpu.vector_load %arg7[%parallel_loop3A_232, %parallel_loop3A_233] {strides = array<i32>} : memref<112x128xf32, #tpu.memory_space<vmem>>, vector<16xf32>,
        %parallel_loop3A_235 = arith.mulf %parallel_loop3A_179, %parallel_loop3A_234 : vector<16xf32>
        %parallel_loop3A_236 = arith.constant 1 : i32
        %parallel_loop3A_237 = arith.addi %parallel_loop3A_161, %parallel_loop3A_236 : i32
        %parallel_loop3A_238 = arith.constant 0 : i32
        %parallel_loop3A_239 = arith.addi %parallel_loop3A_237, %parallel_loop3A_238 : i32
        %parallel_loop3A_240 = arith.index_cast %parallel_loop3A_239 : i32 to index
        %parallel_loop3A_241 = arith.constant 96 : index
        %parallel_loop3A_242 = tpu.vector_load %arg7[%parallel_loop3A_240, %parallel_loop3A_241] {strides = array<i32>} : memref<112x128xf32, #tpu.memory_space<vmem>>, vector<16xf32>,
        %parallel_loop3A_243 = arith.mulf %parallel_loop3A_182, %parallel_loop3A_242 : vector<16xf32>
        %parallel_loop3A_244 = arith.constant 1 : i32
        %parallel_loop3A_245 = arith.addi %parallel_loop3A_161, %parallel_loop3A_244 : i32
        %parallel_loop3A_246 = arith.constant 0 : i32
        %parallel_loop3A_247 = arith.addi %parallel_loop3A_245, %parallel_loop3A_246 : i32
        %parallel_loop3A_248 = arith.index_cast %parallel_loop3A_247 : i32 to index
        %parallel_loop3A_249 = arith.constant 112 : index
        %parallel_loop3A_250 = tpu.vector_load %arg7[%parallel_loop3A_248, %parallel_loop3A_249] {strides = array<i32>} : memref<112x128xf32, #tpu.memory_space<vmem>>, vector<16xf32>,
        %parallel_loop3A_251 = arith.mulf %parallel_loop3A_185, %parallel_loop3A_250 : vector<16xf32>
        %parallel_loop3A_252 = arith.addf %parallel_loop3A_195, %parallel_loop3A_203 : vector<16xf32>
        %parallel_loop3A_253 = arith.addf %parallel_loop3A_211, %parallel_loop3A_219 : vector<16xf32>
        %parallel_loop3A_254 = arith.addf %parallel_loop3A_227, %parallel_loop3A_235 : vector<16xf32>
        %parallel_loop3A_255 = arith.addf %parallel_loop3A_243, %parallel_loop3A_251 : vector<16xf32>
        %parallel_loop3A_256 = arith.addf %parallel_loop3A_252, %parallel_loop3A_253 : vector<16xf32>
        %parallel_loop3A_257 = arith.addf %parallel_loop3A_254, %parallel_loop3A_255 : vector<16xf32>
        %parallel_loop3A_258 = arith.addf %parallel_loop3A_256, %parallel_loop3A_257 : vector<16xf32>
        %parallel_loop3A_259 = vector.shape_cast %xor3A_80 : vector<16xi32> to vector<16x1xi32>
        %parallel_loop3A_260 = vector.shape_cast %parallel_loop3A_259 : vector<16x1xi32> to vector<16xi32>
        %parallel_loop3A_261 = tpu.dynamic_gather %parallel_loop3A_258[%parallel_loop3A_260] in [0] : vector<16xf32>, vector<16xi32> -> vector<16xf32>
        %parallel_loop3A_262 = arith.addf %parallel_loop3A_258, %parallel_loop3A_261 : vector<16xf32>
        %parallel_loop3A_263 = vector.shape_cast %xor3A_83 : vector<16xi32> to vector<16x1xi32>
        %parallel_loop3A_264 = vector.shape_cast %parallel_loop3A_263 : vector<16x1xi32> to vector<16xi32>
        %parallel_loop3A_265 = tpu.dynamic_gather %parallel_loop3A_262[%parallel_loop3A_264] in [0] : vector<16xf32>, vector<16xi32> -> vector<16xf32>
        %parallel_loop3A_266 = arith.addf %parallel_loop3A_262, %parallel_loop3A_265 : vector<16xf32>
        %parallel_loop3A_267 = vector.shape_cast %xor3A_86 : vector<16xi32> to vector<16x1xi32>
        %parallel_loop3A_268 = vector.shape_cast %parallel_loop3A_267 : vector<16x1xi32> to vector<16xi32>
        %parallel_loop3A_269 = tpu.dynamic_gather %parallel_loop3A_266[%parallel_loop3A_268] in [0] : vector<16xf32>, vector<16xi32> -> vector<16xf32>
        %parallel_loop3A_270 = arith.addf %parallel_loop3A_266, %parallel_loop3A_269 : vector<16xf32>
        %parallel_loop3A_271 = vector.shape_cast %xor3A_89 : vector<16xi32> to vector<16x1xi32>
        %parallel_loop3A_272 = vector.shape_cast %parallel_loop3A_271 : vector<16x1xi32> to vector<16xi32>
        %parallel_loop3A_273 = tpu.dynamic_gather %parallel_loop3A_270[%parallel_loop3A_272] in [0] : vector<16xf32>, vector<16xi32> -> vector<16xf32>
        %parallel_loop3A_274 = arith.addf %parallel_loop3A_270, %parallel_loop3A_273 : vector<16xf32>
        %parallel_loop3A_275 = arith.constant 0 : i32
        %parallel_loop3A_276 = vector.broadcast %parallel_loop3A_275 : i32 to vector<16xi32>
        %parallel_loop3A_277 = arith.cmpi eq, %iota3A_77, %parallel_loop3A_276 : vector<16xi32>
        %parallel_loop3A_278 = arith.select %parallel_loop3A_277, %parallel_loop3A_274, %parallel_loop3A_187 : vector<16xi1>, vector<16xf32>
        %parallel_loop3A_279 = arith.constant 1 : i32
        %parallel_loop3A_280 = arith.addi %parallel_loop3A_161, %parallel_loop3A_279 : i32
        %parallel_loop3A_281 = arith.constant 1 : i32
        %parallel_loop3A_282 = arith.addi %parallel_loop3A_280, %parallel_loop3A_281 : i32
        %parallel_loop3A_283 = arith.index_cast %parallel_loop3A_282 : i32 to index
        %parallel_loop3A_284 = arith.constant 0 : index
        %parallel_loop3A_285 = tpu.vector_load %arg7[%parallel_loop3A_283, %parallel_loop3A_284] {strides = array<i32>} : memref<112x128xf32, #tpu.memory_space<vmem>>, vector<16xf32>,
        %parallel_loop3A_286 = arith.mulf %parallel_loop3A_164, %parallel_loop3A_285 : vector<16xf32>
        %parallel_loop3A_287 = arith.constant 1 : i32
        %parallel_loop3A_288 = arith.addi %parallel_loop3A_161, %parallel_loop3A_287 : i32
        %parallel_loop3A_289 = arith.constant 1 : i32
        %parallel_loop3A_290 = arith.addi %parallel_loop3A_288, %parallel_loop3A_289 : i32
        %parallel_loop3A_291 = arith.index_cast %parallel_loop3A_290 : i32 to index
        %parallel_loop3A_292 = arith.constant 16 : index
        %parallel_loop3A_293 = tpu.vector_load %arg7[%parallel_loop3A_291, %parallel_loop3A_292] {strides = array<i32>} : memref<112x128xf32, #tpu.memory_space<vmem>>, vector<16xf32>,
        %parallel_loop3A_294 = arith.mulf %parallel_loop3A_167, %parallel_loop3A_293 : vector<16xf32>
        %parallel_loop3A_295 = arith.constant 1 : i32
        %parallel_loop3A_296 = arith.addi %parallel_loop3A_161, %parallel_loop3A_295 : i32
        %parallel_loop3A_297 = arith.constant 1 : i32
        %parallel_loop3A_298 = arith.addi %parallel_loop3A_296, %parallel_loop3A_297 : i32
        %parallel_loop3A_299 = arith.index_cast %parallel_loop3A_298 : i32 to index
        %parallel_loop3A_300 = arith.constant 32 : index
        %parallel_loop3A_301 = tpu.vector_load %arg7[%parallel_loop3A_299, %parallel_loop3A_300] {strides = array<i32>} : memref<112x128xf32, #tpu.memory_space<vmem>>, vector<16xf32>,
        %parallel_loop3A_302 = arith.mulf %parallel_loop3A_170, %parallel_loop3A_301 : vector<16xf32>
        %parallel_loop3A_303 = arith.constant 1 : i32
        %parallel_loop3A_304 = arith.addi %parallel_loop3A_161, %parallel_loop3A_303 : i32
        %parallel_loop3A_305 = arith.constant 1 : i32
        %parallel_loop3A_306 = arith.addi %parallel_loop3A_304, %parallel_loop3A_305 : i32
        %parallel_loop3A_307 = arith.index_cast %parallel_loop3A_306 : i32 to index
        %parallel_loop3A_308 = arith.constant 48 : index
        %parallel_loop3A_309 = tpu.vector_load %arg7[%parallel_loop3A_307, %parallel_loop3A_308] {strides = array<i32>} : memref<112x128xf32, #tpu.memory_space<vmem>>, vector<16xf32>,
        %parallel_loop3A_310 = arith.mulf %parallel_loop3A_173, %parallel_loop3A_309 : vector<16xf32>
        %parallel_loop3A_311 = arith.constant 1 : i32
        %parallel_loop3A_312 = arith.addi %parallel_loop3A_161, %parallel_loop3A_311 : i32
        %parallel_loop3A_313 = arith.constant 1 : i32
        %parallel_loop3A_314 = arith.addi %parallel_loop3A_312, %parallel_loop3A_313 : i32
        %parallel_loop3A_315 = arith.index_cast %parallel_loop3A_314 : i32 to index
        %parallel_loop3A_316 = arith.constant 64 : index
        %parallel_loop3A_317 = tpu.vector_load %arg7[%parallel_loop3A_315, %parallel_loop3A_316] {strides = array<i32>} : memref<112x128xf32, #tpu.memory_space<vmem>>, vector<16xf32>,
        %parallel_loop3A_318 = arith.mulf %parallel_loop3A_176, %parallel_loop3A_317 : vector<16xf32>
        %parallel_loop3A_319 = arith.constant 1 : i32
        %parallel_loop3A_320 = arith.addi %parallel_loop3A_161, %parallel_loop3A_319 : i32
        %parallel_loop3A_321 = arith.constant 1 : i32
        %parallel_loop3A_322 = arith.addi %parallel_loop3A_320, %parallel_loop3A_321 : i32
        %parallel_loop3A_323 = arith.index_cast %parallel_loop3A_322 : i32 to index
        %parallel_loop3A_324 = arith.constant 80 : index
        %parallel_loop3A_325 = tpu.vector_load %arg7[%parallel_loop3A_323, %parallel_loop3A_324] {strides = array<i32>} : memref<112x128xf32, #tpu.memory_space<vmem>>, vector<16xf32>,
        %parallel_loop3A_326 = arith.mulf %parallel_loop3A_179, %parallel_loop3A_325 : vector<16xf32>
        %parallel_loop3A_327 = arith.constant 1 : i32
        %parallel_loop3A_328 = arith.addi %parallel_loop3A_161, %parallel_loop3A_327 : i32
        %parallel_loop3A_329 = arith.constant 1 : i32
        %parallel_loop3A_330 = arith.addi %parallel_loop3A_328, %parallel_loop3A_329 : i32
        %parallel_loop3A_331 = arith.index_cast %parallel_loop3A_330 : i32 to index
        %parallel_loop3A_332 = arith.constant 96 : index
        %parallel_loop3A_333 = tpu.vector_load %arg7[%parallel_loop3A_331, %parallel_loop3A_332] {strides = array<i32>} : memref<112x128xf32, #tpu.memory_space<vmem>>, vector<16xf32>,
        %parallel_loop3A_334 = arith.mulf %parallel_loop3A_182, %parallel_loop3A_333 : vector<16xf32>
        %parallel_loop3A_335 = arith.constant 1 : i32
        %parallel_loop3A_336 = arith.addi %parallel_loop3A_161, %parallel_loop3A_335 : i32
        %parallel_loop3A_337 = arith.constant 1 : i32
        %parallel_loop3A_338 = arith.addi %parallel_loop3A_336, %parallel_loop3A_337 : i32
        %parallel_loop3A_339 = arith.index_cast %parallel_loop3A_338 : i32 to index
        %parallel_loop3A_340 = arith.constant 112 : index
        %parallel_loop3A_341 = tpu.vector_load %arg7[%parallel_loop3A_339, %parallel_loop3A_340] {strides = array<i32>} : memref<112x128xf32, #tpu.memory_space<vmem>>, vector<16xf32>,
        %parallel_loop3A_342 = arith.mulf %parallel_loop3A_185, %parallel_loop3A_341 : vector<16xf32>
        %parallel_loop3A_343 = arith.addf %parallel_loop3A_286, %parallel_loop3A_294 : vector<16xf32>
        %parallel_loop3A_344 = arith.addf %parallel_loop3A_302, %parallel_loop3A_310 : vector<16xf32>
        %parallel_loop3A_345 = arith.addf %parallel_loop3A_318, %parallel_loop3A_326 : vector<16xf32>
        %parallel_loop3A_346 = arith.addf %parallel_loop3A_334, %parallel_loop3A_342 : vector<16xf32>
        %parallel_loop3A_347 = arith.addf %parallel_loop3A_343, %parallel_loop3A_344 : vector<16xf32>
        %parallel_loop3A_348 = arith.addf %parallel_loop3A_345, %parallel_loop3A_346 : vector<16xf32>
        %parallel_loop3A_349 = arith.addf %parallel_loop3A_347, %parallel_loop3A_348 : vector<16xf32>
        %parallel_loop3A_350 = vector.shape_cast %xor3A_80 : vector<16xi32> to vector<16x1xi32>
        %parallel_loop3A_351 = vector.shape_cast %parallel_loop3A_350 : vector<16x1xi32> to vector<16xi32>
        %parallel_loop3A_352 = tpu.dynamic_gather %parallel_loop3A_349[%parallel_loop3A_351] in [0] : vector<16xf32>, vector<16xi32> -> vector<16xf32>
        %parallel_loop3A_353 = arith.addf %parallel_loop3A_349, %parallel_loop3A_352 : vector<16xf32>
        %parallel_loop3A_354 = vector.shape_cast %xor3A_83 : vector<16xi32> to vector<16x1xi32>
        %parallel_loop3A_355 = vector.shape_cast %parallel_loop3A_354 : vector<16x1xi32> to vector<16xi32>
        %parallel_loop3A_356 = tpu.dynamic_gather %parallel_loop3A_353[%parallel_loop3A_355] in [0] : vector<16xf32>, vector<16xi32> -> vector<16xf32>
        %parallel_loop3A_357 = arith.addf %parallel_loop3A_353, %parallel_loop3A_356 : vector<16xf32>
        %parallel_loop3A_358 = vector.shape_cast %xor3A_86 : vector<16xi32> to vector<16x1xi32>
        %parallel_loop3A_359 = vector.shape_cast %parallel_loop3A_358 : vector<16x1xi32> to vector<16xi32>
        %parallel_loop3A_360 = tpu.dynamic_gather %parallel_loop3A_357[%parallel_loop3A_359] in [0] : vector<16xf32>, vector<16xi32> -> vector<16xf32>
        %parallel_loop3A_361 = arith.addf %parallel_loop3A_357, %parallel_loop3A_360 : vector<16xf32>
        %parallel_loop3A_362 = vector.shape_cast %xor3A_89 : vector<16xi32> to vector<16x1xi32>
        %parallel_loop3A_363 = vector.shape_cast %parallel_loop3A_362 : vector<16x1xi32> to vector<16xi32>
        %parallel_loop3A_364 = tpu.dynamic_gather %parallel_loop3A_361[%parallel_loop3A_363] in [0] : vector<16xf32>, vector<16xi32> -> vector<16xf32>
        %parallel_loop3A_365 = arith.addf %parallel_loop3A_361, %parallel_loop3A_364 : vector<16xf32>
        %parallel_loop3A_366 = arith.constant 1 : i32
        %parallel_loop3A_367 = vector.broadcast %parallel_loop3A_366 : i32 to vector<16xi32>
        %parallel_loop3A_368 = arith.cmpi eq, %iota3A_77, %parallel_loop3A_367 : vector<16xi32>
        %parallel_loop3A_369 = arith.select %parallel_loop3A_368, %parallel_loop3A_365, %parallel_loop3A_278 : vector<16xi1>, vector<16xf32>
        %parallel_loop3A_370 = arith.constant 1 : i32
        %parallel_loop3A_371 = arith.addi %parallel_loop3A_161, %parallel_loop3A_370 : i32
        %parallel_loop3A_372 = arith.constant 2 : i32
        %parallel_loop3A_373 = arith.addi %parallel_loop3A_371, %parallel_loop3A_372 : i32
        %parallel_loop3A_374 = arith.index_cast %parallel_loop3A_373 : i32 to index
        %parallel_loop3A_375 = arith.constant 0 : index
        %parallel_loop3A_376 = tpu.vector_load %arg7[%parallel_loop3A_374, %parallel_loop3A_375] {strides = array<i32>} : memref<112x128xf32, #tpu.memory_space<vmem>>, vector<16xf32>,
        %parallel_loop3A_377 = arith.mulf %parallel_loop3A_164, %parallel_loop3A_376 : vector<16xf32>
        %parallel_loop3A_378 = arith.constant 1 : i32
        %parallel_loop3A_379 = arith.addi %parallel_loop3A_161, %parallel_loop3A_378 : i32
        %parallel_loop3A_380 = arith.constant 2 : i32
        %parallel_loop3A_381 = arith.addi %parallel_loop3A_379, %parallel_loop3A_380 : i32
        %parallel_loop3A_382 = arith.index_cast %parallel_loop3A_381 : i32 to index
        %parallel_loop3A_383 = arith.constant 16 : index
        %parallel_loop3A_384 = tpu.vector_load %arg7[%parallel_loop3A_382, %parallel_loop3A_383] {strides = array<i32>} : memref<112x128xf32, #tpu.memory_space<vmem>>, vector<16xf32>,
        %parallel_loop3A_385 = arith.mulf %parallel_loop3A_167, %parallel_loop3A_384 : vector<16xf32>
        %parallel_loop3A_386 = arith.constant 1 : i32
        %parallel_loop3A_387 = arith.addi %parallel_loop3A_161, %parallel_loop3A_386 : i32
        %parallel_loop3A_388 = arith.constant 2 : i32
        %parallel_loop3A_389 = arith.addi %parallel_loop3A_387, %parallel_loop3A_388 : i32
        %parallel_loop3A_390 = arith.index_cast %parallel_loop3A_389 : i32 to index
        %parallel_loop3A_391 = arith.constant 32 : index
        %parallel_loop3A_392 = tpu.vector_load %arg7[%parallel_loop3A_390, %parallel_loop3A_391] {strides = array<i32>} : memref<112x128xf32, #tpu.memory_space<vmem>>, vector<16xf32>,
        %parallel_loop3A_393 = arith.mulf %parallel_loop3A_170, %parallel_loop3A_392 : vector<16xf32>
        %parallel_loop3A_394 = arith.constant 1 : i32
        %parallel_loop3A_395 = arith.addi %parallel_loop3A_161, %parallel_loop3A_394 : i32
        %parallel_loop3A_396 = arith.constant 2 : i32
        %parallel_loop3A_397 = arith.addi %parallel_loop3A_395, %parallel_loop3A_396 : i32
        %parallel_loop3A_398 = arith.index_cast %parallel_loop3A_397 : i32 to index
        %parallel_loop3A_399 = arith.constant 48 : index
        %parallel_loop3A_400 = tpu.vector_load %arg7[%parallel_loop3A_398, %parallel_loop3A_399] {strides = array<i32>} : memref<112x128xf32, #tpu.memory_space<vmem>>, vector<16xf32>,
        %parallel_loop3A_401 = arith.mulf %parallel_loop3A_173, %parallel_loop3A_400 : vector<16xf32>
        %parallel_loop3A_402 = arith.constant 1 : i32
        %parallel_loop3A_403 = arith.addi %parallel_loop3A_161, %parallel_loop3A_402 : i32
        %parallel_loop3A_404 = arith.constant 2 : i32
        %parallel_loop3A_405 = arith.addi %parallel_loop3A_403, %parallel_loop3A_404 : i32
        %parallel_loop3A_406 = arith.index_cast %parallel_loop3A_405 : i32 to index
        %parallel_loop3A_407 = arith.constant 64 : index
        %parallel_loop3A_408 = tpu.vector_load %arg7[%parallel_loop3A_406, %parallel_loop3A_407] {strides = array<i32>} : memref<112x128xf32, #tpu.memory_space<vmem>>, vector<16xf32>,
        %parallel_loop3A_409 = arith.mulf %parallel_loop3A_176, %parallel_loop3A_408 : vector<16xf32>
        %parallel_loop3A_410 = arith.constant 1 : i32
        %parallel_loop3A_411 = arith.addi %parallel_loop3A_161, %parallel_loop3A_410 : i32
        %parallel_loop3A_412 = arith.constant 2 : i32
        %parallel_loop3A_413 = arith.addi %parallel_loop3A_411, %parallel_loop3A_412 : i32
        %parallel_loop3A_414 = arith.index_cast %parallel_loop3A_413 : i32 to index
        %parallel_loop3A_415 = arith.constant 80 : index
        %parallel_loop3A_416 = tpu.vector_load %arg7[%parallel_loop3A_414, %parallel_loop3A_415] {strides = array<i32>} : memref<112x128xf32, #tpu.memory_space<vmem>>, vector<16xf32>,
        %parallel_loop3A_417 = arith.mulf %parallel_loop3A_179, %parallel_loop3A_416 : vector<16xf32>
        %parallel_loop3A_418 = arith.constant 1 : i32
        %parallel_loop3A_419 = arith.addi %parallel_loop3A_161, %parallel_loop3A_418 : i32
        %parallel_loop3A_420 = arith.constant 2 : i32
        %parallel_loop3A_421 = arith.addi %parallel_loop3A_419, %parallel_loop3A_420 : i32
        %parallel_loop3A_422 = arith.index_cast %parallel_loop3A_421 : i32 to index
        %parallel_loop3A_423 = arith.constant 96 : index
        %parallel_loop3A_424 = tpu.vector_load %arg7[%parallel_loop3A_422, %parallel_loop3A_423] {strides = array<i32>} : memref<112x128xf32, #tpu.memory_space<vmem>>, vector<16xf32>,
        %parallel_loop3A_425 = arith.mulf %parallel_loop3A_182, %parallel_loop3A_424 : vector<16xf32>
        %parallel_loop3A_426 = arith.constant 1 : i32
        %parallel_loop3A_427 = arith.addi %parallel_loop3A_161, %parallel_loop3A_426 : i32
        %parallel_loop3A_428 = arith.constant 2 : i32
        %parallel_loop3A_429 = arith.addi %parallel_loop3A_427, %parallel_loop3A_428 : i32
        %parallel_loop3A_430 = arith.index_cast %parallel_loop3A_429 : i32 to index
        %parallel_loop3A_431 = arith.constant 112 : index
        %parallel_loop3A_432 = tpu.vector_load %arg7[%parallel_loop3A_430, %parallel_loop3A_431] {strides = array<i32>} : memref<112x128xf32, #tpu.memory_space<vmem>>, vector<16xf32>,
        %parallel_loop3A_433 = arith.mulf %parallel_loop3A_185, %parallel_loop3A_432 : vector<16xf32>
        %parallel_loop3A_434 = arith.addf %parallel_loop3A_377, %parallel_loop3A_385 : vector<16xf32>
        %parallel_loop3A_435 = arith.addf %parallel_loop3A_393, %parallel_loop3A_401 : vector<16xf32>
        %parallel_loop3A_436 = arith.addf %parallel_loop3A_409, %parallel_loop3A_417 : vector<16xf32>
        %parallel_loop3A_437 = arith.addf %parallel_loop3A_425, %parallel_loop3A_433 : vector<16xf32>
        %parallel_loop3A_438 = arith.addf %parallel_loop3A_434, %parallel_loop3A_435 : vector<16xf32>
        %parallel_loop3A_439 = arith.addf %parallel_loop3A_436, %parallel_loop3A_437 : vector<16xf32>
        %parallel_loop3A_440 = arith.addf %parallel_loop3A_438, %parallel_loop3A_439 : vector<16xf32>
        %parallel_loop3A_441 = vector.shape_cast %xor3A_80 : vector<16xi32> to vector<16x1xi32>
        %parallel_loop3A_442 = vector.shape_cast %parallel_loop3A_441 : vector<16x1xi32> to vector<16xi32>
        %parallel_loop3A_443 = tpu.dynamic_gather %parallel_loop3A_440[%parallel_loop3A_442] in [0] : vector<16xf32>, vector<16xi32> -> vector<16xf32>
        %parallel_loop3A_444 = arith.addf %parallel_loop3A_440, %parallel_loop3A_443 : vector<16xf32>
        %parallel_loop3A_445 = vector.shape_cast %xor3A_83 : vector<16xi32> to vector<16x1xi32>
        %parallel_loop3A_446 = vector.shape_cast %parallel_loop3A_445 : vector<16x1xi32> to vector<16xi32>
        %parallel_loop3A_447 = tpu.dynamic_gather %parallel_loop3A_444[%parallel_loop3A_446] in [0] : vector<16xf32>, vector<16xi32> -> vector<16xf32>
        %parallel_loop3A_448 = arith.addf %parallel_loop3A_444, %parallel_loop3A_447 : vector<16xf32>
        %parallel_loop3A_449 = vector.shape_cast %xor3A_86 : vector<16xi32> to vector<16x1xi32>
        %parallel_loop3A_450 = vector.shape_cast %parallel_loop3A_449 : vector<16x1xi32> to vector<16xi32>
        %parallel_loop3A_451 = tpu.dynamic_gather %parallel_loop3A_448[%parallel_loop3A_450] in [0] : vector<16xf32>, vector<16xi32> -> vector<16xf32>
        %parallel_loop3A_452 = arith.addf %parallel_loop3A_448, %parallel_loop3A_451 : vector<16xf32>
        %parallel_loop3A_453 = vector.shape_cast %xor3A_89 : vector<16xi32> to vector<16x1xi32>
        %parallel_loop3A_454 = vector.shape_cast %parallel_loop3A_453 : vector<16x1xi32> to vector<16xi32>
        %parallel_loop3A_455 = tpu.dynamic_gather %parallel_loop3A_452[%parallel_loop3A_454] in [0] : vector<16xf32>, vector<16xi32> -> vector<16xf32>
        %parallel_loop3A_456 = arith.addf %parallel_loop3A_452, %parallel_loop3A_455 : vector<16xf32>
        %parallel_loop3A_457 = arith.constant 2 : i32
        %parallel_loop3A_458 = vector.broadcast %parallel_loop3A_457 : i32 to vector<16xi32>
        %parallel_loop3A_459 = arith.cmpi eq, %iota3A_77, %parallel_loop3A_458 : vector<16xi32>
        %parallel_loop3A_460 = arith.select %parallel_loop3A_459, %parallel_loop3A_456, %parallel_loop3A_369 : vector<16xi1>, vector<16xf32>
        %parallel_loop3A_461 = arith.constant 1 : i32
        %parallel_loop3A_462 = arith.addi %parallel_loop3A_161, %parallel_loop3A_461 : i32
        %parallel_loop3A_463 = arith.constant 3 : i32
        %parallel_loop3A_464 = arith.addi %parallel_loop3A_462, %parallel_loop3A_463 : i32
        %parallel_loop3A_465 = arith.index_cast %parallel_loop3A_464 : i32 to index
        %parallel_loop3A_466 = arith.constant 0 : index
        %parallel_loop3A_467 = tpu.vector_load %arg7[%parallel_loop3A_465, %parallel_loop3A_466] {strides = array<i32>} : memref<112x128xf32, #tpu.memory_space<vmem>>, vector<16xf32>,
        %parallel_loop3A_468 = arith.mulf %parallel_loop3A_164, %parallel_loop3A_467 : vector<16xf32>
        %parallel_loop3A_469 = arith.constant 1 : i32
        %parallel_loop3A_470 = arith.addi %parallel_loop3A_161, %parallel_loop3A_469 : i32
        %parallel_loop3A_471 = arith.constant 3 : i32
        %parallel_loop3A_472 = arith.addi %parallel_loop3A_470, %parallel_loop3A_471 : i32
        %parallel_loop3A_473 = arith.index_cast %parallel_loop3A_472 : i32 to index
        %parallel_loop3A_474 = arith.constant 16 : index
        %parallel_loop3A_475 = tpu.vector_load %arg7[%parallel_loop3A_473, %parallel_loop3A_474] {strides = array<i32>} : memref<112x128xf32, #tpu.memory_space<vmem>>, vector<16xf32>,
        %parallel_loop3A_476 = arith.mulf %parallel_loop3A_167, %parallel_loop3A_475 : vector<16xf32>
        %parallel_loop3A_477 = arith.constant 1 : i32
        %parallel_loop3A_478 = arith.addi %parallel_loop3A_161, %parallel_loop3A_477 : i32
        %parallel_loop3A_479 = arith.constant 3 : i32
        %parallel_loop3A_480 = arith.addi %parallel_loop3A_478, %parallel_loop3A_479 : i32
        %parallel_loop3A_481 = arith.index_cast %parallel_loop3A_480 : i32 to index
        %parallel_loop3A_482 = arith.constant 32 : index
        %parallel_loop3A_483 = tpu.vector_load %arg7[%parallel_loop3A_481, %parallel_loop3A_482] {strides = array<i32>} : memref<112x128xf32, #tpu.memory_space<vmem>>, vector<16xf32>,
        %parallel_loop3A_484 = arith.mulf %parallel_loop3A_170, %parallel_loop3A_483 : vector<16xf32>
        %parallel_loop3A_485 = arith.constant 1 : i32
        %parallel_loop3A_486 = arith.addi %parallel_loop3A_161, %parallel_loop3A_485 : i32
        %parallel_loop3A_487 = arith.constant 3 : i32
        %parallel_loop3A_488 = arith.addi %parallel_loop3A_486, %parallel_loop3A_487 : i32
        %parallel_loop3A_489 = arith.index_cast %parallel_loop3A_488 : i32 to index
        %parallel_loop3A_490 = arith.constant 48 : index
        %parallel_loop3A_491 = tpu.vector_load %arg7[%parallel_loop3A_489, %parallel_loop3A_490] {strides = array<i32>} : memref<112x128xf32, #tpu.memory_space<vmem>>, vector<16xf32>,
        %parallel_loop3A_492 = arith.mulf %parallel_loop3A_173, %parallel_loop3A_491 : vector<16xf32>
        %parallel_loop3A_493 = arith.constant 1 : i32
        %parallel_loop3A_494 = arith.addi %parallel_loop3A_161, %parallel_loop3A_493 : i32
        %parallel_loop3A_495 = arith.constant 3 : i32
        %parallel_loop3A_496 = arith.addi %parallel_loop3A_494, %parallel_loop3A_495 : i32
        %parallel_loop3A_497 = arith.index_cast %parallel_loop3A_496 : i32 to index
        %parallel_loop3A_498 = arith.constant 64 : index
        %parallel_loop3A_499 = tpu.vector_load %arg7[%parallel_loop3A_497, %parallel_loop3A_498] {strides = array<i32>} : memref<112x128xf32, #tpu.memory_space<vmem>>, vector<16xf32>,
        %parallel_loop3A_500 = arith.mulf %parallel_loop3A_176, %parallel_loop3A_499 : vector<16xf32>
        %parallel_loop3A_501 = arith.constant 1 : i32
        %parallel_loop3A_502 = arith.addi %parallel_loop3A_161, %parallel_loop3A_501 : i32
        %parallel_loop3A_503 = arith.constant 3 : i32
        %parallel_loop3A_504 = arith.addi %parallel_loop3A_502, %parallel_loop3A_503 : i32
        %parallel_loop3A_505 = arith.index_cast %parallel_loop3A_504 : i32 to index
        %parallel_loop3A_506 = arith.constant 80 : index
        %parallel_loop3A_507 = tpu.vector_load %arg7[%parallel_loop3A_505, %parallel_loop3A_506] {strides = array<i32>} : memref<112x128xf32, #tpu.memory_space<vmem>>, vector<16xf32>,
        %parallel_loop3A_508 = arith.mulf %parallel_loop3A_179, %parallel_loop3A_507 : vector<16xf32>
        %parallel_loop3A_509 = arith.constant 1 : i32
        %parallel_loop3A_510 = arith.addi %parallel_loop3A_161, %parallel_loop3A_509 : i32
        %parallel_loop3A_511 = arith.constant 3 : i32
        %parallel_loop3A_512 = arith.addi %parallel_loop3A_510, %parallel_loop3A_511 : i32
        %parallel_loop3A_513 = arith.index_cast %parallel_loop3A_512 : i32 to index
        %parallel_loop3A_514 = arith.constant 96 : index
        %parallel_loop3A_515 = tpu.vector_load %arg7[%parallel_loop3A_513, %parallel_loop3A_514] {strides = array<i32>} : memref<112x128xf32, #tpu.memory_space<vmem>>, vector<16xf32>,
        %parallel_loop3A_516 = arith.mulf %parallel_loop3A_182, %parallel_loop3A_515 : vector<16xf32>
        %parallel_loop3A_517 = arith.constant 1 : i32
        %parallel_loop3A_518 = arith.addi %parallel_loop3A_161, %parallel_loop3A_517 : i32
        %parallel_loop3A_519 = arith.constant 3 : i32
        %parallel_loop3A_520 = arith.addi %parallel_loop3A_518, %parallel_loop3A_519 : i32
        %parallel_loop3A_521 = arith.index_cast %parallel_loop3A_520 : i32 to index
        %parallel_loop3A_522 = arith.constant 112 : index
        %parallel_loop3A_523 = tpu.vector_load %arg7[%parallel_loop3A_521, %parallel_loop3A_522] {strides = array<i32>} : memref<112x128xf32, #tpu.memory_space<vmem>>, vector<16xf32>,
        %parallel_loop3A_524 = arith.mulf %parallel_loop3A_185, %parallel_loop3A_523 : vector<16xf32>
        %parallel_loop3A_525 = arith.addf %parallel_loop3A_468, %parallel_loop3A_476 : vector<16xf32>
        %parallel_loop3A_526 = arith.addf %parallel_loop3A_484, %parallel_loop3A_492 : vector<16xf32>
        %parallel_loop3A_527 = arith.addf %parallel_loop3A_500, %parallel_loop3A_508 : vector<16xf32>
        %parallel_loop3A_528 = arith.addf %parallel_loop3A_516, %parallel_loop3A_524 : vector<16xf32>
        %parallel_loop3A_529 = arith.addf %parallel_loop3A_525, %parallel_loop3A_526 : vector<16xf32>
        %parallel_loop3A_530 = arith.addf %parallel_loop3A_527, %parallel_loop3A_528 : vector<16xf32>
        %parallel_loop3A_531 = arith.addf %parallel_loop3A_529, %parallel_loop3A_530 : vector<16xf32>
        %parallel_loop3A_532 = vector.shape_cast %xor3A_80 : vector<16xi32> to vector<16x1xi32>
        %parallel_loop3A_533 = vector.shape_cast %parallel_loop3A_532 : vector<16x1xi32> to vector<16xi32>
        %parallel_loop3A_534 = tpu.dynamic_gather %parallel_loop3A_531[%parallel_loop3A_533] in [0] : vector<16xf32>, vector<16xi32> -> vector<16xf32>
        %parallel_loop3A_535 = arith.addf %parallel_loop3A_531, %parallel_loop3A_534 : vector<16xf32>
        %parallel_loop3A_536 = vector.shape_cast %xor3A_83 : vector<16xi32> to vector<16x1xi32>
        %parallel_loop3A_537 = vector.shape_cast %parallel_loop3A_536 : vector<16x1xi32> to vector<16xi32>
        %parallel_loop3A_538 = tpu.dynamic_gather %parallel_loop3A_535[%parallel_loop3A_537] in [0] : vector<16xf32>, vector<16xi32> -> vector<16xf32>
        %parallel_loop3A_539 = arith.addf %parallel_loop3A_535, %parallel_loop3A_538 : vector<16xf32>
        %parallel_loop3A_540 = vector.shape_cast %xor3A_86 : vector<16xi32> to vector<16x1xi32>
        %parallel_loop3A_541 = vector.shape_cast %parallel_loop3A_540 : vector<16x1xi32> to vector<16xi32>
        %parallel_loop3A_542 = tpu.dynamic_gather %parallel_loop3A_539[%parallel_loop3A_541] in [0] : vector<16xf32>, vector<16xi32> -> vector<16xf32>
        %parallel_loop3A_543 = arith.addf %parallel_loop3A_539, %parallel_loop3A_542 : vector<16xf32>
        %parallel_loop3A_544 = vector.shape_cast %xor3A_89 : vector<16xi32> to vector<16x1xi32>
        %parallel_loop3A_545 = vector.shape_cast %parallel_loop3A_544 : vector<16x1xi32> to vector<16xi32>
        %parallel_loop3A_546 = tpu.dynamic_gather %parallel_loop3A_543[%parallel_loop3A_545] in [0] : vector<16xf32>, vector<16xi32> -> vector<16xf32>
        %parallel_loop3A_547 = arith.addf %parallel_loop3A_543, %parallel_loop3A_546 : vector<16xf32>
        %parallel_loop3A_548 = arith.constant 3 : i32
        %parallel_loop3A_549 = vector.broadcast %parallel_loop3A_548 : i32 to vector<16xi32>
        %parallel_loop3A_550 = arith.cmpi eq, %iota3A_77, %parallel_loop3A_549 : vector<16xi32>
        %parallel_loop3A_551 = arith.select %parallel_loop3A_550, %parallel_loop3A_547, %parallel_loop3A_460 : vector<16xi1>, vector<16xf32>
        %parallel_loop3A_552 = arith.constant 1 : i32
        %parallel_loop3A_553 = arith.addi %parallel_loop3A_161, %parallel_loop3A_552 : i32
        %parallel_loop3A_554 = arith.constant 4 : i32
        %parallel_loop3A_555 = arith.addi %parallel_loop3A_553, %parallel_loop3A_554 : i32
        %parallel_loop3A_556 = arith.index_cast %parallel_loop3A_555 : i32 to index
        %parallel_loop3A_557 = arith.constant 0 : index
        %parallel_loop3A_558 = tpu.vector_load %arg7[%parallel_loop3A_556, %parallel_loop3A_557] {strides = array<i32>} : memref<112x128xf32, #tpu.memory_space<vmem>>, vector<16xf32>,
        %parallel_loop3A_559 = arith.mulf %parallel_loop3A_164, %parallel_loop3A_558 : vector<16xf32>
        %parallel_loop3A_560 = arith.constant 1 : i32
        %parallel_loop3A_561 = arith.addi %parallel_loop3A_161, %parallel_loop3A_560 : i32
        %parallel_loop3A_562 = arith.constant 4 : i32
        %parallel_loop3A_563 = arith.addi %parallel_loop3A_561, %parallel_loop3A_562 : i32
        %parallel_loop3A_564 = arith.index_cast %parallel_loop3A_563 : i32 to index
        %parallel_loop3A_565 = arith.constant 16 : index
        %parallel_loop3A_566 = tpu.vector_load %arg7[%parallel_loop3A_564, %parallel_loop3A_565] {strides = array<i32>} : memref<112x128xf32, #tpu.memory_space<vmem>>, vector<16xf32>,
        %parallel_loop3A_567 = arith.mulf %parallel_loop3A_167, %parallel_loop3A_566 : vector<16xf32>
        %parallel_loop3A_568 = arith.constant 1 : i32
        %parallel_loop3A_569 = arith.addi %parallel_loop3A_161, %parallel_loop3A_568 : i32
        %parallel_loop3A_570 = arith.constant 4 : i32
        %parallel_loop3A_571 = arith.addi %parallel_loop3A_569, %parallel_loop3A_570 : i32
        %parallel_loop3A_572 = arith.index_cast %parallel_loop3A_571 : i32 to index
        %parallel_loop3A_573 = arith.constant 32 : index
        %parallel_loop3A_574 = tpu.vector_load %arg7[%parallel_loop3A_572, %parallel_loop3A_573] {strides = array<i32>} : memref<112x128xf32, #tpu.memory_space<vmem>>, vector<16xf32>,
        %parallel_loop3A_575 = arith.mulf %parallel_loop3A_170, %parallel_loop3A_574 : vector<16xf32>
        %parallel_loop3A_576 = arith.constant 1 : i32
        %parallel_loop3A_577 = arith.addi %parallel_loop3A_161, %parallel_loop3A_576 : i32
        %parallel_loop3A_578 = arith.constant 4 : i32
        %parallel_loop3A_579 = arith.addi %parallel_loop3A_577, %parallel_loop3A_578 : i32
        %parallel_loop3A_580 = arith.index_cast %parallel_loop3A_579 : i32 to index
        %parallel_loop3A_581 = arith.constant 48 : index
        %parallel_loop3A_582 = tpu.vector_load %arg7[%parallel_loop3A_580, %parallel_loop3A_581] {strides = array<i32>} : memref<112x128xf32, #tpu.memory_space<vmem>>, vector<16xf32>,
        %parallel_loop3A_583 = arith.mulf %parallel_loop3A_173, %parallel_loop3A_582 : vector<16xf32>
        %parallel_loop3A_584 = arith.constant 1 : i32
        %parallel_loop3A_585 = arith.addi %parallel_loop3A_161, %parallel_loop3A_584 : i32
        %parallel_loop3A_586 = arith.constant 4 : i32
        %parallel_loop3A_587 = arith.addi %parallel_loop3A_585, %parallel_loop3A_586 : i32
        %parallel_loop3A_588 = arith.index_cast %parallel_loop3A_587 : i32 to index
        %parallel_loop3A_589 = arith.constant 64 : index
        %parallel_loop3A_590 = tpu.vector_load %arg7[%parallel_loop3A_588, %parallel_loop3A_589] {strides = array<i32>} : memref<112x128xf32, #tpu.memory_space<vmem>>, vector<16xf32>,
        %parallel_loop3A_591 = arith.mulf %parallel_loop3A_176, %parallel_loop3A_590 : vector<16xf32>
        %parallel_loop3A_592 = arith.constant 1 : i32
        %parallel_loop3A_593 = arith.addi %parallel_loop3A_161, %parallel_loop3A_592 : i32
        %parallel_loop3A_594 = arith.constant 4 : i32
        %parallel_loop3A_595 = arith.addi %parallel_loop3A_593, %parallel_loop3A_594 : i32
        %parallel_loop3A_596 = arith.index_cast %parallel_loop3A_595 : i32 to index
        %parallel_loop3A_597 = arith.constant 80 : index
        %parallel_loop3A_598 = tpu.vector_load %arg7[%parallel_loop3A_596, %parallel_loop3A_597] {strides = array<i32>} : memref<112x128xf32, #tpu.memory_space<vmem>>, vector<16xf32>,
        %parallel_loop3A_599 = arith.mulf %parallel_loop3A_179, %parallel_loop3A_598 : vector<16xf32>
        %parallel_loop3A_600 = arith.constant 1 : i32
        %parallel_loop3A_601 = arith.addi %parallel_loop3A_161, %parallel_loop3A_600 : i32
        %parallel_loop3A_602 = arith.constant 4 : i32
        %parallel_loop3A_603 = arith.addi %parallel_loop3A_601, %parallel_loop3A_602 : i32
        %parallel_loop3A_604 = arith.index_cast %parallel_loop3A_603 : i32 to index
        %parallel_loop3A_605 = arith.constant 96 : index
        %parallel_loop3A_606 = tpu.vector_load %arg7[%parallel_loop3A_604, %parallel_loop3A_605] {strides = array<i32>} : memref<112x128xf32, #tpu.memory_space<vmem>>, vector<16xf32>,
        %parallel_loop3A_607 = arith.mulf %parallel_loop3A_182, %parallel_loop3A_606 : vector<16xf32>
        %parallel_loop3A_608 = arith.constant 1 : i32
        %parallel_loop3A_609 = arith.addi %parallel_loop3A_161, %parallel_loop3A_608 : i32
        %parallel_loop3A_610 = arith.constant 4 : i32
        %parallel_loop3A_611 = arith.addi %parallel_loop3A_609, %parallel_loop3A_610 : i32
        %parallel_loop3A_612 = arith.index_cast %parallel_loop3A_611 : i32 to index
        %parallel_loop3A_613 = arith.constant 112 : index
        %parallel_loop3A_614 = tpu.vector_load %arg7[%parallel_loop3A_612, %parallel_loop3A_613] {strides = array<i32>} : memref<112x128xf32, #tpu.memory_space<vmem>>, vector<16xf32>,
        %parallel_loop3A_615 = arith.mulf %parallel_loop3A_185, %parallel_loop3A_614 : vector<16xf32>
        %parallel_loop3A_616 = arith.addf %parallel_loop3A_559, %parallel_loop3A_567 : vector<16xf32>
        %parallel_loop3A_617 = arith.addf %parallel_loop3A_575, %parallel_loop3A_583 : vector<16xf32>
        %parallel_loop3A_618 = arith.addf %parallel_loop3A_591, %parallel_loop3A_599 : vector<16xf32>
        %parallel_loop3A_619 = arith.addf %parallel_loop3A_607, %parallel_loop3A_615 : vector<16xf32>
        %parallel_loop3A_620 = arith.addf %parallel_loop3A_616, %parallel_loop3A_617 : vector<16xf32>
        %parallel_loop3A_621 = arith.addf %parallel_loop3A_618, %parallel_loop3A_619 : vector<16xf32>
        %parallel_loop3A_622 = arith.addf %parallel_loop3A_620, %parallel_loop3A_621 : vector<16xf32>
        %parallel_loop3A_623 = vector.shape_cast %xor3A_80 : vector<16xi32> to vector<16x1xi32>
        %parallel_loop3A_624 = vector.shape_cast %parallel_loop3A_623 : vector<16x1xi32> to vector<16xi32>
        %parallel_loop3A_625 = tpu.dynamic_gather %parallel_loop3A_622[%parallel_loop3A_624] in [0] : vector<16xf32>, vector<16xi32> -> vector<16xf32>
        %parallel_loop3A_626 = arith.addf %parallel_loop3A_622, %parallel_loop3A_625 : vector<16xf32>
        %parallel_loop3A_627 = vector.shape_cast %xor3A_83 : vector<16xi32> to vector<16x1xi32>
        %parallel_loop3A_628 = vector.shape_cast %parallel_loop3A_627 : vector<16x1xi32> to vector<16xi32>
        %parallel_loop3A_629 = tpu.dynamic_gather %parallel_loop3A_626[%parallel_loop3A_628] in [0] : vector<16xf32>, vector<16xi32> -> vector<16xf32>
        %parallel_loop3A_630 = arith.addf %parallel_loop3A_626, %parallel_loop3A_629 : vector<16xf32>
        %parallel_loop3A_631 = vector.shape_cast %xor3A_86 : vector<16xi32> to vector<16x1xi32>
        %parallel_loop3A_632 = vector.shape_cast %parallel_loop3A_631 : vector<16x1xi32> to vector<16xi32>
        %parallel_loop3A_633 = tpu.dynamic_gather %parallel_loop3A_630[%parallel_loop3A_632] in [0] : vector<16xf32>, vector<16xi32> -> vector<16xf32>
        %parallel_loop3A_634 = arith.addf %parallel_loop3A_630, %parallel_loop3A_633 : vector<16xf32>
        %parallel_loop3A_635 = vector.shape_cast %xor3A_89 : vector<16xi32> to vector<16x1xi32>
        %parallel_loop3A_636 = vector.shape_cast %parallel_loop3A_635 : vector<16x1xi32> to vector<16xi32>
        %parallel_loop3A_637 = tpu.dynamic_gather %parallel_loop3A_634[%parallel_loop3A_636] in [0] : vector<16xf32>, vector<16xi32> -> vector<16xf32>
        %parallel_loop3A_638 = arith.addf %parallel_loop3A_634, %parallel_loop3A_637 : vector<16xf32>
        %parallel_loop3A_639 = arith.constant 4 : i32
        %parallel_loop3A_640 = vector.broadcast %parallel_loop3A_639 : i32 to vector<16xi32>
        %parallel_loop3A_641 = arith.cmpi eq, %iota3A_77, %parallel_loop3A_640 : vector<16xi32>
        %parallel_loop3A_642 = arith.select %parallel_loop3A_641, %parallel_loop3A_638, %parallel_loop3A_551 : vector<16xi1>, vector<16xf32>
        %parallel_loop3A_643 = arith.constant 1 : i32
        %parallel_loop3A_644 = arith.addi %parallel_loop3A_161, %parallel_loop3A_643 : i32
        %parallel_loop3A_645 = arith.constant 5 : i32
        %parallel_loop3A_646 = arith.addi %parallel_loop3A_644, %parallel_loop3A_645 : i32
        %parallel_loop3A_647 = arith.index_cast %parallel_loop3A_646 : i32 to index
        %parallel_loop3A_648 = arith.constant 0 : index
        %parallel_loop3A_649 = tpu.vector_load %arg7[%parallel_loop3A_647, %parallel_loop3A_648] {strides = array<i32>} : memref<112x128xf32, #tpu.memory_space<vmem>>, vector<16xf32>,
        %parallel_loop3A_650 = arith.mulf %parallel_loop3A_164, %parallel_loop3A_649 : vector<16xf32>
        %parallel_loop3A_651 = arith.constant 1 : i32
        %parallel_loop3A_652 = arith.addi %parallel_loop3A_161, %parallel_loop3A_651 : i32
        %parallel_loop3A_653 = arith.constant 5 : i32
        %parallel_loop3A_654 = arith.addi %parallel_loop3A_652, %parallel_loop3A_653 : i32
        %parallel_loop3A_655 = arith.index_cast %parallel_loop3A_654 : i32 to index
        %parallel_loop3A_656 = arith.constant 16 : index
        %parallel_loop3A_657 = tpu.vector_load %arg7[%parallel_loop3A_655, %parallel_loop3A_656] {strides = array<i32>} : memref<112x128xf32, #tpu.memory_space<vmem>>, vector<16xf32>,
        %parallel_loop3A_658 = arith.mulf %parallel_loop3A_167, %parallel_loop3A_657 : vector<16xf32>
        %parallel_loop3A_659 = arith.constant 1 : i32
        %parallel_loop3A_660 = arith.addi %parallel_loop3A_161, %parallel_loop3A_659 : i32
        %parallel_loop3A_661 = arith.constant 5 : i32
        %parallel_loop3A_662 = arith.addi %parallel_loop3A_660, %parallel_loop3A_661 : i32
        %parallel_loop3A_663 = arith.index_cast %parallel_loop3A_662 : i32 to index
        %parallel_loop3A_664 = arith.constant 32 : index
        %parallel_loop3A_665 = tpu.vector_load %arg7[%parallel_loop3A_663, %parallel_loop3A_664] {strides = array<i32>} : memref<112x128xf32, #tpu.memory_space<vmem>>, vector<16xf32>,
        %parallel_loop3A_666 = arith.mulf %parallel_loop3A_170, %parallel_loop3A_665 : vector<16xf32>
        %parallel_loop3A_667 = arith.constant 1 : i32
        %parallel_loop3A_668 = arith.addi %parallel_loop3A_161, %parallel_loop3A_667 : i32
        %parallel_loop3A_669 = arith.constant 5 : i32
        %parallel_loop3A_670 = arith.addi %parallel_loop3A_668, %parallel_loop3A_669 : i32
        %parallel_loop3A_671 = arith.index_cast %parallel_loop3A_670 : i32 to index
        %parallel_loop3A_672 = arith.constant 48 : index
        %parallel_loop3A_673 = tpu.vector_load %arg7[%parallel_loop3A_671, %parallel_loop3A_672] {strides = array<i32>} : memref<112x128xf32, #tpu.memory_space<vmem>>, vector<16xf32>,
        %parallel_loop3A_674 = arith.mulf %parallel_loop3A_173, %parallel_loop3A_673 : vector<16xf32>
        %parallel_loop3A_675 = arith.constant 1 : i32
        %parallel_loop3A_676 = arith.addi %parallel_loop3A_161, %parallel_loop3A_675 : i32
        %parallel_loop3A_677 = arith.constant 5 : i32
        %parallel_loop3A_678 = arith.addi %parallel_loop3A_676, %parallel_loop3A_677 : i32
        %parallel_loop3A_679 = arith.index_cast %parallel_loop3A_678 : i32 to index
        %parallel_loop3A_680 = arith.constant 64 : index
        %parallel_loop3A_681 = tpu.vector_load %arg7[%parallel_loop3A_679, %parallel_loop3A_680] {strides = array<i32>} : memref<112x128xf32, #tpu.memory_space<vmem>>, vector<16xf32>,
        %parallel_loop3A_682 = arith.mulf %parallel_loop3A_176, %parallel_loop3A_681 : vector<16xf32>
        %parallel_loop3A_683 = arith.constant 1 : i32
        %parallel_loop3A_684 = arith.addi %parallel_loop3A_161, %parallel_loop3A_683 : i32
        %parallel_loop3A_685 = arith.constant 5 : i32
        %parallel_loop3A_686 = arith.addi %parallel_loop3A_684, %parallel_loop3A_685 : i32
        %parallel_loop3A_687 = arith.index_cast %parallel_loop3A_686 : i32 to index
        %parallel_loop3A_688 = arith.constant 80 : index
        %parallel_loop3A_689 = tpu.vector_load %arg7[%parallel_loop3A_687, %parallel_loop3A_688] {strides = array<i32>} : memref<112x128xf32, #tpu.memory_space<vmem>>, vector<16xf32>,
        %parallel_loop3A_690 = arith.mulf %parallel_loop3A_179, %parallel_loop3A_689 : vector<16xf32>
        %parallel_loop3A_691 = arith.constant 1 : i32
        %parallel_loop3A_692 = arith.addi %parallel_loop3A_161, %parallel_loop3A_691 : i32
        %parallel_loop3A_693 = arith.constant 5 : i32
        %parallel_loop3A_694 = arith.addi %parallel_loop3A_692, %parallel_loop3A_693 : i32
        %parallel_loop3A_695 = arith.index_cast %parallel_loop3A_694 : i32 to index
        %parallel_loop3A_696 = arith.constant 96 : index
        %parallel_loop3A_697 = tpu.vector_load %arg7[%parallel_loop3A_695, %parallel_loop3A_696] {strides = array<i32>} : memref<112x128xf32, #tpu.memory_space<vmem>>, vector<16xf32>,
        %parallel_loop3A_698 = arith.mulf %parallel_loop3A_182, %parallel_loop3A_697 : vector<16xf32>
        %parallel_loop3A_699 = arith.constant 1 : i32
        %parallel_loop3A_700 = arith.addi %parallel_loop3A_161, %parallel_loop3A_699 : i32
        %parallel_loop3A_701 = arith.constant 5 : i32
        %parallel_loop3A_702 = arith.addi %parallel_loop3A_700, %parallel_loop3A_701 : i32
        %parallel_loop3A_703 = arith.index_cast %parallel_loop3A_702 : i32 to index
        %parallel_loop3A_704 = arith.constant 112 : index
        %parallel_loop3A_705 = tpu.vector_load %arg7[%parallel_loop3A_703, %parallel_loop3A_704] {strides = array<i32>} : memref<112x128xf32, #tpu.memory_space<vmem>>, vector<16xf32>,
        %parallel_loop3A_706 = arith.mulf %parallel_loop3A_185, %parallel_loop3A_705 : vector<16xf32>
        %parallel_loop3A_707 = arith.addf %parallel_loop3A_650, %parallel_loop3A_658 : vector<16xf32>
        %parallel_loop3A_708 = arith.addf %parallel_loop3A_666, %parallel_loop3A_674 : vector<16xf32>
        %parallel_loop3A_709 = arith.addf %parallel_loop3A_682, %parallel_loop3A_690 : vector<16xf32>
        %parallel_loop3A_710 = arith.addf %parallel_loop3A_698, %parallel_loop3A_706 : vector<16xf32>
        %parallel_loop3A_711 = arith.addf %parallel_loop3A_707, %parallel_loop3A_708 : vector<16xf32>
        %parallel_loop3A_712 = arith.addf %parallel_loop3A_709, %parallel_loop3A_710 : vector<16xf32>
        %parallel_loop3A_713 = arith.addf %parallel_loop3A_711, %parallel_loop3A_712 : vector<16xf32>
        %parallel_loop3A_714 = vector.shape_cast %xor3A_80 : vector<16xi32> to vector<16x1xi32>
        %parallel_loop3A_715 = vector.shape_cast %parallel_loop3A_714 : vector<16x1xi32> to vector<16xi32>
        %parallel_loop3A_716 = tpu.dynamic_gather %parallel_loop3A_713[%parallel_loop3A_715] in [0] : vector<16xf32>, vector<16xi32> -> vector<16xf32>
        %parallel_loop3A_717 = arith.addf %parallel_loop3A_713, %parallel_loop3A_716 : vector<16xf32>
        %parallel_loop3A_718 = vector.shape_cast %xor3A_83 : vector<16xi32> to vector<16x1xi32>
        %parallel_loop3A_719 = vector.shape_cast %parallel_loop3A_718 : vector<16x1xi32> to vector<16xi32>
        %parallel_loop3A_720 = tpu.dynamic_gather %parallel_loop3A_717[%parallel_loop3A_719] in [0] : vector<16xf32>, vector<16xi32> -> vector<16xf32>
        %parallel_loop3A_721 = arith.addf %parallel_loop3A_717, %parallel_loop3A_720 : vector<16xf32>
        %parallel_loop3A_722 = vector.shape_cast %xor3A_86 : vector<16xi32> to vector<16x1xi32>
        %parallel_loop3A_723 = vector.shape_cast %parallel_loop3A_722 : vector<16x1xi32> to vector<16xi32>
        %parallel_loop3A_724 = tpu.dynamic_gather %parallel_loop3A_721[%parallel_loop3A_723] in [0] : vector<16xf32>, vector<16xi32> -> vector<16xf32>
        %parallel_loop3A_725 = arith.addf %parallel_loop3A_721, %parallel_loop3A_724 : vector<16xf32>
        %parallel_loop3A_726 = vector.shape_cast %xor3A_89 : vector<16xi32> to vector<16x1xi32>
        %parallel_loop3A_727 = vector.shape_cast %parallel_loop3A_726 : vector<16x1xi32> to vector<16xi32>
        %parallel_loop3A_728 = tpu.dynamic_gather %parallel_loop3A_725[%parallel_loop3A_727] in [0] : vector<16xf32>, vector<16xi32> -> vector<16xf32>
        %parallel_loop3A_729 = arith.addf %parallel_loop3A_725, %parallel_loop3A_728 : vector<16xf32>
        %parallel_loop3A_730 = arith.constant 5 : i32
        %parallel_loop3A_731 = vector.broadcast %parallel_loop3A_730 : i32 to vector<16xi32>
        %parallel_loop3A_732 = arith.cmpi eq, %iota3A_77, %parallel_loop3A_731 : vector<16xi32>
        %parallel_loop3A_733 = arith.select %parallel_loop3A_732, %parallel_loop3A_729, %parallel_loop3A_642 : vector<16xi1>, vector<16xf32>
        %parallel_loop3A_734 = arith.constant 16 : i32
        %parallel_loop3A_735 = arith.muli %add3A_61, %parallel_loop3A_734 : i32
        %parallel_loop3A_736 = arith.addi %parallel_loop3A_735, %parallel_loop3A_159 : i32
        %parallel_loop3A_737 = arith.constant 16 : i32
        %parallel_loop3A_738 = arith.muli %parallel_loop3A_736, %parallel_loop3A_737 : i32
        %parallel_loop3A_739 = arith.index_cast %parallel_loop3A_738 : i32 to index
        %parallel_loop3A_740 = tpu.vector_load %arg10[%parallel_loop3A_739] {strides = array<i32>} : memref<49152xf32, #tpu.memory_space<vmem>>, vector<16xf32>,
        tpu.vector_store %arg10[%parallel_loop3A_739], %parallel_loop3A_733 {strides = array<i32>} : memref<49152xf32, #tpu.memory_space<vmem>>, vector<16xf32>,
      } {sc.loop_unroll_factor = 2 : i64, sc.parallel_access}
      %add3A_93 = arith.constant 2 : i32
      %add3A_94 = arith.addi %mul3A_34, %add3A_93 : i32
      %add3A_95 = arith.constant 4 : i32
      %add3A_96 = arith.addi %add3A_94, %add3A_95 : i32
      %sub3A_97 = arith.constant 1 : i32
      %sub3A_98 = arith.subi %add3A_96, %sub3A_97 : i32
      %lt3A_99 = arith.constant 192 : i32
      %lt3A_100 = arith.cmpi slt, %sub3A_98, %lt3A_99 : i32
      %convert_element_type3A_101 = arith.extui %lt3A_100 : i1 to i32
      %cond3A_102 = arith.constant 0 : i32
      %cond3A_103 = arith.cmpi ne, %convert_element_type3A_101, %cond3A_102 : i32
      scf.if %cond3A_103 {
        %dma_start3A_159 = arith.constant 0 : i32
        %dma_start3A_160 = tpu.memref_slice %arg5[%sub3A_98, %dma_start3A_159] : memref<192x112xi32, #tpu.memory_space<vmem>> -> memref<1x112xi32, #tpu.memory_space<vmem>>
        %dma_start3A_161 = tpu.memref_squeeze %dma_start3A_160 : memref<1x112xi32, #tpu.memory_space<vmem>> -> memref<112xi32, #tpu.memory_space<vmem>>
        %dma_start3A_162 = arith.constant 0 : i32
        %dma_start3A_163 = arith.constant 0 : i32
        %dma_start3A_164 = tpu.memref_slice %arg3[%dma_start3A_162, %dma_start3A_163] : memref<100000x128xf32, #tpu.memory_space<hbm>> -> memref<100000x128xf32, #tpu.memory_space<hbm>>
        tpu.enqueue_indirect_dma source(%dma_start3A_164 : memref<100000x128xf32, #tpu.memory_space<hbm>>) target(%arg7 : memref<112x128xf32, #tpu.memory_space<vmem>>) offsets(%dma_start3A_161 : memref<112xi32, #tpu.memory_space<vmem>>) semaphore(%arg12 : memref<!tpu.dma_semaphore, #tpu.memory_space<semaphore_mem>>)
      } else {
      }
      %dma_wait3A_104 = arith.constant 0 : i32
      %dma_wait3A_105 = tpu.memref_slice %arg5[%add3A_94, %dma_wait3A_104] : memref<192x112xi32, #tpu.memory_space<vmem>> -> memref<1x112xi32, #tpu.memory_space<vmem>>
      %dma_wait3A_106 = tpu.memref_squeeze %dma_wait3A_105 : memref<1x112xi32, #tpu.memory_space<vmem>> -> memref<112xi32, #tpu.memory_space<vmem>>
      %dma_wait3A_107 = arith.constant 0 : i32
      %dma_wait3A_108 = arith.constant 0 : i32
      %dma_wait3A_109 = tpu.memref_slice %arg3[%dma_wait3A_107, %dma_wait3A_108] : memref<100000x128xf32, #tpu.memory_space<hbm>> -> memref<100000x128xf32, #tpu.memory_space<hbm>>
      tpu.wait_indirect_dma semaphore(%arg13 : memref<!tpu.dma_semaphore, #tpu.memory_space<semaphore_mem>>) src(%dma_wait3A_109 : memref<100000x128xf32, #tpu.memory_space<hbm>>) dst(%arg8 : memref<112x128xf32, #tpu.memory_space<vmem>>)
      %iota3A_110 = tpu.iota {dimensions = array<i32: 0>} : vector<16xi32>
      %xor3A_111 = arith.constant 8 : i32
      %xor3A_112 = vector.broadcast %xor3A_111 : i32 to vector<16xi32>
      %xor3A_113 = arith.xori %iota3A_110, %xor3A_112 : vector<16xi32>
      %xor3A_114 = arith.constant 4 : i32
      %xor3A_115 = vector.broadcast %xor3A_114 : i32 to vector<16xi32>
      %xor3A_116 = arith.xori %iota3A_110, %xor3A_115 : vector<16xi32>
      %xor3A_117 = arith.constant 2 : i32
      %xor3A_118 = vector.broadcast %xor3A_117 : i32 to vector<16xi32>
      %xor3A_119 = arith.xori %iota3A_110, %xor3A_118 : vector<16xi32>
      %xor3A_120 = arith.constant 1 : i32
      %xor3A_121 = vector.broadcast %xor3A_120 : i32 to vector<16xi32>
      %xor3A_122 = arith.xori %iota3A_110, %xor3A_121 : vector<16xi32>
      %parallel_loop3A_123 = arith.constant 0 : i32
      %parallel_loop3A_124 = arith.constant 16 : i32
      %parallel_loop3A_125 = arith.constant 1 : i32
      scf.for %parallel_loop3A_159 = %parallel_loop3A_123 to %parallel_loop3A_124 step %parallel_loop3A_125  : i32 {
        %parallel_loop3A_160 = arith.constant 7 : i32
        %parallel_loop3A_161 = arith.muli %parallel_loop3A_159, %parallel_loop3A_160 : i32
        %parallel_loop3A_162 = arith.index_cast %parallel_loop3A_161 : i32 to index
        %parallel_loop3A_163 = arith.constant 0 : index
        %parallel_loop3A_164 = tpu.vector_load %arg8[%parallel_loop3A_162, %parallel_loop3A_163] {strides = array<i32>} : memref<112x128xf32, #tpu.memory_space<vmem>>, vector<16xf32>,
        %parallel_loop3A_165 = arith.index_cast %parallel_loop3A_161 : i32 to index
        %parallel_loop3A_166 = arith.constant 16 : index
        %parallel_loop3A_167 = tpu.vector_load %arg8[%parallel_loop3A_165, %parallel_loop3A_166] {strides = array<i32>} : memref<112x128xf32, #tpu.memory_space<vmem>>, vector<16xf32>,
        %parallel_loop3A_168 = arith.index_cast %parallel_loop3A_161 : i32 to index
        %parallel_loop3A_169 = arith.constant 32 : index
        %parallel_loop3A_170 = tpu.vector_load %arg8[%parallel_loop3A_168, %parallel_loop3A_169] {strides = array<i32>} : memref<112x128xf32, #tpu.memory_space<vmem>>, vector<16xf32>,
        %parallel_loop3A_171 = arith.index_cast %parallel_loop3A_161 : i32 to index
        %parallel_loop3A_172 = arith.constant 48 : index
        %parallel_loop3A_173 = tpu.vector_load %arg8[%parallel_loop3A_171, %parallel_loop3A_172] {strides = array<i32>} : memref<112x128xf32, #tpu.memory_space<vmem>>, vector<16xf32>,
        %parallel_loop3A_174 = arith.index_cast %parallel_loop3A_161 : i32 to index
        %parallel_loop3A_175 = arith.constant 64 : index
        %parallel_loop3A_176 = tpu.vector_load %arg8[%parallel_loop3A_174, %parallel_loop3A_175] {strides = array<i32>} : memref<112x128xf32, #tpu.memory_space<vmem>>, vector<16xf32>,
        %parallel_loop3A_177 = arith.index_cast %parallel_loop3A_161 : i32 to index
        %parallel_loop3A_178 = arith.constant 80 : index
        %parallel_loop3A_179 = tpu.vector_load %arg8[%parallel_loop3A_177, %parallel_loop3A_178] {strides = array<i32>} : memref<112x128xf32, #tpu.memory_space<vmem>>, vector<16xf32>,
        %parallel_loop3A_180 = arith.index_cast %parallel_loop3A_161 : i32 to index
        %parallel_loop3A_181 = arith.constant 96 : index
        %parallel_loop3A_182 = tpu.vector_load %arg8[%parallel_loop3A_180, %parallel_loop3A_181] {strides = array<i32>} : memref<112x128xf32, #tpu.memory_space<vmem>>, vector<16xf32>,
        %parallel_loop3A_183 = arith.index_cast %parallel_loop3A_161 : i32 to index
        %parallel_loop3A_184 = arith.constant 112 : index
        %parallel_loop3A_185 = tpu.vector_load %arg8[%parallel_loop3A_183, %parallel_loop3A_184] {strides = array<i32>} : memref<112x128xf32, #tpu.memory_space<vmem>>, vector<16xf32>,
        %parallel_loop3A_186 = arith.constant 0.000000e+00 : f32
        %parallel_loop3A_187 = vector.broadcast %parallel_loop3A_186 : f32 to vector<16xf32>
        %parallel_loop3A_188 = arith.constant 1 : i32
        %parallel_loop3A_189 = arith.addi %parallel_loop3A_161, %parallel_loop3A_188 : i32
        %parallel_loop3A_190 = arith.constant 0 : i32
        %parallel_loop3A_191 = arith.addi %parallel_loop3A_189, %parallel_loop3A_190 : i32
        %parallel_loop3A_192 = arith.index_cast %parallel_loop3A_191 : i32 to index
        %parallel_loop3A_193 = arith.constant 0 : index
        %parallel_loop3A_194 = tpu.vector_load %arg8[%parallel_loop3A_192, %parallel_loop3A_193] {strides = array<i32>} : memref<112x128xf32, #tpu.memory_space<vmem>>, vector<16xf32>,
        %parallel_loop3A_195 = arith.mulf %parallel_loop3A_164, %parallel_loop3A_194 : vector<16xf32>
        %parallel_loop3A_196 = arith.constant 1 : i32
        %parallel_loop3A_197 = arith.addi %parallel_loop3A_161, %parallel_loop3A_196 : i32
        %parallel_loop3A_198 = arith.constant 0 : i32
        %parallel_loop3A_199 = arith.addi %parallel_loop3A_197, %parallel_loop3A_198 : i32
        %parallel_loop3A_200 = arith.index_cast %parallel_loop3A_199 : i32 to index
        %parallel_loop3A_201 = arith.constant 16 : index
        %parallel_loop3A_202 = tpu.vector_load %arg8[%parallel_loop3A_200, %parallel_loop3A_201] {strides = array<i32>} : memref<112x128xf32, #tpu.memory_space<vmem>>, vector<16xf32>,
        %parallel_loop3A_203 = arith.mulf %parallel_loop3A_167, %parallel_loop3A_202 : vector<16xf32>
        %parallel_loop3A_204 = arith.constant 1 : i32
        %parallel_loop3A_205 = arith.addi %parallel_loop3A_161, %parallel_loop3A_204 : i32
        %parallel_loop3A_206 = arith.constant 0 : i32
        %parallel_loop3A_207 = arith.addi %parallel_loop3A_205, %parallel_loop3A_206 : i32
        %parallel_loop3A_208 = arith.index_cast %parallel_loop3A_207 : i32 to index
        %parallel_loop3A_209 = arith.constant 32 : index
        %parallel_loop3A_210 = tpu.vector_load %arg8[%parallel_loop3A_208, %parallel_loop3A_209] {strides = array<i32>} : memref<112x128xf32, #tpu.memory_space<vmem>>, vector<16xf32>,
        %parallel_loop3A_211 = arith.mulf %parallel_loop3A_170, %parallel_loop3A_210 : vector<16xf32>
        %parallel_loop3A_212 = arith.constant 1 : i32
        %parallel_loop3A_213 = arith.addi %parallel_loop3A_161, %parallel_loop3A_212 : i32
        %parallel_loop3A_214 = arith.constant 0 : i32
        %parallel_loop3A_215 = arith.addi %parallel_loop3A_213, %parallel_loop3A_214 : i32
        %parallel_loop3A_216 = arith.index_cast %parallel_loop3A_215 : i32 to index
        %parallel_loop3A_217 = arith.constant 48 : index
        %parallel_loop3A_218 = tpu.vector_load %arg8[%parallel_loop3A_216, %parallel_loop3A_217] {strides = array<i32>} : memref<112x128xf32, #tpu.memory_space<vmem>>, vector<16xf32>,
        %parallel_loop3A_219 = arith.mulf %parallel_loop3A_173, %parallel_loop3A_218 : vector<16xf32>
        %parallel_loop3A_220 = arith.constant 1 : i32
        %parallel_loop3A_221 = arith.addi %parallel_loop3A_161, %parallel_loop3A_220 : i32
        %parallel_loop3A_222 = arith.constant 0 : i32
        %parallel_loop3A_223 = arith.addi %parallel_loop3A_221, %parallel_loop3A_222 : i32
        %parallel_loop3A_224 = arith.index_cast %parallel_loop3A_223 : i32 to index
        %parallel_loop3A_225 = arith.constant 64 : index
        %parallel_loop3A_226 = tpu.vector_load %arg8[%parallel_loop3A_224, %parallel_loop3A_225] {strides = array<i32>} : memref<112x128xf32, #tpu.memory_space<vmem>>, vector<16xf32>,
        %parallel_loop3A_227 = arith.mulf %parallel_loop3A_176, %parallel_loop3A_226 : vector<16xf32>
        %parallel_loop3A_228 = arith.constant 1 : i32
        %parallel_loop3A_229 = arith.addi %parallel_loop3A_161, %parallel_loop3A_228 : i32
        %parallel_loop3A_230 = arith.constant 0 : i32
        %parallel_loop3A_231 = arith.addi %parallel_loop3A_229, %parallel_loop3A_230 : i32
        %parallel_loop3A_232 = arith.index_cast %parallel_loop3A_231 : i32 to index
        %parallel_loop3A_233 = arith.constant 80 : index
        %parallel_loop3A_234 = tpu.vector_load %arg8[%parallel_loop3A_232, %parallel_loop3A_233] {strides = array<i32>} : memref<112x128xf32, #tpu.memory_space<vmem>>, vector<16xf32>,
        %parallel_loop3A_235 = arith.mulf %parallel_loop3A_179, %parallel_loop3A_234 : vector<16xf32>
        %parallel_loop3A_236 = arith.constant 1 : i32
        %parallel_loop3A_237 = arith.addi %parallel_loop3A_161, %parallel_loop3A_236 : i32
        %parallel_loop3A_238 = arith.constant 0 : i32
        %parallel_loop3A_239 = arith.addi %parallel_loop3A_237, %parallel_loop3A_238 : i32
        %parallel_loop3A_240 = arith.index_cast %parallel_loop3A_239 : i32 to index
        %parallel_loop3A_241 = arith.constant 96 : index
        %parallel_loop3A_242 = tpu.vector_load %arg8[%parallel_loop3A_240, %parallel_loop3A_241] {strides = array<i32>} : memref<112x128xf32, #tpu.memory_space<vmem>>, vector<16xf32>,
        %parallel_loop3A_243 = arith.mulf %parallel_loop3A_182, %parallel_loop3A_242 : vector<16xf32>
        %parallel_loop3A_244 = arith.constant 1 : i32
        %parallel_loop3A_245 = arith.addi %parallel_loop3A_161, %parallel_loop3A_244 : i32
        %parallel_loop3A_246 = arith.constant 0 : i32
        %parallel_loop3A_247 = arith.addi %parallel_loop3A_245, %parallel_loop3A_246 : i32
        %parallel_loop3A_248 = arith.index_cast %parallel_loop3A_247 : i32 to index
        %parallel_loop3A_249 = arith.constant 112 : index
        %parallel_loop3A_250 = tpu.vector_load %arg8[%parallel_loop3A_248, %parallel_loop3A_249] {strides = array<i32>} : memref<112x128xf32, #tpu.memory_space<vmem>>, vector<16xf32>,
        %parallel_loop3A_251 = arith.mulf %parallel_loop3A_185, %parallel_loop3A_250 : vector<16xf32>
        %parallel_loop3A_252 = arith.addf %parallel_loop3A_195, %parallel_loop3A_203 : vector<16xf32>
        %parallel_loop3A_253 = arith.addf %parallel_loop3A_211, %parallel_loop3A_219 : vector<16xf32>
        %parallel_loop3A_254 = arith.addf %parallel_loop3A_227, %parallel_loop3A_235 : vector<16xf32>
        %parallel_loop3A_255 = arith.addf %parallel_loop3A_243, %parallel_loop3A_251 : vector<16xf32>
        %parallel_loop3A_256 = arith.addf %parallel_loop3A_252, %parallel_loop3A_253 : vector<16xf32>
        %parallel_loop3A_257 = arith.addf %parallel_loop3A_254, %parallel_loop3A_255 : vector<16xf32>
        %parallel_loop3A_258 = arith.addf %parallel_loop3A_256, %parallel_loop3A_257 : vector<16xf32>
        %parallel_loop3A_259 = vector.shape_cast %xor3A_113 : vector<16xi32> to vector<16x1xi32>
        %parallel_loop3A_260 = vector.shape_cast %parallel_loop3A_259 : vector<16x1xi32> to vector<16xi32>
        %parallel_loop3A_261 = tpu.dynamic_gather %parallel_loop3A_258[%parallel_loop3A_260] in [0] : vector<16xf32>, vector<16xi32> -> vector<16xf32>
        %parallel_loop3A_262 = arith.addf %parallel_loop3A_258, %parallel_loop3A_261 : vector<16xf32>
        %parallel_loop3A_263 = vector.shape_cast %xor3A_116 : vector<16xi32> to vector<16x1xi32>
        %parallel_loop3A_264 = vector.shape_cast %parallel_loop3A_263 : vector<16x1xi32> to vector<16xi32>
        %parallel_loop3A_265 = tpu.dynamic_gather %parallel_loop3A_262[%parallel_loop3A_264] in [0] : vector<16xf32>, vector<16xi32> -> vector<16xf32>
        %parallel_loop3A_266 = arith.addf %parallel_loop3A_262, %parallel_loop3A_265 : vector<16xf32>
        %parallel_loop3A_267 = vector.shape_cast %xor3A_119 : vector<16xi32> to vector<16x1xi32>
        %parallel_loop3A_268 = vector.shape_cast %parallel_loop3A_267 : vector<16x1xi32> to vector<16xi32>
        %parallel_loop3A_269 = tpu.dynamic_gather %parallel_loop3A_266[%parallel_loop3A_268] in [0] : vector<16xf32>, vector<16xi32> -> vector<16xf32>
        %parallel_loop3A_270 = arith.addf %parallel_loop3A_266, %parallel_loop3A_269 : vector<16xf32>
        %parallel_loop3A_271 = vector.shape_cast %xor3A_122 : vector<16xi32> to vector<16x1xi32>
        %parallel_loop3A_272 = vector.shape_cast %parallel_loop3A_271 : vector<16x1xi32> to vector<16xi32>
        %parallel_loop3A_273 = tpu.dynamic_gather %parallel_loop3A_270[%parallel_loop3A_272] in [0] : vector<16xf32>, vector<16xi32> -> vector<16xf32>
        %parallel_loop3A_274 = arith.addf %parallel_loop3A_270, %parallel_loop3A_273 : vector<16xf32>
        %parallel_loop3A_275 = arith.constant 0 : i32
        %parallel_loop3A_276 = vector.broadcast %parallel_loop3A_275 : i32 to vector<16xi32>
        %parallel_loop3A_277 = arith.cmpi eq, %iota3A_110, %parallel_loop3A_276 : vector<16xi32>
        %parallel_loop3A_278 = arith.select %parallel_loop3A_277, %parallel_loop3A_274, %parallel_loop3A_187 : vector<16xi1>, vector<16xf32>
        %parallel_loop3A_279 = arith.constant 1 : i32
        %parallel_loop3A_280 = arith.addi %parallel_loop3A_161, %parallel_loop3A_279 : i32
        %parallel_loop3A_281 = arith.constant 1 : i32
        %parallel_loop3A_282 = arith.addi %parallel_loop3A_280, %parallel_loop3A_281 : i32
        %parallel_loop3A_283 = arith.index_cast %parallel_loop3A_282 : i32 to index
        %parallel_loop3A_284 = arith.constant 0 : index
        %parallel_loop3A_285 = tpu.vector_load %arg8[%parallel_loop3A_283, %parallel_loop3A_284] {strides = array<i32>} : memref<112x128xf32, #tpu.memory_space<vmem>>, vector<16xf32>,
        %parallel_loop3A_286 = arith.mulf %parallel_loop3A_164, %parallel_loop3A_285 : vector<16xf32>
        %parallel_loop3A_287 = arith.constant 1 : i32
        %parallel_loop3A_288 = arith.addi %parallel_loop3A_161, %parallel_loop3A_287 : i32
        %parallel_loop3A_289 = arith.constant 1 : i32
        %parallel_loop3A_290 = arith.addi %parallel_loop3A_288, %parallel_loop3A_289 : i32
        %parallel_loop3A_291 = arith.index_cast %parallel_loop3A_290 : i32 to index
        %parallel_loop3A_292 = arith.constant 16 : index
        %parallel_loop3A_293 = tpu.vector_load %arg8[%parallel_loop3A_291, %parallel_loop3A_292] {strides = array<i32>} : memref<112x128xf32, #tpu.memory_space<vmem>>, vector<16xf32>,
        %parallel_loop3A_294 = arith.mulf %parallel_loop3A_167, %parallel_loop3A_293 : vector<16xf32>
        %parallel_loop3A_295 = arith.constant 1 : i32
        %parallel_loop3A_296 = arith.addi %parallel_loop3A_161, %parallel_loop3A_295 : i32
        %parallel_loop3A_297 = arith.constant 1 : i32
        %parallel_loop3A_298 = arith.addi %parallel_loop3A_296, %parallel_loop3A_297 : i32
        %parallel_loop3A_299 = arith.index_cast %parallel_loop3A_298 : i32 to index
        %parallel_loop3A_300 = arith.constant 32 : index
        %parallel_loop3A_301 = tpu.vector_load %arg8[%parallel_loop3A_299, %parallel_loop3A_300] {strides = array<i32>} : memref<112x128xf32, #tpu.memory_space<vmem>>, vector<16xf32>,
        %parallel_loop3A_302 = arith.mulf %parallel_loop3A_170, %parallel_loop3A_301 : vector<16xf32>
        %parallel_loop3A_303 = arith.constant 1 : i32
        %parallel_loop3A_304 = arith.addi %parallel_loop3A_161, %parallel_loop3A_303 : i32
        %parallel_loop3A_305 = arith.constant 1 : i32
        %parallel_loop3A_306 = arith.addi %parallel_loop3A_304, %parallel_loop3A_305 : i32
        %parallel_loop3A_307 = arith.index_cast %parallel_loop3A_306 : i32 to index
        %parallel_loop3A_308 = arith.constant 48 : index
        %parallel_loop3A_309 = tpu.vector_load %arg8[%parallel_loop3A_307, %parallel_loop3A_308] {strides = array<i32>} : memref<112x128xf32, #tpu.memory_space<vmem>>, vector<16xf32>,
        %parallel_loop3A_310 = arith.mulf %parallel_loop3A_173, %parallel_loop3A_309 : vector<16xf32>
        %parallel_loop3A_311 = arith.constant 1 : i32
        %parallel_loop3A_312 = arith.addi %parallel_loop3A_161, %parallel_loop3A_311 : i32
        %parallel_loop3A_313 = arith.constant 1 : i32
        %parallel_loop3A_314 = arith.addi %parallel_loop3A_312, %parallel_loop3A_313 : i32
        %parallel_loop3A_315 = arith.index_cast %parallel_loop3A_314 : i32 to index
        %parallel_loop3A_316 = arith.constant 64 : index
        %parallel_loop3A_317 = tpu.vector_load %arg8[%parallel_loop3A_315, %parallel_loop3A_316] {strides = array<i32>} : memref<112x128xf32, #tpu.memory_space<vmem>>, vector<16xf32>,
        %parallel_loop3A_318 = arith.mulf %parallel_loop3A_176, %parallel_loop3A_317 : vector<16xf32>
        %parallel_loop3A_319 = arith.constant 1 : i32
        %parallel_loop3A_320 = arith.addi %parallel_loop3A_161, %parallel_loop3A_319 : i32
        %parallel_loop3A_321 = arith.constant 1 : i32
        %parallel_loop3A_322 = arith.addi %parallel_loop3A_320, %parallel_loop3A_321 : i32
        %parallel_loop3A_323 = arith.index_cast %parallel_loop3A_322 : i32 to index
        %parallel_loop3A_324 = arith.constant 80 : index
        %parallel_loop3A_325 = tpu.vector_load %arg8[%parallel_loop3A_323, %parallel_loop3A_324] {strides = array<i32>} : memref<112x128xf32, #tpu.memory_space<vmem>>, vector<16xf32>,
        %parallel_loop3A_326 = arith.mulf %parallel_loop3A_179, %parallel_loop3A_325 : vector<16xf32>
        %parallel_loop3A_327 = arith.constant 1 : i32
        %parallel_loop3A_328 = arith.addi %parallel_loop3A_161, %parallel_loop3A_327 : i32
        %parallel_loop3A_329 = arith.constant 1 : i32
        %parallel_loop3A_330 = arith.addi %parallel_loop3A_328, %parallel_loop3A_329 : i32
        %parallel_loop3A_331 = arith.index_cast %parallel_loop3A_330 : i32 to index
        %parallel_loop3A_332 = arith.constant 96 : index
        %parallel_loop3A_333 = tpu.vector_load %arg8[%parallel_loop3A_331, %parallel_loop3A_332] {strides = array<i32>} : memref<112x128xf32, #tpu.memory_space<vmem>>, vector<16xf32>,
        %parallel_loop3A_334 = arith.mulf %parallel_loop3A_182, %parallel_loop3A_333 : vector<16xf32>
        %parallel_loop3A_335 = arith.constant 1 : i32
        %parallel_loop3A_336 = arith.addi %parallel_loop3A_161, %parallel_loop3A_335 : i32
        %parallel_loop3A_337 = arith.constant 1 : i32
        %parallel_loop3A_338 = arith.addi %parallel_loop3A_336, %parallel_loop3A_337 : i32
        %parallel_loop3A_339 = arith.index_cast %parallel_loop3A_338 : i32 to index
        %parallel_loop3A_340 = arith.constant 112 : index
        %parallel_loop3A_341 = tpu.vector_load %arg8[%parallel_loop3A_339, %parallel_loop3A_340] {strides = array<i32>} : memref<112x128xf32, #tpu.memory_space<vmem>>, vector<16xf32>,
        %parallel_loop3A_342 = arith.mulf %parallel_loop3A_185, %parallel_loop3A_341 : vector<16xf32>
        %parallel_loop3A_343 = arith.addf %parallel_loop3A_286, %parallel_loop3A_294 : vector<16xf32>
        %parallel_loop3A_344 = arith.addf %parallel_loop3A_302, %parallel_loop3A_310 : vector<16xf32>
        %parallel_loop3A_345 = arith.addf %parallel_loop3A_318, %parallel_loop3A_326 : vector<16xf32>
        %parallel_loop3A_346 = arith.addf %parallel_loop3A_334, %parallel_loop3A_342 : vector<16xf32>
        %parallel_loop3A_347 = arith.addf %parallel_loop3A_343, %parallel_loop3A_344 : vector<16xf32>
        %parallel_loop3A_348 = arith.addf %parallel_loop3A_345, %parallel_loop3A_346 : vector<16xf32>
        %parallel_loop3A_349 = arith.addf %parallel_loop3A_347, %parallel_loop3A_348 : vector<16xf32>
        %parallel_loop3A_350 = vector.shape_cast %xor3A_113 : vector<16xi32> to vector<16x1xi32>
        %parallel_loop3A_351 = vector.shape_cast %parallel_loop3A_350 : vector<16x1xi32> to vector<16xi32>
        %parallel_loop3A_352 = tpu.dynamic_gather %parallel_loop3A_349[%parallel_loop3A_351] in [0] : vector<16xf32>, vector<16xi32> -> vector<16xf32>
        %parallel_loop3A_353 = arith.addf %parallel_loop3A_349, %parallel_loop3A_352 : vector<16xf32>
        %parallel_loop3A_354 = vector.shape_cast %xor3A_116 : vector<16xi32> to vector<16x1xi32>
        %parallel_loop3A_355 = vector.shape_cast %parallel_loop3A_354 : vector<16x1xi32> to vector<16xi32>
        %parallel_loop3A_356 = tpu.dynamic_gather %parallel_loop3A_353[%parallel_loop3A_355] in [0] : vector<16xf32>, vector<16xi32> -> vector<16xf32>
        %parallel_loop3A_357 = arith.addf %parallel_loop3A_353, %parallel_loop3A_356 : vector<16xf32>
        %parallel_loop3A_358 = vector.shape_cast %xor3A_119 : vector<16xi32> to vector<16x1xi32>
        %parallel_loop3A_359 = vector.shape_cast %parallel_loop3A_358 : vector<16x1xi32> to vector<16xi32>
        %parallel_loop3A_360 = tpu.dynamic_gather %parallel_loop3A_357[%parallel_loop3A_359] in [0] : vector<16xf32>, vector<16xi32> -> vector<16xf32>
        %parallel_loop3A_361 = arith.addf %parallel_loop3A_357, %parallel_loop3A_360 : vector<16xf32>
        %parallel_loop3A_362 = vector.shape_cast %xor3A_122 : vector<16xi32> to vector<16x1xi32>
        %parallel_loop3A_363 = vector.shape_cast %parallel_loop3A_362 : vector<16x1xi32> to vector<16xi32>
        %parallel_loop3A_364 = tpu.dynamic_gather %parallel_loop3A_361[%parallel_loop3A_363] in [0] : vector<16xf32>, vector<16xi32> -> vector<16xf32>
        %parallel_loop3A_365 = arith.addf %parallel_loop3A_361, %parallel_loop3A_364 : vector<16xf32>
        %parallel_loop3A_366 = arith.constant 1 : i32
        %parallel_loop3A_367 = vector.broadcast %parallel_loop3A_366 : i32 to vector<16xi32>
        %parallel_loop3A_368 = arith.cmpi eq, %iota3A_110, %parallel_loop3A_367 : vector<16xi32>
        %parallel_loop3A_369 = arith.select %parallel_loop3A_368, %parallel_loop3A_365, %parallel_loop3A_278 : vector<16xi1>, vector<16xf32>
        %parallel_loop3A_370 = arith.constant 1 : i32
        %parallel_loop3A_371 = arith.addi %parallel_loop3A_161, %parallel_loop3A_370 : i32
        %parallel_loop3A_372 = arith.constant 2 : i32
        %parallel_loop3A_373 = arith.addi %parallel_loop3A_371, %parallel_loop3A_372 : i32
        %parallel_loop3A_374 = arith.index_cast %parallel_loop3A_373 : i32 to index
        %parallel_loop3A_375 = arith.constant 0 : index
        %parallel_loop3A_376 = tpu.vector_load %arg8[%parallel_loop3A_374, %parallel_loop3A_375] {strides = array<i32>} : memref<112x128xf32, #tpu.memory_space<vmem>>, vector<16xf32>,
        %parallel_loop3A_377 = arith.mulf %parallel_loop3A_164, %parallel_loop3A_376 : vector<16xf32>
        %parallel_loop3A_378 = arith.constant 1 : i32
        %parallel_loop3A_379 = arith.addi %parallel_loop3A_161, %parallel_loop3A_378 : i32
        %parallel_loop3A_380 = arith.constant 2 : i32
        %parallel_loop3A_381 = arith.addi %parallel_loop3A_379, %parallel_loop3A_380 : i32
        %parallel_loop3A_382 = arith.index_cast %parallel_loop3A_381 : i32 to index
        %parallel_loop3A_383 = arith.constant 16 : index
        %parallel_loop3A_384 = tpu.vector_load %arg8[%parallel_loop3A_382, %parallel_loop3A_383] {strides = array<i32>} : memref<112x128xf32, #tpu.memory_space<vmem>>, vector<16xf32>,
        %parallel_loop3A_385 = arith.mulf %parallel_loop3A_167, %parallel_loop3A_384 : vector<16xf32>
        %parallel_loop3A_386 = arith.constant 1 : i32
        %parallel_loop3A_387 = arith.addi %parallel_loop3A_161, %parallel_loop3A_386 : i32
        %parallel_loop3A_388 = arith.constant 2 : i32
        %parallel_loop3A_389 = arith.addi %parallel_loop3A_387, %parallel_loop3A_388 : i32
        %parallel_loop3A_390 = arith.index_cast %parallel_loop3A_389 : i32 to index
        %parallel_loop3A_391 = arith.constant 32 : index
        %parallel_loop3A_392 = tpu.vector_load %arg8[%parallel_loop3A_390, %parallel_loop3A_391] {strides = array<i32>} : memref<112x128xf32, #tpu.memory_space<vmem>>, vector<16xf32>,
        %parallel_loop3A_393 = arith.mulf %parallel_loop3A_170, %parallel_loop3A_392 : vector<16xf32>
        %parallel_loop3A_394 = arith.constant 1 : i32
        %parallel_loop3A_395 = arith.addi %parallel_loop3A_161, %parallel_loop3A_394 : i32
        %parallel_loop3A_396 = arith.constant 2 : i32
        %parallel_loop3A_397 = arith.addi %parallel_loop3A_395, %parallel_loop3A_396 : i32
        %parallel_loop3A_398 = arith.index_cast %parallel_loop3A_397 : i32 to index
        %parallel_loop3A_399 = arith.constant 48 : index
        %parallel_loop3A_400 = tpu.vector_load %arg8[%parallel_loop3A_398, %parallel_loop3A_399] {strides = array<i32>} : memref<112x128xf32, #tpu.memory_space<vmem>>, vector<16xf32>,
        %parallel_loop3A_401 = arith.mulf %parallel_loop3A_173, %parallel_loop3A_400 : vector<16xf32>
        %parallel_loop3A_402 = arith.constant 1 : i32
        %parallel_loop3A_403 = arith.addi %parallel_loop3A_161, %parallel_loop3A_402 : i32
        %parallel_loop3A_404 = arith.constant 2 : i32
        %parallel_loop3A_405 = arith.addi %parallel_loop3A_403, %parallel_loop3A_404 : i32
        %parallel_loop3A_406 = arith.index_cast %parallel_loop3A_405 : i32 to index
        %parallel_loop3A_407 = arith.constant 64 : index
        %parallel_loop3A_408 = tpu.vector_load %arg8[%parallel_loop3A_406, %parallel_loop3A_407] {strides = array<i32>} : memref<112x128xf32, #tpu.memory_space<vmem>>, vector<16xf32>,
        %parallel_loop3A_409 = arith.mulf %parallel_loop3A_176, %parallel_loop3A_408 : vector<16xf32>
        %parallel_loop3A_410 = arith.constant 1 : i32
        %parallel_loop3A_411 = arith.addi %parallel_loop3A_161, %parallel_loop3A_410 : i32
        %parallel_loop3A_412 = arith.constant 2 : i32
        %parallel_loop3A_413 = arith.addi %parallel_loop3A_411, %parallel_loop3A_412 : i32
        %parallel_loop3A_414 = arith.index_cast %parallel_loop3A_413 : i32 to index
        %parallel_loop3A_415 = arith.constant 80 : index
        %parallel_loop3A_416 = tpu.vector_load %arg8[%parallel_loop3A_414, %parallel_loop3A_415] {strides = array<i32>} : memref<112x128xf32, #tpu.memory_space<vmem>>, vector<16xf32>,
        %parallel_loop3A_417 = arith.mulf %parallel_loop3A_179, %parallel_loop3A_416 : vector<16xf32>
        %parallel_loop3A_418 = arith.constant 1 : i32
        %parallel_loop3A_419 = arith.addi %parallel_loop3A_161, %parallel_loop3A_418 : i32
        %parallel_loop3A_420 = arith.constant 2 : i32
        %parallel_loop3A_421 = arith.addi %parallel_loop3A_419, %parallel_loop3A_420 : i32
        %parallel_loop3A_422 = arith.index_cast %parallel_loop3A_421 : i32 to index
        %parallel_loop3A_423 = arith.constant 96 : index
        %parallel_loop3A_424 = tpu.vector_load %arg8[%parallel_loop3A_422, %parallel_loop3A_423] {strides = array<i32>} : memref<112x128xf32, #tpu.memory_space<vmem>>, vector<16xf32>,
        %parallel_loop3A_425 = arith.mulf %parallel_loop3A_182, %parallel_loop3A_424 : vector<16xf32>
        %parallel_loop3A_426 = arith.constant 1 : i32
        %parallel_loop3A_427 = arith.addi %parallel_loop3A_161, %parallel_loop3A_426 : i32
        %parallel_loop3A_428 = arith.constant 2 : i32
        %parallel_loop3A_429 = arith.addi %parallel_loop3A_427, %parallel_loop3A_428 : i32
        %parallel_loop3A_430 = arith.index_cast %parallel_loop3A_429 : i32 to index
        %parallel_loop3A_431 = arith.constant 112 : index
        %parallel_loop3A_432 = tpu.vector_load %arg8[%parallel_loop3A_430, %parallel_loop3A_431] {strides = array<i32>} : memref<112x128xf32, #tpu.memory_space<vmem>>, vector<16xf32>,
        %parallel_loop3A_433 = arith.mulf %parallel_loop3A_185, %parallel_loop3A_432 : vector<16xf32>
        %parallel_loop3A_434 = arith.addf %parallel_loop3A_377, %parallel_loop3A_385 : vector<16xf32>
        %parallel_loop3A_435 = arith.addf %parallel_loop3A_393, %parallel_loop3A_401 : vector<16xf32>
        %parallel_loop3A_436 = arith.addf %parallel_loop3A_409, %parallel_loop3A_417 : vector<16xf32>
        %parallel_loop3A_437 = arith.addf %parallel_loop3A_425, %parallel_loop3A_433 : vector<16xf32>
        %parallel_loop3A_438 = arith.addf %parallel_loop3A_434, %parallel_loop3A_435 : vector<16xf32>
        %parallel_loop3A_439 = arith.addf %parallel_loop3A_436, %parallel_loop3A_437 : vector<16xf32>
        %parallel_loop3A_440 = arith.addf %parallel_loop3A_438, %parallel_loop3A_439 : vector<16xf32>
        %parallel_loop3A_441 = vector.shape_cast %xor3A_113 : vector<16xi32> to vector<16x1xi32>
        %parallel_loop3A_442 = vector.shape_cast %parallel_loop3A_441 : vector<16x1xi32> to vector<16xi32>
        %parallel_loop3A_443 = tpu.dynamic_gather %parallel_loop3A_440[%parallel_loop3A_442] in [0] : vector<16xf32>, vector<16xi32> -> vector<16xf32>
        %parallel_loop3A_444 = arith.addf %parallel_loop3A_440, %parallel_loop3A_443 : vector<16xf32>
        %parallel_loop3A_445 = vector.shape_cast %xor3A_116 : vector<16xi32> to vector<16x1xi32>
        %parallel_loop3A_446 = vector.shape_cast %parallel_loop3A_445 : vector<16x1xi32> to vector<16xi32>
        %parallel_loop3A_447 = tpu.dynamic_gather %parallel_loop3A_444[%parallel_loop3A_446] in [0] : vector<16xf32>, vector<16xi32> -> vector<16xf32>
        %parallel_loop3A_448 = arith.addf %parallel_loop3A_444, %parallel_loop3A_447 : vector<16xf32>
        %parallel_loop3A_449 = vector.shape_cast %xor3A_119 : vector<16xi32> to vector<16x1xi32>
        %parallel_loop3A_450 = vector.shape_cast %parallel_loop3A_449 : vector<16x1xi32> to vector<16xi32>
        %parallel_loop3A_451 = tpu.dynamic_gather %parallel_loop3A_448[%parallel_loop3A_450] in [0] : vector<16xf32>, vector<16xi32> -> vector<16xf32>
        %parallel_loop3A_452 = arith.addf %parallel_loop3A_448, %parallel_loop3A_451 : vector<16xf32>
        %parallel_loop3A_453 = vector.shape_cast %xor3A_122 : vector<16xi32> to vector<16x1xi32>
        %parallel_loop3A_454 = vector.shape_cast %parallel_loop3A_453 : vector<16x1xi32> to vector<16xi32>
        %parallel_loop3A_455 = tpu.dynamic_gather %parallel_loop3A_452[%parallel_loop3A_454] in [0] : vector<16xf32>, vector<16xi32> -> vector<16xf32>
        %parallel_loop3A_456 = arith.addf %parallel_loop3A_452, %parallel_loop3A_455 : vector<16xf32>
        %parallel_loop3A_457 = arith.constant 2 : i32
        %parallel_loop3A_458 = vector.broadcast %parallel_loop3A_457 : i32 to vector<16xi32>
        %parallel_loop3A_459 = arith.cmpi eq, %iota3A_110, %parallel_loop3A_458 : vector<16xi32>
        %parallel_loop3A_460 = arith.select %parallel_loop3A_459, %parallel_loop3A_456, %parallel_loop3A_369 : vector<16xi1>, vector<16xf32>
        %parallel_loop3A_461 = arith.constant 1 : i32
        %parallel_loop3A_462 = arith.addi %parallel_loop3A_161, %parallel_loop3A_461 : i32
        %parallel_loop3A_463 = arith.constant 3 : i32
        %parallel_loop3A_464 = arith.addi %parallel_loop3A_462, %parallel_loop3A_463 : i32
        %parallel_loop3A_465 = arith.index_cast %parallel_loop3A_464 : i32 to index
        %parallel_loop3A_466 = arith.constant 0 : index
        %parallel_loop3A_467 = tpu.vector_load %arg8[%parallel_loop3A_465, %parallel_loop3A_466] {strides = array<i32>} : memref<112x128xf32, #tpu.memory_space<vmem>>, vector<16xf32>,
        %parallel_loop3A_468 = arith.mulf %parallel_loop3A_164, %parallel_loop3A_467 : vector<16xf32>
        %parallel_loop3A_469 = arith.constant 1 : i32
        %parallel_loop3A_470 = arith.addi %parallel_loop3A_161, %parallel_loop3A_469 : i32
        %parallel_loop3A_471 = arith.constant 3 : i32
        %parallel_loop3A_472 = arith.addi %parallel_loop3A_470, %parallel_loop3A_471 : i32
        %parallel_loop3A_473 = arith.index_cast %parallel_loop3A_472 : i32 to index
        %parallel_loop3A_474 = arith.constant 16 : index
        %parallel_loop3A_475 = tpu.vector_load %arg8[%parallel_loop3A_473, %parallel_loop3A_474] {strides = array<i32>} : memref<112x128xf32, #tpu.memory_space<vmem>>, vector<16xf32>,
        %parallel_loop3A_476 = arith.mulf %parallel_loop3A_167, %parallel_loop3A_475 : vector<16xf32>
        %parallel_loop3A_477 = arith.constant 1 : i32
        %parallel_loop3A_478 = arith.addi %parallel_loop3A_161, %parallel_loop3A_477 : i32
        %parallel_loop3A_479 = arith.constant 3 : i32
        %parallel_loop3A_480 = arith.addi %parallel_loop3A_478, %parallel_loop3A_479 : i32
        %parallel_loop3A_481 = arith.index_cast %parallel_loop3A_480 : i32 to index
        %parallel_loop3A_482 = arith.constant 32 : index
        %parallel_loop3A_483 = tpu.vector_load %arg8[%parallel_loop3A_481, %parallel_loop3A_482] {strides = array<i32>} : memref<112x128xf32, #tpu.memory_space<vmem>>, vector<16xf32>,
        %parallel_loop3A_484 = arith.mulf %parallel_loop3A_170, %parallel_loop3A_483 : vector<16xf32>
        %parallel_loop3A_485 = arith.constant 1 : i32
        %parallel_loop3A_486 = arith.addi %parallel_loop3A_161, %parallel_loop3A_485 : i32
        %parallel_loop3A_487 = arith.constant 3 : i32
        %parallel_loop3A_488 = arith.addi %parallel_loop3A_486, %parallel_loop3A_487 : i32
        %parallel_loop3A_489 = arith.index_cast %parallel_loop3A_488 : i32 to index
        %parallel_loop3A_490 = arith.constant 48 : index
        %parallel_loop3A_491 = tpu.vector_load %arg8[%parallel_loop3A_489, %parallel_loop3A_490] {strides = array<i32>} : memref<112x128xf32, #tpu.memory_space<vmem>>, vector<16xf32>,
        %parallel_loop3A_492 = arith.mulf %parallel_loop3A_173, %parallel_loop3A_491 : vector<16xf32>
        %parallel_loop3A_493 = arith.constant 1 : i32
        %parallel_loop3A_494 = arith.addi %parallel_loop3A_161, %parallel_loop3A_493 : i32
        %parallel_loop3A_495 = arith.constant 3 : i32
        %parallel_loop3A_496 = arith.addi %parallel_loop3A_494, %parallel_loop3A_495 : i32
        %parallel_loop3A_497 = arith.index_cast %parallel_loop3A_496 : i32 to index
        %parallel_loop3A_498 = arith.constant 64 : index
        %parallel_loop3A_499 = tpu.vector_load %arg8[%parallel_loop3A_497, %parallel_loop3A_498] {strides = array<i32>} : memref<112x128xf32, #tpu.memory_space<vmem>>, vector<16xf32>,
        %parallel_loop3A_500 = arith.mulf %parallel_loop3A_176, %parallel_loop3A_499 : vector<16xf32>
        %parallel_loop3A_501 = arith.constant 1 : i32
        %parallel_loop3A_502 = arith.addi %parallel_loop3A_161, %parallel_loop3A_501 : i32
        %parallel_loop3A_503 = arith.constant 3 : i32
        %parallel_loop3A_504 = arith.addi %parallel_loop3A_502, %parallel_loop3A_503 : i32
        %parallel_loop3A_505 = arith.index_cast %parallel_loop3A_504 : i32 to index
        %parallel_loop3A_506 = arith.constant 80 : index
        %parallel_loop3A_507 = tpu.vector_load %arg8[%parallel_loop3A_505, %parallel_loop3A_506] {strides = array<i32>} : memref<112x128xf32, #tpu.memory_space<vmem>>, vector<16xf32>,
        %parallel_loop3A_508 = arith.mulf %parallel_loop3A_179, %parallel_loop3A_507 : vector<16xf32>
        %parallel_loop3A_509 = arith.constant 1 : i32
        %parallel_loop3A_510 = arith.addi %parallel_loop3A_161, %parallel_loop3A_509 : i32
        %parallel_loop3A_511 = arith.constant 3 : i32
        %parallel_loop3A_512 = arith.addi %parallel_loop3A_510, %parallel_loop3A_511 : i32
        %parallel_loop3A_513 = arith.index_cast %parallel_loop3A_512 : i32 to index
        %parallel_loop3A_514 = arith.constant 96 : index
        %parallel_loop3A_515 = tpu.vector_load %arg8[%parallel_loop3A_513, %parallel_loop3A_514] {strides = array<i32>} : memref<112x128xf32, #tpu.memory_space<vmem>>, vector<16xf32>,
        %parallel_loop3A_516 = arith.mulf %parallel_loop3A_182, %parallel_loop3A_515 : vector<16xf32>
        %parallel_loop3A_517 = arith.constant 1 : i32
        %parallel_loop3A_518 = arith.addi %parallel_loop3A_161, %parallel_loop3A_517 : i32
        %parallel_loop3A_519 = arith.constant 3 : i32
        %parallel_loop3A_520 = arith.addi %parallel_loop3A_518, %parallel_loop3A_519 : i32
        %parallel_loop3A_521 = arith.index_cast %parallel_loop3A_520 : i32 to index
        %parallel_loop3A_522 = arith.constant 112 : index
        %parallel_loop3A_523 = tpu.vector_load %arg8[%parallel_loop3A_521, %parallel_loop3A_522] {strides = array<i32>} : memref<112x128xf32, #tpu.memory_space<vmem>>, vector<16xf32>,
        %parallel_loop3A_524 = arith.mulf %parallel_loop3A_185, %parallel_loop3A_523 : vector<16xf32>
        %parallel_loop3A_525 = arith.addf %parallel_loop3A_468, %parallel_loop3A_476 : vector<16xf32>
        %parallel_loop3A_526 = arith.addf %parallel_loop3A_484, %parallel_loop3A_492 : vector<16xf32>
        %parallel_loop3A_527 = arith.addf %parallel_loop3A_500, %parallel_loop3A_508 : vector<16xf32>
        %parallel_loop3A_528 = arith.addf %parallel_loop3A_516, %parallel_loop3A_524 : vector<16xf32>
        %parallel_loop3A_529 = arith.addf %parallel_loop3A_525, %parallel_loop3A_526 : vector<16xf32>
        %parallel_loop3A_530 = arith.addf %parallel_loop3A_527, %parallel_loop3A_528 : vector<16xf32>
        %parallel_loop3A_531 = arith.addf %parallel_loop3A_529, %parallel_loop3A_530 : vector<16xf32>
        %parallel_loop3A_532 = vector.shape_cast %xor3A_113 : vector<16xi32> to vector<16x1xi32>
        %parallel_loop3A_533 = vector.shape_cast %parallel_loop3A_532 : vector<16x1xi32> to vector<16xi32>
        %parallel_loop3A_534 = tpu.dynamic_gather %parallel_loop3A_531[%parallel_loop3A_533] in [0] : vector<16xf32>, vector<16xi32> -> vector<16xf32>
        %parallel_loop3A_535 = arith.addf %parallel_loop3A_531, %parallel_loop3A_534 : vector<16xf32>
        %parallel_loop3A_536 = vector.shape_cast %xor3A_116 : vector<16xi32> to vector<16x1xi32>
        %parallel_loop3A_537 = vector.shape_cast %parallel_loop3A_536 : vector<16x1xi32> to vector<16xi32>
        %parallel_loop3A_538 = tpu.dynamic_gather %parallel_loop3A_535[%parallel_loop3A_537] in [0] : vector<16xf32>, vector<16xi32> -> vector<16xf32>
        %parallel_loop3A_539 = arith.addf %parallel_loop3A_535, %parallel_loop3A_538 : vector<16xf32>
        %parallel_loop3A_540 = vector.shape_cast %xor3A_119 : vector<16xi32> to vector<16x1xi32>
        %parallel_loop3A_541 = vector.shape_cast %parallel_loop3A_540 : vector<16x1xi32> to vector<16xi32>
        %parallel_loop3A_542 = tpu.dynamic_gather %parallel_loop3A_539[%parallel_loop3A_541] in [0] : vector<16xf32>, vector<16xi32> -> vector<16xf32>
        %parallel_loop3A_543 = arith.addf %parallel_loop3A_539, %parallel_loop3A_542 : vector<16xf32>
        %parallel_loop3A_544 = vector.shape_cast %xor3A_122 : vector<16xi32> to vector<16x1xi32>
        %parallel_loop3A_545 = vector.shape_cast %parallel_loop3A_544 : vector<16x1xi32> to vector<16xi32>
        %parallel_loop3A_546 = tpu.dynamic_gather %parallel_loop3A_543[%parallel_loop3A_545] in [0] : vector<16xf32>, vector<16xi32> -> vector<16xf32>
        %parallel_loop3A_547 = arith.addf %parallel_loop3A_543, %parallel_loop3A_546 : vector<16xf32>
        %parallel_loop3A_548 = arith.constant 3 : i32
        %parallel_loop3A_549 = vector.broadcast %parallel_loop3A_548 : i32 to vector<16xi32>
        %parallel_loop3A_550 = arith.cmpi eq, %iota3A_110, %parallel_loop3A_549 : vector<16xi32>
        %parallel_loop3A_551 = arith.select %parallel_loop3A_550, %parallel_loop3A_547, %parallel_loop3A_460 : vector<16xi1>, vector<16xf32>
        %parallel_loop3A_552 = arith.constant 1 : i32
        %parallel_loop3A_553 = arith.addi %parallel_loop3A_161, %parallel_loop3A_552 : i32
        %parallel_loop3A_554 = arith.constant 4 : i32
        %parallel_loop3A_555 = arith.addi %parallel_loop3A_553, %parallel_loop3A_554 : i32
        %parallel_loop3A_556 = arith.index_cast %parallel_loop3A_555 : i32 to index
        %parallel_loop3A_557 = arith.constant 0 : index
        %parallel_loop3A_558 = tpu.vector_load %arg8[%parallel_loop3A_556, %parallel_loop3A_557] {strides = array<i32>} : memref<112x128xf32, #tpu.memory_space<vmem>>, vector<16xf32>,
        %parallel_loop3A_559 = arith.mulf %parallel_loop3A_164, %parallel_loop3A_558 : vector<16xf32>
        %parallel_loop3A_560 = arith.constant 1 : i32
        %parallel_loop3A_561 = arith.addi %parallel_loop3A_161, %parallel_loop3A_560 : i32
        %parallel_loop3A_562 = arith.constant 4 : i32
        %parallel_loop3A_563 = arith.addi %parallel_loop3A_561, %parallel_loop3A_562 : i32
        %parallel_loop3A_564 = arith.index_cast %parallel_loop3A_563 : i32 to index
        %parallel_loop3A_565 = arith.constant 16 : index
        %parallel_loop3A_566 = tpu.vector_load %arg8[%parallel_loop3A_564, %parallel_loop3A_565] {strides = array<i32>} : memref<112x128xf32, #tpu.memory_space<vmem>>, vector<16xf32>,
        %parallel_loop3A_567 = arith.mulf %parallel_loop3A_167, %parallel_loop3A_566 : vector<16xf32>
        %parallel_loop3A_568 = arith.constant 1 : i32
        %parallel_loop3A_569 = arith.addi %parallel_loop3A_161, %parallel_loop3A_568 : i32
        %parallel_loop3A_570 = arith.constant 4 : i32
        %parallel_loop3A_571 = arith.addi %parallel_loop3A_569, %parallel_loop3A_570 : i32
        %parallel_loop3A_572 = arith.index_cast %parallel_loop3A_571 : i32 to index
        %parallel_loop3A_573 = arith.constant 32 : index
        %parallel_loop3A_574 = tpu.vector_load %arg8[%parallel_loop3A_572, %parallel_loop3A_573] {strides = array<i32>} : memref<112x128xf32, #tpu.memory_space<vmem>>, vector<16xf32>,
        %parallel_loop3A_575 = arith.mulf %parallel_loop3A_170, %parallel_loop3A_574 : vector<16xf32>
        %parallel_loop3A_576 = arith.constant 1 : i32
        %parallel_loop3A_577 = arith.addi %parallel_loop3A_161, %parallel_loop3A_576 : i32
        %parallel_loop3A_578 = arith.constant 4 : i32
        %parallel_loop3A_579 = arith.addi %parallel_loop3A_577, %parallel_loop3A_578 : i32
        %parallel_loop3A_580 = arith.index_cast %parallel_loop3A_579 : i32 to index
        %parallel_loop3A_581 = arith.constant 48 : index
        %parallel_loop3A_582 = tpu.vector_load %arg8[%parallel_loop3A_580, %parallel_loop3A_581] {strides = array<i32>} : memref<112x128xf32, #tpu.memory_space<vmem>>, vector<16xf32>,
        %parallel_loop3A_583 = arith.mulf %parallel_loop3A_173, %parallel_loop3A_582 : vector<16xf32>
        %parallel_loop3A_584 = arith.constant 1 : i32
        %parallel_loop3A_585 = arith.addi %parallel_loop3A_161, %parallel_loop3A_584 : i32
        %parallel_loop3A_586 = arith.constant 4 : i32
        %parallel_loop3A_587 = arith.addi %parallel_loop3A_585, %parallel_loop3A_586 : i32
        %parallel_loop3A_588 = arith.index_cast %parallel_loop3A_587 : i32 to index
        %parallel_loop3A_589 = arith.constant 64 : index
        %parallel_loop3A_590 = tpu.vector_load %arg8[%parallel_loop3A_588, %parallel_loop3A_589] {strides = array<i32>} : memref<112x128xf32, #tpu.memory_space<vmem>>, vector<16xf32>,
        %parallel_loop3A_591 = arith.mulf %parallel_loop3A_176, %parallel_loop3A_590 : vector<16xf32>
        %parallel_loop3A_592 = arith.constant 1 : i32
        %parallel_loop3A_593 = arith.addi %parallel_loop3A_161, %parallel_loop3A_592 : i32
        %parallel_loop3A_594 = arith.constant 4 : i32
        %parallel_loop3A_595 = arith.addi %parallel_loop3A_593, %parallel_loop3A_594 : i32
        %parallel_loop3A_596 = arith.index_cast %parallel_loop3A_595 : i32 to index
        %parallel_loop3A_597 = arith.constant 80 : index
        %parallel_loop3A_598 = tpu.vector_load %arg8[%parallel_loop3A_596, %parallel_loop3A_597] {strides = array<i32>} : memref<112x128xf32, #tpu.memory_space<vmem>>, vector<16xf32>,
        %parallel_loop3A_599 = arith.mulf %parallel_loop3A_179, %parallel_loop3A_598 : vector<16xf32>
        %parallel_loop3A_600 = arith.constant 1 : i32
        %parallel_loop3A_601 = arith.addi %parallel_loop3A_161, %parallel_loop3A_600 : i32
        %parallel_loop3A_602 = arith.constant 4 : i32
        %parallel_loop3A_603 = arith.addi %parallel_loop3A_601, %parallel_loop3A_602 : i32
        %parallel_loop3A_604 = arith.index_cast %parallel_loop3A_603 : i32 to index
        %parallel_loop3A_605 = arith.constant 96 : index
        %parallel_loop3A_606 = tpu.vector_load %arg8[%parallel_loop3A_604, %parallel_loop3A_605] {strides = array<i32>} : memref<112x128xf32, #tpu.memory_space<vmem>>, vector<16xf32>,
        %parallel_loop3A_607 = arith.mulf %parallel_loop3A_182, %parallel_loop3A_606 : vector<16xf32>
        %parallel_loop3A_608 = arith.constant 1 : i32
        %parallel_loop3A_609 = arith.addi %parallel_loop3A_161, %parallel_loop3A_608 : i32
        %parallel_loop3A_610 = arith.constant 4 : i32
        %parallel_loop3A_611 = arith.addi %parallel_loop3A_609, %parallel_loop3A_610 : i32
        %parallel_loop3A_612 = arith.index_cast %parallel_loop3A_611 : i32 to index
        %parallel_loop3A_613 = arith.constant 112 : index
        %parallel_loop3A_614 = tpu.vector_load %arg8[%parallel_loop3A_612, %parallel_loop3A_613] {strides = array<i32>} : memref<112x128xf32, #tpu.memory_space<vmem>>, vector<16xf32>,
        %parallel_loop3A_615 = arith.mulf %parallel_loop3A_185, %parallel_loop3A_614 : vector<16xf32>
        %parallel_loop3A_616 = arith.addf %parallel_loop3A_559, %parallel_loop3A_567 : vector<16xf32>
        %parallel_loop3A_617 = arith.addf %parallel_loop3A_575, %parallel_loop3A_583 : vector<16xf32>
        %parallel_loop3A_618 = arith.addf %parallel_loop3A_591, %parallel_loop3A_599 : vector<16xf32>
        %parallel_loop3A_619 = arith.addf %parallel_loop3A_607, %parallel_loop3A_615 : vector<16xf32>
        %parallel_loop3A_620 = arith.addf %parallel_loop3A_616, %parallel_loop3A_617 : vector<16xf32>
        %parallel_loop3A_621 = arith.addf %parallel_loop3A_618, %parallel_loop3A_619 : vector<16xf32>
        %parallel_loop3A_622 = arith.addf %parallel_loop3A_620, %parallel_loop3A_621 : vector<16xf32>
        %parallel_loop3A_623 = vector.shape_cast %xor3A_113 : vector<16xi32> to vector<16x1xi32>
        %parallel_loop3A_624 = vector.shape_cast %parallel_loop3A_623 : vector<16x1xi32> to vector<16xi32>
        %parallel_loop3A_625 = tpu.dynamic_gather %parallel_loop3A_622[%parallel_loop3A_624] in [0] : vector<16xf32>, vector<16xi32> -> vector<16xf32>
        %parallel_loop3A_626 = arith.addf %parallel_loop3A_622, %parallel_loop3A_625 : vector<16xf32>
        %parallel_loop3A_627 = vector.shape_cast %xor3A_116 : vector<16xi32> to vector<16x1xi32>
        %parallel_loop3A_628 = vector.shape_cast %parallel_loop3A_627 : vector<16x1xi32> to vector<16xi32>
        %parallel_loop3A_629 = tpu.dynamic_gather %parallel_loop3A_626[%parallel_loop3A_628] in [0] : vector<16xf32>, vector<16xi32> -> vector<16xf32>
        %parallel_loop3A_630 = arith.addf %parallel_loop3A_626, %parallel_loop3A_629 : vector<16xf32>
        %parallel_loop3A_631 = vector.shape_cast %xor3A_119 : vector<16xi32> to vector<16x1xi32>
        %parallel_loop3A_632 = vector.shape_cast %parallel_loop3A_631 : vector<16x1xi32> to vector<16xi32>
        %parallel_loop3A_633 = tpu.dynamic_gather %parallel_loop3A_630[%parallel_loop3A_632] in [0] : vector<16xf32>, vector<16xi32> -> vector<16xf32>
        %parallel_loop3A_634 = arith.addf %parallel_loop3A_630, %parallel_loop3A_633 : vector<16xf32>
        %parallel_loop3A_635 = vector.shape_cast %xor3A_122 : vector<16xi32> to vector<16x1xi32>
        %parallel_loop3A_636 = vector.shape_cast %parallel_loop3A_635 : vector<16x1xi32> to vector<16xi32>
        %parallel_loop3A_637 = tpu.dynamic_gather %parallel_loop3A_634[%parallel_loop3A_636] in [0] : vector<16xf32>, vector<16xi32> -> vector<16xf32>
        %parallel_loop3A_638 = arith.addf %parallel_loop3A_634, %parallel_loop3A_637 : vector<16xf32>
        %parallel_loop3A_639 = arith.constant 4 : i32
        %parallel_loop3A_640 = vector.broadcast %parallel_loop3A_639 : i32 to vector<16xi32>
        %parallel_loop3A_641 = arith.cmpi eq, %iota3A_110, %parallel_loop3A_640 : vector<16xi32>
        %parallel_loop3A_642 = arith.select %parallel_loop3A_641, %parallel_loop3A_638, %parallel_loop3A_551 : vector<16xi1>, vector<16xf32>
        %parallel_loop3A_643 = arith.constant 1 : i32
        %parallel_loop3A_644 = arith.addi %parallel_loop3A_161, %parallel_loop3A_643 : i32
        %parallel_loop3A_645 = arith.constant 5 : i32
        %parallel_loop3A_646 = arith.addi %parallel_loop3A_644, %parallel_loop3A_645 : i32
        %parallel_loop3A_647 = arith.index_cast %parallel_loop3A_646 : i32 to index
        %parallel_loop3A_648 = arith.constant 0 : index
        %parallel_loop3A_649 = tpu.vector_load %arg8[%parallel_loop3A_647, %parallel_loop3A_648] {strides = array<i32>} : memref<112x128xf32, #tpu.memory_space<vmem>>, vector<16xf32>,
        %parallel_loop3A_650 = arith.mulf %parallel_loop3A_164, %parallel_loop3A_649 : vector<16xf32>
        %parallel_loop3A_651 = arith.constant 1 : i32
        %parallel_loop3A_652 = arith.addi %parallel_loop3A_161, %parallel_loop3A_651 : i32
        %parallel_loop3A_653 = arith.constant 5 : i32
        %parallel_loop3A_654 = arith.addi %parallel_loop3A_652, %parallel_loop3A_653 : i32
        %parallel_loop3A_655 = arith.index_cast %parallel_loop3A_654 : i32 to index
        %parallel_loop3A_656 = arith.constant 16 : index
        %parallel_loop3A_657 = tpu.vector_load %arg8[%parallel_loop3A_655, %parallel_loop3A_656] {strides = array<i32>} : memref<112x128xf32, #tpu.memory_space<vmem>>, vector<16xf32>,
        %parallel_loop3A_658 = arith.mulf %parallel_loop3A_167, %parallel_loop3A_657 : vector<16xf32>
        %parallel_loop3A_659 = arith.constant 1 : i32
        %parallel_loop3A_660 = arith.addi %parallel_loop3A_161, %parallel_loop3A_659 : i32
        %parallel_loop3A_661 = arith.constant 5 : i32
        %parallel_loop3A_662 = arith.addi %parallel_loop3A_660, %parallel_loop3A_661 : i32
        %parallel_loop3A_663 = arith.index_cast %parallel_loop3A_662 : i32 to index
        %parallel_loop3A_664 = arith.constant 32 : index
        %parallel_loop3A_665 = tpu.vector_load %arg8[%parallel_loop3A_663, %parallel_loop3A_664] {strides = array<i32>} : memref<112x128xf32, #tpu.memory_space<vmem>>, vector<16xf32>,
        %parallel_loop3A_666 = arith.mulf %parallel_loop3A_170, %parallel_loop3A_665 : vector<16xf32>
        %parallel_loop3A_667 = arith.constant 1 : i32
        %parallel_loop3A_668 = arith.addi %parallel_loop3A_161, %parallel_loop3A_667 : i32
        %parallel_loop3A_669 = arith.constant 5 : i32
        %parallel_loop3A_670 = arith.addi %parallel_loop3A_668, %parallel_loop3A_669 : i32
        %parallel_loop3A_671 = arith.index_cast %parallel_loop3A_670 : i32 to index
        %parallel_loop3A_672 = arith.constant 48 : index
        %parallel_loop3A_673 = tpu.vector_load %arg8[%parallel_loop3A_671, %parallel_loop3A_672] {strides = array<i32>} : memref<112x128xf32, #tpu.memory_space<vmem>>, vector<16xf32>,
        %parallel_loop3A_674 = arith.mulf %parallel_loop3A_173, %parallel_loop3A_673 : vector<16xf32>
        %parallel_loop3A_675 = arith.constant 1 : i32
        %parallel_loop3A_676 = arith.addi %parallel_loop3A_161, %parallel_loop3A_675 : i32
        %parallel_loop3A_677 = arith.constant 5 : i32
        %parallel_loop3A_678 = arith.addi %parallel_loop3A_676, %parallel_loop3A_677 : i32
        %parallel_loop3A_679 = arith.index_cast %parallel_loop3A_678 : i32 to index
        %parallel_loop3A_680 = arith.constant 64 : index
        %parallel_loop3A_681 = tpu.vector_load %arg8[%parallel_loop3A_679, %parallel_loop3A_680] {strides = array<i32>} : memref<112x128xf32, #tpu.memory_space<vmem>>, vector<16xf32>,
        %parallel_loop3A_682 = arith.mulf %parallel_loop3A_176, %parallel_loop3A_681 : vector<16xf32>
        %parallel_loop3A_683 = arith.constant 1 : i32
        %parallel_loop3A_684 = arith.addi %parallel_loop3A_161, %parallel_loop3A_683 : i32
        %parallel_loop3A_685 = arith.constant 5 : i32
        %parallel_loop3A_686 = arith.addi %parallel_loop3A_684, %parallel_loop3A_685 : i32
        %parallel_loop3A_687 = arith.index_cast %parallel_loop3A_686 : i32 to index
        %parallel_loop3A_688 = arith.constant 80 : index
        %parallel_loop3A_689 = tpu.vector_load %arg8[%parallel_loop3A_687, %parallel_loop3A_688] {strides = array<i32>} : memref<112x128xf32, #tpu.memory_space<vmem>>, vector<16xf32>,
        %parallel_loop3A_690 = arith.mulf %parallel_loop3A_179, %parallel_loop3A_689 : vector<16xf32>
        %parallel_loop3A_691 = arith.constant 1 : i32
        %parallel_loop3A_692 = arith.addi %parallel_loop3A_161, %parallel_loop3A_691 : i32
        %parallel_loop3A_693 = arith.constant 5 : i32
        %parallel_loop3A_694 = arith.addi %parallel_loop3A_692, %parallel_loop3A_693 : i32
        %parallel_loop3A_695 = arith.index_cast %parallel_loop3A_694 : i32 to index
        %parallel_loop3A_696 = arith.constant 96 : index
        %parallel_loop3A_697 = tpu.vector_load %arg8[%parallel_loop3A_695, %parallel_loop3A_696] {strides = array<i32>} : memref<112x128xf32, #tpu.memory_space<vmem>>, vector<16xf32>,
        %parallel_loop3A_698 = arith.mulf %parallel_loop3A_182, %parallel_loop3A_697 : vector<16xf32>
        %parallel_loop3A_699 = arith.constant 1 : i32
        %parallel_loop3A_700 = arith.addi %parallel_loop3A_161, %parallel_loop3A_699 : i32
        %parallel_loop3A_701 = arith.constant 5 : i32
        %parallel_loop3A_702 = arith.addi %parallel_loop3A_700, %parallel_loop3A_701 : i32
        %parallel_loop3A_703 = arith.index_cast %parallel_loop3A_702 : i32 to index
        %parallel_loop3A_704 = arith.constant 112 : index
        %parallel_loop3A_705 = tpu.vector_load %arg8[%parallel_loop3A_703, %parallel_loop3A_704] {strides = array<i32>} : memref<112x128xf32, #tpu.memory_space<vmem>>, vector<16xf32>,
        %parallel_loop3A_706 = arith.mulf %parallel_loop3A_185, %parallel_loop3A_705 : vector<16xf32>
        %parallel_loop3A_707 = arith.addf %parallel_loop3A_650, %parallel_loop3A_658 : vector<16xf32>
        %parallel_loop3A_708 = arith.addf %parallel_loop3A_666, %parallel_loop3A_674 : vector<16xf32>
        %parallel_loop3A_709 = arith.addf %parallel_loop3A_682, %parallel_loop3A_690 : vector<16xf32>
        %parallel_loop3A_710 = arith.addf %parallel_loop3A_698, %parallel_loop3A_706 : vector<16xf32>
        %parallel_loop3A_711 = arith.addf %parallel_loop3A_707, %parallel_loop3A_708 : vector<16xf32>
        %parallel_loop3A_712 = arith.addf %parallel_loop3A_709, %parallel_loop3A_710 : vector<16xf32>
        %parallel_loop3A_713 = arith.addf %parallel_loop3A_711, %parallel_loop3A_712 : vector<16xf32>
        %parallel_loop3A_714 = vector.shape_cast %xor3A_113 : vector<16xi32> to vector<16x1xi32>
        %parallel_loop3A_715 = vector.shape_cast %parallel_loop3A_714 : vector<16x1xi32> to vector<16xi32>
        %parallel_loop3A_716 = tpu.dynamic_gather %parallel_loop3A_713[%parallel_loop3A_715] in [0] : vector<16xf32>, vector<16xi32> -> vector<16xf32>
        %parallel_loop3A_717 = arith.addf %parallel_loop3A_713, %parallel_loop3A_716 : vector<16xf32>
        %parallel_loop3A_718 = vector.shape_cast %xor3A_116 : vector<16xi32> to vector<16x1xi32>
        %parallel_loop3A_719 = vector.shape_cast %parallel_loop3A_718 : vector<16x1xi32> to vector<16xi32>
        %parallel_loop3A_720 = tpu.dynamic_gather %parallel_loop3A_717[%parallel_loop3A_719] in [0] : vector<16xf32>, vector<16xi32> -> vector<16xf32>
        %parallel_loop3A_721 = arith.addf %parallel_loop3A_717, %parallel_loop3A_720 : vector<16xf32>
        %parallel_loop3A_722 = vector.shape_cast %xor3A_119 : vector<16xi32> to vector<16x1xi32>
        %parallel_loop3A_723 = vector.shape_cast %parallel_loop3A_722 : vector<16x1xi32> to vector<16xi32>
        %parallel_loop3A_724 = tpu.dynamic_gather %parallel_loop3A_721[%parallel_loop3A_723] in [0] : vector<16xf32>, vector<16xi32> -> vector<16xf32>
        %parallel_loop3A_725 = arith.addf %parallel_loop3A_721, %parallel_loop3A_724 : vector<16xf32>
        %parallel_loop3A_726 = vector.shape_cast %xor3A_122 : vector<16xi32> to vector<16x1xi32>
        %parallel_loop3A_727 = vector.shape_cast %parallel_loop3A_726 : vector<16x1xi32> to vector<16xi32>
        %parallel_loop3A_728 = tpu.dynamic_gather %parallel_loop3A_725[%parallel_loop3A_727] in [0] : vector<16xf32>, vector<16xi32> -> vector<16xf32>
        %parallel_loop3A_729 = arith.addf %parallel_loop3A_725, %parallel_loop3A_728 : vector<16xf32>
        %parallel_loop3A_730 = arith.constant 5 : i32
        %parallel_loop3A_731 = vector.broadcast %parallel_loop3A_730 : i32 to vector<16xi32>
        %parallel_loop3A_732 = arith.cmpi eq, %iota3A_110, %parallel_loop3A_731 : vector<16xi32>
        %parallel_loop3A_733 = arith.select %parallel_loop3A_732, %parallel_loop3A_729, %parallel_loop3A_642 : vector<16xi1>, vector<16xf32>
        %parallel_loop3A_734 = arith.constant 16 : i32
        %parallel_loop3A_735 = arith.muli %add3A_94, %parallel_loop3A_734 : i32
        %parallel_loop3A_736 = arith.addi %parallel_loop3A_735, %parallel_loop3A_159 : i32
        %parallel_loop3A_737 = arith.constant 16 : i32
        %parallel_loop3A_738 = arith.muli %parallel_loop3A_736, %parallel_loop3A_737 : i32
        %parallel_loop3A_739 = arith.index_cast %parallel_loop3A_738 : i32 to index
        %parallel_loop3A_740 = tpu.vector_load %arg10[%parallel_loop3A_739] {strides = array<i32>} : memref<49152xf32, #tpu.memory_space<vmem>>, vector<16xf32>,
        tpu.vector_store %arg10[%parallel_loop3A_739], %parallel_loop3A_733 {strides = array<i32>} : memref<49152xf32, #tpu.memory_space<vmem>>, vector<16xf32>,
      } {sc.loop_unroll_factor = 2 : i64, sc.parallel_access}
      %add3A_126 = arith.constant 3 : i32
      %add3A_127 = arith.addi %mul3A_34, %add3A_126 : i32
      %add3A_128 = arith.constant 4 : i32
      %add3A_129 = arith.addi %add3A_127, %add3A_128 : i32
      %sub3A_130 = arith.constant 1 : i32
      %sub3A_131 = arith.subi %add3A_129, %sub3A_130 : i32
      %lt3A_132 = arith.constant 192 : i32
      %lt3A_133 = arith.cmpi slt, %sub3A_131, %lt3A_132 : i32
      %convert_element_type3A_134 = arith.extui %lt3A_133 : i1 to i32
      %cond3A_135 = arith.constant 0 : i32
      %cond3A_136 = arith.cmpi ne, %convert_element_type3A_134, %cond3A_135 : i32
      scf.if %cond3A_136 {
        %dma_start3A_159 = arith.constant 0 : i32
        %dma_start3A_160 = tpu.memref_slice %arg5[%sub3A_131, %dma_start3A_159] : memref<192x112xi32, #tpu.memory_space<vmem>> -> memref<1x112xi32, #tpu.memory_space<vmem>>
        %dma_start3A_161 = tpu.memref_squeeze %dma_start3A_160 : memref<1x112xi32, #tpu.memory_space<vmem>> -> memref<112xi32, #tpu.memory_space<vmem>>
        %dma_start3A_162 = arith.constant 0 : i32
        %dma_start3A_163 = arith.constant 0 : i32
        %dma_start3A_164 = tpu.memref_slice %arg3[%dma_start3A_162, %dma_start3A_163] : memref<100000x128xf32, #tpu.memory_space<hbm>> -> memref<100000x128xf32, #tpu.memory_space<hbm>>
        tpu.enqueue_indirect_dma source(%dma_start3A_164 : memref<100000x128xf32, #tpu.memory_space<hbm>>) target(%arg8 : memref<112x128xf32, #tpu.memory_space<vmem>>) offsets(%dma_start3A_161 : memref<112xi32, #tpu.memory_space<vmem>>) semaphore(%arg13 : memref<!tpu.dma_semaphore, #tpu.memory_space<semaphore_mem>>)
      } else {
      }
      %dma_wait3A_137 = arith.constant 0 : i32
      %dma_wait3A_138 = tpu.memref_slice %arg5[%add3A_127, %dma_wait3A_137] : memref<192x112xi32, #tpu.memory_space<vmem>> -> memref<1x112xi32, #tpu.memory_space<vmem>>
      %dma_wait3A_139 = tpu.memref_squeeze %dma_wait3A_138 : memref<1x112xi32, #tpu.memory_space<vmem>> -> memref<112xi32, #tpu.memory_space<vmem>>
      %dma_wait3A_140 = arith.constant 0 : i32
      %dma_wait3A_141 = arith.constant 0 : i32
      %dma_wait3A_142 = tpu.memref_slice %arg3[%dma_wait3A_140, %dma_wait3A_141] : memref<100000x128xf32, #tpu.memory_space<hbm>> -> memref<100000x128xf32, #tpu.memory_space<hbm>>
      tpu.wait_indirect_dma semaphore(%arg14 : memref<!tpu.dma_semaphore, #tpu.memory_space<semaphore_mem>>) src(%dma_wait3A_142 : memref<100000x128xf32, #tpu.memory_space<hbm>>) dst(%arg9 : memref<112x128xf32, #tpu.memory_space<vmem>>)
      %iota3A_143 = tpu.iota {dimensions = array<i32: 0>} : vector<16xi32>
      %xor3A_144 = arith.constant 8 : i32
      %xor3A_145 = vector.broadcast %xor3A_144 : i32 to vector<16xi32>
      %xor3A_146 = arith.xori %iota3A_143, %xor3A_145 : vector<16xi32>
      %xor3A_147 = arith.constant 4 : i32
      %xor3A_148 = vector.broadcast %xor3A_147 : i32 to vector<16xi32>
      %xor3A_149 = arith.xori %iota3A_143, %xor3A_148 : vector<16xi32>
      %xor3A_150 = arith.constant 2 : i32
      %xor3A_151 = vector.broadcast %xor3A_150 : i32 to vector<16xi32>
      %xor3A_152 = arith.xori %iota3A_143, %xor3A_151 : vector<16xi32>
      %xor3A_153 = arith.constant 1 : i32
      %xor3A_154 = vector.broadcast %xor3A_153 : i32 to vector<16xi32>
      %xor3A_155 = arith.xori %iota3A_143, %xor3A_154 : vector<16xi32>
      %parallel_loop3A_156 = arith.constant 0 : i32
      %parallel_loop3A_157 = arith.constant 16 : i32
      %parallel_loop3A_158 = arith.constant 1 : i32
      scf.for %parallel_loop3A_159 = %parallel_loop3A_156 to %parallel_loop3A_157 step %parallel_loop3A_158  : i32 {
        %parallel_loop3A_160 = arith.constant 7 : i32
        %parallel_loop3A_161 = arith.muli %parallel_loop3A_159, %parallel_loop3A_160 : i32
        %parallel_loop3A_162 = arith.index_cast %parallel_loop3A_161 : i32 to index
        %parallel_loop3A_163 = arith.constant 0 : index
        %parallel_loop3A_164 = tpu.vector_load %arg9[%parallel_loop3A_162, %parallel_loop3A_163] {strides = array<i32>} : memref<112x128xf32, #tpu.memory_space<vmem>>, vector<16xf32>,
        %parallel_loop3A_165 = arith.index_cast %parallel_loop3A_161 : i32 to index
        %parallel_loop3A_166 = arith.constant 16 : index
        %parallel_loop3A_167 = tpu.vector_load %arg9[%parallel_loop3A_165, %parallel_loop3A_166] {strides = array<i32>} : memref<112x128xf32, #tpu.memory_space<vmem>>, vector<16xf32>,
        %parallel_loop3A_168 = arith.index_cast %parallel_loop3A_161 : i32 to index
        %parallel_loop3A_169 = arith.constant 32 : index
        %parallel_loop3A_170 = tpu.vector_load %arg9[%parallel_loop3A_168, %parallel_loop3A_169] {strides = array<i32>} : memref<112x128xf32, #tpu.memory_space<vmem>>, vector<16xf32>,
        %parallel_loop3A_171 = arith.index_cast %parallel_loop3A_161 : i32 to index
        %parallel_loop3A_172 = arith.constant 48 : index
        %parallel_loop3A_173 = tpu.vector_load %arg9[%parallel_loop3A_171, %parallel_loop3A_172] {strides = array<i32>} : memref<112x128xf32, #tpu.memory_space<vmem>>, vector<16xf32>,
        %parallel_loop3A_174 = arith.index_cast %parallel_loop3A_161 : i32 to index
        %parallel_loop3A_175 = arith.constant 64 : index
        %parallel_loop3A_176 = tpu.vector_load %arg9[%parallel_loop3A_174, %parallel_loop3A_175] {strides = array<i32>} : memref<112x128xf32, #tpu.memory_space<vmem>>, vector<16xf32>,
        %parallel_loop3A_177 = arith.index_cast %parallel_loop3A_161 : i32 to index
        %parallel_loop3A_178 = arith.constant 80 : index
        %parallel_loop3A_179 = tpu.vector_load %arg9[%parallel_loop3A_177, %parallel_loop3A_178] {strides = array<i32>} : memref<112x128xf32, #tpu.memory_space<vmem>>, vector<16xf32>,
        %parallel_loop3A_180 = arith.index_cast %parallel_loop3A_161 : i32 to index
        %parallel_loop3A_181 = arith.constant 96 : index
        %parallel_loop3A_182 = tpu.vector_load %arg9[%parallel_loop3A_180, %parallel_loop3A_181] {strides = array<i32>} : memref<112x128xf32, #tpu.memory_space<vmem>>, vector<16xf32>,
        %parallel_loop3A_183 = arith.index_cast %parallel_loop3A_161 : i32 to index
        %parallel_loop3A_184 = arith.constant 112 : index
        %parallel_loop3A_185 = tpu.vector_load %arg9[%parallel_loop3A_183, %parallel_loop3A_184] {strides = array<i32>} : memref<112x128xf32, #tpu.memory_space<vmem>>, vector<16xf32>,
        %parallel_loop3A_186 = arith.constant 0.000000e+00 : f32
        %parallel_loop3A_187 = vector.broadcast %parallel_loop3A_186 : f32 to vector<16xf32>
        %parallel_loop3A_188 = arith.constant 1 : i32
        %parallel_loop3A_189 = arith.addi %parallel_loop3A_161, %parallel_loop3A_188 : i32
        %parallel_loop3A_190 = arith.constant 0 : i32
        %parallel_loop3A_191 = arith.addi %parallel_loop3A_189, %parallel_loop3A_190 : i32
        %parallel_loop3A_192 = arith.index_cast %parallel_loop3A_191 : i32 to index
        %parallel_loop3A_193 = arith.constant 0 : index
        %parallel_loop3A_194 = tpu.vector_load %arg9[%parallel_loop3A_192, %parallel_loop3A_193] {strides = array<i32>} : memref<112x128xf32, #tpu.memory_space<vmem>>, vector<16xf32>,
        %parallel_loop3A_195 = arith.mulf %parallel_loop3A_164, %parallel_loop3A_194 : vector<16xf32>
        %parallel_loop3A_196 = arith.constant 1 : i32
        %parallel_loop3A_197 = arith.addi %parallel_loop3A_161, %parallel_loop3A_196 : i32
        %parallel_loop3A_198 = arith.constant 0 : i32
        %parallel_loop3A_199 = arith.addi %parallel_loop3A_197, %parallel_loop3A_198 : i32
        %parallel_loop3A_200 = arith.index_cast %parallel_loop3A_199 : i32 to index
        %parallel_loop3A_201 = arith.constant 16 : index
        %parallel_loop3A_202 = tpu.vector_load %arg9[%parallel_loop3A_200, %parallel_loop3A_201] {strides = array<i32>} : memref<112x128xf32, #tpu.memory_space<vmem>>, vector<16xf32>,
        %parallel_loop3A_203 = arith.mulf %parallel_loop3A_167, %parallel_loop3A_202 : vector<16xf32>
        %parallel_loop3A_204 = arith.constant 1 : i32
        %parallel_loop3A_205 = arith.addi %parallel_loop3A_161, %parallel_loop3A_204 : i32
        %parallel_loop3A_206 = arith.constant 0 : i32
        %parallel_loop3A_207 = arith.addi %parallel_loop3A_205, %parallel_loop3A_206 : i32
        %parallel_loop3A_208 = arith.index_cast %parallel_loop3A_207 : i32 to index
        %parallel_loop3A_209 = arith.constant 32 : index
        %parallel_loop3A_210 = tpu.vector_load %arg9[%parallel_loop3A_208, %parallel_loop3A_209] {strides = array<i32>} : memref<112x128xf32, #tpu.memory_space<vmem>>, vector<16xf32>,
        %parallel_loop3A_211 = arith.mulf %parallel_loop3A_170, %parallel_loop3A_210 : vector<16xf32>
        %parallel_loop3A_212 = arith.constant 1 : i32
        %parallel_loop3A_213 = arith.addi %parallel_loop3A_161, %parallel_loop3A_212 : i32
        %parallel_loop3A_214 = arith.constant 0 : i32
        %parallel_loop3A_215 = arith.addi %parallel_loop3A_213, %parallel_loop3A_214 : i32
        %parallel_loop3A_216 = arith.index_cast %parallel_loop3A_215 : i32 to index
        %parallel_loop3A_217 = arith.constant 48 : index
        %parallel_loop3A_218 = tpu.vector_load %arg9[%parallel_loop3A_216, %parallel_loop3A_217] {strides = array<i32>} : memref<112x128xf32, #tpu.memory_space<vmem>>, vector<16xf32>,
        %parallel_loop3A_219 = arith.mulf %parallel_loop3A_173, %parallel_loop3A_218 : vector<16xf32>
        %parallel_loop3A_220 = arith.constant 1 : i32
        %parallel_loop3A_221 = arith.addi %parallel_loop3A_161, %parallel_loop3A_220 : i32
        %parallel_loop3A_222 = arith.constant 0 : i32
        %parallel_loop3A_223 = arith.addi %parallel_loop3A_221, %parallel_loop3A_222 : i32
        %parallel_loop3A_224 = arith.index_cast %parallel_loop3A_223 : i32 to index
        %parallel_loop3A_225 = arith.constant 64 : index
        %parallel_loop3A_226 = tpu.vector_load %arg9[%parallel_loop3A_224, %parallel_loop3A_225] {strides = array<i32>} : memref<112x128xf32, #tpu.memory_space<vmem>>, vector<16xf32>,
        %parallel_loop3A_227 = arith.mulf %parallel_loop3A_176, %parallel_loop3A_226 : vector<16xf32>
        %parallel_loop3A_228 = arith.constant 1 : i32
        %parallel_loop3A_229 = arith.addi %parallel_loop3A_161, %parallel_loop3A_228 : i32
        %parallel_loop3A_230 = arith.constant 0 : i32
        %parallel_loop3A_231 = arith.addi %parallel_loop3A_229, %parallel_loop3A_230 : i32
        %parallel_loop3A_232 = arith.index_cast %parallel_loop3A_231 : i32 to index
        %parallel_loop3A_233 = arith.constant 80 : index
        %parallel_loop3A_234 = tpu.vector_load %arg9[%parallel_loop3A_232, %parallel_loop3A_233] {strides = array<i32>} : memref<112x128xf32, #tpu.memory_space<vmem>>, vector<16xf32>,
        %parallel_loop3A_235 = arith.mulf %parallel_loop3A_179, %parallel_loop3A_234 : vector<16xf32>
        %parallel_loop3A_236 = arith.constant 1 : i32
        %parallel_loop3A_237 = arith.addi %parallel_loop3A_161, %parallel_loop3A_236 : i32
        %parallel_loop3A_238 = arith.constant 0 : i32
        %parallel_loop3A_239 = arith.addi %parallel_loop3A_237, %parallel_loop3A_238 : i32
        %parallel_loop3A_240 = arith.index_cast %parallel_loop3A_239 : i32 to index
        %parallel_loop3A_241 = arith.constant 96 : index
        %parallel_loop3A_242 = tpu.vector_load %arg9[%parallel_loop3A_240, %parallel_loop3A_241] {strides = array<i32>} : memref<112x128xf32, #tpu.memory_space<vmem>>, vector<16xf32>,
        %parallel_loop3A_243 = arith.mulf %parallel_loop3A_182, %parallel_loop3A_242 : vector<16xf32>
        %parallel_loop3A_244 = arith.constant 1 : i32
        %parallel_loop3A_245 = arith.addi %parallel_loop3A_161, %parallel_loop3A_244 : i32
        %parallel_loop3A_246 = arith.constant 0 : i32
        %parallel_loop3A_247 = arith.addi %parallel_loop3A_245, %parallel_loop3A_246 : i32
        %parallel_loop3A_248 = arith.index_cast %parallel_loop3A_247 : i32 to index
        %parallel_loop3A_249 = arith.constant 112 : index
        %parallel_loop3A_250 = tpu.vector_load %arg9[%parallel_loop3A_248, %parallel_loop3A_249] {strides = array<i32>} : memref<112x128xf32, #tpu.memory_space<vmem>>, vector<16xf32>,
        %parallel_loop3A_251 = arith.mulf %parallel_loop3A_185, %parallel_loop3A_250 : vector<16xf32>
        %parallel_loop3A_252 = arith.addf %parallel_loop3A_195, %parallel_loop3A_203 : vector<16xf32>
        %parallel_loop3A_253 = arith.addf %parallel_loop3A_211, %parallel_loop3A_219 : vector<16xf32>
        %parallel_loop3A_254 = arith.addf %parallel_loop3A_227, %parallel_loop3A_235 : vector<16xf32>
        %parallel_loop3A_255 = arith.addf %parallel_loop3A_243, %parallel_loop3A_251 : vector<16xf32>
        %parallel_loop3A_256 = arith.addf %parallel_loop3A_252, %parallel_loop3A_253 : vector<16xf32>
        %parallel_loop3A_257 = arith.addf %parallel_loop3A_254, %parallel_loop3A_255 : vector<16xf32>
        %parallel_loop3A_258 = arith.addf %parallel_loop3A_256, %parallel_loop3A_257 : vector<16xf32>
        %parallel_loop3A_259 = vector.shape_cast %xor3A_146 : vector<16xi32> to vector<16x1xi32>
        %parallel_loop3A_260 = vector.shape_cast %parallel_loop3A_259 : vector<16x1xi32> to vector<16xi32>
        %parallel_loop3A_261 = tpu.dynamic_gather %parallel_loop3A_258[%parallel_loop3A_260] in [0] : vector<16xf32>, vector<16xi32> -> vector<16xf32>
        %parallel_loop3A_262 = arith.addf %parallel_loop3A_258, %parallel_loop3A_261 : vector<16xf32>
        %parallel_loop3A_263 = vector.shape_cast %xor3A_149 : vector<16xi32> to vector<16x1xi32>
        %parallel_loop3A_264 = vector.shape_cast %parallel_loop3A_263 : vector<16x1xi32> to vector<16xi32>
        %parallel_loop3A_265 = tpu.dynamic_gather %parallel_loop3A_262[%parallel_loop3A_264] in [0] : vector<16xf32>, vector<16xi32> -> vector<16xf32>
        %parallel_loop3A_266 = arith.addf %parallel_loop3A_262, %parallel_loop3A_265 : vector<16xf32>
        %parallel_loop3A_267 = vector.shape_cast %xor3A_152 : vector<16xi32> to vector<16x1xi32>
        %parallel_loop3A_268 = vector.shape_cast %parallel_loop3A_267 : vector<16x1xi32> to vector<16xi32>
        %parallel_loop3A_269 = tpu.dynamic_gather %parallel_loop3A_266[%parallel_loop3A_268] in [0] : vector<16xf32>, vector<16xi32> -> vector<16xf32>
        %parallel_loop3A_270 = arith.addf %parallel_loop3A_266, %parallel_loop3A_269 : vector<16xf32>
        %parallel_loop3A_271 = vector.shape_cast %xor3A_155 : vector<16xi32> to vector<16x1xi32>
        %parallel_loop3A_272 = vector.shape_cast %parallel_loop3A_271 : vector<16x1xi32> to vector<16xi32>
        %parallel_loop3A_273 = tpu.dynamic_gather %parallel_loop3A_270[%parallel_loop3A_272] in [0] : vector<16xf32>, vector<16xi32> -> vector<16xf32>
        %parallel_loop3A_274 = arith.addf %parallel_loop3A_270, %parallel_loop3A_273 : vector<16xf32>
        %parallel_loop3A_275 = arith.constant 0 : i32
        %parallel_loop3A_276 = vector.broadcast %parallel_loop3A_275 : i32 to vector<16xi32>
        %parallel_loop3A_277 = arith.cmpi eq, %iota3A_143, %parallel_loop3A_276 : vector<16xi32>
        %parallel_loop3A_278 = arith.select %parallel_loop3A_277, %parallel_loop3A_274, %parallel_loop3A_187 : vector<16xi1>, vector<16xf32>
        %parallel_loop3A_279 = arith.constant 1 : i32
        %parallel_loop3A_280 = arith.addi %parallel_loop3A_161, %parallel_loop3A_279 : i32
        %parallel_loop3A_281 = arith.constant 1 : i32
        %parallel_loop3A_282 = arith.addi %parallel_loop3A_280, %parallel_loop3A_281 : i32
        %parallel_loop3A_283 = arith.index_cast %parallel_loop3A_282 : i32 to index
        %parallel_loop3A_284 = arith.constant 0 : index
        %parallel_loop3A_285 = tpu.vector_load %arg9[%parallel_loop3A_283, %parallel_loop3A_284] {strides = array<i32>} : memref<112x128xf32, #tpu.memory_space<vmem>>, vector<16xf32>,
        %parallel_loop3A_286 = arith.mulf %parallel_loop3A_164, %parallel_loop3A_285 : vector<16xf32>
        %parallel_loop3A_287 = arith.constant 1 : i32
        %parallel_loop3A_288 = arith.addi %parallel_loop3A_161, %parallel_loop3A_287 : i32
        %parallel_loop3A_289 = arith.constant 1 : i32
        %parallel_loop3A_290 = arith.addi %parallel_loop3A_288, %parallel_loop3A_289 : i32
        %parallel_loop3A_291 = arith.index_cast %parallel_loop3A_290 : i32 to index
        %parallel_loop3A_292 = arith.constant 16 : index
        %parallel_loop3A_293 = tpu.vector_load %arg9[%parallel_loop3A_291, %parallel_loop3A_292] {strides = array<i32>} : memref<112x128xf32, #tpu.memory_space<vmem>>, vector<16xf32>,
        %parallel_loop3A_294 = arith.mulf %parallel_loop3A_167, %parallel_loop3A_293 : vector<16xf32>
        %parallel_loop3A_295 = arith.constant 1 : i32
        %parallel_loop3A_296 = arith.addi %parallel_loop3A_161, %parallel_loop3A_295 : i32
        %parallel_loop3A_297 = arith.constant 1 : i32
        %parallel_loop3A_298 = arith.addi %parallel_loop3A_296, %parallel_loop3A_297 : i32
        %parallel_loop3A_299 = arith.index_cast %parallel_loop3A_298 : i32 to index
        %parallel_loop3A_300 = arith.constant 32 : index
        %parallel_loop3A_301 = tpu.vector_load %arg9[%parallel_loop3A_299, %parallel_loop3A_300] {strides = array<i32>} : memref<112x128xf32, #tpu.memory_space<vmem>>, vector<16xf32>,
        %parallel_loop3A_302 = arith.mulf %parallel_loop3A_170, %parallel_loop3A_301 : vector<16xf32>
        %parallel_loop3A_303 = arith.constant 1 : i32
        %parallel_loop3A_304 = arith.addi %parallel_loop3A_161, %parallel_loop3A_303 : i32
        %parallel_loop3A_305 = arith.constant 1 : i32
        %parallel_loop3A_306 = arith.addi %parallel_loop3A_304, %parallel_loop3A_305 : i32
        %parallel_loop3A_307 = arith.index_cast %parallel_loop3A_306 : i32 to index
        %parallel_loop3A_308 = arith.constant 48 : index
        %parallel_loop3A_309 = tpu.vector_load %arg9[%parallel_loop3A_307, %parallel_loop3A_308] {strides = array<i32>} : memref<112x128xf32, #tpu.memory_space<vmem>>, vector<16xf32>,
        %parallel_loop3A_310 = arith.mulf %parallel_loop3A_173, %parallel_loop3A_309 : vector<16xf32>
        %parallel_loop3A_311 = arith.constant 1 : i32
        %parallel_loop3A_312 = arith.addi %parallel_loop3A_161, %parallel_loop3A_311 : i32
        %parallel_loop3A_313 = arith.constant 1 : i32
        %parallel_loop3A_314 = arith.addi %parallel_loop3A_312, %parallel_loop3A_313 : i32
        %parallel_loop3A_315 = arith.index_cast %parallel_loop3A_314 : i32 to index
        %parallel_loop3A_316 = arith.constant 64 : index
        %parallel_loop3A_317 = tpu.vector_load %arg9[%parallel_loop3A_315, %parallel_loop3A_316] {strides = array<i32>} : memref<112x128xf32, #tpu.memory_space<vmem>>, vector<16xf32>,
        %parallel_loop3A_318 = arith.mulf %parallel_loop3A_176, %parallel_loop3A_317 : vector<16xf32>
        %parallel_loop3A_319 = arith.constant 1 : i32
        %parallel_loop3A_320 = arith.addi %parallel_loop3A_161, %parallel_loop3A_319 : i32
        %parallel_loop3A_321 = arith.constant 1 : i32
        %parallel_loop3A_322 = arith.addi %parallel_loop3A_320, %parallel_loop3A_321 : i32
        %parallel_loop3A_323 = arith.index_cast %parallel_loop3A_322 : i32 to index
        %parallel_loop3A_324 = arith.constant 80 : index
        %parallel_loop3A_325 = tpu.vector_load %arg9[%parallel_loop3A_323, %parallel_loop3A_324] {strides = array<i32>} : memref<112x128xf32, #tpu.memory_space<vmem>>, vector<16xf32>,
        %parallel_loop3A_326 = arith.mulf %parallel_loop3A_179, %parallel_loop3A_325 : vector<16xf32>
        %parallel_loop3A_327 = arith.constant 1 : i32
        %parallel_loop3A_328 = arith.addi %parallel_loop3A_161, %parallel_loop3A_327 : i32
        %parallel_loop3A_329 = arith.constant 1 : i32
        %parallel_loop3A_330 = arith.addi %parallel_loop3A_328, %parallel_loop3A_329 : i32
        %parallel_loop3A_331 = arith.index_cast %parallel_loop3A_330 : i32 to index
        %parallel_loop3A_332 = arith.constant 96 : index
        %parallel_loop3A_333 = tpu.vector_load %arg9[%parallel_loop3A_331, %parallel_loop3A_332] {strides = array<i32>} : memref<112x128xf32, #tpu.memory_space<vmem>>, vector<16xf32>,
        %parallel_loop3A_334 = arith.mulf %parallel_loop3A_182, %parallel_loop3A_333 : vector<16xf32>
        %parallel_loop3A_335 = arith.constant 1 : i32
        %parallel_loop3A_336 = arith.addi %parallel_loop3A_161, %parallel_loop3A_335 : i32
        %parallel_loop3A_337 = arith.constant 1 : i32
        %parallel_loop3A_338 = arith.addi %parallel_loop3A_336, %parallel_loop3A_337 : i32
        %parallel_loop3A_339 = arith.index_cast %parallel_loop3A_338 : i32 to index
        %parallel_loop3A_340 = arith.constant 112 : index
        %parallel_loop3A_341 = tpu.vector_load %arg9[%parallel_loop3A_339, %parallel_loop3A_340] {strides = array<i32>} : memref<112x128xf32, #tpu.memory_space<vmem>>, vector<16xf32>,
        %parallel_loop3A_342 = arith.mulf %parallel_loop3A_185, %parallel_loop3A_341 : vector<16xf32>
        %parallel_loop3A_343 = arith.addf %parallel_loop3A_286, %parallel_loop3A_294 : vector<16xf32>
        %parallel_loop3A_344 = arith.addf %parallel_loop3A_302, %parallel_loop3A_310 : vector<16xf32>
        %parallel_loop3A_345 = arith.addf %parallel_loop3A_318, %parallel_loop3A_326 : vector<16xf32>
        %parallel_loop3A_346 = arith.addf %parallel_loop3A_334, %parallel_loop3A_342 : vector<16xf32>
        %parallel_loop3A_347 = arith.addf %parallel_loop3A_343, %parallel_loop3A_344 : vector<16xf32>
        %parallel_loop3A_348 = arith.addf %parallel_loop3A_345, %parallel_loop3A_346 : vector<16xf32>
        %parallel_loop3A_349 = arith.addf %parallel_loop3A_347, %parallel_loop3A_348 : vector<16xf32>
        %parallel_loop3A_350 = vector.shape_cast %xor3A_146 : vector<16xi32> to vector<16x1xi32>
        %parallel_loop3A_351 = vector.shape_cast %parallel_loop3A_350 : vector<16x1xi32> to vector<16xi32>
        %parallel_loop3A_352 = tpu.dynamic_gather %parallel_loop3A_349[%parallel_loop3A_351] in [0] : vector<16xf32>, vector<16xi32> -> vector<16xf32>
        %parallel_loop3A_353 = arith.addf %parallel_loop3A_349, %parallel_loop3A_352 : vector<16xf32>
        %parallel_loop3A_354 = vector.shape_cast %xor3A_149 : vector<16xi32> to vector<16x1xi32>
        %parallel_loop3A_355 = vector.shape_cast %parallel_loop3A_354 : vector<16x1xi32> to vector<16xi32>
        %parallel_loop3A_356 = tpu.dynamic_gather %parallel_loop3A_353[%parallel_loop3A_355] in [0] : vector<16xf32>, vector<16xi32> -> vector<16xf32>
        %parallel_loop3A_357 = arith.addf %parallel_loop3A_353, %parallel_loop3A_356 : vector<16xf32>
        %parallel_loop3A_358 = vector.shape_cast %xor3A_152 : vector<16xi32> to vector<16x1xi32>
        %parallel_loop3A_359 = vector.shape_cast %parallel_loop3A_358 : vector<16x1xi32> to vector<16xi32>
        %parallel_loop3A_360 = tpu.dynamic_gather %parallel_loop3A_357[%parallel_loop3A_359] in [0] : vector<16xf32>, vector<16xi32> -> vector<16xf32>
        %parallel_loop3A_361 = arith.addf %parallel_loop3A_357, %parallel_loop3A_360 : vector<16xf32>
        %parallel_loop3A_362 = vector.shape_cast %xor3A_155 : vector<16xi32> to vector<16x1xi32>
        %parallel_loop3A_363 = vector.shape_cast %parallel_loop3A_362 : vector<16x1xi32> to vector<16xi32>
        %parallel_loop3A_364 = tpu.dynamic_gather %parallel_loop3A_361[%parallel_loop3A_363] in [0] : vector<16xf32>, vector<16xi32> -> vector<16xf32>
        %parallel_loop3A_365 = arith.addf %parallel_loop3A_361, %parallel_loop3A_364 : vector<16xf32>
        %parallel_loop3A_366 = arith.constant 1 : i32
        %parallel_loop3A_367 = vector.broadcast %parallel_loop3A_366 : i32 to vector<16xi32>
        %parallel_loop3A_368 = arith.cmpi eq, %iota3A_143, %parallel_loop3A_367 : vector<16xi32>
        %parallel_loop3A_369 = arith.select %parallel_loop3A_368, %parallel_loop3A_365, %parallel_loop3A_278 : vector<16xi1>, vector<16xf32>
        %parallel_loop3A_370 = arith.constant 1 : i32
        %parallel_loop3A_371 = arith.addi %parallel_loop3A_161, %parallel_loop3A_370 : i32
        %parallel_loop3A_372 = arith.constant 2 : i32
        %parallel_loop3A_373 = arith.addi %parallel_loop3A_371, %parallel_loop3A_372 : i32
        %parallel_loop3A_374 = arith.index_cast %parallel_loop3A_373 : i32 to index
        %parallel_loop3A_375 = arith.constant 0 : index
        %parallel_loop3A_376 = tpu.vector_load %arg9[%parallel_loop3A_374, %parallel_loop3A_375] {strides = array<i32>} : memref<112x128xf32, #tpu.memory_space<vmem>>, vector<16xf32>,
        %parallel_loop3A_377 = arith.mulf %parallel_loop3A_164, %parallel_loop3A_376 : vector<16xf32>
        %parallel_loop3A_378 = arith.constant 1 : i32
        %parallel_loop3A_379 = arith.addi %parallel_loop3A_161, %parallel_loop3A_378 : i32
        %parallel_loop3A_380 = arith.constant 2 : i32
        %parallel_loop3A_381 = arith.addi %parallel_loop3A_379, %parallel_loop3A_380 : i32
        %parallel_loop3A_382 = arith.index_cast %parallel_loop3A_381 : i32 to index
        %parallel_loop3A_383 = arith.constant 16 : index
        %parallel_loop3A_384 = tpu.vector_load %arg9[%parallel_loop3A_382, %parallel_loop3A_383] {strides = array<i32>} : memref<112x128xf32, #tpu.memory_space<vmem>>, vector<16xf32>,
        %parallel_loop3A_385 = arith.mulf %parallel_loop3A_167, %parallel_loop3A_384 : vector<16xf32>
        %parallel_loop3A_386 = arith.constant 1 : i32
        %parallel_loop3A_387 = arith.addi %parallel_loop3A_161, %parallel_loop3A_386 : i32
        %parallel_loop3A_388 = arith.constant 2 : i32
        %parallel_loop3A_389 = arith.addi %parallel_loop3A_387, %parallel_loop3A_388 : i32
        %parallel_loop3A_390 = arith.index_cast %parallel_loop3A_389 : i32 to index
        %parallel_loop3A_391 = arith.constant 32 : index
        %parallel_loop3A_392 = tpu.vector_load %arg9[%parallel_loop3A_390, %parallel_loop3A_391] {strides = array<i32>} : memref<112x128xf32, #tpu.memory_space<vmem>>, vector<16xf32>,
        %parallel_loop3A_393 = arith.mulf %parallel_loop3A_170, %parallel_loop3A_392 : vector<16xf32>
        %parallel_loop3A_394 = arith.constant 1 : i32
        %parallel_loop3A_395 = arith.addi %parallel_loop3A_161, %parallel_loop3A_394 : i32
        %parallel_loop3A_396 = arith.constant 2 : i32
        %parallel_loop3A_397 = arith.addi %parallel_loop3A_395, %parallel_loop3A_396 : i32
        %parallel_loop3A_398 = arith.index_cast %parallel_loop3A_397 : i32 to index
        %parallel_loop3A_399 = arith.constant 48 : index
        %parallel_loop3A_400 = tpu.vector_load %arg9[%parallel_loop3A_398, %parallel_loop3A_399] {strides = array<i32>} : memref<112x128xf32, #tpu.memory_space<vmem>>, vector<16xf32>,
        %parallel_loop3A_401 = arith.mulf %parallel_loop3A_173, %parallel_loop3A_400 : vector<16xf32>
        %parallel_loop3A_402 = arith.constant 1 : i32
        %parallel_loop3A_403 = arith.addi %parallel_loop3A_161, %parallel_loop3A_402 : i32
        %parallel_loop3A_404 = arith.constant 2 : i32
        %parallel_loop3A_405 = arith.addi %parallel_loop3A_403, %parallel_loop3A_404 : i32
        %parallel_loop3A_406 = arith.index_cast %parallel_loop3A_405 : i32 to index
        %parallel_loop3A_407 = arith.constant 64 : index
        %parallel_loop3A_408 = tpu.vector_load %arg9[%parallel_loop3A_406, %parallel_loop3A_407] {strides = array<i32>} : memref<112x128xf32, #tpu.memory_space<vmem>>, vector<16xf32>,
        %parallel_loop3A_409 = arith.mulf %parallel_loop3A_176, %parallel_loop3A_408 : vector<16xf32>
        %parallel_loop3A_410 = arith.constant 1 : i32
        %parallel_loop3A_411 = arith.addi %parallel_loop3A_161, %parallel_loop3A_410 : i32
        %parallel_loop3A_412 = arith.constant 2 : i32
        %parallel_loop3A_413 = arith.addi %parallel_loop3A_411, %parallel_loop3A_412 : i32
        %parallel_loop3A_414 = arith.index_cast %parallel_loop3A_413 : i32 to index
        %parallel_loop3A_415 = arith.constant 80 : index
        %parallel_loop3A_416 = tpu.vector_load %arg9[%parallel_loop3A_414, %parallel_loop3A_415] {strides = array<i32>} : memref<112x128xf32, #tpu.memory_space<vmem>>, vector<16xf32>,
        %parallel_loop3A_417 = arith.mulf %parallel_loop3A_179, %parallel_loop3A_416 : vector<16xf32>
        %parallel_loop3A_418 = arith.constant 1 : i32
        %parallel_loop3A_419 = arith.addi %parallel_loop3A_161, %parallel_loop3A_418 : i32
        %parallel_loop3A_420 = arith.constant 2 : i32
        %parallel_loop3A_421 = arith.addi %parallel_loop3A_419, %parallel_loop3A_420 : i32
        %parallel_loop3A_422 = arith.index_cast %parallel_loop3A_421 : i32 to index
        %parallel_loop3A_423 = arith.constant 96 : index
        %parallel_loop3A_424 = tpu.vector_load %arg9[%parallel_loop3A_422, %parallel_loop3A_423] {strides = array<i32>} : memref<112x128xf32, #tpu.memory_space<vmem>>, vector<16xf32>,
        %parallel_loop3A_425 = arith.mulf %parallel_loop3A_182, %parallel_loop3A_424 : vector<16xf32>
        %parallel_loop3A_426 = arith.constant 1 : i32
        %parallel_loop3A_427 = arith.addi %parallel_loop3A_161, %parallel_loop3A_426 : i32
        %parallel_loop3A_428 = arith.constant 2 : i32
        %parallel_loop3A_429 = arith.addi %parallel_loop3A_427, %parallel_loop3A_428 : i32
        %parallel_loop3A_430 = arith.index_cast %parallel_loop3A_429 : i32 to index
        %parallel_loop3A_431 = arith.constant 112 : index
        %parallel_loop3A_432 = tpu.vector_load %arg9[%parallel_loop3A_430, %parallel_loop3A_431] {strides = array<i32>} : memref<112x128xf32, #tpu.memory_space<vmem>>, vector<16xf32>,
        %parallel_loop3A_433 = arith.mulf %parallel_loop3A_185, %parallel_loop3A_432 : vector<16xf32>
        %parallel_loop3A_434 = arith.addf %parallel_loop3A_377, %parallel_loop3A_385 : vector<16xf32>
        %parallel_loop3A_435 = arith.addf %parallel_loop3A_393, %parallel_loop3A_401 : vector<16xf32>
        %parallel_loop3A_436 = arith.addf %parallel_loop3A_409, %parallel_loop3A_417 : vector<16xf32>
        %parallel_loop3A_437 = arith.addf %parallel_loop3A_425, %parallel_loop3A_433 : vector<16xf32>
        %parallel_loop3A_438 = arith.addf %parallel_loop3A_434, %parallel_loop3A_435 : vector<16xf32>
        %parallel_loop3A_439 = arith.addf %parallel_loop3A_436, %parallel_loop3A_437 : vector<16xf32>
        %parallel_loop3A_440 = arith.addf %parallel_loop3A_438, %parallel_loop3A_439 : vector<16xf32>
        %parallel_loop3A_441 = vector.shape_cast %xor3A_146 : vector<16xi32> to vector<16x1xi32>
        %parallel_loop3A_442 = vector.shape_cast %parallel_loop3A_441 : vector<16x1xi32> to vector<16xi32>
        %parallel_loop3A_443 = tpu.dynamic_gather %parallel_loop3A_440[%parallel_loop3A_442] in [0] : vector<16xf32>, vector<16xi32> -> vector<16xf32>
        %parallel_loop3A_444 = arith.addf %parallel_loop3A_440, %parallel_loop3A_443 : vector<16xf32>
        %parallel_loop3A_445 = vector.shape_cast %xor3A_149 : vector<16xi32> to vector<16x1xi32>
        %parallel_loop3A_446 = vector.shape_cast %parallel_loop3A_445 : vector<16x1xi32> to vector<16xi32>
        %parallel_loop3A_447 = tpu.dynamic_gather %parallel_loop3A_444[%parallel_loop3A_446] in [0] : vector<16xf32>, vector<16xi32> -> vector<16xf32>
        %parallel_loop3A_448 = arith.addf %parallel_loop3A_444, %parallel_loop3A_447 : vector<16xf32>
        %parallel_loop3A_449 = vector.shape_cast %xor3A_152 : vector<16xi32> to vector<16x1xi32>
        %parallel_loop3A_450 = vector.shape_cast %parallel_loop3A_449 : vector<16x1xi32> to vector<16xi32>
        %parallel_loop3A_451 = tpu.dynamic_gather %parallel_loop3A_448[%parallel_loop3A_450] in [0] : vector<16xf32>, vector<16xi32> -> vector<16xf32>
        %parallel_loop3A_452 = arith.addf %parallel_loop3A_448, %parallel_loop3A_451 : vector<16xf32>
        %parallel_loop3A_453 = vector.shape_cast %xor3A_155 : vector<16xi32> to vector<16x1xi32>
        %parallel_loop3A_454 = vector.shape_cast %parallel_loop3A_453 : vector<16x1xi32> to vector<16xi32>
        %parallel_loop3A_455 = tpu.dynamic_gather %parallel_loop3A_452[%parallel_loop3A_454] in [0] : vector<16xf32>, vector<16xi32> -> vector<16xf32>
        %parallel_loop3A_456 = arith.addf %parallel_loop3A_452, %parallel_loop3A_455 : vector<16xf32>
        %parallel_loop3A_457 = arith.constant 2 : i32
        %parallel_loop3A_458 = vector.broadcast %parallel_loop3A_457 : i32 to vector<16xi32>
        %parallel_loop3A_459 = arith.cmpi eq, %iota3A_143, %parallel_loop3A_458 : vector<16xi32>
        %parallel_loop3A_460 = arith.select %parallel_loop3A_459, %parallel_loop3A_456, %parallel_loop3A_369 : vector<16xi1>, vector<16xf32>
        %parallel_loop3A_461 = arith.constant 1 : i32
        %parallel_loop3A_462 = arith.addi %parallel_loop3A_161, %parallel_loop3A_461 : i32
        %parallel_loop3A_463 = arith.constant 3 : i32
        %parallel_loop3A_464 = arith.addi %parallel_loop3A_462, %parallel_loop3A_463 : i32
        %parallel_loop3A_465 = arith.index_cast %parallel_loop3A_464 : i32 to index
        %parallel_loop3A_466 = arith.constant 0 : index
        %parallel_loop3A_467 = tpu.vector_load %arg9[%parallel_loop3A_465, %parallel_loop3A_466] {strides = array<i32>} : memref<112x128xf32, #tpu.memory_space<vmem>>, vector<16xf32>,
        %parallel_loop3A_468 = arith.mulf %parallel_loop3A_164, %parallel_loop3A_467 : vector<16xf32>
        %parallel_loop3A_469 = arith.constant 1 : i32
        %parallel_loop3A_470 = arith.addi %parallel_loop3A_161, %parallel_loop3A_469 : i32
        %parallel_loop3A_471 = arith.constant 3 : i32
        %parallel_loop3A_472 = arith.addi %parallel_loop3A_470, %parallel_loop3A_471 : i32
        %parallel_loop3A_473 = arith.index_cast %parallel_loop3A_472 : i32 to index
        %parallel_loop3A_474 = arith.constant 16 : index
        %parallel_loop3A_475 = tpu.vector_load %arg9[%parallel_loop3A_473, %parallel_loop3A_474] {strides = array<i32>} : memref<112x128xf32, #tpu.memory_space<vmem>>, vector<16xf32>,
        %parallel_loop3A_476 = arith.mulf %parallel_loop3A_167, %parallel_loop3A_475 : vector<16xf32>
        %parallel_loop3A_477 = arith.constant 1 : i32
        %parallel_loop3A_478 = arith.addi %parallel_loop3A_161, %parallel_loop3A_477 : i32
        %parallel_loop3A_479 = arith.constant 3 : i32
        %parallel_loop3A_480 = arith.addi %parallel_loop3A_478, %parallel_loop3A_479 : i32
        %parallel_loop3A_481 = arith.index_cast %parallel_loop3A_480 : i32 to index
        %parallel_loop3A_482 = arith.constant 32 : index
        %parallel_loop3A_483 = tpu.vector_load %arg9[%parallel_loop3A_481, %parallel_loop3A_482] {strides = array<i32>} : memref<112x128xf32, #tpu.memory_space<vmem>>, vector<16xf32>,
        %parallel_loop3A_484 = arith.mulf %parallel_loop3A_170, %parallel_loop3A_483 : vector<16xf32>
        %parallel_loop3A_485 = arith.constant 1 : i32
        %parallel_loop3A_486 = arith.addi %parallel_loop3A_161, %parallel_loop3A_485 : i32
        %parallel_loop3A_487 = arith.constant 3 : i32
        %parallel_loop3A_488 = arith.addi %parallel_loop3A_486, %parallel_loop3A_487 : i32
        %parallel_loop3A_489 = arith.index_cast %parallel_loop3A_488 : i32 to index
        %parallel_loop3A_490 = arith.constant 48 : index
        %parallel_loop3A_491 = tpu.vector_load %arg9[%parallel_loop3A_489, %parallel_loop3A_490] {strides = array<i32>} : memref<112x128xf32, #tpu.memory_space<vmem>>, vector<16xf32>,
        %parallel_loop3A_492 = arith.mulf %parallel_loop3A_173, %parallel_loop3A_491 : vector<16xf32>
        %parallel_loop3A_493 = arith.constant 1 : i32
        %parallel_loop3A_494 = arith.addi %parallel_loop3A_161, %parallel_loop3A_493 : i32
        %parallel_loop3A_495 = arith.constant 3 : i32
        %parallel_loop3A_496 = arith.addi %parallel_loop3A_494, %parallel_loop3A_495 : i32
        %parallel_loop3A_497 = arith.index_cast %parallel_loop3A_496 : i32 to index
        %parallel_loop3A_498 = arith.constant 64 : index
        %parallel_loop3A_499 = tpu.vector_load %arg9[%parallel_loop3A_497, %parallel_loop3A_498] {strides = array<i32>} : memref<112x128xf32, #tpu.memory_space<vmem>>, vector<16xf32>,
        %parallel_loop3A_500 = arith.mulf %parallel_loop3A_176, %parallel_loop3A_499 : vector<16xf32>
        %parallel_loop3A_501 = arith.constant 1 : i32
        %parallel_loop3A_502 = arith.addi %parallel_loop3A_161, %parallel_loop3A_501 : i32
        %parallel_loop3A_503 = arith.constant 3 : i32
        %parallel_loop3A_504 = arith.addi %parallel_loop3A_502, %parallel_loop3A_503 : i32
        %parallel_loop3A_505 = arith.index_cast %parallel_loop3A_504 : i32 to index
        %parallel_loop3A_506 = arith.constant 80 : index
        %parallel_loop3A_507 = tpu.vector_load %arg9[%parallel_loop3A_505, %parallel_loop3A_506] {strides = array<i32>} : memref<112x128xf32, #tpu.memory_space<vmem>>, vector<16xf32>,
        %parallel_loop3A_508 = arith.mulf %parallel_loop3A_179, %parallel_loop3A_507 : vector<16xf32>
        %parallel_loop3A_509 = arith.constant 1 : i32
        %parallel_loop3A_510 = arith.addi %parallel_loop3A_161, %parallel_loop3A_509 : i32
        %parallel_loop3A_511 = arith.constant 3 : i32
        %parallel_loop3A_512 = arith.addi %parallel_loop3A_510, %parallel_loop3A_511 : i32
        %parallel_loop3A_513 = arith.index_cast %parallel_loop3A_512 : i32 to index
        %parallel_loop3A_514 = arith.constant 96 : index
        %parallel_loop3A_515 = tpu.vector_load %arg9[%parallel_loop3A_513, %parallel_loop3A_514] {strides = array<i32>} : memref<112x128xf32, #tpu.memory_space<vmem>>, vector<16xf32>,
        %parallel_loop3A_516 = arith.mulf %parallel_loop3A_182, %parallel_loop3A_515 : vector<16xf32>
        %parallel_loop3A_517 = arith.constant 1 : i32
        %parallel_loop3A_518 = arith.addi %parallel_loop3A_161, %parallel_loop3A_517 : i32
        %parallel_loop3A_519 = arith.constant 3 : i32
        %parallel_loop3A_520 = arith.addi %parallel_loop3A_518, %parallel_loop3A_519 : i32
        %parallel_loop3A_521 = arith.index_cast %parallel_loop3A_520 : i32 to index
        %parallel_loop3A_522 = arith.constant 112 : index
        %parallel_loop3A_523 = tpu.vector_load %arg9[%parallel_loop3A_521, %parallel_loop3A_522] {strides = array<i32>} : memref<112x128xf32, #tpu.memory_space<vmem>>, vector<16xf32>,
        %parallel_loop3A_524 = arith.mulf %parallel_loop3A_185, %parallel_loop3A_523 : vector<16xf32>
        %parallel_loop3A_525 = arith.addf %parallel_loop3A_468, %parallel_loop3A_476 : vector<16xf32>
        %parallel_loop3A_526 = arith.addf %parallel_loop3A_484, %parallel_loop3A_492 : vector<16xf32>
        %parallel_loop3A_527 = arith.addf %parallel_loop3A_500, %parallel_loop3A_508 : vector<16xf32>
        %parallel_loop3A_528 = arith.addf %parallel_loop3A_516, %parallel_loop3A_524 : vector<16xf32>
        %parallel_loop3A_529 = arith.addf %parallel_loop3A_525, %parallel_loop3A_526 : vector<16xf32>
        %parallel_loop3A_530 = arith.addf %parallel_loop3A_527, %parallel_loop3A_528 : vector<16xf32>
        %parallel_loop3A_531 = arith.addf %parallel_loop3A_529, %parallel_loop3A_530 : vector<16xf32>
        %parallel_loop3A_532 = vector.shape_cast %xor3A_146 : vector<16xi32> to vector<16x1xi32>
        %parallel_loop3A_533 = vector.shape_cast %parallel_loop3A_532 : vector<16x1xi32> to vector<16xi32>
        %parallel_loop3A_534 = tpu.dynamic_gather %parallel_loop3A_531[%parallel_loop3A_533] in [0] : vector<16xf32>, vector<16xi32> -> vector<16xf32>
        %parallel_loop3A_535 = arith.addf %parallel_loop3A_531, %parallel_loop3A_534 : vector<16xf32>
        %parallel_loop3A_536 = vector.shape_cast %xor3A_149 : vector<16xi32> to vector<16x1xi32>
        %parallel_loop3A_537 = vector.shape_cast %parallel_loop3A_536 : vector<16x1xi32> to vector<16xi32>
        %parallel_loop3A_538 = tpu.dynamic_gather %parallel_loop3A_535[%parallel_loop3A_537] in [0] : vector<16xf32>, vector<16xi32> -> vector<16xf32>
        %parallel_loop3A_539 = arith.addf %parallel_loop3A_535, %parallel_loop3A_538 : vector<16xf32>
        %parallel_loop3A_540 = vector.shape_cast %xor3A_152 : vector<16xi32> to vector<16x1xi32>
        %parallel_loop3A_541 = vector.shape_cast %parallel_loop3A_540 : vector<16x1xi32> to vector<16xi32>
        %parallel_loop3A_542 = tpu.dynamic_gather %parallel_loop3A_539[%parallel_loop3A_541] in [0] : vector<16xf32>, vector<16xi32> -> vector<16xf32>
        %parallel_loop3A_543 = arith.addf %parallel_loop3A_539, %parallel_loop3A_542 : vector<16xf32>
        %parallel_loop3A_544 = vector.shape_cast %xor3A_155 : vector<16xi32> to vector<16x1xi32>
        %parallel_loop3A_545 = vector.shape_cast %parallel_loop3A_544 : vector<16x1xi32> to vector<16xi32>
        %parallel_loop3A_546 = tpu.dynamic_gather %parallel_loop3A_543[%parallel_loop3A_545] in [0] : vector<16xf32>, vector<16xi32> -> vector<16xf32>
        %parallel_loop3A_547 = arith.addf %parallel_loop3A_543, %parallel_loop3A_546 : vector<16xf32>
        %parallel_loop3A_548 = arith.constant 3 : i32
        %parallel_loop3A_549 = vector.broadcast %parallel_loop3A_548 : i32 to vector<16xi32>
        %parallel_loop3A_550 = arith.cmpi eq, %iota3A_143, %parallel_loop3A_549 : vector<16xi32>
        %parallel_loop3A_551 = arith.select %parallel_loop3A_550, %parallel_loop3A_547, %parallel_loop3A_460 : vector<16xi1>, vector<16xf32>
        %parallel_loop3A_552 = arith.constant 1 : i32
        %parallel_loop3A_553 = arith.addi %parallel_loop3A_161, %parallel_loop3A_552 : i32
        %parallel_loop3A_554 = arith.constant 4 : i32
        %parallel_loop3A_555 = arith.addi %parallel_loop3A_553, %parallel_loop3A_554 : i32
        %parallel_loop3A_556 = arith.index_cast %parallel_loop3A_555 : i32 to index
        %parallel_loop3A_557 = arith.constant 0 : index
        %parallel_loop3A_558 = tpu.vector_load %arg9[%parallel_loop3A_556, %parallel_loop3A_557] {strides = array<i32>} : memref<112x128xf32, #tpu.memory_space<vmem>>, vector<16xf32>,
        %parallel_loop3A_559 = arith.mulf %parallel_loop3A_164, %parallel_loop3A_558 : vector<16xf32>
        %parallel_loop3A_560 = arith.constant 1 : i32
        %parallel_loop3A_561 = arith.addi %parallel_loop3A_161, %parallel_loop3A_560 : i32
        %parallel_loop3A_562 = arith.constant 4 : i32
        %parallel_loop3A_563 = arith.addi %parallel_loop3A_561, %parallel_loop3A_562 : i32
        %parallel_loop3A_564 = arith.index_cast %parallel_loop3A_563 : i32 to index
        %parallel_loop3A_565 = arith.constant 16 : index
        %parallel_loop3A_566 = tpu.vector_load %arg9[%parallel_loop3A_564, %parallel_loop3A_565] {strides = array<i32>} : memref<112x128xf32, #tpu.memory_space<vmem>>, vector<16xf32>,
        %parallel_loop3A_567 = arith.mulf %parallel_loop3A_167, %parallel_loop3A_566 : vector<16xf32>
        %parallel_loop3A_568 = arith.constant 1 : i32
        %parallel_loop3A_569 = arith.addi %parallel_loop3A_161, %parallel_loop3A_568 : i32
        %parallel_loop3A_570 = arith.constant 4 : i32
        %parallel_loop3A_571 = arith.addi %parallel_loop3A_569, %parallel_loop3A_570 : i32
        %parallel_loop3A_572 = arith.index_cast %parallel_loop3A_571 : i32 to index
        %parallel_loop3A_573 = arith.constant 32 : index
        %parallel_loop3A_574 = tpu.vector_load %arg9[%parallel_loop3A_572, %parallel_loop3A_573] {strides = array<i32>} : memref<112x128xf32, #tpu.memory_space<vmem>>, vector<16xf32>,
        %parallel_loop3A_575 = arith.mulf %parallel_loop3A_170, %parallel_loop3A_574 : vector<16xf32>
        %parallel_loop3A_576 = arith.constant 1 : i32
        %parallel_loop3A_577 = arith.addi %parallel_loop3A_161, %parallel_loop3A_576 : i32
        %parallel_loop3A_578 = arith.constant 4 : i32
        %parallel_loop3A_579 = arith.addi %parallel_loop3A_577, %parallel_loop3A_578 : i32
        %parallel_loop3A_580 = arith.index_cast %parallel_loop3A_579 : i32 to index
        %parallel_loop3A_581 = arith.constant 48 : index
        %parallel_loop3A_582 = tpu.vector_load %arg9[%parallel_loop3A_580, %parallel_loop3A_581] {strides = array<i32>} : memref<112x128xf32, #tpu.memory_space<vmem>>, vector<16xf32>,
        %parallel_loop3A_583 = arith.mulf %parallel_loop3A_173, %parallel_loop3A_582 : vector<16xf32>
        %parallel_loop3A_584 = arith.constant 1 : i32
        %parallel_loop3A_585 = arith.addi %parallel_loop3A_161, %parallel_loop3A_584 : i32
        %parallel_loop3A_586 = arith.constant 4 : i32
        %parallel_loop3A_587 = arith.addi %parallel_loop3A_585, %parallel_loop3A_586 : i32
        %parallel_loop3A_588 = arith.index_cast %parallel_loop3A_587 : i32 to index
        %parallel_loop3A_589 = arith.constant 64 : index
        %parallel_loop3A_590 = tpu.vector_load %arg9[%parallel_loop3A_588, %parallel_loop3A_589] {strides = array<i32>} : memref<112x128xf32, #tpu.memory_space<vmem>>, vector<16xf32>,
        %parallel_loop3A_591 = arith.mulf %parallel_loop3A_176, %parallel_loop3A_590 : vector<16xf32>
        %parallel_loop3A_592 = arith.constant 1 : i32
        %parallel_loop3A_593 = arith.addi %parallel_loop3A_161, %parallel_loop3A_592 : i32
        %parallel_loop3A_594 = arith.constant 4 : i32
        %parallel_loop3A_595 = arith.addi %parallel_loop3A_593, %parallel_loop3A_594 : i32
        %parallel_loop3A_596 = arith.index_cast %parallel_loop3A_595 : i32 to index
        %parallel_loop3A_597 = arith.constant 80 : index
        %parallel_loop3A_598 = tpu.vector_load %arg9[%parallel_loop3A_596, %parallel_loop3A_597] {strides = array<i32>} : memref<112x128xf32, #tpu.memory_space<vmem>>, vector<16xf32>,
        %parallel_loop3A_599 = arith.mulf %parallel_loop3A_179, %parallel_loop3A_598 : vector<16xf32>
        %parallel_loop3A_600 = arith.constant 1 : i32
        %parallel_loop3A_601 = arith.addi %parallel_loop3A_161, %parallel_loop3A_600 : i32
        %parallel_loop3A_602 = arith.constant 4 : i32
        %parallel_loop3A_603 = arith.addi %parallel_loop3A_601, %parallel_loop3A_602 : i32
        %parallel_loop3A_604 = arith.index_cast %parallel_loop3A_603 : i32 to index
        %parallel_loop3A_605 = arith.constant 96 : index
        %parallel_loop3A_606 = tpu.vector_load %arg9[%parallel_loop3A_604, %parallel_loop3A_605] {strides = array<i32>} : memref<112x128xf32, #tpu.memory_space<vmem>>, vector<16xf32>,
        %parallel_loop3A_607 = arith.mulf %parallel_loop3A_182, %parallel_loop3A_606 : vector<16xf32>
        %parallel_loop3A_608 = arith.constant 1 : i32
        %parallel_loop3A_609 = arith.addi %parallel_loop3A_161, %parallel_loop3A_608 : i32
        %parallel_loop3A_610 = arith.constant 4 : i32
        %parallel_loop3A_611 = arith.addi %parallel_loop3A_609, %parallel_loop3A_610 : i32
        %parallel_loop3A_612 = arith.index_cast %parallel_loop3A_611 : i32 to index
        %parallel_loop3A_613 = arith.constant 112 : index
        %parallel_loop3A_614 = tpu.vector_load %arg9[%parallel_loop3A_612, %parallel_loop3A_613] {strides = array<i32>} : memref<112x128xf32, #tpu.memory_space<vmem>>, vector<16xf32>,
        %parallel_loop3A_615 = arith.mulf %parallel_loop3A_185, %parallel_loop3A_614 : vector<16xf32>
        %parallel_loop3A_616 = arith.addf %parallel_loop3A_559, %parallel_loop3A_567 : vector<16xf32>
        %parallel_loop3A_617 = arith.addf %parallel_loop3A_575, %parallel_loop3A_583 : vector<16xf32>
        %parallel_loop3A_618 = arith.addf %parallel_loop3A_591, %parallel_loop3A_599 : vector<16xf32>
        %parallel_loop3A_619 = arith.addf %parallel_loop3A_607, %parallel_loop3A_615 : vector<16xf32>
        %parallel_loop3A_620 = arith.addf %parallel_loop3A_616, %parallel_loop3A_617 : vector<16xf32>
        %parallel_loop3A_621 = arith.addf %parallel_loop3A_618, %parallel_loop3A_619 : vector<16xf32>
        %parallel_loop3A_622 = arith.addf %parallel_loop3A_620, %parallel_loop3A_621 : vector<16xf32>
        %parallel_loop3A_623 = vector.shape_cast %xor3A_146 : vector<16xi32> to vector<16x1xi32>
        %parallel_loop3A_624 = vector.shape_cast %parallel_loop3A_623 : vector<16x1xi32> to vector<16xi32>
        %parallel_loop3A_625 = tpu.dynamic_gather %parallel_loop3A_622[%parallel_loop3A_624] in [0] : vector<16xf32>, vector<16xi32> -> vector<16xf32>
        %parallel_loop3A_626 = arith.addf %parallel_loop3A_622, %parallel_loop3A_625 : vector<16xf32>
        %parallel_loop3A_627 = vector.shape_cast %xor3A_149 : vector<16xi32> to vector<16x1xi32>
        %parallel_loop3A_628 = vector.shape_cast %parallel_loop3A_627 : vector<16x1xi32> to vector<16xi32>
        %parallel_loop3A_629 = tpu.dynamic_gather %parallel_loop3A_626[%parallel_loop3A_628] in [0] : vector<16xf32>, vector<16xi32> -> vector<16xf32>
        %parallel_loop3A_630 = arith.addf %parallel_loop3A_626, %parallel_loop3A_629 : vector<16xf32>
        %parallel_loop3A_631 = vector.shape_cast %xor3A_152 : vector<16xi32> to vector<16x1xi32>
        %parallel_loop3A_632 = vector.shape_cast %parallel_loop3A_631 : vector<16x1xi32> to vector<16xi32>
        %parallel_loop3A_633 = tpu.dynamic_gather %parallel_loop3A_630[%parallel_loop3A_632] in [0] : vector<16xf32>, vector<16xi32> -> vector<16xf32>
        %parallel_loop3A_634 = arith.addf %parallel_loop3A_630, %parallel_loop3A_633 : vector<16xf32>
        %parallel_loop3A_635 = vector.shape_cast %xor3A_155 : vector<16xi32> to vector<16x1xi32>
        %parallel_loop3A_636 = vector.shape_cast %parallel_loop3A_635 : vector<16x1xi32> to vector<16xi32>
        %parallel_loop3A_637 = tpu.dynamic_gather %parallel_loop3A_634[%parallel_loop3A_636] in [0] : vector<16xf32>, vector<16xi32> -> vector<16xf32>
        %parallel_loop3A_638 = arith.addf %parallel_loop3A_634, %parallel_loop3A_637 : vector<16xf32>
        %parallel_loop3A_639 = arith.constant 4 : i32
        %parallel_loop3A_640 = vector.broadcast %parallel_loop3A_639 : i32 to vector<16xi32>
        %parallel_loop3A_641 = arith.cmpi eq, %iota3A_143, %parallel_loop3A_640 : vector<16xi32>
        %parallel_loop3A_642 = arith.select %parallel_loop3A_641, %parallel_loop3A_638, %parallel_loop3A_551 : vector<16xi1>, vector<16xf32>
        %parallel_loop3A_643 = arith.constant 1 : i32
        %parallel_loop3A_644 = arith.addi %parallel_loop3A_161, %parallel_loop3A_643 : i32
        %parallel_loop3A_645 = arith.constant 5 : i32
        %parallel_loop3A_646 = arith.addi %parallel_loop3A_644, %parallel_loop3A_645 : i32
        %parallel_loop3A_647 = arith.index_cast %parallel_loop3A_646 : i32 to index
        %parallel_loop3A_648 = arith.constant 0 : index
        %parallel_loop3A_649 = tpu.vector_load %arg9[%parallel_loop3A_647, %parallel_loop3A_648] {strides = array<i32>} : memref<112x128xf32, #tpu.memory_space<vmem>>, vector<16xf32>,
        %parallel_loop3A_650 = arith.mulf %parallel_loop3A_164, %parallel_loop3A_649 : vector<16xf32>
        %parallel_loop3A_651 = arith.constant 1 : i32
        %parallel_loop3A_652 = arith.addi %parallel_loop3A_161, %parallel_loop3A_651 : i32
        %parallel_loop3A_653 = arith.constant 5 : i32
        %parallel_loop3A_654 = arith.addi %parallel_loop3A_652, %parallel_loop3A_653 : i32
        %parallel_loop3A_655 = arith.index_cast %parallel_loop3A_654 : i32 to index
        %parallel_loop3A_656 = arith.constant 16 : index
        %parallel_loop3A_657 = tpu.vector_load %arg9[%parallel_loop3A_655, %parallel_loop3A_656] {strides = array<i32>} : memref<112x128xf32, #tpu.memory_space<vmem>>, vector<16xf32>,
        %parallel_loop3A_658 = arith.mulf %parallel_loop3A_167, %parallel_loop3A_657 : vector<16xf32>
        %parallel_loop3A_659 = arith.constant 1 : i32
        %parallel_loop3A_660 = arith.addi %parallel_loop3A_161, %parallel_loop3A_659 : i32
        %parallel_loop3A_661 = arith.constant 5 : i32
        %parallel_loop3A_662 = arith.addi %parallel_loop3A_660, %parallel_loop3A_661 : i32
        %parallel_loop3A_663 = arith.index_cast %parallel_loop3A_662 : i32 to index
        %parallel_loop3A_664 = arith.constant 32 : index
        %parallel_loop3A_665 = tpu.vector_load %arg9[%parallel_loop3A_663, %parallel_loop3A_664] {strides = array<i32>} : memref<112x128xf32, #tpu.memory_space<vmem>>, vector<16xf32>,
        %parallel_loop3A_666 = arith.mulf %parallel_loop3A_170, %parallel_loop3A_665 : vector<16xf32>
        %parallel_loop3A_667 = arith.constant 1 : i32
        %parallel_loop3A_668 = arith.addi %parallel_loop3A_161, %parallel_loop3A_667 : i32
        %parallel_loop3A_669 = arith.constant 5 : i32
        %parallel_loop3A_670 = arith.addi %parallel_loop3A_668, %parallel_loop3A_669 : i32
        %parallel_loop3A_671 = arith.index_cast %parallel_loop3A_670 : i32 to index
        %parallel_loop3A_672 = arith.constant 48 : index
        %parallel_loop3A_673 = tpu.vector_load %arg9[%parallel_loop3A_671, %parallel_loop3A_672] {strides = array<i32>} : memref<112x128xf32, #tpu.memory_space<vmem>>, vector<16xf32>,
        %parallel_loop3A_674 = arith.mulf %parallel_loop3A_173, %parallel_loop3A_673 : vector<16xf32>
        %parallel_loop3A_675 = arith.constant 1 : i32
        %parallel_loop3A_676 = arith.addi %parallel_loop3A_161, %parallel_loop3A_675 : i32
        %parallel_loop3A_677 = arith.constant 5 : i32
        %parallel_loop3A_678 = arith.addi %parallel_loop3A_676, %parallel_loop3A_677 : i32
        %parallel_loop3A_679 = arith.index_cast %parallel_loop3A_678 : i32 to index
        %parallel_loop3A_680 = arith.constant 64 : index
        %parallel_loop3A_681 = tpu.vector_load %arg9[%parallel_loop3A_679, %parallel_loop3A_680] {strides = array<i32>} : memref<112x128xf32, #tpu.memory_space<vmem>>, vector<16xf32>,
        %parallel_loop3A_682 = arith.mulf %parallel_loop3A_176, %parallel_loop3A_681 : vector<16xf32>
        %parallel_loop3A_683 = arith.constant 1 : i32
        %parallel_loop3A_684 = arith.addi %parallel_loop3A_161, %parallel_loop3A_683 : i32
        %parallel_loop3A_685 = arith.constant 5 : i32
        %parallel_loop3A_686 = arith.addi %parallel_loop3A_684, %parallel_loop3A_685 : i32
        %parallel_loop3A_687 = arith.index_cast %parallel_loop3A_686 : i32 to index
        %parallel_loop3A_688 = arith.constant 80 : index
        %parallel_loop3A_689 = tpu.vector_load %arg9[%parallel_loop3A_687, %parallel_loop3A_688] {strides = array<i32>} : memref<112x128xf32, #tpu.memory_space<vmem>>, vector<16xf32>,
        %parallel_loop3A_690 = arith.mulf %parallel_loop3A_179, %parallel_loop3A_689 : vector<16xf32>
        %parallel_loop3A_691 = arith.constant 1 : i32
        %parallel_loop3A_692 = arith.addi %parallel_loop3A_161, %parallel_loop3A_691 : i32
        %parallel_loop3A_693 = arith.constant 5 : i32
        %parallel_loop3A_694 = arith.addi %parallel_loop3A_692, %parallel_loop3A_693 : i32
        %parallel_loop3A_695 = arith.index_cast %parallel_loop3A_694 : i32 to index
        %parallel_loop3A_696 = arith.constant 96 : index
        %parallel_loop3A_697 = tpu.vector_load %arg9[%parallel_loop3A_695, %parallel_loop3A_696] {strides = array<i32>} : memref<112x128xf32, #tpu.memory_space<vmem>>, vector<16xf32>,
        %parallel_loop3A_698 = arith.mulf %parallel_loop3A_182, %parallel_loop3A_697 : vector<16xf32>
        %parallel_loop3A_699 = arith.constant 1 : i32
        %parallel_loop3A_700 = arith.addi %parallel_loop3A_161, %parallel_loop3A_699 : i32
        %parallel_loop3A_701 = arith.constant 5 : i32
        %parallel_loop3A_702 = arith.addi %parallel_loop3A_700, %parallel_loop3A_701 : i32
        %parallel_loop3A_703 = arith.index_cast %parallel_loop3A_702 : i32 to index
        %parallel_loop3A_704 = arith.constant 112 : index
        %parallel_loop3A_705 = tpu.vector_load %arg9[%parallel_loop3A_703, %parallel_loop3A_704] {strides = array<i32>} : memref<112x128xf32, #tpu.memory_space<vmem>>, vector<16xf32>,
        %parallel_loop3A_706 = arith.mulf %parallel_loop3A_185, %parallel_loop3A_705 : vector<16xf32>
        %parallel_loop3A_707 = arith.addf %parallel_loop3A_650, %parallel_loop3A_658 : vector<16xf32>
        %parallel_loop3A_708 = arith.addf %parallel_loop3A_666, %parallel_loop3A_674 : vector<16xf32>
        %parallel_loop3A_709 = arith.addf %parallel_loop3A_682, %parallel_loop3A_690 : vector<16xf32>
        %parallel_loop3A_710 = arith.addf %parallel_loop3A_698, %parallel_loop3A_706 : vector<16xf32>
        %parallel_loop3A_711 = arith.addf %parallel_loop3A_707, %parallel_loop3A_708 : vector<16xf32>
        %parallel_loop3A_712 = arith.addf %parallel_loop3A_709, %parallel_loop3A_710 : vector<16xf32>
        %parallel_loop3A_713 = arith.addf %parallel_loop3A_711, %parallel_loop3A_712 : vector<16xf32>
        %parallel_loop3A_714 = vector.shape_cast %xor3A_146 : vector<16xi32> to vector<16x1xi32>
        %parallel_loop3A_715 = vector.shape_cast %parallel_loop3A_714 : vector<16x1xi32> to vector<16xi32>
        %parallel_loop3A_716 = tpu.dynamic_gather %parallel_loop3A_713[%parallel_loop3A_715] in [0] : vector<16xf32>, vector<16xi32> -> vector<16xf32>
        %parallel_loop3A_717 = arith.addf %parallel_loop3A_713, %parallel_loop3A_716 : vector<16xf32>
        %parallel_loop3A_718 = vector.shape_cast %xor3A_149 : vector<16xi32> to vector<16x1xi32>
        %parallel_loop3A_719 = vector.shape_cast %parallel_loop3A_718 : vector<16x1xi32> to vector<16xi32>
        %parallel_loop3A_720 = tpu.dynamic_gather %parallel_loop3A_717[%parallel_loop3A_719] in [0] : vector<16xf32>, vector<16xi32> -> vector<16xf32>
        %parallel_loop3A_721 = arith.addf %parallel_loop3A_717, %parallel_loop3A_720 : vector<16xf32>
        %parallel_loop3A_722 = vector.shape_cast %xor3A_152 : vector<16xi32> to vector<16x1xi32>
        %parallel_loop3A_723 = vector.shape_cast %parallel_loop3A_722 : vector<16x1xi32> to vector<16xi32>
        %parallel_loop3A_724 = tpu.dynamic_gather %parallel_loop3A_721[%parallel_loop3A_723] in [0] : vector<16xf32>, vector<16xi32> -> vector<16xf32>
        %parallel_loop3A_725 = arith.addf %parallel_loop3A_721, %parallel_loop3A_724 : vector<16xf32>
        %parallel_loop3A_726 = vector.shape_cast %xor3A_155 : vector<16xi32> to vector<16x1xi32>
        %parallel_loop3A_727 = vector.shape_cast %parallel_loop3A_726 : vector<16x1xi32> to vector<16xi32>
        %parallel_loop3A_728 = tpu.dynamic_gather %parallel_loop3A_725[%parallel_loop3A_727] in [0] : vector<16xf32>, vector<16xi32> -> vector<16xf32>
        %parallel_loop3A_729 = arith.addf %parallel_loop3A_725, %parallel_loop3A_728 : vector<16xf32>
        %parallel_loop3A_730 = arith.constant 5 : i32
        %parallel_loop3A_731 = vector.broadcast %parallel_loop3A_730 : i32 to vector<16xi32>
        %parallel_loop3A_732 = arith.cmpi eq, %iota3A_143, %parallel_loop3A_731 : vector<16xi32>
        %parallel_loop3A_733 = arith.select %parallel_loop3A_732, %parallel_loop3A_729, %parallel_loop3A_642 : vector<16xi1>, vector<16xf32>
        %parallel_loop3A_734 = arith.constant 16 : i32
        %parallel_loop3A_735 = arith.muli %add3A_127, %parallel_loop3A_734 : i32
        %parallel_loop3A_736 = arith.addi %parallel_loop3A_735, %parallel_loop3A_159 : i32
        %parallel_loop3A_737 = arith.constant 16 : i32
        %parallel_loop3A_738 = arith.muli %parallel_loop3A_736, %parallel_loop3A_737 : i32
        %parallel_loop3A_739 = arith.index_cast %parallel_loop3A_738 : i32 to index
        %parallel_loop3A_740 = tpu.vector_load %arg10[%parallel_loop3A_739] {strides = array<i32>} : memref<49152xf32, #tpu.memory_space<vmem>>, vector<16xf32>,
        tpu.vector_store %arg10[%parallel_loop3A_739], %parallel_loop3A_733 {strides = array<i32>} : memref<49152xf32, #tpu.memory_space<vmem>>, vector<16xf32>,
      } {sc.loop_unroll_factor = 2 : i64, sc.parallel_access}
    }
    %scan3A_27 = arith.constant 48 : i32
    %mul3A_28 = arith.constant 3072 : i32
    %mul3A_29 = arith.muli %add3A, %mul3A_28 : i32
    %mul3A_30 = arith.constant 16 : i32
    %mul3A_31 = arith.muli %mul3A_29, %mul3A_30 : i32
    "tpu.region"() ({
      %run_scoped3A = tpu.sem_alloc : memref<!tpu.dma_semaphore, #tpu.memory_space<semaphore_mem>>
      %dma_start3A_32 = tpu.memref_slice %arg4[%mul3A_31] : memref<1572864xf32, #tpu.memory_space<hbm>> -> memref<49152xf32, #tpu.memory_space<hbm>>
      %dma_start3A_33 = tpu.memref_slice %arg4[%mul3A_31] : memref<1572864xf32, #tpu.memory_space<hbm>> -> memref<49152xf32, #tpu.memory_space<hbm>>
      tpu.enqueue_dma source(%arg10 : memref<49152xf32, #tpu.memory_space<vmem>>) target(%dma_start3A_33 : memref<49152xf32, #tpu.memory_space<hbm>>) target_semaphore(%run_scoped3A : memref<!tpu.dma_semaphore, #tpu.memory_space<semaphore_mem>>)
      %dma_wait3A = tpu.memref_slice %arg4[%mul3A_31] : memref<1572864xf32, #tpu.memory_space<hbm>> -> memref<49152xf32, #tpu.memory_space<hbm>>
      %dma_wait3A_34 = tpu.memref_slice %arg4[%mul3A_31] : memref<1572864xf32, #tpu.memory_space<hbm>> -> memref<49152xf32, #tpu.memory_space<hbm>>
      tpu.wait_dma2 semaphore(%run_scoped3A : memref<!tpu.dma_semaphore, #tpu.memory_space<semaphore_mem>>) src(%arg10 : memref<49152xf32, #tpu.memory_space<vmem>>) dst(%dma_wait3A_34 : memref<49152xf32, #tpu.memory_space<hbm>>)
      tpu.yield
    }) : () -> ()
    return
  }
}

module attributes {stable_mosaic.version = 14 : i64} {
  func.func @_loss_body(%arg0: memref<12288x128xf32, #tpu.memory_space<vmem>>, %arg1: memref<1x1xf32, #tpu.memory_space<smem>>) attributes {dimension_semantics = [], scalar_prefetch = 0 : i64, scratch_operands = 0 : i64, tpu.core_type = #tpu.core_type<tc>} {
    %get3A = arith.constant 0 : index
    %get3A_0 = arith.constant 0 : index
    %get3A_1 = vector.load %arg0[%get3A, %get3A_0] : memref<12288x128xf32, #tpu.memory_space<vmem>>, vector<12288x128xf32>
    %iota3A = tpu.iota {dimensions = array<i32: 0>} : vector<12288x128xi32>
    %iota3A_2 = tpu.iota {dimensions = array<i32: 1>} : vector<12288x128xi32>
    %jit3A = arith.constant 16 : i32
    %eq3A = arith.constant 0 : i32
    %eq3A_3 = arith.cmpi eq, %jit3A, %eq3A : i32
    %jit3A_4 = arith.constant 1 : i32
    %select_n3A = arith.select %eq3A_3, %jit3A_4, %jit3A : i32
    %rem3A = vector.broadcast %select_n3A : i32 to vector<12288x128xi32>
    %rem3A_5 = arith.remsi %iota3A_2, %rem3A : vector<12288x128xi32>
    %ne3A = arith.constant 0 : i32
    %ne3A_6 = vector.broadcast %ne3A : i32 to vector<12288x128xi32>
    %ne3A_7 = arith.cmpi ne, %rem3A_5, %ne3A_6 : vector<12288x128xi32>
    %lt3A = arith.constant 0 : i32
    %lt3A_8 = vector.broadcast %lt3A : i32 to vector<12288x128xi32>
    %lt3A_9 = arith.cmpi slt, %rem3A_5, %lt3A_8 : vector<12288x128xi32>
    %lt3A_10 = arith.constant 0 : i32
    %lt3A_11 = arith.cmpi slt, %select_n3A, %lt3A_10 : i32
    %ne3A_12 = vector.broadcast %lt3A_11 : i1 to vector<12288x128xi1>
    %ne3A_13 = vector.broadcast %ne3A_12 : vector<12288x128xi1> to vector<12288x128xi1>
    %ne3A_14 = arith.xori %lt3A_9, %ne3A_13 : vector<12288x128xi1>
    %and3A = arith.andi %ne3A_14, %ne3A_7 : vector<12288x128xi1>
    %add3A = vector.broadcast %select_n3A : i32 to vector<12288x128xi32>
    %add3A_15 = arith.addi %rem3A_5, %add3A : vector<12288x128xi32>
    %select_n3A_16 = arith.select %and3A, %add3A_15, %rem3A_5 : vector<12288x128xi1>, vector<12288x128xi32>
    %lt3A_17 = arith.constant 6 : i32
    %lt3A_18 = vector.broadcast %lt3A_17 : i32 to vector<12288x128xi32>
    %lt3A_19 = arith.cmpi slt, %select_n3A_16, %lt3A_18 : vector<12288x128xi32>
    %lt3A_20 = arith.constant 2048 : i32
    %lt3A_21 = vector.broadcast %lt3A_20 : i32 to vector<12288x128xi32>
    %lt3A_22 = arith.cmpi slt, %iota3A, %lt3A_21 : vector<12288x128xi32>
    %logistic3A = arith.negf %get3A_1 : vector<12288x128xf32>
    %logistic3A_23 = math.exp %logistic3A : vector<12288x128xf32>
    %logistic3A_24 = arith.constant 1.000000e+00 : f32
    %logistic3A_25 = vector.broadcast %logistic3A_24 : f32 to vector<12288x128xf32>
    %logistic3A_26 = arith.addf %logistic3A_25, %logistic3A_23 : vector<12288x128xf32>
    %logistic3A_27 = arith.divf %logistic3A_25, %logistic3A_26 : vector<12288x128xf32>
    %add3A_28 = arith.constant 1.000000e-15 : f32
    %add3A_29 = vector.broadcast %add3A_28 : f32 to vector<12288x128xf32>
    %add3A_30 = arith.addf %logistic3A_27, %add3A_29 : vector<12288x128xf32>
    %log3A = math.log %add3A_30 : vector<12288x128xf32>
    %neg3A = arith.constant 0.000000e+00 : f32
    %neg3A_31 = vector.broadcast %neg3A : f32 to vector<12288x128xf32>
    %neg3A_32 = arith.subf %neg3A_31, %log3A : vector<12288x128xf32>
    %mul3A = arith.constant 1.01725263E-5 : f32
    %mul3A_33 = vector.broadcast %mul3A : f32 to vector<12288x128xf32>
    %mul3A_34 = arith.mulf %neg3A_32, %mul3A_33 : vector<12288x128xf32>
    %sub3A = arith.constant 1.000000e+00 : f32
    %sub3A_35 = vector.broadcast %sub3A : f32 to vector<12288x128xf32>
    %sub3A_36 = arith.subf %sub3A_35, %logistic3A_27 : vector<12288x128xf32>
    %add3A_37 = arith.constant 1.000000e-15 : f32
    %add3A_38 = vector.broadcast %add3A_37 : f32 to vector<12288x128xf32>
    %add3A_39 = arith.addf %sub3A_36, %add3A_38 : vector<12288x128xf32>
    %log3A_40 = math.log %add3A_39 : vector<12288x128xf32>
    %neg3A_41 = arith.constant 0.000000e+00 : f32
    %neg3A_42 = vector.broadcast %neg3A_41 : f32 to vector<12288x128xf32>
    %neg3A_43 = arith.subf %neg3A_42, %log3A_40 : vector<12288x128xf32>
    %mul3A_44 = arith.constant 2.03450531E-6 : f32
    %mul3A_45 = vector.broadcast %mul3A_44 : f32 to vector<12288x128xf32>
    %mul3A_46 = arith.mulf %neg3A_43, %mul3A_45 : vector<12288x128xf32>
    %select_n3A_47 = arith.select %lt3A_22, %mul3A_34, %mul3A_46 : vector<12288x128xi1>, vector<12288x128xf32>
    %jit3A_48 = arith.constant 0.000000e+00 : f32
    %broadcast_in_dim3A = vector.broadcast %jit3A_48 : f32 to vector<12288x128xf32>
    %select_n3A_49 = arith.select %lt3A_19, %select_n3A_47, %broadcast_in_dim3A : vector<12288x128xi1>, vector<12288x128xf32>
    %reduce_sum3A = vector.shape_cast %select_n3A_49 : vector<12288x128xf32> to vector<1x12288x128xf32>
    %reduce_sum3A_50 = arith.constant dense<0.000000e+00> : vector<1xf32>
    %reduce_sum3A_51 = vector.multi_reduction <add>, %reduce_sum3A, %reduce_sum3A_50 [1, 2] : vector<1x12288x128xf32> to vector<1xf32>
    %reduce_sum3A_52 = vector.shape_cast %reduce_sum3A_51 : vector<1xf32> to vector<1x1x1xf32>
    %reduce_sum3A_53 = vector.extract %reduce_sum3A_52[0, 0, 0] : f32 from vector<1x1x1xf32>
    %swap3A = arith.constant 0 : index
    %swap3A_54 = arith.constant 0 : index
    %swap3A_55 = memref.load %arg1[%swap3A, %swap3A_54] : memref<1x1xf32, #tpu.memory_space<smem>>
    memref.store %reduce_sum3A_53, %arg1[%swap3A, %swap3A_54] : memref<1x1xf32, #tpu.memory_space<smem>>
    return
  }
}

</mosaic_0001>

<sc_bundles>
// kernel: kernel.4.cloned.1.call-start
scs
__scs_entry_jumppad:
0x0: {  	(pc) =	sbr.rel $0x88, $3  }
0x1: {  	(tag) =	ssettag $0x0;
	lr =	simm.s32 $0x1  }
0x2: {  	[smem:$0x3F9E] =	sst lr;
	_ =	strace $0xD0000000  }
0x3: {  	_ = 	snop  }
0x4: {  	_ = 	snop  }
0x5: {  	_ = 	snop  }
0x6: {  	_ = 	snop  }
0x7: {  	_ = 	snop  }
__scs_overlays_trampoline_lowered:
0x8: {  	[smem:$0x3FAD] =	sst s0  }
0x9: {  	[smem:$0x3FAE] =	sst s1  }
0xa: {  	[smem:$0x3FAF] =	sst s2  }
0xb: {  	[smem:$0x3FB0] =	sst s3  }
0xc: {  	[smem:$0x3FB1] =	sst s4  }
0xd: {  	[smem:$0x3FB2] =	sst s5  }
0xe: {  	[smem:$0x3FB3] =	sst s6  }
0xf: {  	[smem:$0x3FB4] =	sst s7  }
0x10: {  	[smem:$0x3FB5] =	sst s8  }
0x11: {  	[smem:$0x3FB6] =	sst s9;
	s0 =	simm.s32 @!p0 $0x0  }
0x12: {  	s1 =	sld [smem:$0x3F9C];
	s0 =	simm.s32 @p0 $0x1  }
0x13: {  	[smem:$0x3FB7] =	sst s0;
	s0 =	simm.s32 @!p1 $0x0  }
0x14: {  	s2 =	sld [smem:$0x3F9B];
	s0 =	simm.s32 @p1 $0x1  }
0x15: {  	[smem:$0x3FB8] =	sst s0;
	s0 =	simm.s32 @!p2 $0x0  }
0x16: {  	s3 =	sld [smem:$0x3FDB];
	s0 =	simm.s32 @p2 $0x1  }
0x17: {  	s4 =	simm.s32 $0x1BF5;
	[smem:$0x3FBA] =	sst s0  }
0x18: {  	s0 =	sld [smem:$0x3F9D];
	_ =	swait.ge [sflag:s4], $0x0  }
0x19: {  	s7 =	sld [smem:$0x3F9E]  }
0x1a: {  	s8 =	sadd.s32 $0xFFFFE003, lr  }
0x1b: {  	s9 =	sadd.s32 $0xFFFFFEF7, lr;
	s5 =	simm.s32 $0xFFFFFFFF;
	p2 =	slt.u32 s8, $0xFFFFF086  }
0x1c: {  	p1 =	slt.u32 s9, $0xF7A;
	s5 =	simm.s32 @!p2 $0x0  }
0x1d: {  	s5 =	simm.s32 @p1 $0x1;
	p0 =	seq.s32 s7, s2  }
0x1e: {  	s7 =	smul.u32 @!p0 $0xF7A, s2;
	p2 =	seq.s32 @!p0 s5, $0x0  }
0x1f: {  	s9 =	smul.u32 $0xF7A, s1;
	s8 =	simm.s32 @!p0 $0x1BF5;
	p2 =	por !p2, p0  }
0x20: {  	[sflag:s8] =	ssyncset.s32 @!p0 $0xFFFFF086;
	s6 =	sadd.s32 @!p0 s3, s7;
	s7 =	simm.s32 @!p0 $0x108  }
0x21: {  	s3 =	sadd.s32 s3, s9;
	s6 =	sadd.s32 @!p0 $0x88, s6;
	s7 =	simm.s32 @p2 $0x1082  }
0x22: {  	[simem:s7], [sflag:s8] =	dma.local @!p0 [hbm:s6], $0xF7A  }
0x23: {  	s9 =	sor.u32 $0xD0000000, s2;
	s6 =	simm.s32 $0x108;
	_ =	swait.ge @!p0 [sflag:s8], $0x0  }
0x24: {  	s3 =	sadd.s32 $0x88, s3;
	s6 =	simm.s32 @!p1 $0x1082;
	[sflag:s4] =	ssyncset.s32 $0xFFFFF086  }
0x25: {  	[simem:s6], [sflag:s4] =	dma.local [hbm:s3], $0xF7A  }
0x26: {  	[smem:$0x3F9E] =	sst s1;
	(tag) =	ssettag s2;
	_ =	strace s9  }
0x27: {  	s1 =	sld [smem:$0x3FAE]  }
0x28: {  	s2 =	sld [smem:$0x3FAF]  }
0x29: {  	s4 =	sld [smem:$0x3FB1]  }
0x2a: {  	p0 =	seq.s32 s5, $0x0;
	s5 =	sld [smem:$0x3FB2]  }
0x2b: {  	s6 =	sld [smem:$0x3FB3]  }
0x2c: {  	s7 =	sld [smem:$0x3FB4]  }
0x2d: {  	s3 =	simm.s32 $0x108;
	s8 =	sld [smem:$0x3FB5]  }
0x2e: {  	s3 =	simm.s32 @!p0 $0x1082;
	s9 =	sld [smem:$0x3FB6]  }
0x2f: {  	lr =	sadd.s32 s0, s3;
	s0 =	sld [smem:$0x3FAD]  }
0x30: {  	s3 =	sld [smem:$0x3FB0]  }
0x31: {  	[smem:$0x3FB9] =	sst s10  }
0x32: {  	s10 =	sld [smem:$0x3FB7];
	_ =	sdelay $0x3  }
0x33: {  	p0 =	seq.s32 s10, $0x1;
	s10 =	sld [smem:$0x3FB9];
	_ =	sdelay $0x3  }
0x34: {  	[smem:$0x3FB9] =	sst s10  }
0x35: {  	s10 =	sld [smem:$0x3FB8];
	_ =	sdelay $0x3  }
0x36: {  	p1 =	seq.s32 s10, $0x1;
	s10 =	sld [smem:$0x3FB9];
	_ =	sdelay $0x3  }
0x37: {  	[smem:$0x3FB9] =	sst s10  }
0x38: {  	s10 =	sld [smem:$0x3FBA]  }
0x39: {  	_ = 	snop;
	(pc) =	sbr.ind lr, $3  }
0x3a: {  	_ = 	snop  }
0x3b: {  	_ = 	snop  }
0x3c: {  	p2 =	seq.s32 s10, $0x1;
	s10 =	sld [smem:$0x3FB9]  }
0x3d: {  	_ =	shalt  }
0x3e: {  	_ =	shalt  }
0x3f: {  	_ =	shalt  }
0x40: {  	_ =	shalt  }
0x41: {  	_ =	shalt  }
0x42: {  	_ =	shalt  }
0x43: {  	_ =	shalt  }
0x44: {  	_ =	shalt  }
0x45: {  	_ =	shalt  }
0x46: {  	_ =	shalt  }
0x47: {  	_ =	shalt  }
0x48: {  	_ =	shalt  }
0x49: {  	_ =	shalt  }
0x4a: {  	_ =	shalt  }
0x4b: {  	_ =	shalt  }
0x4c: {  	_ =	shalt  }
0x4d: {  	_ =	shalt  }
0x4e: {  	_ =	shalt  }
0x4f: {  	_ =	shalt  }
0x50: {  	_ =	shalt  }
0x51: {  	_ =	shalt  }
0x52: {  	_ =	shalt  }
0x53: {  	_ =	shalt  }
0x54: {  	_ =	shalt  }
0x55: {  	_ =	shalt  }
0x56: {  	_ =	shalt  }
0x57: {  	_ =	shalt  }
0x58: {  	_ =	shalt  }
0x59: {  	_ =	shalt  }
0x5a: {  	_ =	shalt  }
0x5b: {  	_ =	shalt  }
0x5c: {  	_ =	shalt  }
0x5d: {  	_ =	shalt  }
0x5e: {  	_ =	shalt  }
0x5f: {  	_ =	shalt  }
0x60: {  	_ =	shalt  }
0x61: {  	_ =	shalt  }
0x62: {  	_ =	shalt  }
0x63: {  	_ =	shalt  }
0x64: {  	_ =	shalt  }
0x65: {  	_ =	shalt  }
0x66: {  	_ =	shalt  }
0x67: {  	_ =	shalt  }
0x68: {  	_ =	shalt  }
0x69: {  	_ =	shalt  }
0x6a: {  	_ =	shalt  }
0x6b: {  	_ =	shalt  }
0x6c: {  	_ =	shalt  }
0x6d: {  	_ =	shalt  }
0x6e: {  	_ =	shalt  }
0x6f: {  	_ =	shalt  }
0x70: {  	_ =	shalt  }
0x71: {  	_ =	shalt  }
0x72: {  	_ =	shalt  }
0x73: {  	_ =	shalt  }
0x74: {  	_ =	shalt  }
0x75: {  	_ =	shalt  }
0x76: {  	_ =	shalt  }
0x77: {  	_ =	shalt  }
0x78: {  	_ =	shalt  }
0x79: {  	_ =	shalt  }
0x7a: {  	_ =	shalt  }
0x7b: {  	_ =	shalt  }
0x7c: {  	_ =	shalt  }
0x7d: {  	_ =	shalt  }
0x7e: {  	_ =	shalt  }
0x7f: {  	_ =	shalt  }
0x80: {  	_ =	shalt  }
0x81: {  	_ =	shalt  }
0x82: {  	_ =	shalt  }
0x83: {  	_ =	shalt  }
0x84: {  	_ =	shalt  }
0x85: {  	_ =	shalt  }
0x86: {  	_ =	shalt  }
0x87: {  	_ =	shalt  }
.Lfunc_end0:
.L_simem_size_0:
called_computation_lowered:
.L_overlay_start_0:
0x88: {  	s2 =	sld [smem:$0x3FD9]  }
0x89: {  	s3 =	sld [smem:$0x3FFE];
	_ =	sdelay $0x1  }
0x8a: {  	s1 =	srdreg.scid  }
0x8b: {  	s0 =	sand.u32 $0x1, s1  }
0x8c: {  	s17 =	sshll.u32 s0, $0xA;
	s2 =	sadd.s32 s3, s2  }
0x8d: {  	s2 =	sadd.s32 s2, s17  }
0x8e: {  	[smem:$0x3FC5] =	sst s2  }
0x8f: {  	_ = 	snop  }
0x90: {  	s2 =	sld [smem:$0x3FC7];
	(tm) =	ssettm $0x1  }
0x91: {  	s18 =	sld [smem:$0x3FFB];
	_ =	sdelay $0x3  }
0x92: {  	_ =	strace s18  }
0x93: {  	s3 =	sld [smem:$0x3FFC];
	_ =	sdelay $0x3  }
0x94: {  	_ =	strace s3  }
0x95: {  	s3 =	sld [smem:$0x3FFD];
	_ =	sdelay $0x3  }
0x96: {  	_ =	strace s3  }
0x97: {  	_ =	strace $0x8FFFFFFF  }
0x98: {  	s19 =	sld [smem:$0x3FDB];
	_ =	sdelay $0x1  }
0x99: {  	s4 =	simm.s32 $_scs_section_size  }
0x9a: {  	s5 =	simm.s32 $_size__tile_overlayer_lowered;
	s6 =	simm.s32 $_tile_overlayer_lowered  }
0x9b: {  	s22 =	simm.s32 $0x1BFF;
	s21 =	sshll.u32 s6, $0x1;
	s3 =	sadd.s32 s4, s19  }
0x9c: {  	s7 =	simm.s32 $0x0;
	s20 =	sshll.u32 s5, $0x1;
	s5 =	sadd.s32 s21, s3  }
0x9d: {  	[timem:s7], [sflag:s22] =	dma.local [hbm:s5], s20  }
0x9e: {  	_ =	swait.ge [sflag:s22], s20  }
0x9f: {  	s4 =	ssub.s32 $0x0, s20;
	[sflag:s22] =	ssyncset.done $0x0  }
0xa0: {  	[sflag:s22] =	ssyncadd.s32 s4;
	_ =	sdelay $0x1  }
0xa1: {  	s23 =	simm.s32 $0x1B8B  }
0xa2: {  	_ =	swait.ge [sflag:s23], $0x1  }
0xa3: {  	[sflag:s23] =	ssyncset.done $0x0  }
0xa4: {  	s25 =	simm.s32 $0x1B8E;
	s24 =	sld [smem:$0x3FFE];
	[sflag:s23] =	ssyncadd.s32 $0xFFFFFFFF  }
0xa5: {  	s26 =	simm.s32 $execute0_lowered;
	[smem:$0x3FD2] =	sst s25  }
0xa6: {  	s5 =	sshll.u32 s26, $0x1;
	_ =	strace $0x80000046;
	[dreg:$0x1] =	wrdreg $0xFFFFFFFF  }
0xa7: {  	s28 =	simm.s32 $_size_execute0_lowered;
	s3 =	sadd.s32 s3, s5;
	[dreg:$0x0] =	wrdreg $0x0  }
0xa8: {  	s5 =	sshll.u32 s28, $0x1;
	[dreg:$0x2] =	wrdreg s3  }
0xa9: {  	[dreg:$0x3] =	wrdreg s5  }
0xaa: {  	[dreg:$0x4] =	wrdreg $0xC0  }
0xab: {  	_ =	task [dreg:s7], $0x5FFFF  }
0xac: {  	[dreg:$0x1] =	wrdreg $0xFFFFFFFF  }
0xad: {  	[dreg:$0x0] =	wrdreg $0x60  }
0xae: {  	[dreg:$0x2] =	wrdreg s24  }
0xaf: {  	[dreg:$0x3] =	wrdreg s2  }
0xb0: {  	[dreg:$0x4] =	wrdreg $0x9  }
0xb1: {  	_ =	task.clear_ibuf [dreg:s7], $0x5FFFF;
	_ =	strace $0x90000046  }
0xb2: {  	s29 =	simm.s32 $0x9;
	_ =	strace $0x80000048  }
0xb3: {  	_ =	swait.ge [sflag:s29], $0x1  }
0xb4: {  	[sflag:s29] =	ssyncadd.s32 $0xFFFFFFFF  }
0xb5: {  	_ =	strace $0x90000048  }
0xb6: {  	_ =	sfence  }
0xb7: {  	s30 =	sld [smem:$0x0];
	_ =	sdelay $0x2  }
0xb8: {  	s31 =	sshll.u32 s1, $0xD;
	s1 =	sshrl.u32 s1, $0x2  }
0xb9: {  	s3 =	sand.u32 $0x4000, s31;
	s1 =	sadd.s32 s1, s30  }
0xba: {  	s0 =	sor.u32 s3, s0;
	s1 =	sshll.u32 s1, $0x11  }
0xbb: {  	s0 =	sor.u32 s1, s0  }
0xbc: {  	s0 =	sadd.s32 $0x8F2B, s0  }
0xbd: {  	[sflag:s0] =	ssyncadd.remote.s32 $0x1  }
0xbe: {  	_ =	sfence.sel $0xFFFF  }
0xbf: {  	[dreg:$0x0] =	wrdreg $0xFFFFFFFF;
	(pc) =	sbr.abs _section_cstart, $3  }
0xc0: {  	[dreg:$0x1] =	wrdreg $0xFFFFFFFF  }
0xc1: {  	_ =	task.clear_ibuf [dreg:s7], $0x2FFFF;
	_ =	strace $0x9FFFFFFF  }
0xc2: {  	(tm) =	ssettm $0x7FFFFFFF  }
0xc3: {  	_ =	shalt  }
tec
execute0_lowered:
.L_overlay_start_1:
0x0: {  	(tag) =	ssettag $0x1  }
0x1: {  	v0 =	vimm.s32 $0xFEDCBA98;
	v1 =	vimm.s32 $0x76543210  }
0x2: {  	s1 =	srdreg.scid;
	s5 =	rddreg [dreg:$0x0];
	v2 =	vimm.s32 $0xBA98FEDC;
	v3 =	vimm.s32 $0x32107654;
	v4 =	vimm.s32 $0xDCFE98BA  }
0x3: {  	s0 =	stileid.u32;
	s2 =	rddreg [dreg:$0x1];
	s3 =	simm.s32 $0x0;
	v5 =	vimm.s32 $0x54761032;
	v6 =	vimm.s32 $0xEFCDAB89;
	v7 =	vimm.s32 $0x67452301  }
0x4: {  	s8 =	simm.s32 $0x70;
	s9 =	simm.s32 $0x6000;
	s10 =	simm.s32 $0x80;
	vm0 =	vmmov $0x1;
	vm1 =	vcmask $0x318;
	vm2 =	vcmask $0x718  }
0x5: {  	s11 =	simm.s32 $0x9800;
	s12 =	simm.s32 $0x100;
	s13 =	simm.s32 $0xD000;
	v0 =	vunpack.c.l.s4.s8 v0;
	v1 =	vunpack.c.l.s4.s8 v1;
	v2 =	vunpack.c.l.s4.s8 v2  }
0x6: {  	s14 =	simm.s32 $0x10800;
	s15 =	simm.s32 $0x1;
	s16 =	simm.s32 $0x2;
	v3 =	vunpack.c.l.s4.s8 v3;
	v4 =	vunpack.c.l.s4.s8 v4;
	v5 =	vunpack.c.l.s4.s8 v5  }
0x7: {  	s17 =	simm.s32 $0x3;
	s4 =	sand.u32 $0x1, s1;
	s30 =	sshll.u32 s0, $0x1;
	v6 =	vunpack.c.l.s4.s8 v6;
	v7 =	vunpack.c.l.s4.s8 v7;
	v0 =	vunpack.c.0.s8.s32 v0  }
0x8: {  	s18 =	simm.s32 $0x4;
	s19 =	simm.s32 $0x14000;
	s6 =	sor.u32 s4, s30;
	v2 =	vunpack.c.0.s8.s32 v2;
	v3 =	vunpack.c.0.s8.s32 v3;
	v4 =	vunpack.c.0.s8.s32 v4  }
0x9: {  	s20 =	simm.s32 $0x0;
	s1 =	rddreg [dreg:$0x2];
	s7 =	smul.u32 $0xC00, s6;
	v5 =	vunpack.c.0.s8.s32 v5;
	v6 =	vunpack.c.0.s8.s32 v6;
	v7 =	vunpack.c.0.s8.s32 v7  }
0xa: {  	vm3 =	vcmask $0xB18;
	[smem:$0x7FF] =	sst s3;
	s4 =	ssub.s32 $0x2, s4;
	s6 =	smul.u32 $0x1800, s6;
	v1 =	vunpack.c.0.s8.s32 v1;
	v2 =	vcombine.low v3, v2  }
0xb: {  	_ =	strace $0x80000047;
	s31 =	sshrl.u32 s4, $0x1;
	s7 =	sadd.s32 s7, s5;
	v3 =	vcombine.low v5, v4;
	v4 =	vcombine.low v7, v6;
	v0 =	vand.u32 $0xF, v0  }
0xc: {  	vm4 =	vcmask $0xF18;
	vm5 =	vcmask $0x1318;
	s5 =	sadd.s32 s6, s5;
	s6 =	ssub.s32 s4, s31;
	s4 =	sadd.s32 $0x180600, s7;
	v0 =	vcombine.low v0, v1  }
0xd: {  	s5 =	sadd.s32 $0x600, s5;
	s6 =	smax.u32 s6, $0x1;
	s7 =	simm.s32 $0x5;
	v1 =	vand.u32 $0xF, v2;
	v2 =	vand.u32 $0xF, v3;
	v3 =	vand.u32 $0xF, v4  }
.LBB2_1:
0xe: {  	[tilespmem:s3], [sflag:$0x5] =	stream.linear.gather [hbm4b:s4+s3], $0x6000, $0x38;
	v63 =	vld [tilespmem:$0x0]  }
0xf: {  	_ =	swait.ge [sflag:s7], $0x6000  }
0x10: {  	[sflag:s7] =	ssyncset.done $0x0  }
0x11: {  	[sflag:s7] =	ssyncadd.s32 $0xFFFFA000  }
0x12: {  	[tilespmem:s9], [sflag:$0x1] =	stream.indirect.gather [hbm4b:s2+s8], $0x80, s3, s8, $0xb8;
	v63 =	vld [tilespmem:$0x0]  }
0x13: {  	s21 =	simm.s32 $0x14010;
	s22 =	simm.s32 $0x14110  }
0x14: {  	[tilespmem:s11], [sflag:$0x2] =	stream.indirect.gather [hbm4b:s2+s8], $0x80, s10, s8, $0xb8;
	v63 =	vld [tilespmem:$0x0]  }
0x15: {  	s23 =	simm.s32 $0x14210;
	s24 =	simm.s32 $0x14310;
	s25 =	simm.s32 $0x0  }
0x16: {  	[tilespmem:s13], [sflag:$0x3] =	stream.indirect.gather [hbm4b:s2+s8], $0x80, s12, s8, $0xb8;
	v63 =	vld [tilespmem:$0x0]  }
.LBB2_2:
0x17: {  	s26 =	sshll.u32 s25, $0x9  }
0x18: {  	s26 =	sor.u32 $0x180, s26  }
0x19: {  	s26 =	sand.u32 $0x3FFFFF80, s26  }
0x1a: {  	[tilespmem:s14], [sflag:$0x4] =	stream.indirect.gather [hbm4b:s2+s8], $0x80, s26, s8, $0xb8;
	v63 =	vld [tilespmem:$0x0]  }
0x1b: {  	_ =	swait.ge [sflag:s15], $0x3800  }
0x1c: {  	[sflag:s15] =	ssyncset.done $0x0  }
0x1d: {  	s28 =	simm.s32 $0x6380;
	[sflag:s15] =	ssyncadd.s32 $0xFFFFC800  }
0x1e: {  	v4 =	vld [tilespmem:s28+$0x300]  }
0x1f: {  	v5 =	vld [tilespmem:s28+$0x310]  }
0x20: {  	v6 =	vld [tilespmem:s28+$0x320]  }
0x21: {  	v7 =	vld [tilespmem:s28+$0x330]  }
0x22: {  	v8 =	vld [tilespmem:s28+$0x340]  }
0x23: {  	v9 =	vld [tilespmem:s28+$0x350]  }
0x24: {  	v10 =	vld [tilespmem:s28+$0x360]  }
0x25: {  	v11 =	vld [tilespmem:s28+$0x370]  }
0x26: {  	v12 =	vld [tilespmem:s28+$0x280]  }
0x27: {  	v13 =	vld [tilespmem:s28+$0x290]  }
0x28: {  	v14 =	vld [tilespmem:s28+$0x2A0]  }
0x29: {  	v15 =	vld [tilespmem:s28+$0x2B0]  }
0x2a: {  	v16 =	vld [tilespmem:s28+$0x2C0]  }
0x2b: {  	v17 =	vld [tilespmem:s28+$0x2D0]  }
0x2c: {  	v18 =	vld [tilespmem:s28+$0x2E0]  }
0x2d: {  	v19 =	vld [tilespmem:s28+$0x2F0]  }
0x2e: {  	v20 =	vld [tilespmem:s28+$0x200]  }
0x2f: {  	v21 =	vld [tilespmem:s28+$0x210]  }
0x30: {  	v22 =	vld [tilespmem:s28+$0x220]  }
0x31: {  	v23 =	vld [tilespmem:s28+$0x230]  }
0x32: {  	v24 =	vld [tilespmem:s28+$0x240]  }
0x33: {  	v25 =	vld [tilespmem:s28+$0x250]  }
0x34: {  	v26 =	vld [tilespmem:s28+$0x260]  }
0x35: {  	v27 =	vld [tilespmem:s28+$0x0]  }
0x36: {  	v28 =	vld [tilespmem:s28+$0x10]  }
0x37: {  	v29 =	vld [tilespmem:s28+$0x20]  }
0x38: {  	v30 =	vld [tilespmem:s28+$0x30]  }
0x39: {  	v31 =	vld [tilespmem:s28+$0x40]  }
0x3a: {  	v32 =	vld [tilespmem:s28+$0x50]  }
0x3b: {  	v33 =	vld [tilespmem:s28+$0x60]  }
0x3c: {  	v34 =	vld [tilespmem:s28+$0x70]  }
0x3d: {  	v35 =	vld [tilespmem:s28+$0x270]  }
0x3e: {  	v36 =	vld [tilespmem:s28+$0x180];
	v4 =	vmul.f32 v4, v27;
	v5 =	vmul.f32 v5, v28  }
0x3f: {  	v37 =	vld [tilespmem:s28+$0x190];
	v6 =	vmul.f32 v6, v29;
	v7 =	vmul.f32 v7, v30  }
0x40: {  	v38 =	vld [tilespmem:s28+$0x1A0];
	v8 =	vmul.f32 v8, v31;
	v9 =	vmul.f32 v9, v32  }
0x41: {  	v39 =	vld [tilespmem:s28+$0x1B0];
	v10 =	vmul.f32 v10, v33;
	v11 =	vmul.f32 v11, v34  }
0x42: {  	v40 =	vld [tilespmem:s28+$0x1C0];
	v12 =	vmul.f32 v12, v27;
	v13 =	vmul.f32 v13, v28  }
0x43: {  	v41 =	vld [tilespmem:s28+$0x1D0];
	v14 =	vmul.f32 v14, v29;
	v15 =	vmul.f32 v15, v30  }
0x44: {  	v42 =	vld [tilespmem:s28+$0x1E0];
	v16 =	vmul.f32 v16, v31;
	v17 =	vmul.f32 v17, v32  }
0x45: {  	v43 =	vld [tilespmem:s28+$0x1F0];
	v18 =	vmul.f32 v18, v33;
	v19 =	vmul.f32 v19, v34  }
0x46: {  	v44 =	vld [tilespmem:s28+$0x100];
	v20 =	vmul.f32 v20, v27;
	v21 =	vmul.f32 v21, v28  }
0x47: {  	v45 =	vld [tilespmem:s28+$0x110];
	v22 =	vmul.f32 v22, v29;
	v23 =	vmul.f32 v23, v30  }
0x48: {  	v46 =	vld [tilespmem:s28+$0x120];
	v24 =	vmul.f32 v24, v31;
	v25 =	vmul.f32 v25, v32  }
0x49: {  	v47 =	vld [tilespmem:s28+$0x130];
	v26 =	vmul.f32 v26, v33;
	v35 =	vmul.f32 v35, v34  }
0x4a: {  	v48 =	vld [tilespmem:s28+$0x140];
	v36 =	vmul.f32 v36, v27;
	v37 =	vmul.f32 v37, v28  }
0x4b: {  	v49 =	vld [tilespmem:s28+$0x150];
	v38 =	vmul.f32 v38, v29;
	v39 =	vmul.f32 v39, v30  }
0x4c: {  	v50 =	vld [tilespmem:s28+$0x160];
	v40 =	vmul.f32 v40, v31;
	v41 =	vmul.f32 v41, v32  }
0x4d: {  	v51 =	vld [tilespmem:s28+$0x170];
	v42 =	vmul.f32 v42, v33;
	v43 =	vmul.f32 v43, v34  }
0x4e: {  	v52 =	vld [tilespmem:s28+$0x80];
	v45 =	vmul.f32 v45, v28;
	v46 =	vmul.f32 v46, v29  }
0x4f: {  	v53 =	vld [tilespmem:s28+$0x90];
	v47 =	vmul.f32 v47, v30;
	v56 =	vadd.f32 v5, v4;
	v57 =	vadd.f32 v7, v6  }
0x50: {  	v54 =	vld [tilespmem:s28+$0xA0];
	v48 =	vmul.f32 v48, v31;
	v62 =	vadd.f32 v9, v8;
	v11 =	vadd.f32 v11, v10  }
0x51: {  	v55 =	vld [tilespmem:s28+$0xB0];
	v49 =	vmul.f32 v49, v32;
	v12 =	vadd.f32 v13, v12;
	v13 =	vadd.f32 v15, v14  }
0x52: {  	v58 =	vld [tilespmem:s28+$0xFFFFFE30];
	v50 =	vmul.f32 v50, v33;
	v15 =	vadd.f32 v17, v16;
	v16 =	vadd.f32 v19, v18  }
0x53: {  	v60 =	vld [tilespmem:s28+$0xFFFFFE40];
	v6 =	vmul.f32 v51, v34;
	v19 =	vadd.f32 v21, v20;
	v20 =	vadd.f32 v23, v22  }
0x54: {  	v4 =	vld [tilespmem:s28+$0xC0];
	v8 =	vmul.f32 v52, v27;
	v22 =	vadd.f32 v25, v24;
	v23 =	vadd.f32 v35, v26  }
0x55: {  	v5 =	vld [tilespmem:s28+$0xD0];
	v14 =	vmul.f32 v53, v28;
	v25 =	vadd.f32 v37, v36;
	v26 =	vadd.f32 v39, v38  }
0x56: {  	v7 =	vld [tilespmem:s28+$0xE0];
	v17 =	vmul.f32 v54, v29;
	v28 =	vadd.f32 v41, v40;
	v29 =	vadd.f32 v43, v42  }
0x57: {  	v18 =	vld [tilespmem:s28+$0xF0];
	v21 =	vmul.f32 v55, v30;
	v41 =	vadd.f32 v47, v46;
	v42 =	vadd.f32 v49, v48  }
0x58: {  	v10 =	vld [tilespmem:s28+$0xFFFFFC90];
	v43 =	vadd.f32 v6, v50;
	v14 =	vadd.f32 v14, v8  }
0x59: {  	v9 =	vld [tilespmem:s28+$0xFFFFFCA0];
	v17 =	vadd.f32 v21, v17;
	v12 =	vadd.f32 v13, v12  }
0x5a: {  	v44 =	vmul.f32 v44, v27;
	v35 =	vld [tilespmem:s28+$0xFFFFFDE0];
	v25 =	vadd.f32 v26, v25;
	v19 =	vadd.f32 v20, v19  }
0x5b: {  	v49 =	vld [tilespmem:s28+$0xFFFFFDF0];
	v22 =	vadd.f32 v23, v22;
	v24 =	vmul.f32 v4, v31;
	v27 =	vmul.f32 v5, v32  }
0x5c: {  	v52 =	vld [tilespmem:s28+$0xFFFFFE10];
	v15 =	vadd.f32 v16, v15;
	v30 =	vmul.f32 v7, v33;
	v18 =	vmul.f32 v18, v34  }
0x5d: {  	v55 =	vld [tilespmem:s28+$0xFFFFFE20];
	v19 =	vadd.f32 v22, v19;
	v22 =	vadd.f32 v11, v62  }
0x5e: {  	v11 =	vld [tilespmem:s28+$0xFFFFFC80];
	v21 =	vadd.f32 v27, v24;
	v18 =	vadd.f32 v18, v30  }
0x5f: {  	v12 =	vadd.f32 v15, v12;
	v15 =	vld [tilespmem:s28+$0xFFFFFD80];
	v31 =	vadd.f32 v45, v44  }
0x60: {  	v14 =	vadd.f32 v17, v14;
	v4 =	vld [tilespmem:s28+$0xFFFFFCB0];
	v17 =	vadd.f32 v18, v21  }
0x61: {  	v26 =	vadd.f32 v43, v42;
	v24 =	vld [tilespmem:s28+$0xFFFFFD00];
	v21 =	vadd.f32 v41, v31  }
0x62: {  	v18 =	vld [tilespmem:s28+$0xFFFFFD30];
	v14 =	vadd.f32 v17, v14;
	v17 =	vadd.f32 v29, v28  }
0x63: {  	v6 =	vld [tilespmem:s28+$0xFFFFFCE0];
	v13 =	vadd.f32 v57, v56;
	v21 =	vadd.f32 v26, v21  }
0x64: {  	v8 =	vld [tilespmem:s28+$0xFFFFFCF0];
	v26 =	vperm.xlane v14, v0;
	v17 =	vadd.f32 v17, v25  }
0x65: {  	v20 =	vld [tilespmem:s28+$0xFFFFFD20];
	v13 =	vadd.f32 v22, v13;
	v15 =	vmul.f32 v15, v11;
	v25 =	vperm.xlane v21, v0  }
0x66: {  	v23 =	vld [tilespmem:s28+$0xFFFFFD60];
	v24 =	vmul.f32 v24, v11;
	v14 =	vadd.f32 v14, v26;
	v26 =	vperm.xlane v17, v0  }
0x67: {  	v16 =	vld [tilespmem:s28+$0xFFFFFD70];
	v18 =	vmul.f32 v18, v4;
	v21 =	vadd.f32 v21, v25;
	v25 =	vperm.xlane v19, v0  }
0x68: {  	v62 =	vld [tilespmem:s28+$0xFFFFFE50];
	v29 =	vperm.xlane v14, v1;
	v17 =	vadd.f32 v17, v26;
	v26 =	vperm.xlane v12, v0  }
0x69: {  	v5 =	vld [tilespmem:s28+$0xFFFFFCC0];
	v44 =	vperm.xlane v21, v1;
	v19 =	vadd.f32 v19, v25;
	v25 =	vperm.xlane v13, v0  }
0x6a: {  	v7 =	vld [tilespmem:s28+$0xFFFFFCD0];
	v14 =	vadd.f32 v14, v29;
	v29 =	vperm.xlane v17, v1;
	v12 =	vadd.f32 v12, v26  }
0x6b: {  	v21 =	vadd.f32 v21, v44;
	v45 =	vperm.xlane v19, v1;
	v13 =	vadd.f32 v13, v25;
	v25 =	vld [tilespmem:s28+$0xFFFFFDD0]  }
0x6c: {  	v33 =	vld [tilespmem:s28+$0xFFFFFDB0];
	v46 =	vperm.xlane v14, v2;
	v17 =	vadd.f32 v17, v29;
	v29 =	vperm.xlane v12, v1  }
0x6d: {  	v22 =	vld [tilespmem:s28+$0xFFFFFD90];
	v47 =	vperm.xlane v21, v2;
	v19 =	vadd.f32 v19, v45;
	v48 =	vperm.xlane v13, v1  }
0x6e: {  	v27 =	vld [tilespmem:s28+$0xFFFFFD10];
	v14 =	vadd.f32 v14, v46;
	v50 =	vperm.xlane v17, v2;
	v12 =	vadd.f32 v12, v29  }
0x6f: {  	v21 =	vadd.f32 v21, v47;
	v51 =	vperm.xlane v19, v2;
	v13 =	vadd.f32 v13, v48;
	v47 =	vld [tilespmem:s28+$0xFFFFFE70]  }
0x70: {  	v30 =	vld [tilespmem:s28+$0xFFFFFD40];
	v25 =	vmul.f32 v25, v7;
	v53 =	vperm.xlane v14, v3;
	v17 =	vadd.f32 v17, v50  }
0x71: {  	v48 =	vld [tilespmem:s28+$0xFFFFFF00];
	v54 =	vperm.xlane v12, v2;
	v56 =	vperm.xlane v21, v3;
	v19 =	vadd.f32 v19, v51  }
0x72: {  	v31 =	vld [tilespmem:s28+$0xFFFFFDA0];
	v57 =	vperm.xlane v13, v2;
	v51 =	vmul.f32 v62, v7;
	v14 =	vadd.f32 v14, v53  }
0x73: {  	v28 =	vld [tilespmem:s28+$0xFFFFFD50];
	v59 =	vperm.xlane v17, v3;
	v12 =	vadd.f32 v12, v54;
	v21 =	vadd.f32 v21, v56  }
0x74: {  	v61 =	vperm.xlane v19, v3;
	v13 =	vadd.f32 v13, v57;
	v54 =	vld [tilespmem:s28+$0xFFFFFF30];
	v53 =	vmul.f32 v47, v8  }
0x75: {  	v26 =	vld [tilespmem:s28+$0xFFFFFDC0];
	v14 =	vnsel vm0, $0x0, v14;
	v17 =	vadd.f32 v17, v59;
	v45 =	vperm.xlane v12, v3  }
0x76: {  	v50 =	vld [tilespmem:s28+$0xFFFFFF10];
	v32 =	vmul.f32 v48, v11;
	v19 =	vadd.f32 v19, v61;
	v14 =	vsel vm1, v14, v21  }
0x77: {  	v29 =	vld [tilespmem:s28+$0xFFFFFE00];
	v21 =	vperm.xlane v13, v3;
	v14 =	vsel vm2, v14, v17;
	v12 =	vadd.f32 v12, v45  }
0x78: {  	v46 =	vld [tilespmem:s28+$0xFFFFFE60];
	v17 =	vmul.f32 v27, v10;
	v14 =	vsel vm3, v14, v19;
	v19 =	vmul.f32 v20, v9  }
0x79: {  	v62 =	vld [tilespmem:s28+$0xFFFFFFA0];
	v13 =	vadd.f32 v13, v21;
	v21 =	vmul.f32 v28, v7;
	v39 =	vmul.f32 v54, v4  }
0x7a: {  	v59 =	vld [tilespmem:s28+$0xFFFFFF80];
	v12 =	vsel vm4, v14, v12;
	v14 =	vmul.f32 v30, v5;
	v30 =	vmul.f32 v35, v6  }
0x7b: {  	v27 =	vld [tilespmem:s28+$0xFFFFFE80];
	v35 =	vmul.f32 v50, v10;
	v38 =	vsel vm5, v12, v13;
	v12 =	vmul.f32 v23, v6  }
0x7c: {  	v20 =	vld [tilespmem:s28+$0xFFFFFE90];
	v13 =	vmul.f32 v16, v8;
	v18 =	vadd.f32 v18, v19;
	v19 =	vmul.f32 v22, v10  }
0x7d: {  	v28 =	vld [tilespmem:s28+$0xFFFFFEA0];
	v23 =	vmul.f32 v33, v4;
	v14 =	vadd.f32 v21, v14;
	v21 =	vmul.f32 v31, v9  }
0x7e: {  	v16 =	vadd.f32 v17, v24;
	v17 =	vld [tilespmem:s28+$0xFFFFFEB0];
	v31 =	vmul.f32 v49, v8;
	v49 =	vmul.f32 v58, v4  }
0x7f: {  	v22 =	vld [tilespmem:s28+$0xFFFFFEC0];
	v12 =	vadd.f32 v13, v12;
	v13 =	vmul.f32 v26, v5;
	v15 =	vadd.f32 v19, v15  }
0x80: {  	v24 =	vld [tilespmem:s28+$0xFFFFFED0];
	v16 =	vadd.f32 v18, v16;
	v18 =	vmul.f32 v46, v6;
	v27 =	vmul.f32 v27, v11  }
0x81: {  	v58 =	vld [tilespmem:s28+$0xFFFFFF70];
	v21 =	vadd.f32 v23, v21;
	v23 =	vmul.f32 v29, v11;
	v29 =	vmul.f32 v52, v10  }
0x82: {  	v26 =	vld [tilespmem:s28+$0xFFFFFEE0];
	v30 =	vadd.f32 v31, v30;
	v31 =	vmul.f32 v60, v5;
	v20 =	vmul.f32 v20, v10  }
0x83: {  	v19 =	vld [tilespmem:s28+$0xFFFFFEF0];
	v25 =	vadd.f32 v25, v13;
	v13 =	vmul.f32 v55, v9;
	v12 =	vadd.f32 v12, v14  }
0x84: {  	v52 =	vld [tilespmem:s28+$0xFFFFFF20];
	v18 =	vadd.f32 v53, v18;
	v56 =	vadd.f32 v29, v23;
	v23 =	vmul.f32 v28, v9  }
0x85: {  	v55 =	vld [tilespmem:s28+$0xFFFFFF40];
	v17 =	vmul.f32 v17, v4;
	v29 =	vmul.f32 v22, v5;
	v31 =	vadd.f32 v51, v31  }
0x86: {  	v28 =	vld [tilespmem:s28+$0xFFFFFF50];
	v24 =	vmul.f32 v24, v7;
	v33 =	vadd.f32 v49, v13;
	v13 =	vadd.f32 v21, v15  }
0x87: {  	v22 =	vld [tilespmem:s28+$0xFFFFFF60];
	v14 =	vadd.f32 v30, v25;
	v15 =	vadd.f32 v20, v27;
	v25 =	vmul.f32 v59, v11  }
0x88: {  	v60 =	vld [tilespmem:s28+$0xFFFFFF90];
	v12 =	vadd.f32 v12, v16;
	v26 =	vmul.f32 v26, v6;
	v57 =	vmul.f32 v19, v8  }
0x89: {  	v17 =	vadd.f32 v17, v23;
	v23 =	vld [tilespmem:s28+$0xFFFFFFB0];
	v19 =	vadd.f32 v24, v29;
	v29 =	vmul.f32 v58, v8  }
0x8a: {  	v24 =	vld [tilespmem:s28+$0xFFFFFFC0];
	v20 =	vadd.f32 v18, v31;
	v31 =	vmul.f32 v62, v9;
	v36 =	vmul.f32 v52, v9  }
0x8b: {  	v18 =	vadd.f32 v35, v32;
	v40 =	vmul.f32 v55, v5;
	v61 =	vmul.f32 v28, v7;
	v28 =	vld [tilespmem:s28+$0xFFFFFFD0]  }
0x8c: {  	v27 =	vld [tilespmem:s28+$0xFFFFFFE0];
	v16 =	vadd.f32 v33, v56;
	v21 =	vadd.f32 v57, v26;
	v22 =	vmul.f32 v22, v6  }
0x8d: {  	s29 =	simm.s32 $0x6A80;
	s26 =	simm.s32 $0x0;
	[tilespmem:s21+$0x0] =	vst v38;
	v30 =	vmul.f32 v60, v10;
	v10 =	vld [tilespmem:s28+$0xFFFFFFF0];
	v26 =	vadd.f32 v39, v36;
	s28 =	smov.u32 s21;
	v11 =	vadd.f32 v61, v40  }
.LBB2_3:
0x8e: {  	v9 =	vld [tilespmem:s29+$0x300];
	v13 =	vadd.f32 v14, v13;
	v14 =	vadd.f32 v29, v22;
	v22 =	vmul.f32 v23, v4  }
0x8f: {  	v15 =	vadd.f32 v17, v15;
	v17 =	vadd.f32 v21, v19;
	v4 =	vld [tilespmem:s29+$0x310];
	v19 =	vmul.f32 v24, v5  }
0x90: {  	v23 =	vadd.f32 v30, v25;
	v5 =	vld [tilespmem:s29+$0x320];
	v21 =	vmul.f32 v28, v7;
	v22 =	vadd.f32 v22, v31  }
0x91: {  	v16 =	vadd.f32 v20, v16;
	v24 =	vperm.xlane v12, v0;
	v7 =	vld [tilespmem:s29+$0x330];
	v20 =	vmul.f32 v27, v6  }
0x92: {  	v18 =	vadd.f32 v26, v18;
	v6 =	vld [tilespmem:s29+$0x340];
	v8 =	vmul.f32 v10, v8;
	v10 =	vadd.f32 v21, v19  }
0x93: {  	v15 =	vadd.f32 v17, v15;
	v11 =	vadd.f32 v14, v11;
	v21 =	vperm.xlane v13, v0;
	v19 =	vld [tilespmem:s29+$0x350]  }
0x94: {  	v17 =	vperm.xlane v16, v0;
	v14 =	vld [tilespmem:s29+$0x360];
	v8 =	vadd.f32 v8, v20;
	v20 =	vadd.f32 v22, v23  }
0x95: {  	v12 =	vadd.f32 v12, v24;
	v11 =	vadd.f32 v11, v18;
	v23 =	vperm.xlane v15, v0;
	v22 =	vld [tilespmem:s29+$0x370]  }
0x96: {  	v13 =	vadd.f32 v13, v21;
	v18 =	vld [tilespmem:s29+$0x280];
	v8 =	vadd.f32 v8, v10  }
0x97: {  	v16 =	vadd.f32 v16, v17;
	v21 =	vperm.xlane v12, v1;
	v17 =	vperm.xlane v11, v0;
	v10 =	vld [tilespmem:s29+$0x290]  }
0x98: {  	v25 =	vperm.xlane v13, v1;
	v15 =	vadd.f32 v15, v23;
	v24 =	vld [tilespmem:s29+$0x2A0];
	v8 =	vadd.f32 v8, v20  }
0x99: {  	v12 =	vadd.f32 v12, v21;
	v21 =	vperm.xlane v16, v1;
	v11 =	vadd.f32 v11, v17;
	v20 =	vld [tilespmem:s29+$0x2B0]  }
0x9a: {  	v13 =	vadd.f32 v13, v25;
	v23 =	vperm.xlane v15, v1;
	v17 =	vld [tilespmem:s29+$0x2C0];
	v25 =	vperm.xlane v8, v0  }
0x9b: {  	v27 =	vperm.xlane v12, v2;
	v16 =	vadd.f32 v16, v21;
	v21 =	vperm.xlane v11, v1;
	v26 =	vld [tilespmem:s29+$0x2D0]  }
0x9c: {  	v29 =	vperm.xlane v13, v2;
	v15 =	vadd.f32 v15, v23;
	v28 =	vld [tilespmem:s29+$0x2E0];
	v8 =	vadd.f32 v8, v25  }
0x9d: {  	v12 =	vadd.f32 v12, v27;
	v11 =	vadd.f32 v11, v21;
	v25 =	vperm.xlane v16, v2;
	v23 =	vld [tilespmem:s29+$0x2F0]  }
0x9e: {  	v13 =	vadd.f32 v13, v29;
	v27 =	vperm.xlane v15, v2;
	v21 =	vld [tilespmem:s29+$0x200];
	v29 =	vperm.xlane v8, v1  }
0x9f: {  	v31 =	vperm.xlane v12, v3;
	v16 =	vadd.f32 v16, v25;
	v25 =	vperm.xlane v11, v2;
	v30 =	vld [tilespmem:s29+$0x210]  }
0xa0: {  	v33 =	vperm.xlane v13, v3;
	v15 =	vadd.f32 v15, v27;
	v32 =	vld [tilespmem:s29+$0x220];
	v8 =	vadd.f32 v8, v29  }
0xa1: {  	v12 =	vadd.f32 v12, v31;
	v29 =	vperm.xlane v16, v3;
	v11 =	vadd.f32 v11, v25;
	v27 =	vld [tilespmem:s29+$0x230]  }
0xa2: {  	v13 =	vadd.f32 v13, v33;
	v31 =	vperm.xlane v15, v3;
	v25 =	vld [tilespmem:s29+$0x240];
	v33 =	vperm.xlane v8, v2  }
0xa3: {  	v12 =	vnsel vm0, $0x0, v12;
	v16 =	vadd.f32 v16, v29;
	v29 =	vperm.xlane v11, v3;
	v34 =	vld [tilespmem:s29+$0x250]  }
0xa4: {  	v12 =	vsel vm1, v12, v13;
	v13 =	vadd.f32 v15, v31;
	v35 =	vld [tilespmem:s29+$0x260];
	v8 =	vadd.f32 v8, v33  }
0xa5: {  	v12 =	vsel vm2, v12, v16;
	v11 =	vadd.f32 v11, v29;
	v15 =	vld [tilespmem:s29+$0x0]  }
0xa6: {  	v12 =	vsel vm3, v12, v13;
	v16 =	vld [tilespmem:s29+$0x10];
	v13 =	vperm.xlane v8, v3  }
0xa7: {  	v11 =	vsel vm4, v12, v11;
	v29 =	vld [tilespmem:s29+$0x20]  }
0xa8: {  	v12 =	vld [tilespmem:s29+$0x30];
	v8 =	vadd.f32 v8, v13  }
0xa9: {  	v13 =	vld [tilespmem:s29+$0x40]  }
0xaa: {  	v31 =	vld [tilespmem:s29+$0x50];
	v8 =	vsel vm5, v11, v8  }
0xab: {  	v11 =	vld [tilespmem:s29+$0x60];
	[tilespmem:s28+$0xFFFFFFF0] =	vst v8  }
0xac: {  	v8 =	vld [tilespmem:s29+$0x70]  }
0xad: {  	v33 =	vld [tilespmem:s29+$0x270]  }
0xae: {  	v9 =	vmul.f32 v9, v15;
	v4 =	vmul.f32 v4, v16;
	v36 =	vld [tilespmem:s29+$0x180]  }
0xaf: {  	v5 =	vmul.f32 v5, v29;
	v7 =	vmul.f32 v7, v12;
	v37 =	vld [tilespmem:s29+$0x190]  }
0xb0: {  	v6 =	vmul.f32 v6, v13;
	v19 =	vmul.f32 v19, v31;
	v38 =	vld [tilespmem:s29+$0x1A0]  }
0xb1: {  	v14 =	vmul.f32 v14, v11;
	v39 =	vld [tilespmem:s29+$0x1B0];
	v22 =	vmul.f32 v22, v8  }
0xb2: {  	v18 =	vmul.f32 v18, v15;
	v10 =	vmul.f32 v10, v16;
	v40 =	vld [tilespmem:s29+$0x1C0]  }
0xb3: {  	v24 =	vmul.f32 v24, v29;
	v20 =	vmul.f32 v20, v12;
	v41 =	vld [tilespmem:s29+$0x1D0]  }
0xb4: {  	v17 =	vmul.f32 v17, v13;
	v26 =	vmul.f32 v26, v31;
	v42 =	vld [tilespmem:s29+$0x1E0]  }
0xb5: {  	v28 =	vmul.f32 v28, v11;
	v23 =	vmul.f32 v23, v8;
	v43 =	vld [tilespmem:s29+$0x1F0]  }
0xb6: {  	v21 =	vmul.f32 v21, v15;
	v30 =	vmul.f32 v30, v16;
	v44 =	vld [tilespmem:s29+$0x100]  }
0xb7: {  	v32 =	vmul.f32 v32, v29;
	v27 =	vmul.f32 v27, v12;
	v45 =	vld [tilespmem:s29+$0x110]  }
0xb8: {  	v25 =	vmul.f32 v25, v13;
	v34 =	vmul.f32 v34, v31;
	v46 =	vld [tilespmem:s29+$0x120]  }
0xb9: {  	v35 =	vmul.f32 v35, v11;
	v33 =	vmul.f32 v33, v8;
	v47 =	vld [tilespmem:s29+$0x130]  }
0xba: {  	v36 =	vmul.f32 v36, v15;
	v37 =	vmul.f32 v37, v16;
	v48 =	vld [tilespmem:s29+$0x140]  }
0xbb: {  	v38 =	vmul.f32 v38, v29;
	v39 =	vmul.f32 v39, v12;
	v49 =	vld [tilespmem:s29+$0x150]  }
0xbc: {  	v40 =	vmul.f32 v40, v13;
	v41 =	vmul.f32 v41, v31;
	v50 =	vld [tilespmem:s29+$0x160]  }
0xbd: {  	v42 =	vmul.f32 v42, v11;
	v43 =	vmul.f32 v43, v8;
	v51 =	vld [tilespmem:s29+$0x170]  }
0xbe: {  	v44 =	vmul.f32 v44, v15;
	v45 =	vmul.f32 v45, v16;
	v52 =	vld [tilespmem:s29+$0x80]  }
0xbf: {  	v46 =	vmul.f32 v46, v29;
	v47 =	vmul.f32 v47, v12;
	v53 =	vld [tilespmem:s29+$0x90]  }
0xc0: {  	v48 =	vmul.f32 v48, v13;
	v54 =	vld [tilespmem:s29+$0xA0];
	v49 =	vmul.f32 v49, v31  }
0xc1: {  	v56 =	vadd.f32 v4, v9;
	v57 =	vadd.f32 v7, v5;
	v55 =	vld [tilespmem:s29+$0xB0];
	v50 =	vmul.f32 v50, v11  }
0xc2: {  	v19 =	vadd.f32 v19, v6;
	v14 =	vadd.f32 v22, v14;
	v4 =	vld [tilespmem:s29+$0xC0];
	v51 =	vmul.f32 v51, v8  }
0xc3: {  	v18 =	vadd.f32 v10, v18;
	v20 =	vadd.f32 v20, v24;
	v15 =	vmul.f32 v52, v15;
	v5 =	vld [tilespmem:s29+$0xD0]  }
0xc4: {  	v17 =	vadd.f32 v26, v17;
	v22 =	vadd.f32 v23, v28;
	v16 =	vmul.f32 v53, v16;
	v6 =	vld [tilespmem:s29+$0xE0]  }
0xc5: {  	v21 =	vadd.f32 v30, v21;
	v26 =	vadd.f32 v27, v32;
	v23 =	vmul.f32 v54, v29;
	v24 =	vld [tilespmem:s29+$0xF0]  }
0xc6: {  	s26 =	sadd.s32 $0x2, s26;
	v25 =	vadd.f32 v34, v25;
	v27 =	vadd.f32 v33, v35;
	v9 =	vld [tilespmem:s29+$0xFFFFFC90];
	v12 =	vmul.f32 v55, v12  }
0xc7: {  	p0 =	slt.u32 s26, $0xE;
	v28 =	vadd.f32 v37, v36;
	v29 =	vadd.f32 v39, v38;
	v10 =	vld [tilespmem:s29+$0xFFFFFCA0];
	v13 =	vmul.f32 v4, v13  }
0xc8: {  	v32 =	vadd.f32 v43, v42;
	v4 =	vld [tilespmem:s29+$0xFFFFFCB0];
	v30 =	vmul.f32 v5, v31;
	v31 =	vadd.f32 v41, v40  }
0xc9: {  	v33 =	vadd.f32 v45, v44;
	v34 =	vadd.f32 v47, v46;
	v5 =	vld [tilespmem:s29+$0xFFFFFCC0];
	v11 =	vmul.f32 v6, v11  }
0xca: {  	v35 =	vadd.f32 v49, v48;
	v36 =	vadd.f32 v51, v50;
	v7 =	vld [tilespmem:s29+$0xFFFFFCD0];
	v24 =	vmul.f32 v24, v8  }
0xcb: {  	v15 =	vadd.f32 v16, v15;
	v12 =	vadd.f32 v12, v23;
	v6 =	vld [tilespmem:s29+$0xFFFFFCE0]  }
0xcc: {  	v13 =	vadd.f32 v30, v13;
	v8 =	vld [tilespmem:s29+$0xFFFFFCF0];
	v11 =	vadd.f32 v24, v11  }
0xcd: {  	v18 =	vadd.f32 v20, v18;
	v20 =	vadd.f32 v57, v56;
	v16 =	vld [tilespmem:s29+$0xFFFFFD00]  }
0xce: {  	v21 =	vadd.f32 v26, v21;
	v24 =	vadd.f32 v29, v28;
	v23 =	vld [tilespmem:s29+$0xFFFFFD10]  }
0xcf: {  	v12 =	vadd.f32 v12, v15;
	v11 =	vadd.f32 v11, v13;
	v26 =	vld [tilespmem:s29+$0xFFFFFD20]  }
0xd0: {  	v15 =	vadd.f32 v34, v33;
	v28 =	vadd.f32 v36, v35;
	v13 =	vld [tilespmem:s29+$0xFFFFFD30]  }
0xd1: {  	v12 =	vadd.f32 v11, v12;
	v11 =	vadd.f32 v32, v31;
	v29 =	vld [tilespmem:s29+$0xFFFFFD40]  }
0xd2: {  	v25 =	vadd.f32 v27, v25;
	v15 =	vadd.f32 v28, v15;
	v30 =	vld [tilespmem:s29+$0xFFFFFD50]  }
0xd3: {  	v17 =	vadd.f32 v22, v17;
	v28 =	vperm.xlane v12, v0;
	v24 =	vadd.f32 v11, v24;
	v27 =	vld [tilespmem:s29+$0xFFFFFD60]  }
0xd4: {  	v14 =	vadd.f32 v14, v19;
	v21 =	vadd.f32 v25, v21;
	v31 =	vperm.xlane v15, v0;
	v22 =	vld [tilespmem:s29+$0xFFFFFD70]  }
0xd5: {  	v17 =	vadd.f32 v17, v18;
	v12 =	vadd.f32 v12, v28;
	v19 =	vperm.xlane v24, v0;
	v11 =	vld [tilespmem:s29+$0xFFFFFC80]  }
0xd6: {  	v14 =	vadd.f32 v14, v20;
	v25 =	vperm.xlane v21, v0;
	v15 =	vadd.f32 v15, v31;
	v18 =	vld [tilespmem:s29+$0xFFFFFD80]  }
0xd7: {  	v28 =	vperm.xlane v12, v1;
	v19 =	vadd.f32 v24, v19;
	v24 =	vperm.xlane v17, v0;
	v20 =	vld [tilespmem:s29+$0xFFFFFD90]  }
0xd8: {  	v21 =	vadd.f32 v21, v25;
	v25 =	vperm.xlane v14, v0;
	v32 =	vperm.xlane v15, v1;
	v31 =	vld [tilespmem:s29+$0xFFFFFDA0]  }
0xd9: {  	v12 =	vadd.f32 v12, v28;
	v28 =	vperm.xlane v19, v1;
	v17 =	vadd.f32 v17, v24;
	v33 =	vld [tilespmem:s29+$0xFFFFFDB0]  }
0xda: {  	v14 =	vadd.f32 v14, v25;
	v15 =	vadd.f32 v15, v32;
	v32 =	vperm.xlane v21, v1;
	v24 =	vld [tilespmem:s29+$0xFFFFFDC0]  }
0xdb: {  	v34 =	vperm.xlane v12, v2;
	v19 =	vadd.f32 v19, v28;
	v28 =	vperm.xlane v17, v1;
	v25 =	vld [tilespmem:s29+$0xFFFFFDD0]  }
0xdc: {  	v36 =	vperm.xlane v15, v2;
	v21 =	vadd.f32 v21, v32;
	v32 =	vperm.xlane v14, v1;
	v35 =	vld [tilespmem:s29+$0xFFFFFDE0]  }
0xdd: {  	v12 =	vadd.f32 v12, v34;
	v34 =	vperm.xlane v19, v2;
	v17 =	vadd.f32 v17, v28;
	v37 =	vld [tilespmem:s29+$0xFFFFFDF0]  }
0xde: {  	v15 =	vadd.f32 v15, v36;
	v36 =	vperm.xlane v21, v2;
	v14 =	vadd.f32 v14, v32;
	v28 =	vld [tilespmem:s29+$0xFFFFFE00]  }
0xdf: {  	v38 =	vperm.xlane v12, v3;
	v19 =	vadd.f32 v19, v34;
	v34 =	vperm.xlane v17, v2;
	v32 =	vld [tilespmem:s29+$0xFFFFFE10]  }
0xe0: {  	v40 =	vperm.xlane v15, v3;
	v21 =	vadd.f32 v21, v36;
	v36 =	vperm.xlane v14, v2;
	v39 =	vld [tilespmem:s29+$0xFFFFFE20]  }
0xe1: {  	v12 =	vadd.f32 v12, v38;
	v38 =	vperm.xlane v19, v3;
	v17 =	vadd.f32 v17, v34;
	v41 =	vld [tilespmem:s29+$0xFFFFFE30]  }
0xe2: {  	v15 =	vadd.f32 v15, v40;
	v40 =	vperm.xlane v21, v3;
	v14 =	vadd.f32 v14, v36;
	v34 =	vld [tilespmem:s29+$0xFFFFFE40]  }
0xe3: {  	v12 =	vnsel vm0, $0x0, v12;
	v19 =	vadd.f32 v19, v38;
	v38 =	vperm.xlane v17, v3;
	v36 =	vld [tilespmem:s29+$0xFFFFFE50]  }
0xe4: {  	v12 =	vsel vm1, v12, v15;
	v15 =	vadd.f32 v21, v40;
	v21 =	vperm.xlane v14, v3;
	v42 =	vld [tilespmem:s29+$0xFFFFFE60]  }
0xe5: {  	v16 =	vmul.f32 v16, v11;
	v12 =	vsel vm2, v12, v19;
	v17 =	vadd.f32 v17, v38;
	v40 =	vld [tilespmem:s29+$0xFFFFFE70]  }
0xe6: {  	v19 =	vmul.f32 v23, v9;
	v12 =	vsel vm3, v12, v15;
	v14 =	vadd.f32 v14, v21;
	v23 =	vld [tilespmem:s29+$0xFFFFFE80]  }
0xe7: {  	v13 =	vmul.f32 v13, v4;
	v15 =	vmul.f32 v26, v10;
	v12 =	vsel vm4, v12, v17;
	v21 =	vld [tilespmem:s29+$0xFFFFFE90]  }
0xe8: {  	s28 =	sadd.s32 $0x20, s28;
	v26 =	vmul.f32 v30, v7;
	v17 =	vmul.f32 v29, v5;
	v12 =	vsel vm5, v12, v14;
	v29 =	vld [tilespmem:s29+$0xFFFFFEA0]  }
0xe9: {  	v22 =	vmul.f32 v22, v8;
	v16 =	vadd.f32 v19, v16;
	v14 =	vmul.f32 v27, v6;
	v19 =	vld [tilespmem:s29+$0xFFFFFEB0];
	[tilespmem:s28+$0x0] =	vst v12  }
0xea: {  	v12 =	vadd.f32 v13, v15;
	v13 =	vmul.f32 v18, v11;
	v15 =	vmul.f32 v20, v9;
	v18 =	vld [tilespmem:s29+$0xFFFFFEC0]  }
0xeb: {  	v17 =	vadd.f32 v26, v17;
	v26 =	vmul.f32 v33, v4;
	v20 =	vmul.f32 v31, v10;
	v27 =	vld [tilespmem:s29+$0xFFFFFED0]  }
0xec: {  	v14 =	vadd.f32 v22, v14;
	v22 =	vmul.f32 v24, v5;
	v24 =	vmul.f32 v25, v7;
	v25 =	vld [tilespmem:s29+$0xFFFFFEE0]  }
0xed: {  	v30 =	vmul.f32 v35, v6;
	v31 =	vmul.f32 v37, v8;
	v13 =	vadd.f32 v15, v13;
	v15 =	vld [tilespmem:s29+$0xFFFFFEF0]  }
0xee: {  	v20 =	vadd.f32 v26, v20;
	v26 =	vmul.f32 v28, v11;
	v28 =	vmul.f32 v32, v9;
	v32 =	vld [tilespmem:s29+$0xFFFFFF00]  }
0xef: {  	v33 =	vmul.f32 v41, v4;
	v22 =	vadd.f32 v24, v22;
	v24 =	vmul.f32 v39, v10;
	v35 =	vld [tilespmem:s29+$0xFFFFFF10]  }
0xf0: {  	v30 =	vadd.f32 v31, v30;
	v31 =	vmul.f32 v34, v5;
	v34 =	vmul.f32 v36, v7;
	v36 =	vld [tilespmem:s29+$0xFFFFFF20]  }
0xf1: {  	v37 =	vmul.f32 v40, v8;
	v12 =	vadd.f32 v12, v16;
	v16 =	vmul.f32 v42, v6;
	v38 =	vld [tilespmem:s29+$0xFFFFFF30]  }
0xf2: {  	v39 =	vadd.f32 v14, v17;
	v17 =	vmul.f32 v23, v11;
	v21 =	vmul.f32 v21, v9;
	v23 =	vld [tilespmem:s29+$0xFFFFFF40]  }
0xf3: {  	v26 =	vadd.f32 v28, v26;
	v28 =	vmul.f32 v29, v10;
	v19 =	vmul.f32 v19, v4;
	v29 =	vld [tilespmem:s29+$0xFFFFFF50]  }
0xf4: {  	v33 =	vadd.f32 v33, v24;
	v18 =	vmul.f32 v18, v5;
	v24 =	vmul.f32 v27, v7;
	v27 =	vld [tilespmem:s29+$0xFFFFFF60]  }
0xf5: {  	v31 =	vadd.f32 v34, v31;
	v25 =	vmul.f32 v25, v6;
	v34 =	vmul.f32 v15, v8;
	v40 =	vld [tilespmem:s29+$0xFFFFFF70]  }
0xf6: {  	v37 =	vadd.f32 v37, v16;
	v32 =	vmul.f32 v32, v11;
	v35 =	vmul.f32 v35, v9;
	v41 =	vld [tilespmem:s29+$0xFFFFFF80]  }
0xf7: {  	v13 =	vadd.f32 v20, v13;
	v36 =	vmul.f32 v36, v10;
	v38 =	vmul.f32 v38, v4;
	v42 =	vld [tilespmem:s29+$0xFFFFFF90]  }
0xf8: {  	v14 =	vadd.f32 v30, v22;
	v43 =	vmul.f32 v23, v5;
	v44 =	vmul.f32 v29, v7;
	v45 =	vld [tilespmem:s29+$0xFFFFFFA0]  }
.Ltmp0:
0xf9: {  	v15 =	vadd.f32 v21, v17;
	v17 =	vadd.f32 v19, v28;
	v22 =	vmul.f32 v27, v6;
	v23 =	vld [tilespmem:s29+$0xFFFFFFB0];
	(pc) =	sbr.rel @p0 .LBB2_3-.Ltmp0, $4  }
0xfa: {  	v19 =	vadd.f32 v24, v18;
	v21 =	vadd.f32 v34, v25;
	v29 =	vmul.f32 v40, v8;
	v24 =	vld [tilespmem:s29+$0xFFFFFFC0]  }
0xfb: {  	v12 =	vadd.f32 v39, v12;
	v16 =	vadd.f32 v33, v26;
	v25 =	vmul.f32 v41, v11;
	v28 =	vld [tilespmem:s29+$0xFFFFFFD0]  }
0xfc: {  	v20 =	vadd.f32 v37, v31;
	v18 =	vadd.f32 v35, v32;
	v30 =	vmul.f32 v42, v9;
	v27 =	vld [tilespmem:s29+$0xFFFFFFE0]  }
0xfd: {  	v26 =	vadd.f32 v38, v36;
	v11 =	vadd.f32 v44, v43;
	v31 =	vmul.f32 v45, v10;
	v10 =	vld [tilespmem:s29+$0xFFFFFFF0];
	s29 =	sadd.s32 $0x700, s29  }
0xfe: {  	_ = 	snop  }
0xff: {  	v9 =	vadd.f32 v14, v13;
	v13 =	vadd.f32 v29, v22  }
0x100: {  	v4 =	vmul.f32 v23, v4;
	v14 =	vadd.f32 v17, v15;
	v15 =	vadd.f32 v21, v19  }
0x101: {  	v17 =	vadd.f32 v30, v25;
	v5 =	vmul.f32 v24, v5;
	v7 =	vmul.f32 v28, v7  }
0x102: {  	v4 =	vadd.f32 v4, v31;
	v6 =	vmul.f32 v27, v6;
	v8 =	vmul.f32 v10, v8  }
0x103: {  	v11 =	vadd.f32 v13, v11;
	v10 =	vadd.f32 v20, v16  }
0x104: {  	v5 =	vadd.f32 v7, v5;
	v6 =	vadd.f32 v8, v6  }
0x105: {  	v16 =	vadd.f32 v26, v18;
	v7 =	vperm.xlane v12, v0;
	v4 =	vadd.f32 v4, v17  }
0x106: {  	v13 =	vperm.xlane v9, v0;
	v8 =	vadd.f32 v15, v14;
	v5 =	vadd.f32 v6, v5  }
0x107: {  	v7 =	vadd.f32 v12, v7;
	v11 =	vadd.f32 v11, v16;
	v6 =	vperm.xlane v10, v0  }
0x108: {  	v9 =	vadd.f32 v9, v13;
	v12 =	vperm.xlane v8, v0;
	v4 =	vadd.f32 v5, v4  }
0x109: {  	v5 =	vperm.xlane v7, v1;
	v6 =	vadd.f32 v10, v6;
	v10 =	vperm.xlane v11, v0  }
0x10a: {  	v13 =	vperm.xlane v9, v1;
	v8 =	vadd.f32 v8, v12;
	v12 =	vperm.xlane v4, v0  }
0x10b: {  	v5 =	vadd.f32 v7, v5;
	v7 =	vperm.xlane v6, v1;
	v10 =	vadd.f32 v11, v10  }
0x10c: {  	v9 =	vadd.f32 v9, v13;
	v11 =	vperm.xlane v8, v1;
	v4 =	vadd.f32 v4, v12  }
0x10d: {  	v12 =	vperm.xlane v5, v2;
	v6 =	vadd.f32 v6, v7;
	v7 =	vperm.xlane v10, v1  }
0x10e: {  	v13 =	vperm.xlane v9, v2;
	v8 =	vadd.f32 v8, v11;
	v11 =	vperm.xlane v4, v1  }
0x10f: {  	v5 =	vadd.f32 v5, v12;
	v12 =	vperm.xlane v6, v2;
	v7 =	vadd.f32 v10, v7  }
0x110: {  	v9 =	vadd.f32 v9, v13;
	v10 =	vperm.xlane v8, v2;
	v4 =	vadd.f32 v4, v11  }
0x111: {  	v11 =	vperm.xlane v5, v3;
	v6 =	vadd.f32 v6, v12;
	v12 =	vperm.xlane v7, v2  }
0x112: {  	v13 =	vperm.xlane v9, v3;
	v8 =	vadd.f32 v8, v10;
	v10 =	vperm.xlane v4, v2  }
0x113: {  	v5 =	vadd.f32 v5, v11;
	v11 =	vperm.xlane v6, v3;
	v7 =	vadd.f32 v7, v12  }
0x114: {  	v9 =	vadd.f32 v9, v13;
	v12 =	vperm.xlane v8, v3;
	v4 =	vadd.f32 v4, v10  }
0x115: {  	v5 =	vnsel vm0, $0x0, v5;
	v6 =	vadd.f32 v6, v11;
	v10 =	vperm.xlane v7, v3  }
0x116: {  	v8 =	vadd.f32 v8, v12;
	v5 =	vsel vm1, v5, v9;
	v9 =	vperm.xlane v4, v3  }
0x117: {  	v5 =	vsel vm2, v5, v6;
	v6 =	vadd.f32 v7, v10  }
0x118: {  	p0 =	seq.s32 s25, $0x2F;
	v5 =	vsel vm3, v5, v8;
	v4 =	vadd.f32 v4, v9  }
0x119: {  	s26 =	sshll.u32 @!p0 s25, $0x9;
	v5 =	vsel vm4, v5, v6  }
0x11a: {  	s26 =	sand.u32 @!p0 $0x3FFFFE00, s26;
	v4 =	vsel vm5, v5, v4  }
0x11b: {  	s29 =	simm.s32 @!p0 $0x70;
	s30 =	simm.s32 @!p0 $0x6000;
	[tilespmem:s28+$0xFFFFFFF0] =	vst v4;
	s28 =	sadd.s32 @!p0 $0x200, s26  }
0x11c: {  	[tilespmem:s30], [sflag:$0x1] =	stream.indirect.gather @!p0 [hbm4b:s2+s29], $0x80, s28, s29, $0xb8;
	v63 =	vld [tilespmem:$0x0]  }
0x11d: {  	_ =	swait.ge [sflag:s16], $0x3800  }
0x11e: {  	[sflag:s16] =	ssyncset.done $0x0  }
0x11f: {  	s28 =	simm.s32 $0x9B80;
	[sflag:s16] =	ssyncadd.s32 $0xFFFFC800  }
0x120: {  	v4 =	vld [tilespmem:s28+$0x300]  }
0x121: {  	v5 =	vld [tilespmem:s28+$0x310]  }
0x122: {  	v6 =	vld [tilespmem:s28+$0x320]  }
0x123: {  	v7 =	vld [tilespmem:s28+$0x330]  }
0x124: {  	v8 =	vld [tilespmem:s28+$0x340]  }
0x125: {  	v9 =	vld [tilespmem:s28+$0x350]  }
0x126: {  	v10 =	vld [tilespmem:s28+$0x360]  }
0x127: {  	v11 =	vld [tilespmem:s28+$0x370]  }
0x128: {  	v12 =	vld [tilespmem:s28+$0x280]  }
0x129: {  	v13 =	vld [tilespmem:s28+$0x290]  }
0x12a: {  	v14 =	vld [tilespmem:s28+$0x2A0]  }
0x12b: {  	v15 =	vld [tilespmem:s28+$0x2B0]  }
0x12c: {  	v16 =	vld [tilespmem:s28+$0x2C0]  }
0x12d: {  	v17 =	vld [tilespmem:s28+$0x2D0]  }
0x12e: {  	v18 =	vld [tilespmem:s28+$0x2E0]  }
0x12f: {  	v19 =	vld [tilespmem:s28+$0x2F0]  }
0x130: {  	v20 =	vld [tilespmem:s28+$0x200]  }
0x131: {  	v21 =	vld [tilespmem:s28+$0x210]  }
0x132: {  	v22 =	vld [tilespmem:s28+$0x220]  }
0x133: {  	v23 =	vld [tilespmem:s28+$0x230]  }
0x134: {  	v24 =	vld [tilespmem:s28+$0x240]  }
0x135: {  	v25 =	vld [tilespmem:s28+$0x250]  }
0x136: {  	v26 =	vld [tilespmem:s28+$0x260]  }
0x137: {  	v27 =	vld [tilespmem:s28+$0x0]  }
0x138: {  	v28 =	vld [tilespmem:s28+$0x10]  }
0x139: {  	v29 =	vld [tilespmem:s28+$0x20]  }
0x13a: {  	v30 =	vld [tilespmem:s28+$0x30]  }
0x13b: {  	v31 =	vld [tilespmem:s28+$0x40]  }
0x13c: {  	v32 =	vld [tilespmem:s28+$0x50]  }
0x13d: {  	v33 =	vld [tilespmem:s28+$0x60]  }
0x13e: {  	v34 =	vld [tilespmem:s28+$0x70]  }
0x13f: {  	v35 =	vld [tilespmem:s28+$0x270]  }
0x140: {  	v36 =	vld [tilespmem:s28+$0x180];
	v4 =	vmul.f32 v4, v27;
	v5 =	vmul.f32 v5, v28  }
0x141: {  	v37 =	vld [tilespmem:s28+$0x190];
	v6 =	vmul.f32 v6, v29;
	v7 =	vmul.f32 v7, v30  }
0x142: {  	v38 =	vld [tilespmem:s28+$0x1A0];
	v8 =	vmul.f32 v8, v31;
	v9 =	vmul.f32 v9, v32  }
0x143: {  	v39 =	vld [tilespmem:s28+$0x1B0];
	v10 =	vmul.f32 v10, v33;
	v11 =	vmul.f32 v11, v34  }
0x144: {  	v40 =	vld [tilespmem:s28+$0x1C0];
	v12 =	vmul.f32 v12, v27;
	v13 =	vmul.f32 v13, v28  }
0x145: {  	v41 =	vld [tilespmem:s28+$0x1D0];
	v14 =	vmul.f32 v14, v29;
	v15 =	vmul.f32 v15, v30  }
0x146: {  	v42 =	vld [tilespmem:s28+$0x1E0];
	v16 =	vmul.f32 v16, v31;
	v17 =	vmul.f32 v17, v32  }
0x147: {  	v43 =	vld [tilespmem:s28+$0x1F0];
	v18 =	vmul.f32 v18, v33;
	v19 =	vmul.f32 v19, v34  }
0x148: {  	v44 =	vld [tilespmem:s28+$0x100];
	v20 =	vmul.f32 v20, v27;
	v21 =	vmul.f32 v21, v28  }
0x149: {  	v45 =	vld [tilespmem:s28+$0x110];
	v22 =	vmul.f32 v22, v29;
	v23 =	vmul.f32 v23, v30  }
0x14a: {  	v46 =	vld [tilespmem:s28+$0x120];
	v24 =	vmul.f32 v24, v31;
	v25 =	vmul.f32 v25, v32  }
0x14b: {  	v47 =	vld [tilespmem:s28+$0x130];
	v26 =	vmul.f32 v26, v33;
	v35 =	vmul.f32 v35, v34  }
0x14c: {  	v48 =	vld [tilespmem:s28+$0x140];
	v36 =	vmul.f32 v36, v27;
	v37 =	vmul.f32 v37, v28  }
0x14d: {  	v49 =	vld [tilespmem:s28+$0x150];
	v38 =	vmul.f32 v38, v29;
	v39 =	vmul.f32 v39, v30  }
0x14e: {  	v50 =	vld [tilespmem:s28+$0x160];
	v40 =	vmul.f32 v40, v31;
	v41 =	vmul.f32 v41, v32  }
0x14f: {  	v51 =	vld [tilespmem:s28+$0x170];
	v42 =	vmul.f32 v42, v33;
	v43 =	vmul.f32 v43, v34  }
0x150: {  	v52 =	vld [tilespmem:s28+$0x80];
	v45 =	vmul.f32 v45, v28;
	v46 =	vmul.f32 v46, v29  }
0x151: {  	v53 =	vld [tilespmem:s28+$0x90];
	v47 =	vmul.f32 v47, v30;
	v56 =	vadd.f32 v5, v4;
	v57 =	vadd.f32 v7, v6  }
0x152: {  	v54 =	vld [tilespmem:s28+$0xA0];
	v48 =	vmul.f32 v48, v31;
	v62 =	vadd.f32 v9, v8;
	v11 =	vadd.f32 v11, v10  }
0x153: {  	v55 =	vld [tilespmem:s28+$0xB0];
	v49 =	vmul.f32 v49, v32;
	v12 =	vadd.f32 v13, v12;
	v13 =	vadd.f32 v15, v14  }
0x154: {  	v58 =	vld [tilespmem:s28+$0xFFFFFE30];
	v50 =	vmul.f32 v50, v33;
	v15 =	vadd.f32 v17, v16;
	v16 =	vadd.f32 v19, v18  }
0x155: {  	v60 =	vld [tilespmem:s28+$0xFFFFFE40];
	v6 =	vmul.f32 v51, v34;
	v19 =	vadd.f32 v21, v20;
	v20 =	vadd.f32 v23, v22  }
0x156: {  	v4 =	vld [tilespmem:s28+$0xC0];
	v8 =	vmul.f32 v52, v27;
	v22 =	vadd.f32 v25, v24;
	v23 =	vadd.f32 v35, v26  }
0x157: {  	v5 =	vld [tilespmem:s28+$0xD0];
	v14 =	vmul.f32 v53, v28;
	v25 =	vadd.f32 v37, v36;
	v26 =	vadd.f32 v39, v38  }
0x158: {  	v7 =	vld [tilespmem:s28+$0xE0];
	v17 =	vmul.f32 v54, v29;
	v28 =	vadd.f32 v41, v40;
	v29 =	vadd.f32 v43, v42  }
0x159: {  	v18 =	vld [tilespmem:s28+$0xF0];
	v21 =	vmul.f32 v55, v30;
	v41 =	vadd.f32 v47, v46;
	v42 =	vadd.f32 v49, v48  }
0x15a: {  	v10 =	vld [tilespmem:s28+$0xFFFFFC90];
	v43 =	vadd.f32 v6, v50;
	v14 =	vadd.f32 v14, v8  }
0x15b: {  	v9 =	vld [tilespmem:s28+$0xFFFFFCA0];
	v17 =	vadd.f32 v21, v17;
	v12 =	vadd.f32 v13, v12  }
0x15c: {  	v44 =	vmul.f32 v44, v27;
	v35 =	vld [tilespmem:s28+$0xFFFFFDE0];
	v25 =	vadd.f32 v26, v25;
	v19 =	vadd.f32 v20, v19  }
0x15d: {  	v49 =	vld [tilespmem:s28+$0xFFFFFDF0];
	v22 =	vadd.f32 v23, v22;
	v24 =	vmul.f32 v4, v31;
	v27 =	vmul.f32 v5, v32  }
0x15e: {  	v52 =	vld [tilespmem:s28+$0xFFFFFE10];
	v15 =	vadd.f32 v16, v15;
	v30 =	vmul.f32 v7, v33;
	v18 =	vmul.f32 v18, v34  }
0x15f: {  	v55 =	vld [tilespmem:s28+$0xFFFFFE20];
	v19 =	vadd.f32 v22, v19;
	v22 =	vadd.f32 v11, v62  }
0x160: {  	v11 =	vld [tilespmem:s28+$0xFFFFFC80];
	v21 =	vadd.f32 v27, v24;
	v18 =	vadd.f32 v18, v30  }
0x161: {  	v12 =	vadd.f32 v15, v12;
	v15 =	vld [tilespmem:s28+$0xFFFFFD80];
	v31 =	vadd.f32 v45, v44  }
0x162: {  	v14 =	vadd.f32 v17, v14;
	v4 =	vld [tilespmem:s28+$0xFFFFFCB0];
	v17 =	vadd.f32 v18, v21  }
0x163: {  	v26 =	vadd.f32 v43, v42;
	v24 =	vld [tilespmem:s28+$0xFFFFFD00];
	v21 =	vadd.f32 v41, v31  }
0x164: {  	v18 =	vld [tilespmem:s28+$0xFFFFFD30];
	v14 =	vadd.f32 v17, v14;
	v17 =	vadd.f32 v29, v28  }
0x165: {  	v6 =	vld [tilespmem:s28+$0xFFFFFCE0];
	v13 =	vadd.f32 v57, v56;
	v21 =	vadd.f32 v26, v21  }
0x166: {  	v8 =	vld [tilespmem:s28+$0xFFFFFCF0];
	v26 =	vperm.xlane v14, v0;
	v17 =	vadd.f32 v17, v25  }
0x167: {  	v20 =	vld [tilespmem:s28+$0xFFFFFD20];
	v13 =	vadd.f32 v22, v13;
	v15 =	vmul.f32 v15, v11;
	v25 =	vperm.xlane v21, v0  }
0x168: {  	v23 =	vld [tilespmem:s28+$0xFFFFFD60];
	v24 =	vmul.f32 v24, v11;
	v14 =	vadd.f32 v14, v26;
	v26 =	vperm.xlane v17, v0  }
0x169: {  	v16 =	vld [tilespmem:s28+$0xFFFFFD70];
	v18 =	vmul.f32 v18, v4;
	v21 =	vadd.f32 v21, v25;
	v25 =	vperm.xlane v19, v0  }
0x16a: {  	v62 =	vld [tilespmem:s28+$0xFFFFFE50];
	v29 =	vperm.xlane v14, v1;
	v17 =	vadd.f32 v17, v26;
	v26 =	vperm.xlane v12, v0  }
0x16b: {  	v5 =	vld [tilespmem:s28+$0xFFFFFCC0];
	v44 =	vperm.xlane v21, v1;
	v19 =	vadd.f32 v19, v25;
	v25 =	vperm.xlane v13, v0  }
0x16c: {  	v7 =	vld [tilespmem:s28+$0xFFFFFCD0];
	v14 =	vadd.f32 v14, v29;
	v29 =	vperm.xlane v17, v1;
	v12 =	vadd.f32 v12, v26  }
0x16d: {  	v21 =	vadd.f32 v21, v44;
	v45 =	vperm.xlane v19, v1;
	v13 =	vadd.f32 v13, v25;
	v25 =	vld [tilespmem:s28+$0xFFFFFDD0]  }
0x16e: {  	v33 =	vld [tilespmem:s28+$0xFFFFFDB0];
	v46 =	vperm.xlane v14, v2;
	v17 =	vadd.f32 v17, v29;
	v29 =	vperm.xlane v12, v1  }
0x16f: {  	v22 =	vld [tilespmem:s28+$0xFFFFFD90];
	v47 =	vperm.xlane v21, v2;
	v19 =	vadd.f32 v19, v45;
	v48 =	vperm.xlane v13, v1  }
0x170: {  	v27 =	vld [tilespmem:s28+$0xFFFFFD10];
	v14 =	vadd.f32 v14, v46;
	v50 =	vperm.xlane v17, v2;
	v12 =	vadd.f32 v12, v29  }
0x171: {  	v21 =	vadd.f32 v21, v47;
	v51 =	vperm.xlane v19, v2;
	v13 =	vadd.f32 v13, v48;
	v47 =	vld [tilespmem:s28+$0xFFFFFE70]  }
0x172: {  	v30 =	vld [tilespmem:s28+$0xFFFFFD40];
	v25 =	vmul.f32 v25, v7;
	v53 =	vperm.xlane v14, v3;
	v17 =	vadd.f32 v17, v50  }
0x173: {  	v48 =	vld [tilespmem:s28+$0xFFFFFF00];
	v54 =	vperm.xlane v12, v2;
	v56 =	vperm.xlane v21, v3;
	v19 =	vadd.f32 v19, v51  }
0x174: {  	v31 =	vld [tilespmem:s28+$0xFFFFFDA0];
	v57 =	vperm.xlane v13, v2;
	v51 =	vmul.f32 v62, v7;
	v14 =	vadd.f32 v14, v53  }
0x175: {  	v28 =	vld [tilespmem:s28+$0xFFFFFD50];
	v59 =	vperm.xlane v17, v3;
	v12 =	vadd.f32 v12, v54;
	v21 =	vadd.f32 v21, v56  }
0x176: {  	v61 =	vperm.xlane v19, v3;
	v13 =	vadd.f32 v13, v57;
	v54 =	vld [tilespmem:s28+$0xFFFFFF30];
	v53 =	vmul.f32 v47, v8  }
0x177: {  	v26 =	vld [tilespmem:s28+$0xFFFFFDC0];
	v14 =	vnsel vm0, $0x0, v14;
	v17 =	vadd.f32 v17, v59;
	v45 =	vperm.xlane v12, v3  }
0x178: {  	v50 =	vld [tilespmem:s28+$0xFFFFFF10];
	v32 =	vmul.f32 v48, v11;
	v19 =	vadd.f32 v19, v61;
	v14 =	vsel vm1, v14, v21  }
0x179: {  	v29 =	vld [tilespmem:s28+$0xFFFFFE00];
	v21 =	vperm.xlane v13, v3;
	v14 =	vsel vm2, v14, v17;
	v12 =	vadd.f32 v12, v45  }
0x17a: {  	v46 =	vld [tilespmem:s28+$0xFFFFFE60];
	v17 =	vmul.f32 v27, v10;
	v14 =	vsel vm3, v14, v19;
	v19 =	vmul.f32 v20, v9  }
0x17b: {  	v62 =	vld [tilespmem:s28+$0xFFFFFFA0];
	v13 =	vadd.f32 v13, v21;
	v21 =	vmul.f32 v28, v7;
	v39 =	vmul.f32 v54, v4  }
0x17c: {  	v59 =	vld [tilespmem:s28+$0xFFFFFF80];
	v12 =	vsel vm4, v14, v12;
	v14 =	vmul.f32 v30, v5;
	v30 =	vmul.f32 v35, v6  }
0x17d: {  	v27 =	vld [tilespmem:s28+$0xFFFFFE80];
	v35 =	vmul.f32 v50, v10;
	v38 =	vsel vm5, v12, v13;
	v12 =	vmul.f32 v23, v6  }
0x17e: {  	v20 =	vld [tilespmem:s28+$0xFFFFFE90];
	v13 =	vmul.f32 v16, v8;
	v18 =	vadd.f32 v18, v19;
	v19 =	vmul.f32 v22, v10  }
0x17f: {  	v28 =	vld [tilespmem:s28+$0xFFFFFEA0];
	v23 =	vmul.f32 v33, v4;
	v14 =	vadd.f32 v21, v14;
	v21 =	vmul.f32 v31, v9  }
0x180: {  	v16 =	vadd.f32 v17, v24;
	v17 =	vld [tilespmem:s28+$0xFFFFFEB0];
	v31 =	vmul.f32 v49, v8;
	v49 =	vmul.f32 v58, v4  }
0x181: {  	v22 =	vld [tilespmem:s28+$0xFFFFFEC0];
	v12 =	vadd.f32 v13, v12;
	v13 =	vmul.f32 v26, v5;
	v15 =	vadd.f32 v19, v15  }
0x182: {  	v24 =	vld [tilespmem:s28+$0xFFFFFED0];
	v16 =	vadd.f32 v18, v16;
	v18 =	vmul.f32 v46, v6;
	v27 =	vmul.f32 v27, v11  }
0x183: {  	v58 =	vld [tilespmem:s28+$0xFFFFFF70];
	v21 =	vadd.f32 v23, v21;
	v23 =	vmul.f32 v29, v11;
	v29 =	vmul.f32 v52, v10  }
0x184: {  	v26 =	vld [tilespmem:s28+$0xFFFFFEE0];
	v30 =	vadd.f32 v31, v30;
	v31 =	vmul.f32 v60, v5;
	v20 =	vmul.f32 v20, v10  }
0x185: {  	v19 =	vld [tilespmem:s28+$0xFFFFFEF0];
	v25 =	vadd.f32 v25, v13;
	v13 =	vmul.f32 v55, v9;
	v12 =	vadd.f32 v12, v14  }
0x186: {  	v52 =	vld [tilespmem:s28+$0xFFFFFF20];
	v18 =	vadd.f32 v53, v18;
	v56 =	vadd.f32 v29, v23;
	v23 =	vmul.f32 v28, v9  }
0x187: {  	v55 =	vld [tilespmem:s28+$0xFFFFFF40];
	v17 =	vmul.f32 v17, v4;
	v29 =	vmul.f32 v22, v5;
	v31 =	vadd.f32 v51, v31  }
0x188: {  	v28 =	vld [tilespmem:s28+$0xFFFFFF50];
	v24 =	vmul.f32 v24, v7;
	v33 =	vadd.f32 v49, v13;
	v13 =	vadd.f32 v21, v15  }
0x189: {  	v22 =	vld [tilespmem:s28+$0xFFFFFF60];
	v14 =	vadd.f32 v30, v25;
	v15 =	vadd.f32 v20, v27;
	v25 =	vmul.f32 v59, v11  }
0x18a: {  	v60 =	vld [tilespmem:s28+$0xFFFFFF90];
	v12 =	vadd.f32 v12, v16;
	v26 =	vmul.f32 v26, v6;
	v57 =	vmul.f32 v19, v8  }
0x18b: {  	v17 =	vadd.f32 v17, v23;
	v23 =	vld [tilespmem:s28+$0xFFFFFFB0];
	v19 =	vadd.f32 v24, v29;
	v29 =	vmul.f32 v58, v8  }
0x18c: {  	v24 =	vld [tilespmem:s28+$0xFFFFFFC0];
	v20 =	vadd.f32 v18, v31;
	v31 =	vmul.f32 v62, v9;
	v36 =	vmul.f32 v52, v9  }
0x18d: {  	v18 =	vadd.f32 v35, v32;
	v40 =	vmul.f32 v55, v5;
	v61 =	vmul.f32 v28, v7;
	v28 =	vld [tilespmem:s28+$0xFFFFFFD0]  }
0x18e: {  	v27 =	vld [tilespmem:s28+$0xFFFFFFE0];
	v16 =	vadd.f32 v33, v56;
	v21 =	vadd.f32 v57, v26;
	v22 =	vmul.f32 v22, v6  }
0x18f: {  	s29 =	simm.s32 $0x0;
	s30 =	simm.s32 $0xA280;
	[tilespmem:s22+$0x0] =	vst v38;
	v30 =	vmul.f32 v60, v10;
	v10 =	vld [tilespmem:s28+$0xFFFFFFF0];
	v26 =	vadd.f32 v39, v36;
	s28 =	smov.u32 s22;
	v11 =	vadd.f32 v61, v40  }
.LBB2_5:
0x190: {  	v9 =	vld [tilespmem:s30+$0x300];
	v13 =	vadd.f32 v14, v13;
	v14 =	vadd.f32 v29, v22;
	v22 =	vmul.f32 v23, v4  }
0x191: {  	v15 =	vadd.f32 v17, v15;
	v17 =	vadd.f32 v21, v19;
	v4 =	vld [tilespmem:s30+$0x310];
	v19 =	vmul.f32 v24, v5  }
0x192: {  	v23 =	vadd.f32 v30, v25;
	v5 =	vld [tilespmem:s30+$0x320];
	v21 =	vmul.f32 v28, v7;
	v22 =	vadd.f32 v22, v31  }
0x193: {  	v16 =	vadd.f32 v20, v16;
	v24 =	vperm.xlane v12, v0;
	v7 =	vld [tilespmem:s30+$0x330];
	v20 =	vmul.f32 v27, v6  }
0x194: {  	v18 =	vadd.f32 v26, v18;
	v6 =	vld [tilespmem:s30+$0x340];
	v8 =	vmul.f32 v10, v8;
	v10 =	vadd.f32 v21, v19  }
0x195: {  	v15 =	vadd.f32 v17, v15;
	v11 =	vadd.f32 v14, v11;
	v21 =	vperm.xlane v13, v0;
	v19 =	vld [tilespmem:s30+$0x350]  }
0x196: {  	v17 =	vperm.xlane v16, v0;
	v14 =	vld [tilespmem:s30+$0x360];
	v8 =	vadd.f32 v8, v20;
	v20 =	vadd.f32 v22, v23  }
0x197: {  	v12 =	vadd.f32 v12, v24;
	v11 =	vadd.f32 v11, v18;
	v23 =	vperm.xlane v15, v0;
	v22 =	vld [tilespmem:s30+$0x370]  }
0x198: {  	v13 =	vadd.f32 v13, v21;
	v18 =	vld [tilespmem:s30+$0x280];
	v8 =	vadd.f32 v8, v10  }
0x199: {  	v16 =	vadd.f32 v16, v17;
	v21 =	vperm.xlane v12, v1;
	v17 =	vperm.xlane v11, v0;
	v10 =	vld [tilespmem:s30+$0x290]  }
0x19a: {  	v25 =	vperm.xlane v13, v1;
	v15 =	vadd.f32 v15, v23;
	v24 =	vld [tilespmem:s30+$0x2A0];
	v8 =	vadd.f32 v8, v20  }
0x19b: {  	v12 =	vadd.f32 v12, v21;
	v21 =	vperm.xlane v16, v1;
	v11 =	vadd.f32 v11, v17;
	v20 =	vld [tilespmem:s30+$0x2B0]  }
0x19c: {  	v13 =	vadd.f32 v13, v25;
	v23 =	vperm.xlane v15, v1;
	v17 =	vld [tilespmem:s30+$0x2C0];
	v25 =	vperm.xlane v8, v0  }
0x19d: {  	v27 =	vperm.xlane v12, v2;
	v16 =	vadd.f32 v16, v21;
	v21 =	vperm.xlane v11, v1;
	v26 =	vld [tilespmem:s30+$0x2D0]  }
0x19e: {  	v29 =	vperm.xlane v13, v2;
	v15 =	vadd.f32 v15, v23;
	v28 =	vld [tilespmem:s30+$0x2E0];
	v8 =	vadd.f32 v8, v25  }
0x19f: {  	v12 =	vadd.f32 v12, v27;
	v11 =	vadd.f32 v11, v21;
	v25 =	vperm.xlane v16, v2;
	v23 =	vld [tilespmem:s30+$0x2F0]  }
0x1a0: {  	v13 =	vadd.f32 v13, v29;
	v27 =	vperm.xlane v15, v2;
	v21 =	vld [tilespmem:s30+$0x200];
	v29 =	vperm.xlane v8, v1  }
0x1a1: {  	v31 =	vperm.xlane v12, v3;
	v16 =	vadd.f32 v16, v25;
	v25 =	vperm.xlane v11, v2;
	v30 =	vld [tilespmem:s30+$0x210]  }
0x1a2: {  	v33 =	vperm.xlane v13, v3;
	v15 =	vadd.f32 v15, v27;
	v32 =	vld [tilespmem:s30+$0x220];
	v8 =	vadd.f32 v8, v29  }
0x1a3: {  	v12 =	vadd.f32 v12, v31;
	v29 =	vperm.xlane v16, v3;
	v11 =	vadd.f32 v11, v25;
	v27 =	vld [tilespmem:s30+$0x230]  }
0x1a4: {  	v13 =	vadd.f32 v13, v33;
	v31 =	vperm.xlane v15, v3;
	v25 =	vld [tilespmem:s30+$0x240];
	v33 =	vperm.xlane v8, v2  }
0x1a5: {  	v12 =	vnsel vm0, $0x0, v12;
	v16 =	vadd.f32 v16, v29;
	v29 =	vperm.xlane v11, v3;
	v34 =	vld [tilespmem:s30+$0x250]  }
0x1a6: {  	v12 =	vsel vm1, v12, v13;
	v13 =	vadd.f32 v15, v31;
	v35 =	vld [tilespmem:s30+$0x260];
	v8 =	vadd.f32 v8, v33  }
0x1a7: {  	v12 =	vsel vm2, v12, v16;
	v11 =	vadd.f32 v11, v29;
	v15 =	vld [tilespmem:s30+$0x0]  }
0x1a8: {  	v12 =	vsel vm3, v12, v13;
	v16 =	vld [tilespmem:s30+$0x10];
	v13 =	vperm.xlane v8, v3  }
0x1a9: {  	v11 =	vsel vm4, v12, v11;
	v29 =	vld [tilespmem:s30+$0x20]  }
0x1aa: {  	v12 =	vld [tilespmem:s30+$0x30];
	v8 =	vadd.f32 v8, v13  }
0x1ab: {  	v13 =	vld [tilespmem:s30+$0x40]  }
0x1ac: {  	v31 =	vld [tilespmem:s30+$0x50];
	v8 =	vsel vm5, v11, v8  }
0x1ad: {  	v11 =	vld [tilespmem:s30+$0x60];
	[tilespmem:s28+$0xFFFFFFF0] =	vst v8  }
0x1ae: {  	v8 =	vld [tilespmem:s30+$0x70]  }
0x1af: {  	v33 =	vld [tilespmem:s30+$0x270]  }
0x1b0: {  	v9 =	vmul.f32 v9, v15;
	v4 =	vmul.f32 v4, v16;
	v36 =	vld [tilespmem:s30+$0x180]  }
0x1b1: {  	v5 =	vmul.f32 v5, v29;
	v7 =	vmul.f32 v7, v12;
	v37 =	vld [tilespmem:s30+$0x190]  }
0x1b2: {  	v6 =	vmul.f32 v6, v13;
	v19 =	vmul.f32 v19, v31;
	v38 =	vld [tilespmem:s30+$0x1A0]  }
0x1b3: {  	v14 =	vmul.f32 v14, v11;
	v39 =	vld [tilespmem:s30+$0x1B0];
	v22 =	vmul.f32 v22, v8  }
0x1b4: {  	v18 =	vmul.f32 v18, v15;
	v10 =	vmul.f32 v10, v16;
	v40 =	vld [tilespmem:s30+$0x1C0]  }
0x1b5: {  	v24 =	vmul.f32 v24, v29;
	v20 =	vmul.f32 v20, v12;
	v41 =	vld [tilespmem:s30+$0x1D0]  }
0x1b6: {  	v17 =	vmul.f32 v17, v13;
	v26 =	vmul.f32 v26, v31;
	v42 =	vld [tilespmem:s30+$0x1E0]  }
0x1b7: {  	v28 =	vmul.f32 v28, v11;
	v23 =	vmul.f32 v23, v8;
	v43 =	vld [tilespmem:s30+$0x1F0]  }
0x1b8: {  	v21 =	vmul.f32 v21, v15;
	v30 =	vmul.f32 v30, v16;
	v44 =	vld [tilespmem:s30+$0x100]  }
0x1b9: {  	v32 =	vmul.f32 v32, v29;
	v27 =	vmul.f32 v27, v12;
	v45 =	vld [tilespmem:s30+$0x110]  }
0x1ba: {  	v25 =	vmul.f32 v25, v13;
	v34 =	vmul.f32 v34, v31;
	v46 =	vld [tilespmem:s30+$0x120]  }
0x1bb: {  	v35 =	vmul.f32 v35, v11;
	v33 =	vmul.f32 v33, v8;
	v47 =	vld [tilespmem:s30+$0x130]  }
0x1bc: {  	v36 =	vmul.f32 v36, v15;
	v37 =	vmul.f32 v37, v16;
	v48 =	vld [tilespmem:s30+$0x140]  }
0x1bd: {  	v38 =	vmul.f32 v38, v29;
	v39 =	vmul.f32 v39, v12;
	v49 =	vld [tilespmem:s30+$0x150]  }
0x1be: {  	v40 =	vmul.f32 v40, v13;
	v41 =	vmul.f32 v41, v31;
	v50 =	vld [tilespmem:s30+$0x160]  }
0x1bf: {  	v42 =	vmul.f32 v42, v11;
	v43 =	vmul.f32 v43, v8;
	v51 =	vld [tilespmem:s30+$0x170]  }
0x1c0: {  	v44 =	vmul.f32 v44, v15;
	v45 =	vmul.f32 v45, v16;
	v52 =	vld [tilespmem:s30+$0x80]  }
0x1c1: {  	v46 =	vmul.f32 v46, v29;
	v47 =	vmul.f32 v47, v12;
	v53 =	vld [tilespmem:s30+$0x90]  }
0x1c2: {  	v48 =	vmul.f32 v48, v13;
	v54 =	vld [tilespmem:s30+$0xA0];
	v49 =	vmul.f32 v49, v31  }
0x1c3: {  	v56 =	vadd.f32 v4, v9;
	v57 =	vadd.f32 v7, v5;
	v55 =	vld [tilespmem:s30+$0xB0];
	v50 =	vmul.f32 v50, v11  }
0x1c4: {  	v19 =	vadd.f32 v19, v6;
	v14 =	vadd.f32 v22, v14;
	v4 =	vld [tilespmem:s30+$0xC0];
	v51 =	vmul.f32 v51, v8  }
0x1c5: {  	v18 =	vadd.f32 v10, v18;
	v20 =	vadd.f32 v20, v24;
	v15 =	vmul.f32 v52, v15;
	v5 =	vld [tilespmem:s30+$0xD0]  }
0x1c6: {  	v17 =	vadd.f32 v26, v17;
	v22 =	vadd.f32 v23, v28;
	v16 =	vmul.f32 v53, v16;
	v6 =	vld [tilespmem:s30+$0xE0]  }
0x1c7: {  	v21 =	vadd.f32 v30, v21;
	v26 =	vadd.f32 v27, v32;
	v23 =	vmul.f32 v54, v29;
	v24 =	vld [tilespmem:s30+$0xF0]  }
0x1c8: {  	s29 =	sadd.s32 $0x2, s29;
	v25 =	vadd.f32 v34, v25;
	v27 =	vadd.f32 v33, v35;
	v9 =	vld [tilespmem:s30+$0xFFFFFC90];
	v12 =	vmul.f32 v55, v12  }
0x1c9: {  	p1 =	slt.u32 s29, $0xE;
	v28 =	vadd.f32 v37, v36;
	v29 =	vadd.f32 v39, v38;
	v10 =	vld [tilespmem:s30+$0xFFFFFCA0];
	v13 =	vmul.f32 v4, v13  }
0x1ca: {  	v32 =	vadd.f32 v43, v42;
	v4 =	vld [tilespmem:s30+$0xFFFFFCB0];
	v30 =	vmul.f32 v5, v31;
	v31 =	vadd.f32 v41, v40  }
0x1cb: {  	v33 =	vadd.f32 v45, v44;
	v34 =	vadd.f32 v47, v46;
	v5 =	vld [tilespmem:s30+$0xFFFFFCC0];
	v11 =	vmul.f32 v6, v11  }
0x1cc: {  	v35 =	vadd.f32 v49, v48;
	v36 =	vadd.f32 v51, v50;
	v7 =	vld [tilespmem:s30+$0xFFFFFCD0];
	v24 =	vmul.f32 v24, v8  }
0x1cd: {  	v15 =	vadd.f32 v16, v15;
	v12 =	vadd.f32 v12, v23;
	v6 =	vld [tilespmem:s30+$0xFFFFFCE0]  }
0x1ce: {  	v13 =	vadd.f32 v30, v13;
	v8 =	vld [tilespmem:s30+$0xFFFFFCF0];
	v11 =	vadd.f32 v24, v11  }
0x1cf: {  	v18 =	vadd.f32 v20, v18;
	v20 =	vadd.f32 v57, v56;
	v16 =	vld [tilespmem:s30+$0xFFFFFD00]  }
0x1d0: {  	v21 =	vadd.f32 v26, v21;
	v24 =	vadd.f32 v29, v28;
	v23 =	vld [tilespmem:s30+$0xFFFFFD10]  }
0x1d1: {  	v12 =	vadd.f32 v12, v15;
	v11 =	vadd.f32 v11, v13;
	v26 =	vld [tilespmem:s30+$0xFFFFFD20]  }
0x1d2: {  	v15 =	vadd.f32 v34, v33;
	v28 =	vadd.f32 v36, v35;
	v13 =	vld [tilespmem:s30+$0xFFFFFD30]  }
0x1d3: {  	v12 =	vadd.f32 v11, v12;
	v11 =	vadd.f32 v32, v31;
	v29 =	vld [tilespmem:s30+$0xFFFFFD40]  }
0x1d4: {  	v25 =	vadd.f32 v27, v25;
	v15 =	vadd.f32 v28, v15;
	v30 =	vld [tilespmem:s30+$0xFFFFFD50]  }
0x1d5: {  	v17 =	vadd.f32 v22, v17;
	v28 =	vperm.xlane v12, v0;
	v24 =	vadd.f32 v11, v24;
	v27 =	vld [tilespmem:s30+$0xFFFFFD60]  }
0x1d6: {  	v14 =	vadd.f32 v14, v19;
	v21 =	vadd.f32 v25, v21;
	v31 =	vperm.xlane v15, v0;
	v22 =	vld [tilespmem:s30+$0xFFFFFD70]  }
0x1d7: {  	v17 =	vadd.f32 v17, v18;
	v12 =	vadd.f32 v12, v28;
	v19 =	vperm.xlane v24, v0;
	v11 =	vld [tilespmem:s30+$0xFFFFFC80]  }
0x1d8: {  	v14 =	vadd.f32 v14, v20;
	v25 =	vperm.xlane v21, v0;
	v15 =	vadd.f32 v15, v31;
	v18 =	vld [tilespmem:s30+$0xFFFFFD80]  }
0x1d9: {  	v28 =	vperm.xlane v12, v1;
	v19 =	vadd.f32 v24, v19;
	v24 =	vperm.xlane v17, v0;
	v20 =	vld [tilespmem:s30+$0xFFFFFD90]  }
0x1da: {  	v21 =	vadd.f32 v21, v25;
	v25 =	vperm.xlane v14, v0;
	v32 =	vperm.xlane v15, v1;
	v31 =	vld [tilespmem:s30+$0xFFFFFDA0]  }
0x1db: {  	v12 =	vadd.f32 v12, v28;
	v28 =	vperm.xlane v19, v1;
	v17 =	vadd.f32 v17, v24;
	v33 =	vld [tilespmem:s30+$0xFFFFFDB0]  }
0x1dc: {  	v14 =	vadd.f32 v14, v25;
	v15 =	vadd.f32 v15, v32;
	v32 =	vperm.xlane v21, v1;
	v24 =	vld [tilespmem:s30+$0xFFFFFDC0]  }
0x1dd: {  	v34 =	vperm.xlane v12, v2;
	v19 =	vadd.f32 v19, v28;
	v28 =	vperm.xlane v17, v1;
	v25 =	vld [tilespmem:s30+$0xFFFFFDD0]  }
0x1de: {  	v36 =	vperm.xlane v15, v2;
	v21 =	vadd.f32 v21, v32;
	v32 =	vperm.xlane v14, v1;
	v35 =	vld [tilespmem:s30+$0xFFFFFDE0]  }
0x1df: {  	v12 =	vadd.f32 v12, v34;
	v34 =	vperm.xlane v19, v2;
	v17 =	vadd.f32 v17, v28;
	v37 =	vld [tilespmem:s30+$0xFFFFFDF0]  }
0x1e0: {  	v15 =	vadd.f32 v15, v36;
	v36 =	vperm.xlane v21, v2;
	v14 =	vadd.f32 v14, v32;
	v28 =	vld [tilespmem:s30+$0xFFFFFE00]  }
0x1e1: {  	v38 =	vperm.xlane v12, v3;
	v19 =	vadd.f32 v19, v34;
	v34 =	vperm.xlane v17, v2;
	v32 =	vld [tilespmem:s30+$0xFFFFFE10]  }
0x1e2: {  	v40 =	vperm.xlane v15, v3;
	v21 =	vadd.f32 v21, v36;
	v36 =	vperm.xlane v14, v2;
	v39 =	vld [tilespmem:s30+$0xFFFFFE20]  }
0x1e3: {  	v12 =	vadd.f32 v12, v38;
	v38 =	vperm.xlane v19, v3;
	v17 =	vadd.f32 v17, v34;
	v41 =	vld [tilespmem:s30+$0xFFFFFE30]  }
0x1e4: {  	v15 =	vadd.f32 v15, v40;
	v40 =	vperm.xlane v21, v3;
	v14 =	vadd.f32 v14, v36;
	v34 =	vld [tilespmem:s30+$0xFFFFFE40]  }
0x1e5: {  	v12 =	vnsel vm0, $0x0, v12;
	v19 =	vadd.f32 v19, v38;
	v38 =	vperm.xlane v17, v3;
	v36 =	vld [tilespmem:s30+$0xFFFFFE50]  }
0x1e6: {  	v12 =	vsel vm1, v12, v15;
	v15 =	vadd.f32 v21, v40;
	v21 =	vperm.xlane v14, v3;
	v42 =	vld [tilespmem:s30+$0xFFFFFE60]  }
0x1e7: {  	v16 =	vmul.f32 v16, v11;
	v12 =	vsel vm2, v12, v19;
	v17 =	vadd.f32 v17, v38;
	v40 =	vld [tilespmem:s30+$0xFFFFFE70]  }
0x1e8: {  	v19 =	vmul.f32 v23, v9;
	v12 =	vsel vm3, v12, v15;
	v14 =	vadd.f32 v14, v21;
	v23 =	vld [tilespmem:s30+$0xFFFFFE80]  }
0x1e9: {  	v13 =	vmul.f32 v13, v4;
	v15 =	vmul.f32 v26, v10;
	v12 =	vsel vm4, v12, v17;
	v21 =	vld [tilespmem:s30+$0xFFFFFE90]  }
0x1ea: {  	s28 =	sadd.s32 $0x20, s28;
	v26 =	vmul.f32 v30, v7;
	v17 =	vmul.f32 v29, v5;
	v12 =	vsel vm5, v12, v14;
	v29 =	vld [tilespmem:s30+$0xFFFFFEA0]  }
0x1eb: {  	v22 =	vmul.f32 v22, v8;
	v16 =	vadd.f32 v19, v16;
	v14 =	vmul.f32 v27, v6;
	v19 =	vld [tilespmem:s30+$0xFFFFFEB0];
	[tilespmem:s28+$0x0] =	vst v12  }
0x1ec: {  	v12 =	vadd.f32 v13, v15;
	v13 =	vmul.f32 v18, v11;
	v15 =	vmul.f32 v20, v9;
	v18 =	vld [tilespmem:s30+$0xFFFFFEC0]  }
0x1ed: {  	v17 =	vadd.f32 v26, v17;
	v26 =	vmul.f32 v33, v4;
	v20 =	vmul.f32 v31, v10;
	v27 =	vld [tilespmem:s30+$0xFFFFFED0]  }
0x1ee: {  	v14 =	vadd.f32 v22, v14;
	v22 =	vmul.f32 v24, v5;
	v24 =	vmul.f32 v25, v7;
	v25 =	vld [tilespmem:s30+$0xFFFFFEE0]  }
0x1ef: {  	v30 =	vmul.f32 v35, v6;
	v31 =	vmul.f32 v37, v8;
	v13 =	vadd.f32 v15, v13;
	v15 =	vld [tilespmem:s30+$0xFFFFFEF0]  }
0x1f0: {  	v20 =	vadd.f32 v26, v20;
	v26 =	vmul.f32 v28, v11;
	v28 =	vmul.f32 v32, v9;
	v32 =	vld [tilespmem:s30+$0xFFFFFF00]  }
0x1f1: {  	v33 =	vmul.f32 v41, v4;
	v22 =	vadd.f32 v24, v22;
	v24 =	vmul.f32 v39, v10;
	v35 =	vld [tilespmem:s30+$0xFFFFFF10]  }
0x1f2: {  	v30 =	vadd.f32 v31, v30;
	v31 =	vmul.f32 v34, v5;
	v34 =	vmul.f32 v36, v7;
	v36 =	vld [tilespmem:s30+$0xFFFFFF20]  }
0x1f3: {  	v37 =	vmul.f32 v40, v8;
	v12 =	vadd.f32 v12, v16;
	v16 =	vmul.f32 v42, v6;
	v38 =	vld [tilespmem:s30+$0xFFFFFF30]  }
0x1f4: {  	v39 =	vadd.f32 v14, v17;
	v17 =	vmul.f32 v23, v11;
	v21 =	vmul.f32 v21, v9;
	v23 =	vld [tilespmem:s30+$0xFFFFFF40]  }
0x1f5: {  	v26 =	vadd.f32 v28, v26;
	v28 =	vmul.f32 v29, v10;
	v19 =	vmul.f32 v19, v4;
	v29 =	vld [tilespmem:s30+$0xFFFFFF50]  }
0x1f6: {  	v33 =	vadd.f32 v33, v24;
	v18 =	vmul.f32 v18, v5;
	v24 =	vmul.f32 v27, v7;
	v27 =	vld [tilespmem:s30+$0xFFFFFF60]  }
0x1f7: {  	v31 =	vadd.f32 v34, v31;
	v25 =	vmul.f32 v25, v6;
	v34 =	vmul.f32 v15, v8;
	v40 =	vld [tilespmem:s30+$0xFFFFFF70]  }
0x1f8: {  	v37 =	vadd.f32 v37, v16;
	v32 =	vmul.f32 v32, v11;
	v35 =	vmul.f32 v35, v9;
	v41 =	vld [tilespmem:s30+$0xFFFFFF80]  }
0x1f9: {  	v13 =	vadd.f32 v20, v13;
	v36 =	vmul.f32 v36, v10;
	v38 =	vmul.f32 v38, v4;
	v42 =	vld [tilespmem:s30+$0xFFFFFF90]  }
0x1fa: {  	v14 =	vadd.f32 v30, v22;
	v43 =	vmul.f32 v23, v5;
	v44 =	vmul.f32 v29, v7;
	v45 =	vld [tilespmem:s30+$0xFFFFFFA0]  }
.Ltmp1:
0x1fb: {  	v15 =	vadd.f32 v21, v17;
	v17 =	vadd.f32 v19, v28;
	v22 =	vmul.f32 v27, v6;
	v23 =	vld [tilespmem:s30+$0xFFFFFFB0];
	(pc) =	sbr.rel @p1 .LBB2_5-.Ltmp1, $4  }
0x1fc: {  	v19 =	vadd.f32 v24, v18;
	v21 =	vadd.f32 v34, v25;
	v29 =	vmul.f32 v40, v8;
	v24 =	vld [tilespmem:s30+$0xFFFFFFC0]  }
0x1fd: {  	v12 =	vadd.f32 v39, v12;
	v16 =	vadd.f32 v33, v26;
	v25 =	vmul.f32 v41, v11;
	v28 =	vld [tilespmem:s30+$0xFFFFFFD0]  }
0x1fe: {  	v20 =	vadd.f32 v37, v31;
	v18 =	vadd.f32 v35, v32;
	v30 =	vmul.f32 v42, v9;
	v27 =	vld [tilespmem:s30+$0xFFFFFFE0]  }
0x1ff: {  	v26 =	vadd.f32 v38, v36;
	v11 =	vadd.f32 v44, v43;
	v31 =	vmul.f32 v45, v10;
	v10 =	vld [tilespmem:s30+$0xFFFFFFF0];
	s30 =	sadd.s32 $0x700, s30  }
0x200: {  	_ = 	snop  }
0x201: {  	v9 =	vadd.f32 v14, v13;
	v13 =	vadd.f32 v29, v22  }
0x202: {  	v4 =	vmul.f32 v23, v4;
	v14 =	vadd.f32 v17, v15;
	v15 =	vadd.f32 v21, v19  }
0x203: {  	v17 =	vadd.f32 v30, v25;
	v5 =	vmul.f32 v24, v5;
	v7 =	vmul.f32 v28, v7  }
0x204: {  	v4 =	vadd.f32 v4, v31;
	v6 =	vmul.f32 v27, v6;
	v8 =	vmul.f32 v10, v8  }
0x205: {  	v11 =	vadd.f32 v13, v11;
	v10 =	vadd.f32 v20, v16  }
0x206: {  	v5 =	vadd.f32 v7, v5;
	v6 =	vadd.f32 v8, v6  }
0x207: {  	v16 =	vadd.f32 v26, v18;
	v7 =	vperm.xlane v12, v0;
	v4 =	vadd.f32 v4, v17  }
0x208: {  	v13 =	vperm.xlane v9, v0;
	v8 =	vadd.f32 v15, v14;
	v5 =	vadd.f32 v6, v5  }
0x209: {  	v7 =	vadd.f32 v12, v7;
	v11 =	vadd.f32 v11, v16;
	v6 =	vperm.xlane v10, v0  }
0x20a: {  	v9 =	vadd.f32 v9, v13;
	v12 =	vperm.xlane v8, v0;
	v4 =	vadd.f32 v5, v4  }
0x20b: {  	v5 =	vperm.xlane v7, v1;
	v6 =	vadd.f32 v10, v6;
	v10 =	vperm.xlane v11, v0  }
0x20c: {  	v13 =	vperm.xlane v9, v1;
	v8 =	vadd.f32 v8, v12;
	v12 =	vperm.xlane v4, v0  }
0x20d: {  	v5 =	vadd.f32 v7, v5;
	v7 =	vperm.xlane v6, v1;
	v10 =	vadd.f32 v11, v10  }
0x20e: {  	v9 =	vadd.f32 v9, v13;
	v11 =	vperm.xlane v8, v1;
	v4 =	vadd.f32 v4, v12  }
0x20f: {  	v12 =	vperm.xlane v5, v2;
	v6 =	vadd.f32 v6, v7;
	v7 =	vperm.xlane v10, v1  }
0x210: {  	v13 =	vperm.xlane v9, v2;
	v8 =	vadd.f32 v8, v11;
	v11 =	vperm.xlane v4, v1  }
0x211: {  	v5 =	vadd.f32 v5, v12;
	v12 =	vperm.xlane v6, v2;
	v7 =	vadd.f32 v10, v7  }
0x212: {  	v9 =	vadd.f32 v9, v13;
	v10 =	vperm.xlane v8, v2;
	v4 =	vadd.f32 v4, v11  }
0x213: {  	v11 =	vperm.xlane v5, v3;
	v6 =	vadd.f32 v6, v12;
	v12 =	vperm.xlane v7, v2  }
0x214: {  	v13 =	vperm.xlane v9, v3;
	v8 =	vadd.f32 v8, v10;
	v10 =	vperm.xlane v4, v2  }
0x215: {  	v5 =	vadd.f32 v5, v11;
	v11 =	vperm.xlane v6, v3;
	v7 =	vadd.f32 v7, v12  }
0x216: {  	v9 =	vadd.f32 v9, v13;
	v12 =	vperm.xlane v8, v3;
	v4 =	vadd.f32 v4, v10  }
0x217: {  	v5 =	vnsel vm0, $0x0, v5;
	v6 =	vadd.f32 v6, v11;
	v10 =	vperm.xlane v7, v3  }
0x218: {  	v8 =	vadd.f32 v8, v12;
	v5 =	vsel vm1, v5, v9;
	v9 =	vperm.xlane v4, v3  }
0x219: {  	v5 =	vsel vm2, v5, v6;
	v6 =	vadd.f32 v7, v10  }
0x21a: {  	v5 =	vsel vm3, v5, v8;
	v4 =	vadd.f32 v4, v9  }
0x21b: {  	v5 =	vsel vm4, v5, v6  }
0x21c: {  	v4 =	vsel vm5, v5, v4  }
0x21d: {  	s29 =	simm.s32 @!p0 $0x70;
	s30 =	simm.s32 @!p0 $0x9800;
	[tilespmem:s28+$0xFFFFFFF0] =	vst v4;
	s28 =	sadd.s32 @!p0 $0x280, s26  }
0x21e: {  	[tilespmem:s30], [sflag:$0x2] =	stream.indirect.gather @!p0 [hbm4b:s2+s29], $0x80, s28, s29, $0xb8;
	v63 =	vld [tilespmem:$0x0]  }
0x21f: {  	_ =	swait.ge [sflag:s17], $0x3800  }
0x220: {  	[sflag:s17] =	ssyncset.done $0x0  }
0x221: {  	s28 =	simm.s32 $0xD380;
	[sflag:s17] =	ssyncadd.s32 $0xFFFFC800  }
0x222: {  	v4 =	vld [tilespmem:s28+$0x300]  }
0x223: {  	v5 =	vld [tilespmem:s28+$0x310]  }
0x224: {  	v6 =	vld [tilespmem:s28+$0x320]  }
0x225: {  	v7 =	vld [tilespmem:s28+$0x330]  }
0x226: {  	v8 =	vld [tilespmem:s28+$0x340]  }
0x227: {  	v9 =	vld [tilespmem:s28+$0x350]  }
0x228: {  	v10 =	vld [tilespmem:s28+$0x360]  }
0x229: {  	v11 =	vld [tilespmem:s28+$0x370]  }
0x22a: {  	v12 =	vld [tilespmem:s28+$0x280]  }
0x22b: {  	v13 =	vld [tilespmem:s28+$0x290]  }
0x22c: {  	v14 =	vld [tilespmem:s28+$0x2A0]  }
0x22d: {  	v15 =	vld [tilespmem:s28+$0x2B0]  }
0x22e: {  	v16 =	vld [tilespmem:s28+$0x2C0]  }
0x22f: {  	v17 =	vld [tilespmem:s28+$0x2D0]  }
0x230: {  	v18 =	vld [tilespmem:s28+$0x2E0]  }
0x231: {  	v19 =	vld [tilespmem:s28+$0x2F0]  }
0x232: {  	v20 =	vld [tilespmem:s28+$0x200]  }
0x233: {  	v21 =	vld [tilespmem:s28+$0x210]  }
0x234: {  	v22 =	vld [tilespmem:s28+$0x220]  }
0x235: {  	v23 =	vld [tilespmem:s28+$0x230]  }
0x236: {  	v24 =	vld [tilespmem:s28+$0x240]  }
0x237: {  	v25 =	vld [tilespmem:s28+$0x250]  }
0x238: {  	v26 =	vld [tilespmem:s28+$0x260]  }
0x239: {  	v27 =	vld [tilespmem:s28+$0x0]  }
0x23a: {  	v28 =	vld [tilespmem:s28+$0x10]  }
0x23b: {  	v29 =	vld [tilespmem:s28+$0x20]  }
0x23c: {  	v30 =	vld [tilespmem:s28+$0x30]  }
0x23d: {  	v31 =	vld [tilespmem:s28+$0x40]  }
0x23e: {  	v32 =	vld [tilespmem:s28+$0x50]  }
0x23f: {  	v33 =	vld [tilespmem:s28+$0x60]  }
0x240: {  	v34 =	vld [tilespmem:s28+$0x70]  }
0x241: {  	v35 =	vld [tilespmem:s28+$0x270]  }
0x242: {  	v36 =	vld [tilespmem:s28+$0x180];
	v4 =	vmul.f32 v4, v27;
	v5 =	vmul.f32 v5, v28  }
0x243: {  	v37 =	vld [tilespmem:s28+$0x190];
	v6 =	vmul.f32 v6, v29;
	v7 =	vmul.f32 v7, v30  }
0x244: {  	v38 =	vld [tilespmem:s28+$0x1A0];
	v8 =	vmul.f32 v8, v31;
	v9 =	vmul.f32 v9, v32  }
0x245: {  	v39 =	vld [tilespmem:s28+$0x1B0];
	v10 =	vmul.f32 v10, v33;
	v11 =	vmul.f32 v11, v34  }
0x246: {  	v40 =	vld [tilespmem:s28+$0x1C0];
	v12 =	vmul.f32 v12, v27;
	v13 =	vmul.f32 v13, v28  }
0x247: {  	v41 =	vld [tilespmem:s28+$0x1D0];
	v14 =	vmul.f32 v14, v29;
	v15 =	vmul.f32 v15, v30  }
0x248: {  	v42 =	vld [tilespmem:s28+$0x1E0];
	v16 =	vmul.f32 v16, v31;
	v17 =	vmul.f32 v17, v32  }
0x249: {  	v43 =	vld [tilespmem:s28+$0x1F0];
	v18 =	vmul.f32 v18, v33;
	v19 =	vmul.f32 v19, v34  }
0x24a: {  	v44 =	vld [tilespmem:s28+$0x100];
	v20 =	vmul.f32 v20, v27;
	v21 =	vmul.f32 v21, v28  }
0x24b: {  	v45 =	vld [tilespmem:s28+$0x110];
	v22 =	vmul.f32 v22, v29;
	v23 =	vmul.f32 v23, v30  }
0x24c: {  	v46 =	vld [tilespmem:s28+$0x120];
	v24 =	vmul.f32 v24, v31;
	v25 =	vmul.f32 v25, v32  }
0x24d: {  	v47 =	vld [tilespmem:s28+$0x130];
	v26 =	vmul.f32 v26, v33;
	v35 =	vmul.f32 v35, v34  }
0x24e: {  	v48 =	vld [tilespmem:s28+$0x140];
	v36 =	vmul.f32 v36, v27;
	v37 =	vmul.f32 v37, v28  }
0x24f: {  	v49 =	vld [tilespmem:s28+$0x150];
	v38 =	vmul.f32 v38, v29;
	v39 =	vmul.f32 v39, v30  }
0x250: {  	v50 =	vld [tilespmem:s28+$0x160];
	v40 =	vmul.f32 v40, v31;
	v41 =	vmul.f32 v41, v32  }
0x251: {  	v51 =	vld [tilespmem:s28+$0x170];
	v42 =	vmul.f32 v42, v33;
	v43 =	vmul.f32 v43, v34  }
0x252: {  	v52 =	vld [tilespmem:s28+$0x80];
	v45 =	vmul.f32 v45, v28;
	v46 =	vmul.f32 v46, v29  }
0x253: {  	v53 =	vld [tilespmem:s28+$0x90];
	v47 =	vmul.f32 v47, v30;
	v56 =	vadd.f32 v5, v4;
	v57 =	vadd.f32 v7, v6  }
0x254: {  	v54 =	vld [tilespmem:s28+$0xA0];
	v48 =	vmul.f32 v48, v31;
	v62 =	vadd.f32 v9, v8;
	v11 =	vadd.f32 v11, v10  }
0x255: {  	v55 =	vld [tilespmem:s28+$0xB0];
	v49 =	vmul.f32 v49, v32;
	v12 =	vadd.f32 v13, v12;
	v13 =	vadd.f32 v15, v14  }
0x256: {  	v58 =	vld [tilespmem:s28+$0xFFFFFE30];
	v50 =	vmul.f32 v50, v33;
	v15 =	vadd.f32 v17, v16;
	v16 =	vadd.f32 v19, v18  }
0x257: {  	v60 =	vld [tilespmem:s28+$0xFFFFFE40];
	v6 =	vmul.f32 v51, v34;
	v19 =	vadd.f32 v21, v20;
	v20 =	vadd.f32 v23, v22  }
0x258: {  	v4 =	vld [tilespmem:s28+$0xC0];
	v8 =	vmul.f32 v52, v27;
	v22 =	vadd.f32 v25, v24;
	v23 =	vadd.f32 v35, v26  }
0x259: {  	v5 =	vld [tilespmem:s28+$0xD0];
	v14 =	vmul.f32 v53, v28;
	v25 =	vadd.f32 v37, v36;
	v26 =	vadd.f32 v39, v38  }
0x25a: {  	v7 =	vld [tilespmem:s28+$0xE0];
	v17 =	vmul.f32 v54, v29;
	v28 =	vadd.f32 v41, v40;
	v29 =	vadd.f32 v43, v42  }
0x25b: {  	v18 =	vld [tilespmem:s28+$0xF0];
	v21 =	vmul.f32 v55, v30;
	v41 =	vadd.f32 v47, v46;
	v42 =	vadd.f32 v49, v48  }
0x25c: {  	v10 =	vld [tilespmem:s28+$0xFFFFFC90];
	v43 =	vadd.f32 v6, v50;
	v14 =	vadd.f32 v14, v8  }
0x25d: {  	v9 =	vld [tilespmem:s28+$0xFFFFFCA0];
	v17 =	vadd.f32 v21, v17;
	v12 =	vadd.f32 v13, v12  }
0x25e: {  	v44 =	vmul.f32 v44, v27;
	v35 =	vld [tilespmem:s28+$0xFFFFFDE0];
	v25 =	vadd.f32 v26, v25;
	v19 =	vadd.f32 v20, v19  }
0x25f: {  	v49 =	vld [tilespmem:s28+$0xFFFFFDF0];
	v22 =	vadd.f32 v23, v22;
	v24 =	vmul.f32 v4, v31;
	v27 =	vmul.f32 v5, v32  }
0x260: {  	v52 =	vld [tilespmem:s28+$0xFFFFFE10];
	v15 =	vadd.f32 v16, v15;
	v30 =	vmul.f32 v7, v33;
	v18 =	vmul.f32 v18, v34  }
0x261: {  	v55 =	vld [tilespmem:s28+$0xFFFFFE20];
	v19 =	vadd.f32 v22, v19;
	v22 =	vadd.f32 v11, v62  }
0x262: {  	v11 =	vld [tilespmem:s28+$0xFFFFFC80];
	v21 =	vadd.f32 v27, v24;
	v18 =	vadd.f32 v18, v30  }
0x263: {  	v12 =	vadd.f32 v15, v12;
	v15 =	vld [tilespmem:s28+$0xFFFFFD80];
	v31 =	vadd.f32 v45, v44  }
0x264: {  	v14 =	vadd.f32 v17, v14;
	v4 =	vld [tilespmem:s28+$0xFFFFFCB0];
	v17 =	vadd.f32 v18, v21  }
0x265: {  	v26 =	vadd.f32 v43, v42;
	v24 =	vld [tilespmem:s28+$0xFFFFFD00];
	v21 =	vadd.f32 v41, v31  }
0x266: {  	v18 =	vld [tilespmem:s28+$0xFFFFFD30];
	v14 =	vadd.f32 v17, v14;
	v17 =	vadd.f32 v29, v28  }
0x267: {  	v6 =	vld [tilespmem:s28+$0xFFFFFCE0];
	v13 =	vadd.f32 v57, v56;
	v21 =	vadd.f32 v26, v21  }
0x268: {  	v8 =	vld [tilespmem:s28+$0xFFFFFCF0];
	v26 =	vperm.xlane v14, v0;
	v17 =	vadd.f32 v17, v25  }
0x269: {  	v20 =	vld [tilespmem:s28+$0xFFFFFD20];
	v13 =	vadd.f32 v22, v13;
	v15 =	vmul.f32 v15, v11;
	v25 =	vperm.xlane v21, v0  }
0x26a: {  	v23 =	vld [tilespmem:s28+$0xFFFFFD60];
	v24 =	vmul.f32 v24, v11;
	v14 =	vadd.f32 v14, v26;
	v26 =	vperm.xlane v17, v0  }
0x26b: {  	v16 =	vld [tilespmem:s28+$0xFFFFFD70];
	v18 =	vmul.f32 v18, v4;
	v21 =	vadd.f32 v21, v25;
	v25 =	vperm.xlane v19, v0  }
0x26c: {  	v62 =	vld [tilespmem:s28+$0xFFFFFE50];
	v29 =	vperm.xlane v14, v1;
	v17 =	vadd.f32 v17, v26;
	v26 =	vperm.xlane v12, v0  }
0x26d: {  	v5 =	vld [tilespmem:s28+$0xFFFFFCC0];
	v44 =	vperm.xlane v21, v1;
	v19 =	vadd.f32 v19, v25;
	v25 =	vperm.xlane v13, v0  }
0x26e: {  	v7 =	vld [tilespmem:s28+$0xFFFFFCD0];
	v14 =	vadd.f32 v14, v29;
	v29 =	vperm.xlane v17, v1;
	v12 =	vadd.f32 v12, v26  }
0x26f: {  	v21 =	vadd.f32 v21, v44;
	v45 =	vperm.xlane v19, v1;
	v13 =	vadd.f32 v13, v25;
	v25 =	vld [tilespmem:s28+$0xFFFFFDD0]  }
0x270: {  	v33 =	vld [tilespmem:s28+$0xFFFFFDB0];
	v46 =	vperm.xlane v14, v2;
	v17 =	vadd.f32 v17, v29;
	v29 =	vperm.xlane v12, v1  }
0x271: {  	v22 =	vld [tilespmem:s28+$0xFFFFFD90];
	v47 =	vperm.xlane v21, v2;
	v19 =	vadd.f32 v19, v45;
	v48 =	vperm.xlane v13, v1  }
0x272: {  	v27 =	vld [tilespmem:s28+$0xFFFFFD10];
	v14 =	vadd.f32 v14, v46;
	v50 =	vperm.xlane v17, v2;
	v12 =	vadd.f32 v12, v29  }
0x273: {  	v21 =	vadd.f32 v21, v47;
	v51 =	vperm.xlane v19, v2;
	v13 =	vadd.f32 v13, v48;
	v47 =	vld [tilespmem:s28+$0xFFFFFE70]  }
0x274: {  	v30 =	vld [tilespmem:s28+$0xFFFFFD40];
	v25 =	vmul.f32 v25, v7;
	v53 =	vperm.xlane v14, v3;
	v17 =	vadd.f32 v17, v50  }
0x275: {  	v48 =	vld [tilespmem:s28+$0xFFFFFF00];
	v54 =	vperm.xlane v12, v2;
	v56 =	vperm.xlane v21, v3;
	v19 =	vadd.f32 v19, v51  }
0x276: {  	v31 =	vld [tilespmem:s28+$0xFFFFFDA0];
	v57 =	vperm.xlane v13, v2;
	v51 =	vmul.f32 v62, v7;
	v14 =	vadd.f32 v14, v53  }
0x277: {  	v28 =	vld [tilespmem:s28+$0xFFFFFD50];
	v59 =	vperm.xlane v17, v3;
	v12 =	vadd.f32 v12, v54;
	v21 =	vadd.f32 v21, v56  }
0x278: {  	v61 =	vperm.xlane v19, v3;
	v13 =	vadd.f32 v13, v57;
	v54 =	vld [tilespmem:s28+$0xFFFFFF30];
	v53 =	vmul.f32 v47, v8  }
0x279: {  	v26 =	vld [tilespmem:s28+$0xFFFFFDC0];
	v14 =	vnsel vm0, $0x0, v14;
	v17 =	vadd.f32 v17, v59;
	v45 =	vperm.xlane v12, v3  }
0x27a: {  	v50 =	vld [tilespmem:s28+$0xFFFFFF10];
	v32 =	vmul.f32 v48, v11;
	v19 =	vadd.f32 v19, v61;
	v14 =	vsel vm1, v14, v21  }
0x27b: {  	v29 =	vld [tilespmem:s28+$0xFFFFFE00];
	v21 =	vperm.xlane v13, v3;
	v14 =	vsel vm2, v14, v17;
	v12 =	vadd.f32 v12, v45  }
0x27c: {  	v46 =	vld [tilespmem:s28+$0xFFFFFE60];
	v17 =	vmul.f32 v27, v10;
	v14 =	vsel vm3, v14, v19;
	v19 =	vmul.f32 v20, v9  }
0x27d: {  	v62 =	vld [tilespmem:s28+$0xFFFFFFA0];
	v13 =	vadd.f32 v13, v21;
	v21 =	vmul.f32 v28, v7;
	v39 =	vmul.f32 v54, v4  }
0x27e: {  	v59 =	vld [tilespmem:s28+$0xFFFFFF80];
	v12 =	vsel vm4, v14, v12;
	v14 =	vmul.f32 v30, v5;
	v30 =	vmul.f32 v35, v6  }
0x27f: {  	v27 =	vld [tilespmem:s28+$0xFFFFFE80];
	v35 =	vmul.f32 v50, v10;
	v38 =	vsel vm5, v12, v13;
	v12 =	vmul.f32 v23, v6  }
0x280: {  	v20 =	vld [tilespmem:s28+$0xFFFFFE90];
	v13 =	vmul.f32 v16, v8;
	v18 =	vadd.f32 v18, v19;
	v19 =	vmul.f32 v22, v10  }
0x281: {  	v28 =	vld [tilespmem:s28+$0xFFFFFEA0];
	v23 =	vmul.f32 v33, v4;
	v14 =	vadd.f32 v21, v14;
	v21 =	vmul.f32 v31, v9  }
0x282: {  	v16 =	vadd.f32 v17, v24;
	v17 =	vld [tilespmem:s28+$0xFFFFFEB0];
	v31 =	vmul.f32 v49, v8;
	v49 =	vmul.f32 v58, v4  }
0x283: {  	v22 =	vld [tilespmem:s28+$0xFFFFFEC0];
	v12 =	vadd.f32 v13, v12;
	v13 =	vmul.f32 v26, v5;
	v15 =	vadd.f32 v19, v15  }
0x284: {  	v24 =	vld [tilespmem:s28+$0xFFFFFED0];
	v16 =	vadd.f32 v18, v16;
	v18 =	vmul.f32 v46, v6;
	v27 =	vmul.f32 v27, v11  }
0x285: {  	v58 =	vld [tilespmem:s28+$0xFFFFFF70];
	v21 =	vadd.f32 v23, v21;
	v23 =	vmul.f32 v29, v11;
	v29 =	vmul.f32 v52, v10  }
0x286: {  	v26 =	vld [tilespmem:s28+$0xFFFFFEE0];
	v30 =	vadd.f32 v31, v30;
	v31 =	vmul.f32 v60, v5;
	v20 =	vmul.f32 v20, v10  }
0x287: {  	v19 =	vld [tilespmem:s28+$0xFFFFFEF0];
	v25 =	vadd.f32 v25, v13;
	v13 =	vmul.f32 v55, v9;
	v12 =	vadd.f32 v12, v14  }
0x288: {  	v52 =	vld [tilespmem:s28+$0xFFFFFF20];
	v18 =	vadd.f32 v53, v18;
	v56 =	vadd.f32 v29, v23;
	v23 =	vmul.f32 v28, v9  }
0x289: {  	v55 =	vld [tilespmem:s28+$0xFFFFFF40];
	v17 =	vmul.f32 v17, v4;
	v29 =	vmul.f32 v22, v5;
	v31 =	vadd.f32 v51, v31  }
0x28a: {  	v28 =	vld [tilespmem:s28+$0xFFFFFF50];
	v24 =	vmul.f32 v24, v7;
	v33 =	vadd.f32 v49, v13;
	v13 =	vadd.f32 v21, v15  }
0x28b: {  	v22 =	vld [tilespmem:s28+$0xFFFFFF60];
	v14 =	vadd.f32 v30, v25;
	v15 =	vadd.f32 v20, v27;
	v25 =	vmul.f32 v59, v11  }
0x28c: {  	v60 =	vld [tilespmem:s28+$0xFFFFFF90];
	v12 =	vadd.f32 v12, v16;
	v26 =	vmul.f32 v26, v6;
	v57 =	vmul.f32 v19, v8  }
0x28d: {  	v17 =	vadd.f32 v17, v23;
	v23 =	vld [tilespmem:s28+$0xFFFFFFB0];
	v19 =	vadd.f32 v24, v29;
	v29 =	vmul.f32 v58, v8  }
0x28e: {  	v24 =	vld [tilespmem:s28+$0xFFFFFFC0];
	v20 =	vadd.f32 v18, v31;
	v31 =	vmul.f32 v62, v9;
	v36 =	vmul.f32 v52, v9  }
0x28f: {  	v18 =	vadd.f32 v35, v32;
	v40 =	vmul.f32 v55, v5;
	v61 =	vmul.f32 v28, v7;
	v28 =	vld [tilespmem:s28+$0xFFFFFFD0]  }
0x290: {  	v27 =	vld [tilespmem:s28+$0xFFFFFFE0];
	v16 =	vadd.f32 v33, v56;
	v21 =	vadd.f32 v57, v26;
	v22 =	vmul.f32 v22, v6  }
0x291: {  	s29 =	simm.s32 $0x0;
	s30 =	simm.s32 $0xDA80;
	[tilespmem:s23+$0x0] =	vst v38;
	v30 =	vmul.f32 v60, v10;
	v10 =	vld [tilespmem:s28+$0xFFFFFFF0];
	v26 =	vadd.f32 v39, v36;
	s28 =	smov.u32 s23;
	v11 =	vadd.f32 v61, v40  }
.LBB2_7:
0x292: {  	v9 =	vld [tilespmem:s30+$0x300];
	v13 =	vadd.f32 v14, v13;
	v14 =	vadd.f32 v29, v22;
	v22 =	vmul.f32 v23, v4  }
0x293: {  	v15 =	vadd.f32 v17, v15;
	v17 =	vadd.f32 v21, v19;
	v4 =	vld [tilespmem:s30+$0x310];
	v19 =	vmul.f32 v24, v5  }
0x294: {  	v23 =	vadd.f32 v30, v25;
	v5 =	vld [tilespmem:s30+$0x320];
	v21 =	vmul.f32 v28, v7;
	v22 =	vadd.f32 v22, v31  }
0x295: {  	v16 =	vadd.f32 v20, v16;
	v24 =	vperm.xlane v12, v0;
	v7 =	vld [tilespmem:s30+$0x330];
	v20 =	vmul.f32 v27, v6  }
0x296: {  	v18 =	vadd.f32 v26, v18;
	v6 =	vld [tilespmem:s30+$0x340];
	v8 =	vmul.f32 v10, v8;
	v10 =	vadd.f32 v21, v19  }
0x297: {  	v15 =	vadd.f32 v17, v15;
	v11 =	vadd.f32 v14, v11;
	v21 =	vperm.xlane v13, v0;
	v19 =	vld [tilespmem:s30+$0x350]  }
0x298: {  	v17 =	vperm.xlane v16, v0;
	v14 =	vld [tilespmem:s30+$0x360];
	v8 =	vadd.f32 v8, v20;
	v20 =	vadd.f32 v22, v23  }
0x299: {  	v12 =	vadd.f32 v12, v24;
	v11 =	vadd.f32 v11, v18;
	v23 =	vperm.xlane v15, v0;
	v22 =	vld [tilespmem:s30+$0x370]  }
0x29a: {  	v13 =	vadd.f32 v13, v21;
	v18 =	vld [tilespmem:s30+$0x280];
	v8 =	vadd.f32 v8, v10  }
0x29b: {  	v16 =	vadd.f32 v16, v17;
	v21 =	vperm.xlane v12, v1;
	v17 =	vperm.xlane v11, v0;
	v10 =	vld [tilespmem:s30+$0x290]  }
0x29c: {  	v25 =	vperm.xlane v13, v1;
	v15 =	vadd.f32 v15, v23;
	v24 =	vld [tilespmem:s30+$0x2A0];
	v8 =	vadd.f32 v8, v20  }
0x29d: {  	v12 =	vadd.f32 v12, v21;
	v21 =	vperm.xlane v16, v1;
	v11 =	vadd.f32 v11, v17;
	v20 =	vld [tilespmem:s30+$0x2B0]  }
0x29e: {  	v13 =	vadd.f32 v13, v25;
	v23 =	vperm.xlane v15, v1;
	v17 =	vld [tilespmem:s30+$0x2C0];
	v25 =	vperm.xlane v8, v0  }
0x29f: {  	v27 =	vperm.xlane v12, v2;
	v16 =	vadd.f32 v16, v21;
	v21 =	vperm.xlane v11, v1;
	v26 =	vld [tilespmem:s30+$0x2D0]  }
0x2a0: {  	v29 =	vperm.xlane v13, v2;
	v15 =	vadd.f32 v15, v23;
	v28 =	vld [tilespmem:s30+$0x2E0];
	v8 =	vadd.f32 v8, v25  }
0x2a1: {  	v12 =	vadd.f32 v12, v27;
	v11 =	vadd.f32 v11, v21;
	v25 =	vperm.xlane v16, v2;
	v23 =	vld [tilespmem:s30+$0x2F0]  }
0x2a2: {  	v13 =	vadd.f32 v13, v29;
	v27 =	vperm.xlane v15, v2;
	v21 =	vld [tilespmem:s30+$0x200];
	v29 =	vperm.xlane v8, v1  }
0x2a3: {  	v31 =	vperm.xlane v12, v3;
	v16 =	vadd.f32 v16, v25;
	v25 =	vperm.xlane v11, v2;
	v30 =	vld [tilespmem:s30+$0x210]  }
0x2a4: {  	v33 =	vperm.xlane v13, v3;
	v15 =	vadd.f32 v15, v27;
	v32 =	vld [tilespmem:s30+$0x220];
	v8 =	vadd.f32 v8, v29  }
0x2a5: {  	v12 =	vadd.f32 v12, v31;
	v29 =	vperm.xlane v16, v3;
	v11 =	vadd.f32 v11, v25;
	v27 =	vld [tilespmem:s30+$0x230]  }
0x2a6: {  	v13 =	vadd.f32 v13, v33;
	v31 =	vperm.xlane v15, v3;
	v25 =	vld [tilespmem:s30+$0x240];
	v33 =	vperm.xlane v8, v2  }
0x2a7: {  	v12 =	vnsel vm0, $0x0, v12;
	v16 =	vadd.f32 v16, v29;
	v29 =	vperm.xlane v11, v3;
	v34 =	vld [tilespmem:s30+$0x250]  }
0x2a8: {  	v12 =	vsel vm1, v12, v13;
	v13 =	vadd.f32 v15, v31;
	v35 =	vld [tilespmem:s30+$0x260];
	v8 =	vadd.f32 v8, v33  }
0x2a9: {  	v12 =	vsel vm2, v12, v16;
	v11 =	vadd.f32 v11, v29;
	v15 =	vld [tilespmem:s30+$0x0]  }
0x2aa: {  	v12 =	vsel vm3, v12, v13;
	v16 =	vld [tilespmem:s30+$0x10];
	v13 =	vperm.xlane v8, v3  }
0x2ab: {  	v11 =	vsel vm4, v12, v11;
	v29 =	vld [tilespmem:s30+$0x20]  }
0x2ac: {  	v12 =	vld [tilespmem:s30+$0x30];
	v8 =	vadd.f32 v8, v13  }
0x2ad: {  	v13 =	vld [tilespmem:s30+$0x40]  }
0x2ae: {  	v31 =	vld [tilespmem:s30+$0x50];
	v8 =	vsel vm5, v11, v8  }
0x2af: {  	v11 =	vld [tilespmem:s30+$0x60];
	[tilespmem:s28+$0xFFFFFFF0] =	vst v8  }
0x2b0: {  	v8 =	vld [tilespmem:s30+$0x70]  }
0x2b1: {  	v33 =	vld [tilespmem:s30+$0x270]  }
0x2b2: {  	v9 =	vmul.f32 v9, v15;
	v4 =	vmul.f32 v4, v16;
	v36 =	vld [tilespmem:s30+$0x180]  }
0x2b3: {  	v5 =	vmul.f32 v5, v29;
	v7 =	vmul.f32 v7, v12;
	v37 =	vld [tilespmem:s30+$0x190]  }
0x2b4: {  	v6 =	vmul.f32 v6, v13;
	v19 =	vmul.f32 v19, v31;
	v38 =	vld [tilespmem:s30+$0x1A0]  }
0x2b5: {  	v14 =	vmul.f32 v14, v11;
	v39 =	vld [tilespmem:s30+$0x1B0];
	v22 =	vmul.f32 v22, v8  }
0x2b6: {  	v18 =	vmul.f32 v18, v15;
	v10 =	vmul.f32 v10, v16;
	v40 =	vld [tilespmem:s30+$0x1C0]  }
0x2b7: {  	v24 =	vmul.f32 v24, v29;
	v20 =	vmul.f32 v20, v12;
	v41 =	vld [tilespmem:s30+$0x1D0]  }
0x2b8: {  	v17 =	vmul.f32 v17, v13;
	v26 =	vmul.f32 v26, v31;
	v42 =	vld [tilespmem:s30+$0x1E0]  }
0x2b9: {  	v28 =	vmul.f32 v28, v11;
	v23 =	vmul.f32 v23, v8;
	v43 =	vld [tilespmem:s30+$0x1F0]  }
0x2ba: {  	v21 =	vmul.f32 v21, v15;
	v30 =	vmul.f32 v30, v16;
	v44 =	vld [tilespmem:s30+$0x100]  }
0x2bb: {  	v32 =	vmul.f32 v32, v29;
	v27 =	vmul.f32 v27, v12;
	v45 =	vld [tilespmem:s30+$0x110]  }
0x2bc: {  	v25 =	vmul.f32 v25, v13;
	v34 =	vmul.f32 v34, v31;
	v46 =	vld [tilespmem:s30+$0x120]  }
0x2bd: {  	v35 =	vmul.f32 v35, v11;
	v33 =	vmul.f32 v33, v8;
	v47 =	vld [tilespmem:s30+$0x130]  }
0x2be: {  	v36 =	vmul.f32 v36, v15;
	v37 =	vmul.f32 v37, v16;
	v48 =	vld [tilespmem:s30+$0x140]  }
0x2bf: {  	v38 =	vmul.f32 v38, v29;
	v39 =	vmul.f32 v39, v12;
	v49 =	vld [tilespmem:s30+$0x150]  }
0x2c0: {  	v40 =	vmul.f32 v40, v13;
	v41 =	vmul.f32 v41, v31;
	v50 =	vld [tilespmem:s30+$0x160]  }
0x2c1: {  	v42 =	vmul.f32 v42, v11;
	v43 =	vmul.f32 v43, v8;
	v51 =	vld [tilespmem:s30+$0x170]  }
0x2c2: {  	v44 =	vmul.f32 v44, v15;
	v45 =	vmul.f32 v45, v16;
	v52 =	vld [tilespmem:s30+$0x80]  }
0x2c3: {  	v46 =	vmul.f32 v46, v29;
	v47 =	vmul.f32 v47, v12;
	v53 =	vld [tilespmem:s30+$0x90]  }
0x2c4: {  	v48 =	vmul.f32 v48, v13;
	v54 =	vld [tilespmem:s30+$0xA0];
	v49 =	vmul.f32 v49, v31  }
0x2c5: {  	v56 =	vadd.f32 v4, v9;
	v57 =	vadd.f32 v7, v5;
	v55 =	vld [tilespmem:s30+$0xB0];
	v50 =	vmul.f32 v50, v11  }
0x2c6: {  	v19 =	vadd.f32 v19, v6;
	v14 =	vadd.f32 v22, v14;
	v4 =	vld [tilespmem:s30+$0xC0];
	v51 =	vmul.f32 v51, v8  }
0x2c7: {  	v18 =	vadd.f32 v10, v18;
	v20 =	vadd.f32 v20, v24;
	v15 =	vmul.f32 v52, v15;
	v5 =	vld [tilespmem:s30+$0xD0]  }
0x2c8: {  	v17 =	vadd.f32 v26, v17;
	v22 =	vadd.f32 v23, v28;
	v16 =	vmul.f32 v53, v16;
	v6 =	vld [tilespmem:s30+$0xE0]  }
0x2c9: {  	v21 =	vadd.f32 v30, v21;
	v26 =	vadd.f32 v27, v32;
	v23 =	vmul.f32 v54, v29;
	v24 =	vld [tilespmem:s30+$0xF0]  }
0x2ca: {  	s29 =	sadd.s32 $0x2, s29;
	v25 =	vadd.f32 v34, v25;
	v27 =	vadd.f32 v33, v35;
	v9 =	vld [tilespmem:s30+$0xFFFFFC90];
	v12 =	vmul.f32 v55, v12  }
0x2cb: {  	p1 =	slt.u32 s29, $0xE;
	v28 =	vadd.f32 v37, v36;
	v29 =	vadd.f32 v39, v38;
	v10 =	vld [tilespmem:s30+$0xFFFFFCA0];
	v13 =	vmul.f32 v4, v13  }
0x2cc: {  	v32 =	vadd.f32 v43, v42;
	v4 =	vld [tilespmem:s30+$0xFFFFFCB0];
	v30 =	vmul.f32 v5, v31;
	v31 =	vadd.f32 v41, v40  }
0x2cd: {  	v33 =	vadd.f32 v45, v44;
	v34 =	vadd.f32 v47, v46;
	v5 =	vld [tilespmem:s30+$0xFFFFFCC0];
	v11 =	vmul.f32 v6, v11  }
0x2ce: {  	v35 =	vadd.f32 v49, v48;
	v36 =	vadd.f32 v51, v50;
	v7 =	vld [tilespmem:s30+$0xFFFFFCD0];
	v24 =	vmul.f32 v24, v8  }
0x2cf: {  	v15 =	vadd.f32 v16, v15;
	v12 =	vadd.f32 v12, v23;
	v6 =	vld [tilespmem:s30+$0xFFFFFCE0]  }
0x2d0: {  	v13 =	vadd.f32 v30, v13;
	v8 =	vld [tilespmem:s30+$0xFFFFFCF0];
	v11 =	vadd.f32 v24, v11  }
0x2d1: {  	v18 =	vadd.f32 v20, v18;
	v20 =	vadd.f32 v57, v56;
	v16 =	vld [tilespmem:s30+$0xFFFFFD00]  }
0x2d2: {  	v21 =	vadd.f32 v26, v21;
	v24 =	vadd.f32 v29, v28;
	v23 =	vld [tilespmem:s30+$0xFFFFFD10]  }
0x2d3: {  	v12 =	vadd.f32 v12, v15;
	v11 =	vadd.f32 v11, v13;
	v26 =	vld [tilespmem:s30+$0xFFFFFD20]  }
0x2d4: {  	v15 =	vadd.f32 v34, v33;
	v28 =	vadd.f32 v36, v35;
	v13 =	vld [tilespmem:s30+$0xFFFFFD30]  }
0x2d5: {  	v12 =	vadd.f32 v11, v12;
	v11 =	vadd.f32 v32, v31;
	v29 =	vld [tilespmem:s30+$0xFFFFFD40]  }
0x2d6: {  	v25 =	vadd.f32 v27, v25;
	v15 =	vadd.f32 v28, v15;
	v30 =	vld [tilespmem:s30+$0xFFFFFD50]  }
0x2d7: {  	v17 =	vadd.f32 v22, v17;
	v28 =	vperm.xlane v12, v0;
	v24 =	vadd.f32 v11, v24;
	v27 =	vld [tilespmem:s30+$0xFFFFFD60]  }
0x2d8: {  	v14 =	vadd.f32 v14, v19;
	v21 =	vadd.f32 v25, v21;
	v31 =	vperm.xlane v15, v0;
	v22 =	vld [tilespmem:s30+$0xFFFFFD70]  }
0x2d9: {  	v17 =	vadd.f32 v17, v18;
	v12 =	vadd.f32 v12, v28;
	v19 =	vperm.xlane v24, v0;
	v11 =	vld [tilespmem:s30+$0xFFFFFC80]  }
0x2da: {  	v14 =	vadd.f32 v14, v20;
	v25 =	vperm.xlane v21, v0;
	v15 =	vadd.f32 v15, v31;
	v18 =	vld [tilespmem:s30+$0xFFFFFD80]  }
0x2db: {  	v28 =	vperm.xlane v12, v1;
	v19 =	vadd.f32 v24, v19;
	v24 =	vperm.xlane v17, v0;
	v20 =	vld [tilespmem:s30+$0xFFFFFD90]  }
0x2dc: {  	v21 =	vadd.f32 v21, v25;
	v25 =	vperm.xlane v14, v0;
	v32 =	vperm.xlane v15, v1;
	v31 =	vld [tilespmem:s30+$0xFFFFFDA0]  }
0x2dd: {  	v12 =	vadd.f32 v12, v28;
	v28 =	vperm.xlane v19, v1;
	v17 =	vadd.f32 v17, v24;
	v33 =	vld [tilespmem:s30+$0xFFFFFDB0]  }
0x2de: {  	v14 =	vadd.f32 v14, v25;
	v15 =	vadd.f32 v15, v32;
	v32 =	vperm.xlane v21, v1;
	v24 =	vld [tilespmem:s30+$0xFFFFFDC0]  }
0x2df: {  	v34 =	vperm.xlane v12, v2;
	v19 =	vadd.f32 v19, v28;
	v28 =	vperm.xlane v17, v1;
	v25 =	vld [tilespmem:s30+$0xFFFFFDD0]  }
0x2e0: {  	v36 =	vperm.xlane v15, v2;
	v21 =	vadd.f32 v21, v32;
	v32 =	vperm.xlane v14, v1;
	v35 =	vld [tilespmem:s30+$0xFFFFFDE0]  }
0x2e1: {  	v12 =	vadd.f32 v12, v34;
	v34 =	vperm.xlane v19, v2;
	v17 =	vadd.f32 v17, v28;
	v37 =	vld [tilespmem:s30+$0xFFFFFDF0]  }
0x2e2: {  	v15 =	vadd.f32 v15, v36;
	v36 =	vperm.xlane v21, v2;
	v14 =	vadd.f32 v14, v32;
	v28 =	vld [tilespmem:s30+$0xFFFFFE00]  }
0x2e3: {  	v38 =	vperm.xlane v12, v3;
	v19 =	vadd.f32 v19, v34;
	v34 =	vperm.xlane v17, v2;
	v32 =	vld [tilespmem:s30+$0xFFFFFE10]  }
0x2e4: {  	v40 =	vperm.xlane v15, v3;
	v21 =	vadd.f32 v21, v36;
	v36 =	vperm.xlane v14, v2;
	v39 =	vld [tilespmem:s30+$0xFFFFFE20]  }
0x2e5: {  	v12 =	vadd.f32 v12, v38;
	v38 =	vperm.xlane v19, v3;
	v17 =	vadd.f32 v17, v34;
	v41 =	vld [tilespmem:s30+$0xFFFFFE30]  }
0x2e6: {  	v15 =	vadd.f32 v15, v40;
	v40 =	vperm.xlane v21, v3;
	v14 =	vadd.f32 v14, v36;
	v34 =	vld [tilespmem:s30+$0xFFFFFE40]  }
0x2e7: {  	v12 =	vnsel vm0, $0x0, v12;
	v19 =	vadd.f32 v19, v38;
	v38 =	vperm.xlane v17, v3;
	v36 =	vld [tilespmem:s30+$0xFFFFFE50]  }
0x2e8: {  	v12 =	vsel vm1, v12, v15;
	v15 =	vadd.f32 v21, v40;
	v21 =	vperm.xlane v14, v3;
	v42 =	vld [tilespmem:s30+$0xFFFFFE60]  }
0x2e9: {  	v16 =	vmul.f32 v16, v11;
	v12 =	vsel vm2, v12, v19;
	v17 =	vadd.f32 v17, v38;
	v40 =	vld [tilespmem:s30+$0xFFFFFE70]  }
0x2ea: {  	v19 =	vmul.f32 v23, v9;
	v12 =	vsel vm3, v12, v15;
	v14 =	vadd.f32 v14, v21;
	v23 =	vld [tilespmem:s30+$0xFFFFFE80]  }
0x2eb: {  	v13 =	vmul.f32 v13, v4;
	v15 =	vmul.f32 v26, v10;
	v12 =	vsel vm4, v12, v17;
	v21 =	vld [tilespmem:s30+$0xFFFFFE90]  }
0x2ec: {  	s28 =	sadd.s32 $0x20, s28;
	v26 =	vmul.f32 v30, v7;
	v17 =	vmul.f32 v29, v5;
	v12 =	vsel vm5, v12, v14;
	v29 =	vld [tilespmem:s30+$0xFFFFFEA0]  }
0x2ed: {  	v22 =	vmul.f32 v22, v8;
	v16 =	vadd.f32 v19, v16;
	v14 =	vmul.f32 v27, v6;
	v19 =	vld [tilespmem:s30+$0xFFFFFEB0];
	[tilespmem:s28+$0x0] =	vst v12  }
0x2ee: {  	v12 =	vadd.f32 v13, v15;
	v13 =	vmul.f32 v18, v11;
	v15 =	vmul.f32 v20, v9;
	v18 =	vld [tilespmem:s30+$0xFFFFFEC0]  }
0x2ef: {  	v17 =	vadd.f32 v26, v17;
	v26 =	vmul.f32 v33, v4;
	v20 =	vmul.f32 v31, v10;
	v27 =	vld [tilespmem:s30+$0xFFFFFED0]  }
0x2f0: {  	v14 =	vadd.f32 v22, v14;
	v22 =	vmul.f32 v24, v5;
	v24 =	vmul.f32 v25, v7;
	v25 =	vld [tilespmem:s30+$0xFFFFFEE0]  }
0x2f1: {  	v30 =	vmul.f32 v35, v6;
	v31 =	vmul.f32 v37, v8;
	v13 =	vadd.f32 v15, v13;
	v15 =	vld [tilespmem:s30+$0xFFFFFEF0]  }
0x2f2: {  	v20 =	vadd.f32 v26, v20;
	v26 =	vmul.f32 v28, v11;
	v28 =	vmul.f32 v32, v9;
	v32 =	vld [tilespmem:s30+$0xFFFFFF00]  }
0x2f3: {  	v33 =	vmul.f32 v41, v4;
	v22 =	vadd.f32 v24, v22;
	v24 =	vmul.f32 v39, v10;
	v35 =	vld [tilespmem:s30+$0xFFFFFF10]  }
0x2f4: {  	v30 =	vadd.f32 v31, v30;
	v31 =	vmul.f32 v34, v5;
	v34 =	vmul.f32 v36, v7;
	v36 =	vld [tilespmem:s30+$0xFFFFFF20]  }
0x2f5: {  	v37 =	vmul.f32 v40, v8;
	v12 =	vadd.f32 v12, v16;
	v16 =	vmul.f32 v42, v6;
	v38 =	vld [tilespmem:s30+$0xFFFFFF30]  }
0x2f6: {  	v39 =	vadd.f32 v14, v17;
	v17 =	vmul.f32 v23, v11;
	v21 =	vmul.f32 v21, v9;
	v23 =	vld [tilespmem:s30+$0xFFFFFF40]  }
0x2f7: {  	v26 =	vadd.f32 v28, v26;
	v28 =	vmul.f32 v29, v10;
	v19 =	vmul.f32 v19, v4;
	v29 =	vld [tilespmem:s30+$0xFFFFFF50]  }
0x2f8: {  	v33 =	vadd.f32 v33, v24;
	v18 =	vmul.f32 v18, v5;
	v24 =	vmul.f32 v27, v7;
	v27 =	vld [tilespmem:s30+$0xFFFFFF60]  }
0x2f9: {  	v31 =	vadd.f32 v34, v31;
	v25 =	vmul.f32 v25, v6;
	v34 =	vmul.f32 v15, v8;
	v40 =	vld [tilespmem:s30+$0xFFFFFF70]  }
0x2fa: {  	v37 =	vadd.f32 v37, v16;
	v32 =	vmul.f32 v32, v11;
	v35 =	vmul.f32 v35, v9;
	v41 =	vld [tilespmem:s30+$0xFFFFFF80]  }
0x2fb: {  	v13 =	vadd.f32 v20, v13;
	v36 =	vmul.f32 v36, v10;
	v38 =	vmul.f32 v38, v4;
	v42 =	vld [tilespmem:s30+$0xFFFFFF90]  }
0x2fc: {  	v14 =	vadd.f32 v30, v22;
	v43 =	vmul.f32 v23, v5;
	v44 =	vmul.f32 v29, v7;
	v45 =	vld [tilespmem:s30+$0xFFFFFFA0]  }
.Ltmp2:
0x2fd: {  	v15 =	vadd.f32 v21, v17;
	v17 =	vadd.f32 v19, v28;
	v22 =	vmul.f32 v27, v6;
	v23 =	vld [tilespmem:s30+$0xFFFFFFB0];
	(pc) =	sbr.rel @p1 .LBB2_7-.Ltmp2, $4  }
0x2fe: {  	v19 =	vadd.f32 v24, v18;
	v21 =	vadd.f32 v34, v25;
	v29 =	vmul.f32 v40, v8;
	v24 =	vld [tilespmem:s30+$0xFFFFFFC0]  }
0x2ff: {  	v12 =	vadd.f32 v39, v12;
	v16 =	vadd.f32 v33, v26;
	v25 =	vmul.f32 v41, v11;
	v28 =	vld [tilespmem:s30+$0xFFFFFFD0]  }
0x300: {  	v20 =	vadd.f32 v37, v31;
	v18 =	vadd.f32 v35, v32;
	v30 =	vmul.f32 v42, v9;
	v27 =	vld [tilespmem:s30+$0xFFFFFFE0]  }
0x301: {  	v26 =	vadd.f32 v38, v36;
	v11 =	vadd.f32 v44, v43;
	v31 =	vmul.f32 v45, v10;
	v10 =	vld [tilespmem:s30+$0xFFFFFFF0];
	s30 =	sadd.s32 $0x700, s30  }
0x302: {  	_ = 	snop  }
0x303: {  	v9 =	vadd.f32 v14, v13;
	v13 =	vadd.f32 v29, v22  }
0x304: {  	v4 =	vmul.f32 v23, v4;
	v14 =	vadd.f32 v17, v15;
	v15 =	vadd.f32 v21, v19  }
0x305: {  	v17 =	vadd.f32 v30, v25;
	v5 =	vmul.f32 v24, v5;
	v7 =	vmul.f32 v28, v7  }
0x306: {  	v4 =	vadd.f32 v4, v31;
	v6 =	vmul.f32 v27, v6;
	v8 =	vmul.f32 v10, v8  }
0x307: {  	v11 =	vadd.f32 v13, v11;
	v10 =	vadd.f32 v20, v16  }
0x308: {  	v5 =	vadd.f32 v7, v5;
	v6 =	vadd.f32 v8, v6  }
0x309: {  	v16 =	vadd.f32 v26, v18;
	v7 =	vperm.xlane v12, v0;
	v4 =	vadd.f32 v4, v17  }
0x30a: {  	v13 =	vperm.xlane v9, v0;
	v8 =	vadd.f32 v15, v14;
	v5 =	vadd.f32 v6, v5  }
0x30b: {  	v7 =	vadd.f32 v12, v7;
	v11 =	vadd.f32 v11, v16;
	v6 =	vperm.xlane v10, v0  }
0x30c: {  	v9 =	vadd.f32 v9, v13;
	v12 =	vperm.xlane v8, v0;
	v4 =	vadd.f32 v5, v4  }
0x30d: {  	v5 =	vperm.xlane v7, v1;
	v6 =	vadd.f32 v10, v6;
	v10 =	vperm.xlane v11, v0  }
0x30e: {  	v13 =	vperm.xlane v9, v1;
	v8 =	vadd.f32 v8, v12;
	v12 =	vperm.xlane v4, v0  }
0x30f: {  	v5 =	vadd.f32 v7, v5;
	v7 =	vperm.xlane v6, v1;
	v10 =	vadd.f32 v11, v10  }
0x310: {  	v9 =	vadd.f32 v9, v13;
	v11 =	vperm.xlane v8, v1;
	v4 =	vadd.f32 v4, v12  }
0x311: {  	v12 =	vperm.xlane v5, v2;
	v6 =	vadd.f32 v6, v7;
	v7 =	vperm.xlane v10, v1  }
0x312: {  	v13 =	vperm.xlane v9, v2;
	v8 =	vadd.f32 v8, v11;
	v11 =	vperm.xlane v4, v1  }
0x313: {  	v5 =	vadd.f32 v5, v12;
	v12 =	vperm.xlane v6, v2;
	v7 =	vadd.f32 v10, v7  }
0x314: {  	v9 =	vadd.f32 v9, v13;
	v10 =	vperm.xlane v8, v2;
	v4 =	vadd.f32 v4, v11  }
0x315: {  	v11 =	vperm.xlane v5, v3;
	v6 =	vadd.f32 v6, v12;
	v12 =	vperm.xlane v7, v2  }
0x316: {  	v13 =	vperm.xlane v9, v3;
	v8 =	vadd.f32 v8, v10;
	v10 =	vperm.xlane v4, v2  }
0x317: {  	v5 =	vadd.f32 v5, v11;
	v11 =	vperm.xlane v6, v3;
	v7 =	vadd.f32 v7, v12  }
0x318: {  	v9 =	vadd.f32 v9, v13;
	v12 =	vperm.xlane v8, v3;
	v4 =	vadd.f32 v4, v10  }
0x319: {  	v5 =	vnsel vm0, $0x0, v5;
	v6 =	vadd.f32 v6, v11;
	v10 =	vperm.xlane v7, v3  }
0x31a: {  	v8 =	vadd.f32 v8, v12;
	v5 =	vsel vm1, v5, v9;
	v9 =	vperm.xlane v4, v3  }
0x31b: {  	v5 =	vsel vm2, v5, v6;
	v6 =	vadd.f32 v7, v10  }
0x31c: {  	v5 =	vsel vm3, v5, v8;
	v4 =	vadd.f32 v4, v9  }
0x31d: {  	v5 =	vsel vm4, v5, v6  }
0x31e: {  	v4 =	vsel vm5, v5, v4  }
0x31f: {  	s26 =	sadd.s32 @!p0 $0x300, s26;
	s29 =	simm.s32 @!p0 $0xD000;
	[tilespmem:s28+$0xFFFFFFF0] =	vst v4;
	s28 =	simm.s32 @!p0 $0x70  }
0x320: {  	[tilespmem:s29], [sflag:$0x3] =	stream.indirect.gather @!p0 [hbm4b:s2+s28], $0x80, s26, s28, $0xb8;
	v63 =	vld [tilespmem:$0x0]  }
0x321: {  	_ =	swait.ge [sflag:s18], $0x3800  }
0x322: {  	[sflag:s18] =	ssyncset.done $0x0  }
0x323: {  	s31 =	simm.s32 $0x10B80;
	[sflag:s18] =	ssyncadd.s32 $0xFFFFC800  }
0x324: {  	v4 =	vld [tilespmem:s31+$0x300]  }
0x325: {  	v5 =	vld [tilespmem:s31+$0x310]  }
0x326: {  	v6 =	vld [tilespmem:s31+$0x320]  }
0x327: {  	v7 =	vld [tilespmem:s31+$0x330]  }
0x328: {  	v8 =	vld [tilespmem:s31+$0x340]  }
0x329: {  	v9 =	vld [tilespmem:s31+$0x350]  }
0x32a: {  	v10 =	vld [tilespmem:s31+$0x360]  }
0x32b: {  	v11 =	vld [tilespmem:s31+$0x370]  }
0x32c: {  	v12 =	vld [tilespmem:s31+$0x280]  }
0x32d: {  	v13 =	vld [tilespmem:s31+$0x290]  }
0x32e: {  	v14 =	vld [tilespmem:s31+$0x2A0]  }
0x32f: {  	v15 =	vld [tilespmem:s31+$0x2B0]  }
0x330: {  	v16 =	vld [tilespmem:s31+$0x2C0]  }
0x331: {  	v17 =	vld [tilespmem:s31+$0x2D0]  }
0x332: {  	v18 =	vld [tilespmem:s31+$0x2E0]  }
0x333: {  	v19 =	vld [tilespmem:s31+$0x2F0]  }
0x334: {  	v20 =	vld [tilespmem:s31+$0x200]  }
0x335: {  	v21 =	vld [tilespmem:s31+$0x210]  }
0x336: {  	v22 =	vld [tilespmem:s31+$0x220]  }
0x337: {  	v23 =	vld [tilespmem:s31+$0x230]  }
0x338: {  	v24 =	vld [tilespmem:s31+$0x240]  }
0x339: {  	v25 =	vld [tilespmem:s31+$0x250]  }
0x33a: {  	v26 =	vld [tilespmem:s31+$0x260]  }
0x33b: {  	v27 =	vld [tilespmem:s31+$0x0]  }
0x33c: {  	v28 =	vld [tilespmem:s31+$0x10]  }
0x33d: {  	v29 =	vld [tilespmem:s31+$0x20]  }
0x33e: {  	v30 =	vld [tilespmem:s31+$0x30]  }
0x33f: {  	v31 =	vld [tilespmem:s31+$0x40]  }
0x340: {  	v32 =	vld [tilespmem:s31+$0x50]  }
0x341: {  	v33 =	vld [tilespmem:s31+$0x60]  }
0x342: {  	v34 =	vld [tilespmem:s31+$0x70]  }
0x343: {  	v35 =	vld [tilespmem:s31+$0x270]  }
0x344: {  	v36 =	vld [tilespmem:s31+$0x180];
	v4 =	vmul.f32 v4, v27;
	v5 =	vmul.f32 v5, v28  }
0x345: {  	v37 =	vld [tilespmem:s31+$0x190];
	v6 =	vmul.f32 v6, v29;
	v7 =	vmul.f32 v7, v30  }
0x346: {  	v38 =	vld [tilespmem:s31+$0x1A0];
	v8 =	vmul.f32 v8, v31;
	v9 =	vmul.f32 v9, v32  }
0x347: {  	v39 =	vld [tilespmem:s31+$0x1B0];
	v10 =	vmul.f32 v10, v33;
	v11 =	vmul.f32 v11, v34  }
0x348: {  	v40 =	vld [tilespmem:s31+$0x1C0];
	v12 =	vmul.f32 v12, v27;
	v13 =	vmul.f32 v13, v28  }
0x349: {  	v41 =	vld [tilespmem:s31+$0x1D0];
	v14 =	vmul.f32 v14, v29;
	v15 =	vmul.f32 v15, v30  }
0x34a: {  	v42 =	vld [tilespmem:s31+$0x1E0];
	v16 =	vmul.f32 v16, v31;
	v17 =	vmul.f32 v17, v32  }
0x34b: {  	v43 =	vld [tilespmem:s31+$0x1F0];
	v18 =	vmul.f32 v18, v33;
	v19 =	vmul.f32 v19, v34  }
0x34c: {  	v44 =	vld [tilespmem:s31+$0x100];
	v20 =	vmul.f32 v20, v27;
	v21 =	vmul.f32 v21, v28  }
0x34d: {  	v45 =	vld [tilespmem:s31+$0x110];
	v22 =	vmul.f32 v22, v29;
	v23 =	vmul.f32 v23, v30  }
0x34e: {  	v46 =	vld [tilespmem:s31+$0x120];
	v24 =	vmul.f32 v24, v31;
	v25 =	vmul.f32 v25, v32  }
0x34f: {  	v47 =	vld [tilespmem:s31+$0x130];
	v26 =	vmul.f32 v26, v33;
	v35 =	vmul.f32 v35, v34  }
0x350: {  	v48 =	vld [tilespmem:s31+$0x140];
	v36 =	vmul.f32 v36, v27;
	v37 =	vmul.f32 v37, v28  }
0x351: {  	v49 =	vld [tilespmem:s31+$0x150];
	v38 =	vmul.f32 v38, v29;
	v39 =	vmul.f32 v39, v30  }
0x352: {  	v50 =	vld [tilespmem:s31+$0x160];
	v40 =	vmul.f32 v40, v31;
	v41 =	vmul.f32 v41, v32  }
0x353: {  	v51 =	vld [tilespmem:s31+$0x170];
	v42 =	vmul.f32 v42, v33;
	v43 =	vmul.f32 v43, v34  }
0x354: {  	v52 =	vld [tilespmem:s31+$0x80];
	v45 =	vmul.f32 v45, v28;
	v46 =	vmul.f32 v46, v29  }
0x355: {  	v53 =	vld [tilespmem:s31+$0x90];
	v47 =	vmul.f32 v47, v30;
	v56 =	vadd.f32 v5, v4;
	v57 =	vadd.f32 v7, v6  }
0x356: {  	v54 =	vld [tilespmem:s31+$0xA0];
	v48 =	vmul.f32 v48, v31;
	v62 =	vadd.f32 v9, v8;
	v11 =	vadd.f32 v11, v10  }
0x357: {  	v55 =	vld [tilespmem:s31+$0xB0];
	v49 =	vmul.f32 v49, v32;
	v12 =	vadd.f32 v13, v12;
	v13 =	vadd.f32 v15, v14  }
0x358: {  	v58 =	vld [tilespmem:s31+$0xFFFFFE30];
	v50 =	vmul.f32 v50, v33;
	v15 =	vadd.f32 v17, v16;
	v16 =	vadd.f32 v19, v18  }
0x359: {  	v60 =	vld [tilespmem:s31+$0xFFFFFE40];
	v6 =	vmul.f32 v51, v34;
	v19 =	vadd.f32 v21, v20;
	v20 =	vadd.f32 v23, v22  }
0x35a: {  	v4 =	vld [tilespmem:s31+$0xC0];
	v8 =	vmul.f32 v52, v27;
	v22 =	vadd.f32 v25, v24;
	v23 =	vadd.f32 v35, v26  }
0x35b: {  	v5 =	vld [tilespmem:s31+$0xD0];
	v14 =	vmul.f32 v53, v28;
	v25 =	vadd.f32 v37, v36;
	v26 =	vadd.f32 v39, v38  }
0x35c: {  	v7 =	vld [tilespmem:s31+$0xE0];
	v17 =	vmul.f32 v54, v29;
	v28 =	vadd.f32 v41, v40;
	v29 =	vadd.f32 v43, v42  }
0x35d: {  	v18 =	vld [tilespmem:s31+$0xF0];
	v21 =	vmul.f32 v55, v30;
	v41 =	vadd.f32 v47, v46;
	v42 =	vadd.f32 v49, v48  }
0x35e: {  	v10 =	vld [tilespmem:s31+$0xFFFFFC90];
	v43 =	vadd.f32 v6, v50;
	v14 =	vadd.f32 v14, v8  }
0x35f: {  	v9 =	vld [tilespmem:s31+$0xFFFFFCA0];
	v17 =	vadd.f32 v21, v17;
	v12 =	vadd.f32 v13, v12  }
0x360: {  	v44 =	vmul.f32 v44, v27;
	v35 =	vld [tilespmem:s31+$0xFFFFFDE0];
	v25 =	vadd.f32 v26, v25;
	v19 =	vadd.f32 v20, v19  }
0x361: {  	v49 =	vld [tilespmem:s31+$0xFFFFFDF0];
	v22 =	vadd.f32 v23, v22;
	v24 =	vmul.f32 v4, v31;
	v27 =	vmul.f32 v5, v32  }
0x362: {  	v52 =	vld [tilespmem:s31+$0xFFFFFE10];
	v15 =	vadd.f32 v16, v15;
	v30 =	vmul.f32 v7, v33;
	v18 =	vmul.f32 v18, v34  }
0x363: {  	v55 =	vld [tilespmem:s31+$0xFFFFFE20];
	v19 =	vadd.f32 v22, v19;
	v22 =	vadd.f32 v11, v62  }
0x364: {  	v11 =	vld [tilespmem:s31+$0xFFFFFC80];
	v21 =	vadd.f32 v27, v24;
	v18 =	vadd.f32 v18, v30  }
0x365: {  	v12 =	vadd.f32 v15, v12;
	v15 =	vld [tilespmem:s31+$0xFFFFFD80];
	v31 =	vadd.f32 v45, v44  }
0x366: {  	v14 =	vadd.f32 v17, v14;
	v4 =	vld [tilespmem:s31+$0xFFFFFCB0];
	v17 =	vadd.f32 v18, v21  }
0x367: {  	v26 =	vadd.f32 v43, v42;
	v24 =	vld [tilespmem:s31+$0xFFFFFD00];
	v21 =	vadd.f32 v41, v31  }
0x368: {  	v18 =	vld [tilespmem:s31+$0xFFFFFD30];
	v14 =	vadd.f32 v17, v14;
	v17 =	vadd.f32 v29, v28  }
0x369: {  	v6 =	vld [tilespmem:s31+$0xFFFFFCE0];
	v13 =	vadd.f32 v57, v56;
	v21 =	vadd.f32 v26, v21  }
0x36a: {  	v8 =	vld [tilespmem:s31+$0xFFFFFCF0];
	v26 =	vperm.xlane v14, v0;
	v17 =	vadd.f32 v17, v25  }
0x36b: {  	v20 =	vld [tilespmem:s31+$0xFFFFFD20];
	v13 =	vadd.f32 v22, v13;
	v15 =	vmul.f32 v15, v11;
	v25 =	vperm.xlane v21, v0  }
0x36c: {  	v23 =	vld [tilespmem:s31+$0xFFFFFD60];
	v24 =	vmul.f32 v24, v11;
	v14 =	vadd.f32 v14, v26;
	v26 =	vperm.xlane v17, v0  }
0x36d: {  	v16 =	vld [tilespmem:s31+$0xFFFFFD70];
	v18 =	vmul.f32 v18, v4;
	v21 =	vadd.f32 v21, v25;
	v25 =	vperm.xlane v19, v0  }
0x36e: {  	v62 =	vld [tilespmem:s31+$0xFFFFFE50];
	v29 =	vperm.xlane v14, v1;
	v17 =	vadd.f32 v17, v26;
	v26 =	vperm.xlane v12, v0  }
0x36f: {  	v5 =	vld [tilespmem:s31+$0xFFFFFCC0];
	v44 =	vperm.xlane v21, v1;
	v19 =	vadd.f32 v19, v25;
	v25 =	vperm.xlane v13, v0  }
0x370: {  	v7 =	vld [tilespmem:s31+$0xFFFFFCD0];
	v14 =	vadd.f32 v14, v29;
	v29 =	vperm.xlane v17, v1;
	v12 =	vadd.f32 v12, v26  }
0x371: {  	v21 =	vadd.f32 v21, v44;
	v45 =	vperm.xlane v19, v1;
	v13 =	vadd.f32 v13, v25;
	v25 =	vld [tilespmem:s31+$0xFFFFFDD0]  }
0x372: {  	v33 =	vld [tilespmem:s31+$0xFFFFFDB0];
	v46 =	vperm.xlane v14, v2;
	v17 =	vadd.f32 v17, v29;
	v29 =	vperm.xlane v12, v1  }
0x373: {  	v22 =	vld [tilespmem:s31+$0xFFFFFD90];
	v47 =	vperm.xlane v21, v2;
	v19 =	vadd.f32 v19, v45;
	v48 =	vperm.xlane v13, v1  }
0x374: {  	v27 =	vld [tilespmem:s31+$0xFFFFFD10];
	v14 =	vadd.f32 v14, v46;
	v50 =	vperm.xlane v17, v2;
	v12 =	vadd.f32 v12, v29  }
0x375: {  	v21 =	vadd.f32 v21, v47;
	v51 =	vperm.xlane v19, v2;
	v13 =	vadd.f32 v13, v48;
	v47 =	vld [tilespmem:s31+$0xFFFFFE70]  }
0x376: {  	v30 =	vld [tilespmem:s31+$0xFFFFFD40];
	v25 =	vmul.f32 v25, v7;
	v53 =	vperm.xlane v14, v3;
	v17 =	vadd.f32 v17, v50  }
0x377: {  	v48 =	vld [tilespmem:s31+$0xFFFFFF00];
	v54 =	vperm.xlane v12, v2;
	v56 =	vperm.xlane v21, v3;
	v19 =	vadd.f32 v19, v51  }
0x378: {  	v31 =	vld [tilespmem:s31+$0xFFFFFDA0];
	v57 =	vperm.xlane v13, v2;
	v51 =	vmul.f32 v62, v7;
	v14 =	vadd.f32 v14, v53  }
0x379: {  	v28 =	vld [tilespmem:s31+$0xFFFFFD50];
	v59 =	vperm.xlane v17, v3;
	v12 =	vadd.f32 v12, v54;
	v21 =	vadd.f32 v21, v56  }
0x37a: {  	v61 =	vperm.xlane v19, v3;
	v13 =	vadd.f32 v13, v57;
	v54 =	vld [tilespmem:s31+$0xFFFFFF30];
	v53 =	vmul.f32 v47, v8  }
0x37b: {  	v26 =	vld [tilespmem:s31+$0xFFFFFDC0];
	v14 =	vnsel vm0, $0x0, v14;
	v17 =	vadd.f32 v17, v59;
	v45 =	vperm.xlane v12, v3  }
0x37c: {  	v50 =	vld [tilespmem:s31+$0xFFFFFF10];
	v32 =	vmul.f32 v48, v11;
	v19 =	vadd.f32 v19, v61;
	v14 =	vsel vm1, v14, v21  }
0x37d: {  	v29 =	vld [tilespmem:s31+$0xFFFFFE00];
	v21 =	vperm.xlane v13, v3;
	v14 =	vsel vm2, v14, v17;
	v12 =	vadd.f32 v12, v45  }
0x37e: {  	v46 =	vld [tilespmem:s31+$0xFFFFFE60];
	v17 =	vmul.f32 v27, v10;
	v14 =	vsel vm3, v14, v19;
	v19 =	vmul.f32 v20, v9  }
0x37f: {  	v62 =	vld [tilespmem:s31+$0xFFFFFFA0];
	v13 =	vadd.f32 v13, v21;
	v21 =	vmul.f32 v28, v7;
	v39 =	vmul.f32 v54, v4  }
0x380: {  	v59 =	vld [tilespmem:s31+$0xFFFFFF80];
	v12 =	vsel vm4, v14, v12;
	v14 =	vmul.f32 v30, v5;
	v30 =	vmul.f32 v35, v6  }
0x381: {  	v27 =	vld [tilespmem:s31+$0xFFFFFE80];
	v35 =	vmul.f32 v50, v10;
	v38 =	vsel vm5, v12, v13;
	v12 =	vmul.f32 v23, v6  }
0x382: {  	v20 =	vld [tilespmem:s31+$0xFFFFFE90];
	v13 =	vmul.f32 v16, v8;
	v18 =	vadd.f32 v18, v19;
	v19 =	vmul.f32 v22, v10  }
0x383: {  	v28 =	vld [tilespmem:s31+$0xFFFFFEA0];
	v23 =	vmul.f32 v33, v4;
	v14 =	vadd.f32 v21, v14;
	v21 =	vmul.f32 v31, v9  }
0x384: {  	v16 =	vadd.f32 v17, v24;
	v17 =	vld [tilespmem:s31+$0xFFFFFEB0];
	v31 =	vmul.f32 v49, v8;
	v49 =	vmul.f32 v58, v4  }
0x385: {  	v22 =	vld [tilespmem:s31+$0xFFFFFEC0];
	v12 =	vadd.f32 v13, v12;
	v13 =	vmul.f32 v26, v5;
	v15 =	vadd.f32 v19, v15  }
0x386: {  	v24 =	vld [tilespmem:s31+$0xFFFFFED0];
	v16 =	vadd.f32 v18, v16;
	v18 =	vmul.f32 v46, v6;
	v27 =	vmul.f32 v27, v11  }
0x387: {  	v58 =	vld [tilespmem:s31+$0xFFFFFF70];
	v21 =	vadd.f32 v23, v21;
	v23 =	vmul.f32 v29, v11;
	v29 =	vmul.f32 v52, v10  }
0x388: {  	v26 =	vld [tilespmem:s31+$0xFFFFFEE0];
	v30 =	vadd.f32 v31, v30;
	v31 =	vmul.f32 v60, v5;
	v20 =	vmul.f32 v20, v10  }
0x389: {  	v19 =	vld [tilespmem:s31+$0xFFFFFEF0];
	v25 =	vadd.f32 v25, v13;
	v13 =	vmul.f32 v55, v9;
	v12 =	vadd.f32 v12, v14  }
0x38a: {  	v52 =	vld [tilespmem:s31+$0xFFFFFF20];
	v18 =	vadd.f32 v53, v18;
	v56 =	vadd.f32 v29, v23;
	v23 =	vmul.f32 v28, v9  }
0x38b: {  	v55 =	vld [tilespmem:s31+$0xFFFFFF40];
	v17 =	vmul.f32 v17, v4;
	v29 =	vmul.f32 v22, v5;
	v31 =	vadd.f32 v51, v31  }
0x38c: {  	v28 =	vld [tilespmem:s31+$0xFFFFFF50];
	v24 =	vmul.f32 v24, v7;
	v33 =	vadd.f32 v49, v13;
	v13 =	vadd.f32 v21, v15  }
0x38d: {  	v22 =	vld [tilespmem:s31+$0xFFFFFF60];
	v14 =	vadd.f32 v30, v25;
	v15 =	vadd.f32 v20, v27;
	v25 =	vmul.f32 v59, v11  }
0x38e: {  	v60 =	vld [tilespmem:s31+$0xFFFFFF90];
	v12 =	vadd.f32 v12, v16;
	v26 =	vmul.f32 v26, v6;
	v57 =	vmul.f32 v19, v8  }
0x38f: {  	v17 =	vadd.f32 v17, v23;
	v23 =	vld [tilespmem:s31+$0xFFFFFFB0];
	v19 =	vadd.f32 v24, v29;
	v29 =	vmul.f32 v58, v8  }
0x390: {  	v24 =	vld [tilespmem:s31+$0xFFFFFFC0];
	v20 =	vadd.f32 v18, v31;
	v31 =	vmul.f32 v62, v9;
	v36 =	vmul.f32 v52, v9  }
0x391: {  	v18 =	vadd.f32 v35, v32;
	v40 =	vmul.f32 v55, v5;
	v61 =	vmul.f32 v28, v7;
	v28 =	vld [tilespmem:s31+$0xFFFFFFD0]  }
0x392: {  	v27 =	vld [tilespmem:s31+$0xFFFFFFE0];
	v16 =	vadd.f32 v33, v56;
	v21 =	vadd.f32 v57, v26;
	v22 =	vmul.f32 v22, v6  }
0x393: {  	s28 =	simm.s32 $0x0;
	s29 =	simm.s32 $0x11280;
	s26 =	smov.u32 s24;
	[tilespmem:s24+$0x0] =	vst v38;
	v30 =	vmul.f32 v60, v10;
	v10 =	vld [tilespmem:s31+$0xFFFFFFF0];
	v26 =	vadd.f32 v39, v36;
	v11 =	vadd.f32 v61, v40  }
.LBB2_9:
0x394: {  	v9 =	vld [tilespmem:s29+$0x300];
	v13 =	vadd.f32 v14, v13;
	v14 =	vadd.f32 v29, v22;
	v22 =	vmul.f32 v23, v4  }
0x395: {  	v15 =	vadd.f32 v17, v15;
	v17 =	vadd.f32 v21, v19;
	v4 =	vld [tilespmem:s29+$0x310];
	v19 =	vmul.f32 v24, v5  }
0x396: {  	v23 =	vadd.f32 v30, v25;
	v5 =	vld [tilespmem:s29+$0x320];
	v21 =	vmul.f32 v28, v7;
	v22 =	vadd.f32 v22, v31  }
0x397: {  	v16 =	vadd.f32 v20, v16;
	v24 =	vperm.xlane v12, v0;
	v7 =	vld [tilespmem:s29+$0x330];
	v20 =	vmul.f32 v27, v6  }
0x398: {  	v18 =	vadd.f32 v26, v18;
	v6 =	vld [tilespmem:s29+$0x340];
	v8 =	vmul.f32 v10, v8;
	v10 =	vadd.f32 v21, v19  }
0x399: {  	v15 =	vadd.f32 v17, v15;
	v11 =	vadd.f32 v14, v11;
	v21 =	vperm.xlane v13, v0;
	v19 =	vld [tilespmem:s29+$0x350]  }
0x39a: {  	v17 =	vperm.xlane v16, v0;
	v14 =	vld [tilespmem:s29+$0x360];
	v8 =	vadd.f32 v8, v20;
	v20 =	vadd.f32 v22, v23  }
0x39b: {  	v12 =	vadd.f32 v12, v24;
	v11 =	vadd.f32 v11, v18;
	v23 =	vperm.xlane v15, v0;
	v22 =	vld [tilespmem:s29+$0x370]  }
0x39c: {  	v13 =	vadd.f32 v13, v21;
	v18 =	vld [tilespmem:s29+$0x280];
	v8 =	vadd.f32 v8, v10  }
0x39d: {  	v16 =	vadd.f32 v16, v17;
	v21 =	vperm.xlane v12, v1;
	v17 =	vperm.xlane v11, v0;
	v10 =	vld [tilespmem:s29+$0x290]  }
0x39e: {  	v25 =	vperm.xlane v13, v1;
	v15 =	vadd.f32 v15, v23;
	v24 =	vld [tilespmem:s29+$0x2A0];
	v8 =	vadd.f32 v8, v20  }
0x39f: {  	v12 =	vadd.f32 v12, v21;
	v21 =	vperm.xlane v16, v1;
	v11 =	vadd.f32 v11, v17;
	v20 =	vld [tilespmem:s29+$0x2B0]  }
0x3a0: {  	v13 =	vadd.f32 v13, v25;
	v23 =	vperm.xlane v15, v1;
	v17 =	vld [tilespmem:s29+$0x2C0];
	v25 =	vperm.xlane v8, v0  }
0x3a1: {  	v27 =	vperm.xlane v12, v2;
	v16 =	vadd.f32 v16, v21;
	v21 =	vperm.xlane v11, v1;
	v26 =	vld [tilespmem:s29+$0x2D0]  }
0x3a2: {  	v29 =	vperm.xlane v13, v2;
	v15 =	vadd.f32 v15, v23;
	v28 =	vld [tilespmem:s29+$0x2E0];
	v8 =	vadd.f32 v8, v25  }
0x3a3: {  	v12 =	vadd.f32 v12, v27;
	v11 =	vadd.f32 v11, v21;
	v25 =	vperm.xlane v16, v2;
	v23 =	vld [tilespmem:s29+$0x2F0]  }
0x3a4: {  	v13 =	vadd.f32 v13, v29;
	v27 =	vperm.xlane v15, v2;
	v21 =	vld [tilespmem:s29+$0x200];
	v29 =	vperm.xlane v8, v1  }
0x3a5: {  	v31 =	vperm.xlane v12, v3;
	v16 =	vadd.f32 v16, v25;
	v25 =	vperm.xlane v11, v2;
	v30 =	vld [tilespmem:s29+$0x210]  }
0x3a6: {  	v33 =	vperm.xlane v13, v3;
	v15 =	vadd.f32 v15, v27;
	v32 =	vld [tilespmem:s29+$0x220];
	v8 =	vadd.f32 v8, v29  }
0x3a7: {  	v12 =	vadd.f32 v12, v31;
	v29 =	vperm.xlane v16, v3;
	v11 =	vadd.f32 v11, v25;
	v27 =	vld [tilespmem:s29+$0x230]  }
0x3a8: {  	v13 =	vadd.f32 v13, v33;
	v31 =	vperm.xlane v15, v3;
	v25 =	vld [tilespmem:s29+$0x240];
	v33 =	vperm.xlane v8, v2  }
0x3a9: {  	v12 =	vnsel vm0, $0x0, v12;
	v16 =	vadd.f32 v16, v29;
	v29 =	vperm.xlane v11, v3;
	v34 =	vld [tilespmem:s29+$0x250]  }
0x3aa: {  	v12 =	vsel vm1, v12, v13;
	v13 =	vadd.f32 v15, v31;
	v35 =	vld [tilespmem:s29+$0x260];
	v8 =	vadd.f32 v8, v33  }
0x3ab: {  	v12 =	vsel vm2, v12, v16;
	v11 =	vadd.f32 v11, v29;
	v15 =	vld [tilespmem:s29+$0x0]  }
0x3ac: {  	v12 =	vsel vm3, v12, v13;
	v16 =	vld [tilespmem:s29+$0x10];
	v13 =	vperm.xlane v8, v3  }
0x3ad: {  	v11 =	vsel vm4, v12, v11;
	v29 =	vld [tilespmem:s29+$0x20]  }
0x3ae: {  	v12 =	vld [tilespmem:s29+$0x30];
	v8 =	vadd.f32 v8, v13  }
0x3af: {  	v13 =	vld [tilespmem:s29+$0x40]  }
0x3b0: {  	v31 =	vld [tilespmem:s29+$0x50];
	v8 =	vsel vm5, v11, v8  }
0x3b1: {  	v11 =	vld [tilespmem:s29+$0x60];
	[tilespmem:s26+$0xFFFFFFF0] =	vst v8  }
0x3b2: {  	v8 =	vld [tilespmem:s29+$0x70]  }
0x3b3: {  	v33 =	vld [tilespmem:s29+$0x270]  }
0x3b4: {  	v9 =	vmul.f32 v9, v15;
	v4 =	vmul.f32 v4, v16;
	v36 =	vld [tilespmem:s29+$0x180]  }
0x3b5: {  	v5 =	vmul.f32 v5, v29;
	v7 =	vmul.f32 v7, v12;
	v37 =	vld [tilespmem:s29+$0x190]  }
0x3b6: {  	v6 =	vmul.f32 v6, v13;
	v19 =	vmul.f32 v19, v31;
	v38 =	vld [tilespmem:s29+$0x1A0]  }
0x3b7: {  	v14 =	vmul.f32 v14, v11;
	v39 =	vld [tilespmem:s29+$0x1B0];
	v22 =	vmul.f32 v22, v8  }
0x3b8: {  	v18 =	vmul.f32 v18, v15;
	v10 =	vmul.f32 v10, v16;
	v40 =	vld [tilespmem:s29+$0x1C0]  }
0x3b9: {  	v24 =	vmul.f32 v24, v29;
	v20 =	vmul.f32 v20, v12;
	v41 =	vld [tilespmem:s29+$0x1D0]  }
0x3ba: {  	v17 =	vmul.f32 v17, v13;
	v26 =	vmul.f32 v26, v31;
	v42 =	vld [tilespmem:s29+$0x1E0]  }
0x3bb: {  	v28 =	vmul.f32 v28, v11;
	v23 =	vmul.f32 v23, v8;
	v43 =	vld [tilespmem:s29+$0x1F0]  }
0x3bc: {  	v21 =	vmul.f32 v21, v15;
	v30 =	vmul.f32 v30, v16;
	v44 =	vld [tilespmem:s29+$0x100]  }
0x3bd: {  	v32 =	vmul.f32 v32, v29;
	v27 =	vmul.f32 v27, v12;
	v45 =	vld [tilespmem:s29+$0x110]  }
0x3be: {  	v25 =	vmul.f32 v25, v13;
	v34 =	vmul.f32 v34, v31;
	v46 =	vld [tilespmem:s29+$0x120]  }
0x3bf: {  	v35 =	vmul.f32 v35, v11;
	v33 =	vmul.f32 v33, v8;
	v47 =	vld [tilespmem:s29+$0x130]  }
0x3c0: {  	v36 =	vmul.f32 v36, v15;
	v37 =	vmul.f32 v37, v16;
	v48 =	vld [tilespmem:s29+$0x140]  }
0x3c1: {  	v38 =	vmul.f32 v38, v29;
	v39 =	vmul.f32 v39, v12;
	v49 =	vld [tilespmem:s29+$0x150]  }
0x3c2: {  	v40 =	vmul.f32 v40, v13;
	v41 =	vmul.f32 v41, v31;
	v50 =	vld [tilespmem:s29+$0x160]  }
0x3c3: {  	v42 =	vmul.f32 v42, v11;
	v43 =	vmul.f32 v43, v8;
	v51 =	vld [tilespmem:s29+$0x170]  }
0x3c4: {  	v44 =	vmul.f32 v44, v15;
	v45 =	vmul.f32 v45, v16;
	v52 =	vld [tilespmem:s29+$0x80]  }
0x3c5: {  	v46 =	vmul.f32 v46, v29;
	v47 =	vmul.f32 v47, v12;
	v53 =	vld [tilespmem:s29+$0x90]  }
0x3c6: {  	v48 =	vmul.f32 v48, v13;
	v54 =	vld [tilespmem:s29+$0xA0];
	v49 =	vmul.f32 v49, v31  }
0x3c7: {  	v56 =	vadd.f32 v4, v9;
	v57 =	vadd.f32 v7, v5;
	v55 =	vld [tilespmem:s29+$0xB0];
	v50 =	vmul.f32 v50, v11  }
0x3c8: {  	v19 =	vadd.f32 v19, v6;
	v14 =	vadd.f32 v22, v14;
	v4 =	vld [tilespmem:s29+$0xC0];
	v51 =	vmul.f32 v51, v8  }
0x3c9: {  	v18 =	vadd.f32 v10, v18;
	v20 =	vadd.f32 v20, v24;
	v15 =	vmul.f32 v52, v15;
	v5 =	vld [tilespmem:s29+$0xD0]  }
0x3ca: {  	v17 =	vadd.f32 v26, v17;
	v22 =	vadd.f32 v23, v28;
	v16 =	vmul.f32 v53, v16;
	v6 =	vld [tilespmem:s29+$0xE0]  }
0x3cb: {  	v21 =	vadd.f32 v30, v21;
	v26 =	vadd.f32 v27, v32;
	v23 =	vmul.f32 v54, v29;
	v24 =	vld [tilespmem:s29+$0xF0]  }
0x3cc: {  	s28 =	sadd.s32 $0x2, s28;
	v25 =	vadd.f32 v34, v25;
	v27 =	vadd.f32 v33, v35;
	v9 =	vld [tilespmem:s29+$0xFFFFFC90];
	v12 =	vmul.f32 v55, v12  }
0x3cd: {  	p0 =	slt.u32 s28, $0xE;
	v28 =	vadd.f32 v37, v36;
	v29 =	vadd.f32 v39, v38;
	v10 =	vld [tilespmem:s29+$0xFFFFFCA0];
	v13 =	vmul.f32 v4, v13  }
0x3ce: {  	v32 =	vadd.f32 v43, v42;
	v4 =	vld [tilespmem:s29+$0xFFFFFCB0];
	v30 =	vmul.f32 v5, v31;
	v31 =	vadd.f32 v41, v40  }
0x3cf: {  	v33 =	vadd.f32 v45, v44;
	v34 =	vadd.f32 v47, v46;
	v5 =	vld [tilespmem:s29+$0xFFFFFCC0];
	v11 =	vmul.f32 v6, v11  }
0x3d0: {  	v35 =	vadd.f32 v49, v48;
	v36 =	vadd.f32 v51, v50;
	v7 =	vld [tilespmem:s29+$0xFFFFFCD0];
	v24 =	vmul.f32 v24, v8  }
0x3d1: {  	v15 =	vadd.f32 v16, v15;
	v12 =	vadd.f32 v12, v23;
	v6 =	vld [tilespmem:s29+$0xFFFFFCE0]  }
0x3d2: {  	v13 =	vadd.f32 v30, v13;
	v8 =	vld [tilespmem:s29+$0xFFFFFCF0];
	v11 =	vadd.f32 v24, v11  }
0x3d3: {  	v18 =	vadd.f32 v20, v18;
	v20 =	vadd.f32 v57, v56;
	v16 =	vld [tilespmem:s29+$0xFFFFFD00]  }
0x3d4: {  	v21 =	vadd.f32 v26, v21;
	v24 =	vadd.f32 v29, v28;
	v23 =	vld [tilespmem:s29+$0xFFFFFD10]  }
0x3d5: {  	v12 =	vadd.f32 v12, v15;
	v11 =	vadd.f32 v11, v13;
	v26 =	vld [tilespmem:s29+$0xFFFFFD20]  }
0x3d6: {  	v15 =	vadd.f32 v34, v33;
	v28 =	vadd.f32 v36, v35;
	v13 =	vld [tilespmem:s29+$0xFFFFFD30]  }
0x3d7: {  	v12 =	vadd.f32 v11, v12;
	v11 =	vadd.f32 v32, v31;
	v29 =	vld [tilespmem:s29+$0xFFFFFD40]  }
0x3d8: {  	v25 =	vadd.f32 v27, v25;
	v15 =	vadd.f32 v28, v15;
	v30 =	vld [tilespmem:s29+$0xFFFFFD50]  }
0x3d9: {  	v17 =	vadd.f32 v22, v17;
	v28 =	vperm.xlane v12, v0;
	v24 =	vadd.f32 v11, v24;
	v27 =	vld [tilespmem:s29+$0xFFFFFD60]  }
0x3da: {  	v14 =	vadd.f32 v14, v19;
	v21 =	vadd.f32 v25, v21;
	v31 =	vperm.xlane v15, v0;
	v22 =	vld [tilespmem:s29+$0xFFFFFD70]  }
0x3db: {  	v17 =	vadd.f32 v17, v18;
	v12 =	vadd.f32 v12, v28;
	v19 =	vperm.xlane v24, v0;
	v11 =	vld [tilespmem:s29+$0xFFFFFC80]  }
0x3dc: {  	v14 =	vadd.f32 v14, v20;
	v25 =	vperm.xlane v21, v0;
	v15 =	vadd.f32 v15, v31;
	v18 =	vld [tilespmem:s29+$0xFFFFFD80]  }
0x3dd: {  	v28 =	vperm.xlane v12, v1;
	v19 =	vadd.f32 v24, v19;
	v24 =	vperm.xlane v17, v0;
	v20 =	vld [tilespmem:s29+$0xFFFFFD90]  }
0x3de: {  	v21 =	vadd.f32 v21, v25;
	v25 =	vperm.xlane v14, v0;
	v32 =	vperm.xlane v15, v1;
	v31 =	vld [tilespmem:s29+$0xFFFFFDA0]  }
0x3df: {  	v12 =	vadd.f32 v12, v28;
	v28 =	vperm.xlane v19, v1;
	v17 =	vadd.f32 v17, v24;
	v33 =	vld [tilespmem:s29+$0xFFFFFDB0]  }
0x3e0: {  	v14 =	vadd.f32 v14, v25;
	v15 =	vadd.f32 v15, v32;
	v32 =	vperm.xlane v21, v1;
	v24 =	vld [tilespmem:s29+$0xFFFFFDC0]  }
0x3e1: {  	v34 =	vperm.xlane v12, v2;
	v19 =	vadd.f32 v19, v28;
	v28 =	vperm.xlane v17, v1;
	v25 =	vld [tilespmem:s29+$0xFFFFFDD0]  }
0x3e2: {  	v36 =	vperm.xlane v15, v2;
	v21 =	vadd.f32 v21, v32;
	v32 =	vperm.xlane v14, v1;
	v35 =	vld [tilespmem:s29+$0xFFFFFDE0]  }
0x3e3: {  	v12 =	vadd.f32 v12, v34;
	v34 =	vperm.xlane v19, v2;
	v17 =	vadd.f32 v17, v28;
	v37 =	vld [tilespmem:s29+$0xFFFFFDF0]  }
0x3e4: {  	v15 =	vadd.f32 v15, v36;
	v36 =	vperm.xlane v21, v2;
	v14 =	vadd.f32 v14, v32;
	v28 =	vld [tilespmem:s29+$0xFFFFFE00]  }
0x3e5: {  	v38 =	vperm.xlane v12, v3;
	v19 =	vadd.f32 v19, v34;
	v34 =	vperm.xlane v17, v2;
	v32 =	vld [tilespmem:s29+$0xFFFFFE10]  }
0x3e6: {  	v40 =	vperm.xlane v15, v3;
	v21 =	vadd.f32 v21, v36;
	v36 =	vperm.xlane v14, v2;
	v39 =	vld [tilespmem:s29+$0xFFFFFE20]  }
0x3e7: {  	v12 =	vadd.f32 v12, v38;
	v38 =	vperm.xlane v19, v3;
	v17 =	vadd.f32 v17, v34;
	v41 =	vld [tilespmem:s29+$0xFFFFFE30]  }
0x3e8: {  	v15 =	vadd.f32 v15, v40;
	v40 =	vperm.xlane v21, v3;
	v14 =	vadd.f32 v14, v36;
	v34 =	vld [tilespmem:s29+$0xFFFFFE40]  }
0x3e9: {  	v12 =	vnsel vm0, $0x0, v12;
	v19 =	vadd.f32 v19, v38;
	v38 =	vperm.xlane v17, v3;
	v36 =	vld [tilespmem:s29+$0xFFFFFE50]  }
0x3ea: {  	v12 =	vsel vm1, v12, v15;
	v15 =	vadd.f32 v21, v40;
	v21 =	vperm.xlane v14, v3;
	v42 =	vld [tilespmem:s29+$0xFFFFFE60]  }
0x3eb: {  	v16 =	vmul.f32 v16, v11;
	v12 =	vsel vm2, v12, v19;
	v17 =	vadd.f32 v17, v38;
	v40 =	vld [tilespmem:s29+$0xFFFFFE70]  }
0x3ec: {  	v19 =	vmul.f32 v23, v9;
	v12 =	vsel vm3, v12, v15;
	v14 =	vadd.f32 v14, v21;
	v23 =	vld [tilespmem:s29+$0xFFFFFE80]  }
0x3ed: {  	v13 =	vmul.f32 v13, v4;
	v15 =	vmul.f32 v26, v10;
	v12 =	vsel vm4, v12, v17;
	v21 =	vld [tilespmem:s29+$0xFFFFFE90]  }
0x3ee: {  	s26 =	sadd.s32 $0x20, s26;
	v26 =	vmul.f32 v30, v7;
	v17 =	vmul.f32 v29, v5;
	v12 =	vsel vm5, v12, v14;
	v29 =	vld [tilespmem:s29+$0xFFFFFEA0]  }
0x3ef: {  	v22 =	vmul.f32 v22, v8;
	v16 =	vadd.f32 v19, v16;
	v14 =	vmul.f32 v27, v6;
	v19 =	vld [tilespmem:s29+$0xFFFFFEB0];
	[tilespmem:s26+$0x0] =	vst v12  }
0x3f0: {  	v12 =	vadd.f32 v13, v15;
	v13 =	vmul.f32 v18, v11;
	v15 =	vmul.f32 v20, v9;
	v18 =	vld [tilespmem:s29+$0xFFFFFEC0]  }
0x3f1: {  	v17 =	vadd.f32 v26, v17;
	v26 =	vmul.f32 v33, v4;
	v20 =	vmul.f32 v31, v10;
	v27 =	vld [tilespmem:s29+$0xFFFFFED0]  }
0x3f2: {  	v14 =	vadd.f32 v22, v14;
	v22 =	vmul.f32 v24, v5;
	v24 =	vmul.f32 v25, v7;
	v25 =	vld [tilespmem:s29+$0xFFFFFEE0]  }
0x3f3: {  	v30 =	vmul.f32 v35, v6;
	v31 =	vmul.f32 v37, v8;
	v13 =	vadd.f32 v15, v13;
	v15 =	vld [tilespmem:s29+$0xFFFFFEF0]  }
0x3f4: {  	v20 =	vadd.f32 v26, v20;
	v26 =	vmul.f32 v28, v11;
	v28 =	vmul.f32 v32, v9;
	v32 =	vld [tilespmem:s29+$0xFFFFFF00]  }
0x3f5: {  	v33 =	vmul.f32 v41, v4;
	v22 =	vadd.f32 v24, v22;
	v24 =	vmul.f32 v39, v10;
	v35 =	vld [tilespmem:s29+$0xFFFFFF10]  }
0x3f6: {  	v30 =	vadd.f32 v31, v30;
	v31 =	vmul.f32 v34, v5;
	v34 =	vmul.f32 v36, v7;
	v36 =	vld [tilespmem:s29+$0xFFFFFF20]  }
0x3f7: {  	v37 =	vmul.f32 v40, v8;
	v12 =	vadd.f32 v12, v16;
	v16 =	vmul.f32 v42, v6;
	v38 =	vld [tilespmem:s29+$0xFFFFFF30]  }
0x3f8: {  	v39 =	vadd.f32 v14, v17;
	v17 =	vmul.f32 v23, v11;
	v21 =	vmul.f32 v21, v9;
	v23 =	vld [tilespmem:s29+$0xFFFFFF40]  }
0x3f9: {  	v26 =	vadd.f32 v28, v26;
	v28 =	vmul.f32 v29, v10;
	v19 =	vmul.f32 v19, v4;
	v29 =	vld [tilespmem:s29+$0xFFFFFF50]  }
0x3fa: {  	v33 =	vadd.f32 v33, v24;
	v18 =	vmul.f32 v18, v5;
	v24 =	vmul.f32 v27, v7;
	v27 =	vld [tilespmem:s29+$0xFFFFFF60]  }
0x3fb: {  	v31 =	vadd.f32 v34, v31;
	v25 =	vmul.f32 v25, v6;
	v34 =	vmul.f32 v15, v8;
	v40 =	vld [tilespmem:s29+$0xFFFFFF70]  }
0x3fc: {  	v37 =	vadd.f32 v37, v16;
	v32 =	vmul.f32 v32, v11;
	v35 =	vmul.f32 v35, v9;
	v41 =	vld [tilespmem:s29+$0xFFFFFF80]  }
0x3fd: {  	v13 =	vadd.f32 v20, v13;
	v36 =	vmul.f32 v36, v10;
	v38 =	vmul.f32 v38, v4;
	v42 =	vld [tilespmem:s29+$0xFFFFFF90]  }
0x3fe: {  	v14 =	vadd.f32 v30, v22;
	v43 =	vmul.f32 v23, v5;
	v44 =	vmul.f32 v29, v7;
	v45 =	vld [tilespmem:s29+$0xFFFFFFA0]  }
.Ltmp3:
0x3ff: {  	v15 =	vadd.f32 v21, v17;
	v17 =	vadd.f32 v19, v28;
	v22 =	vmul.f32 v27, v6;
	v23 =	vld [tilespmem:s29+$0xFFFFFFB0];
	(pc) =	sbr.rel @p0 .LBB2_9-.Ltmp3, $4  }
0x400: {  	v19 =	vadd.f32 v24, v18;
	v21 =	vadd.f32 v34, v25;
	v29 =	vmul.f32 v40, v8;
	v24 =	vld [tilespmem:s29+$0xFFFFFFC0]  }
0x401: {  	v12 =	vadd.f32 v39, v12;
	v16 =	vadd.f32 v33, v26;
	v25 =	vmul.f32 v41, v11;
	v28 =	vld [tilespmem:s29+$0xFFFFFFD0]  }
0x402: {  	v20 =	vadd.f32 v37, v31;
	v18 =	vadd.f32 v35, v32;
	v30 =	vmul.f32 v42, v9;
	v27 =	vld [tilespmem:s29+$0xFFFFFFE0]  }
0x403: {  	v26 =	vadd.f32 v38, v36;
	v11 =	vadd.f32 v44, v43;
	v31 =	vmul.f32 v45, v10;
	v10 =	vld [tilespmem:s29+$0xFFFFFFF0];
	s29 =	sadd.s32 $0x700, s29  }
0x404: {  	_ = 	snop  }
0x405: {  	v9 =	vadd.f32 v14, v13;
	v35 =	vadd.f32 v29, v22  }
0x406: {  	v4 =	vmul.f32 v23, v4;
	v36 =	vadd.f32 v17, v15;
	v37 =	vadd.f32 v21, v19  }
0x407: {  	v38 =	vadd.f32 v30, v25;
	v5 =	vmul.f32 v24, v5;
	v7 =	vmul.f32 v28, v7  }
0x408: {  	v39 =	vadd.f32 v20, v16;
	v6 =	vmul.f32 v27, v6;
	v8 =	vmul.f32 v10, v8  }
0x409: {  	v40 =	vadd.f32 v26, v18;
	v4 =	vadd.f32 v4, v31  }
0x40a: {  	v5 =	vadd.f32 v7, v5;
	v6 =	vadd.f32 v8, v6  }
0x40b: {  	v41 =	vperm.xlane v12, v0;
	v42 =	vadd.f32 v37, v36;
	v11 =	vadd.f32 v35, v11  }
0x40c: {  	v43 =	vperm.xlane v9, v0;
	v4 =	vadd.f32 v4, v38;
	v5 =	vadd.f32 v6, v5  }
0x40d: {  	v44 =	vperm.xlane v39, v0;
	v7 =	vadd.f32 v12, v41;
	v11 =	vadd.f32 v11, v40  }
0x40e: {  	v45 =	vperm.xlane v42, v0;
	v9 =	vadd.f32 v9, v43;
	v4 =	vadd.f32 v5, v4  }
0x40f: {  	v46 =	vperm.xlane v11, v0;
	v6 =	vadd.f32 v39, v44;
	v5 =	vperm.xlane v7, v1  }
0x410: {  	v13 =	vperm.xlane v9, v1;
	v8 =	vadd.f32 v42, v45;
	v47 =	vperm.xlane v4, v0  }
0x411: {  	v10 =	vadd.f32 v11, v46;
	v48 =	vperm.xlane v6, v1;
	v5 =	vadd.f32 v7, v5  }
0x412: {  	v9 =	vadd.f32 v9, v13;
	v49 =	vperm.xlane v8, v1;
	v4 =	vadd.f32 v4, v47  }
0x413: {  	v51 =	vperm.xlane v10, v1;
	v6 =	vadd.f32 v6, v48;
	v50 =	vperm.xlane v5, v2  }
0x414: {  	v13 =	vperm.xlane v9, v2;
	v8 =	vadd.f32 v8, v49;
	v52 =	vperm.xlane v4, v1  }
0x415: {  	v7 =	vadd.f32 v10, v51;
	v53 =	vperm.xlane v6, v2;
	v5 =	vadd.f32 v5, v50  }
0x416: {  	v9 =	vadd.f32 v9, v13;
	v54 =	vperm.xlane v8, v2;
	v4 =	vadd.f32 v4, v52  }
0x417: {  	v56 =	vperm.xlane v7, v2;
	v6 =	vadd.f32 v6, v53;
	v55 =	vperm.xlane v5, v3  }
0x418: {  	v13 =	vperm.xlane v9, v3;
	v8 =	vadd.f32 v8, v54;
	v57 =	vperm.xlane v4, v2  }
0x419: {  	v7 =	vadd.f32 v7, v56;
	v58 =	vperm.xlane v6, v3;
	v5 =	vadd.f32 v5, v55  }
0x41a: {  	v9 =	vadd.f32 v9, v13;
	v59 =	vperm.xlane v8, v3;
	v4 =	vadd.f32 v4, v57  }
0x41b: {  	s25 =	sadd.s32 $0x1, s25;
	v60 =	vperm.xlane v7, v3;
	v6 =	vadd.f32 v6, v58;
	v5 =	vnsel vm0, $0x0, v5  }
0x41c: {  	p0 =	sne.s32 s25, $0x30;
	v8 =	vadd.f32 v8, v59;
	v5 =	vsel vm1, v5, v9;
	v61 =	vperm.xlane v4, v3  }
.Ltmp4:
0x41d: {  	v62 =	vadd.f32 v7, v60;
	v5 =	vsel vm2, v5, v6;
	(pc) =	sbr.rel @p0 .LBB2_2-.Ltmp4, $4  }
0x41e: {  	v5 =	vsel vm3, v5, v8;
	v4 =	vadd.f32 v4, v61  }
0x41f: {  	v5 =	vsel vm4, v5, v62  }
0x420: {  	s21 =	sadd.s32 $0x400, s21;
	v4 =	vsel vm5, v5, v4  }
0x421: {  	s22 =	sadd.s32 $0x400, s22;
	s23 =	sadd.s32 $0x400, s23;
	s24 =	sadd.s32 $0x400, s24;
	[tilespmem:s26+$0xFFFFFFF0] =	vst v4  }
0x422: {  	s20 =	sadd.s32 $0x1, s20  }
0x423: {  	p0 =	sne.s32 s20, s6  }
.Ltmp5:
0x424: {  	_ = 	snop;
	(pc) =	sbr.rel @p0 .LBB2_1-.Ltmp5, $4  }
0x425: {  	[hbm4b:s5+s3] =	stream.linear.scatter [tilespmem:s19], [sflag:$0x5], $0xC000, $0x38;
	v63 =	vld [tilespmem:$0x0]  }
0x426: {  	_ =	swait.ge [sflag:s7], $0xC000  }
0x427: {  	[sflag:s7] =	ssyncset.done $0x0  }
0x428: {  	[sflag:s7] =	ssyncadd.s32 $0xFFFF4000  }
0x429: {  	_ =	sfence.sel $0x180000  }
0x42a: {  	[bflag:$0x0] =	sbarrier.arrive $0xFFFF  }
0x42b: {  	p0 =	sne.s32 s0, $0x0;
	_ =	strace $0x90000047  }
0x42c: {  	s0 =	sadd.s32 @!p0 $0x100000, s1;
	[bflag:$0x2] =	sbarrier.arrive $0xFFFF  }
0x42d: {  	[sflag:s0] =	ssyncadd.tile.s32 @!p0 $0x1;
	_ =	shalt  }
.Lfunc_end2:
_tile_overlayer_lowered:
.L_overlay_start_2:
0x42e: {  	(tag) =	ssettag $0x2  }
0x42f: {  	s0 =	rddreg [dreg:$0x0];
	s2 =	stileid.u32  }
0x430: {  	s1 =	rddreg [dreg:$0x1];
	p0 =	sne.s32 s2, $0x0  }
0x431: {  	s3 =	rddreg [dreg:$0x2];
	[bflag:$0x3] =	sbarrier.arrive $0xFFFF;
	s2 =	simm.s32 @!p0 $0x1C05  }
0x432: {  	[timem:s3], [sflag:s2] =	dma.local @!p0 [hbm:s0], s1  }
0x433: {  	s0 =	simm.s32 @!p0 $0x5  }
0x434: {  	_ =	swait.ge @!p0 [sflag:s0], s1  }
0x435: {  	s1 =	ssub.s32 @!p0 $0x0, s1;
	[sflag:s0] =	ssyncset.done @!p0 $0x0  }
0x436: {  	[sflag:s0] =	ssyncadd.s32 @!p0 s1  }
0x437: {  	[bflag:$0x3] =	sbarrier.arrive $0xFFFF  }
0x438: {  	_ =	shalt  }

</sc_bundles>
